<compile_context>
chip_gen: v7x
topology: tpu7x:2x2x1
jax: 0.10.2.dev20260603
libtpu: 0.0.44.dev20260713+nightly
codegen_flags: <defaults>
</compile_context>

<pallas_src>
import dataclasses
import functools

import jax
import jax.numpy as jnp
import numpy as np
from jax import lax
from jax.experimental import pallas as pl
from jax.experimental.pallas import tpu as pltpu
from jax.experimental.pallas import tpu_sc as plsc

LANES = 16
N_CORES = 2
N_SUBCORES = 16
NW = N_CORES * N_SUBCORES
NB = 128

_ATAN_C = (
    0.99999994,
    -0.33332303,
    0.19973682,
    -0.1404014,
    0.09967924,
    -0.06021913,
    0.02475678,
    -0.00483117,
)
_HALF_PI = np.float32(np.pi / 2)
_PI = np.float32(np.pi)

POSW = 16
B = 400


def _sc_partials(pos4, mi, mj, mk, mb, params):
    E = mi.shape[0]
    P = params.shape[1]
    T = round(P ** (1.0 / 3.0))
    chunk = E // NW
    nblocks = chunk // B
    assert nblocks * B == chunk and nblocks % 2 == 0
    tf32 = np.float32(T)

    mesh = plsc.VectorSubcoreMesh(core_axis_name="c", subcore_axis_name="s",
                                  num_cores=N_CORES, num_subcores=N_SUBCORES)
    cp = pltpu.CompilerParams()
    if "needs_layout_passes" in pltpu.CompilerParams.__dataclass_fields__:
        cp = dataclasses.replace(cp, needs_layout_passes=False)
    if "use_tc_tiling_on_sc" in pltpu.CompilerParams.__dataclass_fields__:
        cp = dataclasses.replace(cp, use_tc_tiling_on_sc=False)

    UNROLL = 5
    ACCW = UNROLL * LANES
    idx_t = pltpu.VMEM((B,), jnp.int32)
    row_t = pltpu.VMEM((B, POSW), jnp.float32)

    @functools.partial(
        pl.kernel,
        out_type=jax.ShapeDtypeStruct((NW, NB, ACCW), jnp.float32),
        mesh=mesh,
        compiler_params=cp,
        scratch_types=[
            pltpu.VMEM((7, P), jnp.float32),
            pltpu.VMEM((NB, ACCW), jnp.float32),
            [idx_t] * 8,
            [row_t] * 6,
            [pltpu.SemaphoreType.DMA] * 4,
        ],
    )
    def sck(pos4_hbm, mi_hbm, mj_hbm, mk_hbm, mb_hbm, params_hbm, out_hbm,
            params_v, acc_v, idxs, rows, sems):
        wid = lax.axis_index("s") * N_CORES + lax.axis_index("c")
        pltpu.sync_copy(params_hbm, params_v)

        zeros = jnp.zeros((LANES,), jnp.float32)

        @pl.loop(0, NB)
        def _(r):
            for u in range(UNROLL):
                acc_v[r, pl.ds(u * LANES, LANES)] = zeros

        base0 = wid * chunk
        ii = (idxs[0], idxs[4])
        ij = (idxs[1], idxs[5])
        ik = (idxs[2], idxs[6])
        bid = (idxs[3], idxs[7])
        ri = (rows[0], rows[3])
        rj = (rows[1], rows[4])
        rk = (rows[2], rows[5])
        sl = (sems[0], sems[1])
        sg = (sems[2], sems[3])

        def lin_issue(g, p):
            base = base0 + g * B
            pltpu.async_copy(mi_hbm.at[pl.ds(base, B)], ii[p], sl[p])
            pltpu.async_copy(mj_hbm.at[pl.ds(base, B)], ij[p], sl[p])
            pltpu.async_copy(mk_hbm.at[pl.ds(base, B)], ik[p], sl[p])

        def lin_wait(p):
            for dst in (ii[p], ij[p], ik[p]):
                pltpu.make_async_copy(mi_hbm.at[pl.ds(base0, B)], dst,
                                      sl[p]).wait()

        def gat_issue(g, p):
            base = base0 + g * B
            pltpu.async_copy(pos4_hbm.at[ii[p]], ri[p], sg[p])
            pltpu.async_copy(pos4_hbm.at[ij[p]], rj[p], sg[p])
            pltpu.async_copy(pos4_hbm.at[ik[p]], rk[p], sg[p])
            pltpu.async_copy(mb_hbm.at[pl.ds(base, B)], bid[p], sg[p])

        def gat_wait(p):
            pltpu.make_async_copy(pos4_hbm.at[ii[p]], ri[p], sg[p]).wait()
            pltpu.make_async_copy(pos4_hbm.at[ij[p]], rj[p], sg[p]).wait()
            pltpu.make_async_copy(pos4_hbm.at[ik[p]], rk[p], sg[p]).wait()
            pltpu.make_async_copy(mb_hbm.at[pl.ds(base0, B)], bid[p],
                                  sg[p]).wait()

        def compute(p):
            @pl.loop(0, B, step=UNROLL * LANES)
            def _(v0):
                lane = lax.iota(jnp.int32, LANES)
                lm = lane & 3
                colv = [(lane + m) & 3 for m in range(4)]
                msk = [lm == r for r in range(4)]

                loads = []
                bvs = []
                for u in range(UNROLL):
                    v = v0 + u * LANES
                    row = v + lane

                    def diag(ref):
                        return [plsc.load_gather(ref, [row, colv[m]])
                                for m in range(4)]

                    loads.append((diag(ri[p]), diag(rj[p]), diag(rk[p])))
                    bvs.append(bid[p][pl.ds(v, LANES)])

                ves = []
                for u in range(UNROLL):
                    pi, pj, pk = loads[u]

                    def t_of(d):
                        return jnp.where(
                            msk[3], d[0],
                            jnp.where(msk[2], d[1],
                                      jnp.where(msk[1], d[2], d[3])))

                    ti = t_of(pi)
                    tj = t_of(pj)
                    tk = t_of(pk)

                    v1 = [pi[m] - pj[m] for m in range(4)]
                    v2 = [pk[m] - pj[m] for m in range(4)]
                    s11 = ((v1[0] * v1[0] + v1[1] * v1[1])
                           + (v1[2] * v1[2] + v1[3] * v1[3]))
                    s12 = ((v1[0] * v2[0] + v1[1] * v2[1])
                           + (v1[2] * v2[2] + v1[3] * v2[3]))
                    s22 = ((v2[0] * v2[0] + v2[1] * v2[1])
                           + (v2[2] * v2[2] + v2[3] * v2[3]))
                    dt1 = ti - tj
                    dt2 = tk - tj
                    s11 = s11 - dt1 * dt1
                    s12 = s12 - dt1 * dt2
                    s22 = s22 - dt2 * dt2
                    sin2 = jnp.maximum(s11 * s22 - s12 * s12, np.float32(0.0))
                    cosd = s12

                    ibits = plsc.bitcast(sin2, jnp.int32)
                    magic = jnp.full((LANES,), 0x5F3759DF, jnp.int32)
                    yb = plsc.bitcast(
                        magic - lax.shift_right_logical(ibits, 1), jnp.float32)
                    half = sin2 * np.float32(0.5)
                    yb = yb * (np.float32(1.5) - half * yb * yb)
                    yb = yb * (np.float32(1.5) - half * yb * yb)
                    yb = yb * (np.float32(1.5) - half * yb * yb)
                    sin_t = jnp.where(sin2 > 0, sin2 * yb, np.float32(0.0))

                    ac = jnp.abs(cosd)
                    mx = jnp.maximum(sin_t, ac)
                    mn = jnp.minimum(sin_t, ac)
                    den = jnp.where(mx > 0, mx, np.float32(1.0))
                    t = mn / den
                    t2 = t * t
                    poly = jnp.full((LANES,), _ATAN_C[-1], jnp.float32)
                    for cc in _ATAN_C[-2::-1]:
                        poly = poly * t2 + np.float32(cc)
                    a = poly * t
                    a = jnp.where(sin_t > ac, _HALF_PI - a, a)
                    x = jnp.where(cosd < np.float32(0.0), _PI - a, a)

                    tidx = ((ti * tf32 + tj) * tf32 + tk).astype(jnp.int32)

                    def par(r):
                        rowv = jnp.full((LANES,), r, jnp.int32)
                        return plsc.load_gather(params_v, [rowv, tidx])

                    k0 = par(0)
                    k1 = par(1)
                    k2 = par(2)
                    x00 = par(3)
                    x01 = par(4)
                    x02 = par(5)
                    v0e = par(6)

                    d0 = x - x00
                    d1 = x - x01
                    d2 = x - x02
                    d2sq = d2 * d2
                    ves.append(v0e + k0 * (d0 * d0) + k1 * (d1 * d1 * d1)
                               + k2 * (d2sq * d2sq))

                for u in range(UNROLL):
                    plsc.addupdate_scatter(
                        acc_v, [bvs[u], lane + np.int32(u * LANES)], ves[u])

        def halfstep(g, p):
            q = 1 - p
            lin_wait(p)
            gat_issue(g, p)

            @pl.when(g >= 1)
            def _():
                gat_wait(q)
                compute(q)

            @pl.when(g + 1 < nblocks)
            def _():
                lin_issue(g + 1, q)

        lin_issue(0, 0)

        @pl.loop(0, nblocks // 2)
        def _(i):
            g = i * 2
            halfstep(g, 0)
            halfstep(g + 1, 1)

        gat_wait(1)
        compute(1)

        pltpu.sync_copy(acc_v, out_hbm.at[wid])

    return sck(pos4, mi, mj, mk, mb, params)


def _tc_reduce(partials):
    def body(x_ref, o_ref):
        o_ref[...] = jnp.sum(x_ref[...], axis=(0, 2))

    return pl.pallas_call(
        body,
        out_shape=jax.ShapeDtypeStruct((NB,), jnp.float32),
    )(partials)


@jax.jit
def kernel(pos, mapping, mapping_batch, atom_types, ks, x0s, v_0):
    n = pos.shape[0]
    pos4 = jnp.concatenate(
        [pos, atom_types.astype(jnp.float32)[:, None],
         jnp.zeros((n, POSW - 4), jnp.float32)], axis=1)
    params = jnp.concatenate(
        [ks.reshape(3, -1), x0s.reshape(3, -1), v_0.reshape(1, -1)], axis=0)
    mi = mapping[0]
    mj = mapping[1]
    mk = mapping[2]
    partials = _sc_partials(pos4, mi, mj, mk, mapping_batch, params)
    return _tc_reduce(partials)

# --- scband reference (transcript-rebuilt; emitter-appended) ---
"""Pipeline reference for scband-quartic-63247688401600 (READ-ONLY COPY).

The authoritative reference and input builder live on the scoring server;
editing this copy changes nothing except your own understanding.
"""

import jax, jax.numpy as jnp
import numpy as np

N_NODES = 100000
N_ANGLES = 3200000
N_TYPES = 20
N_BATCH = 128


def setup_inputs(seed: int = 0) -> dict:
    key = jax.random.key(seed)
    k1, k2, k3, k4, k5, k6, k7 = jax.random.split(key, 7)
    pos = jax.random.normal(k1, (N_NODES, 3), dtype=jnp.float32) * 10.0
    mapping = jax.random.randint(k2, (3, N_ANGLES), 0, N_NODES, dtype=jnp.int32)
    mapping_batch = jnp.sort(jax.random.randint(k3, (N_ANGLES,), 0, N_BATCH, dtype=jnp.int32))
    atom_types = jax.random.randint(k4, (N_NODES,), 0, N_TYPES, dtype=jnp.int32)
    # learned/fitted buffers sized per init (n_degs=4 -> 3 polynomial terms; order=3 -> [T,T,T] tables)
    ks = jax.random.uniform(k5, (3, N_TYPES, N_TYPES, N_TYPES), dtype=jnp.float32)
    x0s = jax.random.uniform(k6, (3, N_TYPES, N_TYPES, N_TYPES), dtype=jnp.float32, minval=-np.pi, maxval=np.pi)
    v_0 = jax.random.normal(k7, (N_TYPES, N_TYPES, N_TYPES), dtype=jnp.float32)
    return {
        "pos": pos,
        "mapping": mapping,
        "mapping_batch": mapping_batch,
        "atom_types": atom_types,
        "ks": ks,
        "x0s": x0s,
        "v_0": v_0,
    }


def _compute_angles(pos, mapping):
    # angle at central atom mapping[1] between bonds to mapping[0] and mapping[2]
    i, j, k = mapping[0], mapping[1], mapping[2]
    v1 = pos[i] - pos[j]
    v2 = pos[k] - pos[j]
    cross = jnp.cross(v1, v2)
    sin_t = jnp.linalg.norm(cross, axis=-1)
    cos_t = jnp.sum(v1 * v2, axis=-1)
    return jnp.arctan2(sin_t, cos_t)


def reference(pos, mapping, mapping_batch, atom_types, ks, x0s, v_0):
    # features: angles, flattened -> [E]
    x = _compute_angles(pos, mapping)
    # data2parameters: gather per-interaction parameters by the 3 atom types
    t0 = atom_types[mapping[0]]
    t1 = atom_types[mapping[1]]
    t2 = atom_types[mapping[2]]
    ks_e = ks[:, t0, t1, t2]   # [3, E]
    x0_e = x0s[:, t0, t1, t2]  # [3, E]
    v0_e = v_0[t0, t1, t2]     # [E]
    # Quartic.compute: V = V0 + sum_{i=0..2} k_i * (x - x0_i)^(i+2)
    V = jnp.zeros_like(x)
    for i in range(3):
        V = V + ks_e[i] * (x - x0_e[i]) ** (i + 2)
    V = V + v0_e
    # scatter(y, mapping_batch, reduce='sum') -> per-structure energies
    y = jax.ops.segment_sum(V, mapping_batch, num_segments=N_BATCH)
    return y

if __name__ == "__main__":
    import jax
    _d = setup_inputs()
    print(jax.jit(kernel)(*tuple(_d.values())))

</pallas_src>

<mosaic_0001>
#map = affine_map<(d0, d1) -> (0, 0)>
#map1 = affine_map<(d0, d1) -> (0)>
#map2 = affine_map<(d0, d1) -> (0, 0, 0)>
module attributes {stable_mosaic.version = 14 : i64} {
  func.func @sck(%arg0: i32, %arg1: i32, %arg2: memref<100000x16xf32, #tpu.memory_space<hbm>>, %arg3: memref<3200000xi32, #tpu.memory_space<hbm>>, %arg4: memref<3200000xi32, #tpu.memory_space<hbm>>, %arg5: memref<3200000xi32, #tpu.memory_space<hbm>>, %arg6: memref<3200000xi32, #tpu.memory_space<hbm>>, %arg7: memref<7x8000xf32, #tpu.memory_space<hbm>>, %arg8: memref<32x128x80xf32, #tpu.memory_space<hbm>>, %arg9: memref<7x8000xf32, #tpu.memory_space<vmem>>, %arg10: memref<128x80xf32, #tpu.memory_space<vmem>>, %arg11: memref<400xi32, #tpu.memory_space<vmem>>, %arg12: memref<400xi32, #tpu.memory_space<vmem>>, %arg13: memref<400xi32, #tpu.memory_space<vmem>>, %arg14: memref<400xi32, #tpu.memory_space<vmem>>, %arg15: memref<400xi32, #tpu.memory_space<vmem>>, %arg16: memref<400xi32, #tpu.memory_space<vmem>>, %arg17: memref<400xi32, #tpu.memory_space<vmem>>, %arg18: memref<400xi32, #tpu.memory_space<vmem>>, %arg19: memref<400x16xf32, #tpu.memory_space<vmem>>, %arg20: memref<400x16xf32, #tpu.memory_space<vmem>>, %arg21: memref<400x16xf32, #tpu.memory_space<vmem>>, %arg22: memref<400x16xf32, #tpu.memory_space<vmem>>, %arg23: memref<400x16xf32, #tpu.memory_space<vmem>>, %arg24: memref<400x16xf32, #tpu.memory_space<vmem>>, %arg25: memref<!tpu.dma_semaphore, #tpu.memory_space<semaphore_mem>>, %arg26: memref<!tpu.dma_semaphore, #tpu.memory_space<semaphore_mem>>, %arg27: memref<!tpu.dma_semaphore, #tpu.memory_space<semaphore_mem>>, %arg28: memref<!tpu.dma_semaphore, #tpu.memory_space<semaphore_mem>>) attributes {dimension_semantics = [#tpu.dimension_semantics<core_parallel>, #tpu.dimension_semantics<subcore_parallel>], iteration_bounds = array<i64: 2, 16>, scalar_prefetch = 0 : i64, scratch_operands = 20 : i64, tpu.core_type = #tpu.core_type<sc_vector_subcore>, window_params = [{transform_indices = #map}, {transform_indices = #map1}, {transform_indices = #map1}, {transform_indices = #map1}, {transform_indices = #map1}, {transform_indices = #map}, {transform_indices = #map2}]} {
    %mul3A = arith.constant 2 : i32
    %mul3A_0 = arith.muli %arg1, %mul3A : i32
    %add3A = arith.addi %mul3A_0, %arg0 : i32
    "tpu.region"() ({
      %run_scoped3A = tpu.sem_alloc : memref<!tpu.dma_semaphore, #tpu.memory_space<semaphore_mem>>
      tpu.enqueue_dma source(%arg7 : memref<7x8000xf32, #tpu.memory_space<hbm>>) target(%arg9 : memref<7x8000xf32, #tpu.memory_space<vmem>>) target_semaphore(%run_scoped3A : memref<!tpu.dma_semaphore, #tpu.memory_space<semaphore_mem>>)
      tpu.wait_dma2 semaphore(%run_scoped3A : memref<!tpu.dma_semaphore, #tpu.memory_space<semaphore_mem>>) src(%arg7 : memref<7x8000xf32, #tpu.memory_space<hbm>>) dst(%arg9 : memref<7x8000xf32, #tpu.memory_space<vmem>>)
      tpu.yield
    }) : () -> ()
    %broadcast_in_dim3A = arith.constant 0.000000e+00 : f32
    %broadcast_in_dim3A_1 = vector.broadcast %broadcast_in_dim3A : f32 to vector<16xf32>
    %scan3A = arith.constant 0 : i32
    %scan3A_2 = arith.constant 128 : i32
    %scan3A_3 = arith.addi %scan3A, %scan3A_2 : i32
    %scan3A_4 = arith.constant 1 : i32
    scf.for %scan3A_35 = %scan3A to %scan3A_3 step %scan3A_4  : i32 {
      %mul3A_36 = arith.constant 1 : i32
      %mul3A_37 = arith.muli %scan3A_35, %mul3A_36 : i32
      %add3A_38 = arith.constant 0 : i32
      %add3A_39 = arith.addi %add3A_38, %mul3A_37 : i32
      %swap3A = arith.index_cast %add3A_39 : i32 to index
      %swap3A_40 = arith.constant 0 : index
      %swap3A_41 = tpu.vector_load %arg10[%swap3A, %swap3A_40] {strides = array<i32>} : memref<128x80xf32, #tpu.memory_space<vmem>>, vector<16xf32>,
      tpu.vector_store %arg10[%swap3A, %swap3A_40], %broadcast_in_dim3A_1 {strides = array<i32>} : memref<128x80xf32, #tpu.memory_space<vmem>>, vector<16xf32>,
      %swap3A_42 = arith.index_cast %add3A_39 : i32 to index
      %swap3A_43 = arith.constant 16 : index
      %swap3A_44 = tpu.vector_load %arg10[%swap3A_42, %swap3A_43] {strides = array<i32>} : memref<128x80xf32, #tpu.memory_space<vmem>>, vector<16xf32>,
      tpu.vector_store %arg10[%swap3A_42, %swap3A_43], %broadcast_in_dim3A_1 {strides = array<i32>} : memref<128x80xf32, #tpu.memory_space<vmem>>, vector<16xf32>,
      %swap3A_45 = arith.index_cast %add3A_39 : i32 to index
      %swap3A_46 = arith.constant 32 : index
      %swap3A_47 = tpu.vector_load %arg10[%swap3A_45, %swap3A_46] {strides = array<i32>} : memref<128x80xf32, #tpu.memory_space<vmem>>, vector<16xf32>,
      tpu.vector_store %arg10[%swap3A_45, %swap3A_46], %broadcast_in_dim3A_1 {strides = array<i32>} : memref<128x80xf32, #tpu.memory_space<vmem>>, vector<16xf32>,
      %swap3A_48 = arith.index_cast %add3A_39 : i32 to index
      %swap3A_49 = arith.constant 48 : index
      %swap3A_50 = tpu.vector_load %arg10[%swap3A_48, %swap3A_49] {strides = array<i32>} : memref<128x80xf32, #tpu.memory_space<vmem>>, vector<16xf32>,
      tpu.vector_store %arg10[%swap3A_48, %swap3A_49], %broadcast_in_dim3A_1 {strides = array<i32>} : memref<128x80xf32, #tpu.memory_space<vmem>>, vector<16xf32>,
      %swap3A_51 = arith.index_cast %add3A_39 : i32 to index
      %swap3A_52 = arith.constant 64 : index
      %swap3A_53 = tpu.vector_load %arg10[%swap3A_51, %swap3A_52] {strides = array<i32>} : memref<128x80xf32, #tpu.memory_space<vmem>>, vector<16xf32>,
      tpu.vector_store %arg10[%swap3A_51, %swap3A_52], %broadcast_in_dim3A_1 {strides = array<i32>} : memref<128x80xf32, #tpu.memory_space<vmem>>, vector<16xf32>,
    }
    %scan3A_5 = arith.constant 128 : i32
    %mul3A_6 = arith.constant 100000 : i32
    %mul3A_7 = arith.muli %add3A, %mul3A_6 : i32
    %add3A_8 = arith.constant 0 : i32
    %add3A_9 = arith.addi %mul3A_7, %add3A_8 : i32
    %dma_start3A = tpu.memref_slice %arg3[%add3A_9] : memref<3200000xi32, #tpu.memory_space<hbm>> -> memref<400xi32, #tpu.memory_space<hbm>>
    %dma_start3A_10 = tpu.memref_slice %arg3[%add3A_9] : memref<3200000xi32, #tpu.memory_space<hbm>> -> memref<400xi32, #tpu.memory_space<hbm>>
    tpu.enqueue_dma source(%dma_start3A_10 : memref<400xi32, #tpu.memory_space<hbm>>) target(%arg11 : memref<400xi32, #tpu.memory_space<vmem>>) target_semaphore(%arg25 : memref<!tpu.dma_semaphore, #tpu.memory_space<semaphore_mem>>)
    %dma_start3A_11 = tpu.memref_slice %arg4[%add3A_9] : memref<3200000xi32, #tpu.memory_space<hbm>> -> memref<400xi32, #tpu.memory_space<hbm>>
    %dma_start3A_12 = tpu.memref_slice %arg4[%add3A_9] : memref<3200000xi32, #tpu.memory_space<hbm>> -> memref<400xi32, #tpu.memory_space<hbm>>
    tpu.enqueue_dma source(%dma_start3A_12 : memref<400xi32, #tpu.memory_space<hbm>>) target(%arg12 : memref<400xi32, #tpu.memory_space<vmem>>) target_semaphore(%arg25 : memref<!tpu.dma_semaphore, #tpu.memory_space<semaphore_mem>>)
    %dma_start3A_13 = tpu.memref_slice %arg5[%add3A_9] : memref<3200000xi32, #tpu.memory_space<hbm>> -> memref<400xi32, #tpu.memory_space<hbm>>
    %dma_start3A_14 = tpu.memref_slice %arg5[%add3A_9] : memref<3200000xi32, #tpu.memory_space<hbm>> -> memref<400xi32, #tpu.memory_space<hbm>>
    tpu.enqueue_dma source(%dma_start3A_14 : memref<400xi32, #tpu.memory_space<hbm>>) target(%arg13 : memref<400xi32, #tpu.memory_space<vmem>>) target_semaphore(%arg25 : memref<!tpu.dma_semaphore, #tpu.memory_space<semaphore_mem>>)
    %scan3A_15 = arith.constant 0 : i32
    %scan3A_16 = arith.constant 125 : i32
    %scan3A_17 = arith.addi %scan3A_15, %scan3A_16 : i32
    %scan3A_18 = arith.constant 1 : i32
    scf.for %scan3A_35 = %scan3A_15 to %scan3A_17 step %scan3A_18  : i32 {
      %mul3A_36 = arith.constant 1 : i32
      %mul3A_37 = arith.muli %scan3A_35, %mul3A_36 : i32
      %add3A_38 = arith.constant 0 : i32
      %add3A_39 = arith.addi %add3A_38, %mul3A_37 : i32
      %mul3A_40 = arith.constant 2 : i32
      %mul3A_41 = arith.muli %add3A_39, %mul3A_40 : i32
      %dma_wait3A_42 = tpu.memref_slice %arg3[%mul3A_7] : memref<3200000xi32, #tpu.memory_space<hbm>> -> memref<400xi32, #tpu.memory_space<hbm>>
      %dma_wait3A_43 = tpu.memref_slice %arg3[%mul3A_7] : memref<3200000xi32, #tpu.memory_space<hbm>> -> memref<400xi32, #tpu.memory_space<hbm>>
      tpu.wait_dma2 semaphore(%arg25 : memref<!tpu.dma_semaphore, #tpu.memory_space<semaphore_mem>>) src(%dma_wait3A_43 : memref<400xi32, #tpu.memory_space<hbm>>) dst(%arg11 : memref<400xi32, #tpu.memory_space<vmem>>)
      %dma_wait3A_44 = tpu.memref_slice %arg3[%mul3A_7] : memref<3200000xi32, #tpu.memory_space<hbm>> -> memref<400xi32, #tpu.memory_space<hbm>>
      %dma_wait3A_45 = tpu.memref_slice %arg3[%mul3A_7] : memref<3200000xi32, #tpu.memory_space<hbm>> -> memref<400xi32, #tpu.memory_space<hbm>>
      tpu.wait_dma2 semaphore(%arg25 : memref<!tpu.dma_semaphore, #tpu.memory_space<semaphore_mem>>) src(%dma_wait3A_45 : memref<400xi32, #tpu.memory_space<hbm>>) dst(%arg12 : memref<400xi32, #tpu.memory_space<vmem>>)
      %dma_wait3A_46 = tpu.memref_slice %arg3[%mul3A_7] : memref<3200000xi32, #tpu.memory_space<hbm>> -> memref<400xi32, #tpu.memory_space<hbm>>
      %dma_wait3A_47 = tpu.memref_slice %arg3[%mul3A_7] : memref<3200000xi32, #tpu.memory_space<hbm>> -> memref<400xi32, #tpu.memory_space<hbm>>
      tpu.wait_dma2 semaphore(%arg25 : memref<!tpu.dma_semaphore, #tpu.memory_space<semaphore_mem>>) src(%dma_wait3A_47 : memref<400xi32, #tpu.memory_space<hbm>>) dst(%arg13 : memref<400xi32, #tpu.memory_space<vmem>>)
      %mul3A_48 = arith.constant 400 : i32
      %mul3A_49 = arith.muli %mul3A_41, %mul3A_48 : i32
      %add3A_50 = arith.addi %mul3A_7, %mul3A_49 : i32
      %dma_start3A_51 = arith.constant 0 : i32
      %dma_start3A_52 = arith.constant 0 : i32
      %dma_start3A_53 = tpu.memref_slice %arg2[%dma_start3A_51, %dma_start3A_52] : memref<100000x16xf32, #tpu.memory_space<hbm>> -> memref<100000x16xf32, #tpu.memory_space<hbm>>
      tpu.enqueue_indirect_dma source(%dma_start3A_53 : memref<100000x16xf32, #tpu.memory_space<hbm>>) target(%arg19 : memref<400x16xf32, #tpu.memory_space<vmem>>) offsets(%arg11 : memref<400xi32, #tpu.memory_space<vmem>>) semaphore(%arg27 : memref<!tpu.dma_semaphore, #tpu.memory_space<semaphore_mem>>)
      %dma_start3A_54 = arith.constant 0 : i32
      %dma_start3A_55 = arith.constant 0 : i32
      %dma_start3A_56 = tpu.memref_slice %arg2[%dma_start3A_54, %dma_start3A_55] : memref<100000x16xf32, #tpu.memory_space<hbm>> -> memref<100000x16xf32, #tpu.memory_space<hbm>>
      tpu.enqueue_indirect_dma source(%dma_start3A_56 : memref<100000x16xf32, #tpu.memory_space<hbm>>) target(%arg20 : memref<400x16xf32, #tpu.memory_space<vmem>>) offsets(%arg12 : memref<400xi32, #tpu.memory_space<vmem>>) semaphore(%arg27 : memref<!tpu.dma_semaphore, #tpu.memory_space<semaphore_mem>>)
      %dma_start3A_57 = arith.constant 0 : i32
      %dma_start3A_58 = arith.constant 0 : i32
      %dma_start3A_59 = tpu.memref_slice %arg2[%dma_start3A_57, %dma_start3A_58] : memref<100000x16xf32, #tpu.memory_space<hbm>> -> memref<100000x16xf32, #tpu.memory_space<hbm>>
      tpu.enqueue_indirect_dma source(%dma_start3A_59 : memref<100000x16xf32, #tpu.memory_space<hbm>>) target(%arg21 : memref<400x16xf32, #tpu.memory_space<vmem>>) offsets(%arg13 : memref<400xi32, #tpu.memory_space<vmem>>) semaphore(%arg27 : memref<!tpu.dma_semaphore, #tpu.memory_space<semaphore_mem>>)
      %dma_start3A_60 = tpu.memref_slice %arg6[%add3A_50] : memref<3200000xi32, #tpu.memory_space<hbm>> -> memref<400xi32, #tpu.memory_space<hbm>>
      %dma_start3A_61 = tpu.memref_slice %arg6[%add3A_50] : memref<3200000xi32, #tpu.memory_space<hbm>> -> memref<400xi32, #tpu.memory_space<hbm>>
      tpu.enqueue_dma source(%dma_start3A_61 : memref<400xi32, #tpu.memory_space<hbm>>) target(%arg14 : memref<400xi32, #tpu.memory_space<vmem>>) target_semaphore(%arg27 : memref<!tpu.dma_semaphore, #tpu.memory_space<semaphore_mem>>)
      %ge3A = arith.constant 1 : i32
      %ge3A_62 = arith.cmpi sge, %mul3A_41, %ge3A : i32
      %convert_element_type3A = arith.extui %ge3A_62 : i1 to i32
      %cond3A = arith.constant 0 : i32
      %cond3A_63 = arith.cmpi ne, %convert_element_type3A, %cond3A : i32
      scf.if %cond3A_63 {
        %dma_wait3A_104 = arith.constant 0 : i32
        %dma_wait3A_105 = arith.constant 0 : i32
        %dma_wait3A_106 = tpu.memref_slice %arg2[%dma_wait3A_104, %dma_wait3A_105] : memref<100000x16xf32, #tpu.memory_space<hbm>> -> memref<100000x16xf32, #tpu.memory_space<hbm>>
        tpu.wait_indirect_dma semaphore(%arg28 : memref<!tpu.dma_semaphore, #tpu.memory_space<semaphore_mem>>) src(%dma_wait3A_106 : memref<100000x16xf32, #tpu.memory_space<hbm>>) dst(%arg22 : memref<400x16xf32, #tpu.memory_space<vmem>>)
        %dma_wait3A_107 = arith.constant 0 : i32
        %dma_wait3A_108 = arith.constant 0 : i32
        %dma_wait3A_109 = tpu.memref_slice %arg2[%dma_wait3A_107, %dma_wait3A_108] : memref<100000x16xf32, #tpu.memory_space<hbm>> -> memref<100000x16xf32, #tpu.memory_space<hbm>>
        tpu.wait_indirect_dma semaphore(%arg28 : memref<!tpu.dma_semaphore, #tpu.memory_space<semaphore_mem>>) src(%dma_wait3A_109 : memref<100000x16xf32, #tpu.memory_space<hbm>>) dst(%arg23 : memref<400x16xf32, #tpu.memory_space<vmem>>)
        %dma_wait3A_110 = arith.constant 0 : i32
        %dma_wait3A_111 = arith.constant 0 : i32
        %dma_wait3A_112 = tpu.memref_slice %arg2[%dma_wait3A_110, %dma_wait3A_111] : memref<100000x16xf32, #tpu.memory_space<hbm>> -> memref<100000x16xf32, #tpu.memory_space<hbm>>
        tpu.wait_indirect_dma semaphore(%arg28 : memref<!tpu.dma_semaphore, #tpu.memory_space<semaphore_mem>>) src(%dma_wait3A_112 : memref<100000x16xf32, #tpu.memory_space<hbm>>) dst(%arg24 : memref<400x16xf32, #tpu.memory_space<vmem>>)
        %dma_wait3A_113 = tpu.memref_slice %arg6[%mul3A_7] : memref<3200000xi32, #tpu.memory_space<hbm>> -> memref<400xi32, #tpu.memory_space<hbm>>
        %dma_wait3A_114 = tpu.memref_slice %arg6[%mul3A_7] : memref<3200000xi32, #tpu.memory_space<hbm>> -> memref<400xi32, #tpu.memory_space<hbm>>
        tpu.wait_dma2 semaphore(%arg28 : memref<!tpu.dma_semaphore, #tpu.memory_space<semaphore_mem>>) src(%dma_wait3A_114 : memref<400xi32, #tpu.memory_space<hbm>>) dst(%arg18 : memref<400xi32, #tpu.memory_space<vmem>>)
        %scan3A_115 = arith.constant 0 : i32
        %scan3A_116 = arith.constant 5 : i32
        %scan3A_117 = arith.addi %scan3A_115, %scan3A_116 : i32
        %scan3A_118 = arith.constant 1 : i32
        scf.for %scan3A_120 = %scan3A_115 to %scan3A_117 step %scan3A_118  : i32 {
          %mul3A_121 = arith.constant 80 : i32
          %mul3A_122 = arith.muli %scan3A_120, %mul3A_121 : i32
          %add3A_123 = arith.constant 0 : i32
          %add3A_124 = arith.addi %add3A_123, %mul3A_122 : i32
          %iota3A = tpu.iota {dimensions = array<i32: 0>} : vector<16xi32>
          %and3A = arith.constant 3 : i32
          %and3A_125 = vector.broadcast %and3A : i32 to vector<16xi32>
          %and3A_126 = arith.andi %iota3A, %and3A_125 : vector<16xi32>
          %add3A_127 = arith.constant 0 : i32
          %add3A_128 = vector.broadcast %add3A_127 : i32 to vector<16xi32>
          %add3A_129 = arith.addi %iota3A, %add3A_128 : vector<16xi32>
          %and3A_130 = arith.constant 3 : i32
          %and3A_131 = vector.broadcast %and3A_130 : i32 to vector<16xi32>
          %and3A_132 = arith.andi %add3A_129, %and3A_131 : vector<16xi32>
          %add3A_133 = arith.constant 1 : i32
          %add3A_134 = vector.broadcast %add3A_133 : i32 to vector<16xi32>
          %add3A_135 = arith.addi %iota3A, %add3A_134 : vector<16xi32>
          %and3A_136 = arith.constant 3 : i32
          %and3A_137 = vector.broadcast %and3A_136 : i32 to vector<16xi32>
          %and3A_138 = arith.andi %add3A_135, %and3A_137 : vector<16xi32>
          %add3A_139 = arith.constant 2 : i32
          %add3A_140 = vector.broadcast %add3A_139 : i32 to vector<16xi32>
          %add3A_141 = arith.addi %iota3A, %add3A_140 : vector<16xi32>
          %and3A_142 = arith.constant 3 : i32
          %and3A_143 = vector.broadcast %and3A_142 : i32 to vector<16xi32>
          %and3A_144 = arith.andi %add3A_141, %and3A_143 : vector<16xi32>
          %add3A_145 = arith.constant 3 : i32
          %add3A_146 = vector.broadcast %add3A_145 : i32 to vector<16xi32>
          %add3A_147 = arith.addi %iota3A, %add3A_146 : vector<16xi32>
          %and3A_148 = arith.constant 3 : i32
          %and3A_149 = vector.broadcast %and3A_148 : i32 to vector<16xi32>
          %and3A_150 = arith.andi %add3A_147, %and3A_149 : vector<16xi32>
          %eq3A = arith.constant 0 : i32
          %eq3A_151 = vector.broadcast %eq3A : i32 to vector<16xi32>
          %eq3A_152 = arith.cmpi eq, %and3A_126, %eq3A_151 : vector<16xi32>
          %eq3A_153 = arith.constant 1 : i32
          %eq3A_154 = vector.broadcast %eq3A_153 : i32 to vector<16xi32>
          %eq3A_155 = arith.cmpi eq, %and3A_126, %eq3A_154 : vector<16xi32>
          %eq3A_156 = arith.constant 2 : i32
          %eq3A_157 = vector.broadcast %eq3A_156 : i32 to vector<16xi32>
          %eq3A_158 = arith.cmpi eq, %and3A_126, %eq3A_157 : vector<16xi32>
          %eq3A_159 = arith.constant 3 : i32
          %eq3A_160 = vector.broadcast %eq3A_159 : i32 to vector<16xi32>
          %eq3A_161 = arith.cmpi eq, %and3A_126, %eq3A_160 : vector<16xi32>
          %add3A_162 = arith.constant 0 : i32
          %add3A_163 = arith.addi %add3A_124, %add3A_162 : i32
          %add3A_164 = vector.broadcast %add3A_163 : i32 to vector<16xi32>
          %add3A_165 = arith.addi %add3A_164, %iota3A : vector<16xi32>
          %gather3A = tpu.vector_load_idx %arg22[%add3A_165, %and3A_132] : memref<400x16xf32, #tpu.memory_space<vmem>>[vector<16xi32>, vector<16xi32>], vector<16xf32>,
          %gather3A_166 = tpu.vector_load_idx %arg22[%add3A_165, %and3A_138] : memref<400x16xf32, #tpu.memory_space<vmem>>[vector<16xi32>, vector<16xi32>], vector<16xf32>,
          %gather3A_167 = tpu.vector_load_idx %arg22[%add3A_165, %and3A_144] : memref<400x16xf32, #tpu.memory_space<vmem>>[vector<16xi32>, vector<16xi32>], vector<16xf32>,
          %gather3A_168 = tpu.vector_load_idx %arg22[%add3A_165, %and3A_150] : memref<400x16xf32, #tpu.memory_space<vmem>>[vector<16xi32>, vector<16xi32>], vector<16xf32>,
          %gather3A_169 = tpu.vector_load_idx %arg23[%add3A_165, %and3A_132] : memref<400x16xf32, #tpu.memory_space<vmem>>[vector<16xi32>, vector<16xi32>], vector<16xf32>,
          %gather3A_170 = tpu.vector_load_idx %arg23[%add3A_165, %and3A_138] : memref<400x16xf32, #tpu.memory_space<vmem>>[vector<16xi32>, vector<16xi32>], vector<16xf32>,
          %gather3A_171 = tpu.vector_load_idx %arg23[%add3A_165, %and3A_144] : memref<400x16xf32, #tpu.memory_space<vmem>>[vector<16xi32>, vector<16xi32>], vector<16xf32>,
          %gather3A_172 = tpu.vector_load_idx %arg23[%add3A_165, %and3A_150] : memref<400x16xf32, #tpu.memory_space<vmem>>[vector<16xi32>, vector<16xi32>], vector<16xf32>,
          %gather3A_173 = tpu.vector_load_idx %arg24[%add3A_165, %and3A_132] : memref<400x16xf32, #tpu.memory_space<vmem>>[vector<16xi32>, vector<16xi32>], vector<16xf32>,
          %gather3A_174 = tpu.vector_load_idx %arg24[%add3A_165, %and3A_138] : memref<400x16xf32, #tpu.memory_space<vmem>>[vector<16xi32>, vector<16xi32>], vector<16xf32>,
          %gather3A_175 = tpu.vector_load_idx %arg24[%add3A_165, %and3A_144] : memref<400x16xf32, #tpu.memory_space<vmem>>[vector<16xi32>, vector<16xi32>], vector<16xf32>,
          %gather3A_176 = tpu.vector_load_idx %arg24[%add3A_165, %and3A_150] : memref<400x16xf32, #tpu.memory_space<vmem>>[vector<16xi32>, vector<16xi32>], vector<16xf32>,
          %get3A = arith.index_cast %add3A_163 : i32 to index
          %get3A_177 = tpu.vector_load %arg18[%get3A] {strides = array<i32>} : memref<400xi32, #tpu.memory_space<vmem>>, vector<16xi32>,
          %add3A_178 = arith.constant 16 : i32
          %add3A_179 = arith.addi %add3A_124, %add3A_178 : i32
          %add3A_180 = vector.broadcast %add3A_179 : i32 to vector<16xi32>
          %add3A_181 = arith.addi %add3A_180, %iota3A : vector<16xi32>
          %gather3A_182 = tpu.vector_load_idx %arg22[%add3A_181, %and3A_132] : memref<400x16xf32, #tpu.memory_space<vmem>>[vector<16xi32>, vector<16xi32>], vector<16xf32>,
          %gather3A_183 = tpu.vector_load_idx %arg22[%add3A_181, %and3A_138] : memref<400x16xf32, #tpu.memory_space<vmem>>[vector<16xi32>, vector<16xi32>], vector<16xf32>,
          %gather3A_184 = tpu.vector_load_idx %arg22[%add3A_181, %and3A_144] : memref<400x16xf32, #tpu.memory_space<vmem>>[vector<16xi32>, vector<16xi32>], vector<16xf32>,
          %gather3A_185 = tpu.vector_load_idx %arg22[%add3A_181, %and3A_150] : memref<400x16xf32, #tpu.memory_space<vmem>>[vector<16xi32>, vector<16xi32>], vector<16xf32>,
          %gather3A_186 = tpu.vector_load_idx %arg23[%add3A_181, %and3A_132] : memref<400x16xf32, #tpu.memory_space<vmem>>[vector<16xi32>, vector<16xi32>], vector<16xf32>,
          %gather3A_187 = tpu.vector_load_idx %arg23[%add3A_181, %and3A_138] : memref<400x16xf32, #tpu.memory_space<vmem>>[vector<16xi32>, vector<16xi32>], vector<16xf32>,
          %gather3A_188 = tpu.vector_load_idx %arg23[%add3A_181, %and3A_144] : memref<400x16xf32, #tpu.memory_space<vmem>>[vector<16xi32>, vector<16xi32>], vector<16xf32>,
          %gather3A_189 = tpu.vector_load_idx %arg23[%add3A_181, %and3A_150] : memref<400x16xf32, #tpu.memory_space<vmem>>[vector<16xi32>, vector<16xi32>], vector<16xf32>,
          %gather3A_190 = tpu.vector_load_idx %arg24[%add3A_181, %and3A_132] : memref<400x16xf32, #tpu.memory_space<vmem>>[vector<16xi32>, vector<16xi32>], vector<16xf32>,
          %gather3A_191 = tpu.vector_load_idx %arg24[%add3A_181, %and3A_138] : memref<400x16xf32, #tpu.memory_space<vmem>>[vector<16xi32>, vector<16xi32>], vector<16xf32>,
          %gather3A_192 = tpu.vector_load_idx %arg24[%add3A_181, %and3A_144] : memref<400x16xf32, #tpu.memory_space<vmem>>[vector<16xi32>, vector<16xi32>], vector<16xf32>,
          %gather3A_193 = tpu.vector_load_idx %arg24[%add3A_181, %and3A_150] : memref<400x16xf32, #tpu.memory_space<vmem>>[vector<16xi32>, vector<16xi32>], vector<16xf32>,
          %get3A_194 = arith.index_cast %add3A_179 : i32 to index
          %get3A_195 = tpu.vector_load %arg18[%get3A_194] {strides = array<i32>} : memref<400xi32, #tpu.memory_space<vmem>>, vector<16xi32>,
          %add3A_196 = arith.constant 32 : i32
          %add3A_197 = arith.addi %add3A_124, %add3A_196 : i32
          %add3A_198 = vector.broadcast %add3A_197 : i32 to vector<16xi32>
          %add3A_199 = arith.addi %add3A_198, %iota3A : vector<16xi32>
          %gather3A_200 = tpu.vector_load_idx %arg22[%add3A_199, %and3A_132] : memref<400x16xf32, #tpu.memory_space<vmem>>[vector<16xi32>, vector<16xi32>], vector<16xf32>,
          %gather3A_201 = tpu.vector_load_idx %arg22[%add3A_199, %and3A_138] : memref<400x16xf32, #tpu.memory_space<vmem>>[vector<16xi32>, vector<16xi32>], vector<16xf32>,
          %gather3A_202 = tpu.vector_load_idx %arg22[%add3A_199, %and3A_144] : memref<400x16xf32, #tpu.memory_space<vmem>>[vector<16xi32>, vector<16xi32>], vector<16xf32>,
          %gather3A_203 = tpu.vector_load_idx %arg22[%add3A_199, %and3A_150] : memref<400x16xf32, #tpu.memory_space<vmem>>[vector<16xi32>, vector<16xi32>], vector<16xf32>,
          %gather3A_204 = tpu.vector_load_idx %arg23[%add3A_199, %and3A_132] : memref<400x16xf32, #tpu.memory_space<vmem>>[vector<16xi32>, vector<16xi32>], vector<16xf32>,
          %gather3A_205 = tpu.vector_load_idx %arg23[%add3A_199, %and3A_138] : memref<400x16xf32, #tpu.memory_space<vmem>>[vector<16xi32>, vector<16xi32>], vector<16xf32>,
          %gather3A_206 = tpu.vector_load_idx %arg23[%add3A_199, %and3A_144] : memref<400x16xf32, #tpu.memory_space<vmem>>[vector<16xi32>, vector<16xi32>], vector<16xf32>,
          %gather3A_207 = tpu.vector_load_idx %arg23[%add3A_199, %and3A_150] : memref<400x16xf32, #tpu.memory_space<vmem>>[vector<16xi32>, vector<16xi32>], vector<16xf32>,
          %gather3A_208 = tpu.vector_load_idx %arg24[%add3A_199, %and3A_132] : memref<400x16xf32, #tpu.memory_space<vmem>>[vector<16xi32>, vector<16xi32>], vector<16xf32>,
          %gather3A_209 = tpu.vector_load_idx %arg24[%add3A_199, %and3A_138] : memref<400x16xf32, #tpu.memory_space<vmem>>[vector<16xi32>, vector<16xi32>], vector<16xf32>,
          %gather3A_210 = tpu.vector_load_idx %arg24[%add3A_199, %and3A_144] : memref<400x16xf32, #tpu.memory_space<vmem>>[vector<16xi32>, vector<16xi32>], vector<16xf32>,
          %gather3A_211 = tpu.vector_load_idx %arg24[%add3A_199, %and3A_150] : memref<400x16xf32, #tpu.memory_space<vmem>>[vector<16xi32>, vector<16xi32>], vector<16xf32>,
          %get3A_212 = arith.index_cast %add3A_197 : i32 to index
          %get3A_213 = tpu.vector_load %arg18[%get3A_212] {strides = array<i32>} : memref<400xi32, #tpu.memory_space<vmem>>, vector<16xi32>,
          %add3A_214 = arith.constant 48 : i32
          %add3A_215 = arith.addi %add3A_124, %add3A_214 : i32
          %add3A_216 = vector.broadcast %add3A_215 : i32 to vector<16xi32>
          %add3A_217 = arith.addi %add3A_216, %iota3A : vector<16xi32>
          %gather3A_218 = tpu.vector_load_idx %arg22[%add3A_217, %and3A_132] : memref<400x16xf32, #tpu.memory_space<vmem>>[vector<16xi32>, vector<16xi32>], vector<16xf32>,
          %gather3A_219 = tpu.vector_load_idx %arg22[%add3A_217, %and3A_138] : memref<400x16xf32, #tpu.memory_space<vmem>>[vector<16xi32>, vector<16xi32>], vector<16xf32>,
          %gather3A_220 = tpu.vector_load_idx %arg22[%add3A_217, %and3A_144] : memref<400x16xf32, #tpu.memory_space<vmem>>[vector<16xi32>, vector<16xi32>], vector<16xf32>,
          %gather3A_221 = tpu.vector_load_idx %arg22[%add3A_217, %and3A_150] : memref<400x16xf32, #tpu.memory_space<vmem>>[vector<16xi32>, vector<16xi32>], vector<16xf32>,
          %gather3A_222 = tpu.vector_load_idx %arg23[%add3A_217, %and3A_132] : memref<400x16xf32, #tpu.memory_space<vmem>>[vector<16xi32>, vector<16xi32>], vector<16xf32>,
          %gather3A_223 = tpu.vector_load_idx %arg23[%add3A_217, %and3A_138] : memref<400x16xf32, #tpu.memory_space<vmem>>[vector<16xi32>, vector<16xi32>], vector<16xf32>,
          %gather3A_224 = tpu.vector_load_idx %arg23[%add3A_217, %and3A_144] : memref<400x16xf32, #tpu.memory_space<vmem>>[vector<16xi32>, vector<16xi32>], vector<16xf32>,
          %gather3A_225 = tpu.vector_load_idx %arg23[%add3A_217, %and3A_150] : memref<400x16xf32, #tpu.memory_space<vmem>>[vector<16xi32>, vector<16xi32>], vector<16xf32>,
          %gather3A_226 = tpu.vector_load_idx %arg24[%add3A_217, %and3A_132] : memref<400x16xf32, #tpu.memory_space<vmem>>[vector<16xi32>, vector<16xi32>], vector<16xf32>,
          %gather3A_227 = tpu.vector_load_idx %arg24[%add3A_217, %and3A_138] : memref<400x16xf32, #tpu.memory_space<vmem>>[vector<16xi32>, vector<16xi32>], vector<16xf32>,
          %gather3A_228 = tpu.vector_load_idx %arg24[%add3A_217, %and3A_144] : memref<400x16xf32, #tpu.memory_space<vmem>>[vector<16xi32>, vector<16xi32>], vector<16xf32>,
          %gather3A_229 = tpu.vector_load_idx %arg24[%add3A_217, %and3A_150] : memref<400x16xf32, #tpu.memory_space<vmem>>[vector<16xi32>, vector<16xi32>], vector<16xf32>,
          %get3A_230 = arith.index_cast %add3A_215 : i32 to index
          %get3A_231 = tpu.vector_load %arg18[%get3A_230] {strides = array<i32>} : memref<400xi32, #tpu.memory_space<vmem>>, vector<16xi32>,
          %add3A_232 = arith.constant 64 : i32
          %add3A_233 = arith.addi %add3A_124, %add3A_232 : i32
          %add3A_234 = vector.broadcast %add3A_233 : i32 to vector<16xi32>
          %add3A_235 = arith.addi %add3A_234, %iota3A : vector<16xi32>
          %gather3A_236 = tpu.vector_load_idx %arg22[%add3A_235, %and3A_132] : memref<400x16xf32, #tpu.memory_space<vmem>>[vector<16xi32>, vector<16xi32>], vector<16xf32>,
          %gather3A_237 = tpu.vector_load_idx %arg22[%add3A_235, %and3A_138] : memref<400x16xf32, #tpu.memory_space<vmem>>[vector<16xi32>, vector<16xi32>], vector<16xf32>,
          %gather3A_238 = tpu.vector_load_idx %arg22[%add3A_235, %and3A_144] : memref<400x16xf32, #tpu.memory_space<vmem>>[vector<16xi32>, vector<16xi32>], vector<16xf32>,
          %gather3A_239 = tpu.vector_load_idx %arg22[%add3A_235, %and3A_150] : memref<400x16xf32, #tpu.memory_space<vmem>>[vector<16xi32>, vector<16xi32>], vector<16xf32>,
          %gather3A_240 = tpu.vector_load_idx %arg23[%add3A_235, %and3A_132] : memref<400x16xf32, #tpu.memory_space<vmem>>[vector<16xi32>, vector<16xi32>], vector<16xf32>,
          %gather3A_241 = tpu.vector_load_idx %arg23[%add3A_235, %and3A_138] : memref<400x16xf32, #tpu.memory_space<vmem>>[vector<16xi32>, vector<16xi32>], vector<16xf32>,
          %gather3A_242 = tpu.vector_load_idx %arg23[%add3A_235, %and3A_144] : memref<400x16xf32, #tpu.memory_space<vmem>>[vector<16xi32>, vector<16xi32>], vector<16xf32>,
          %gather3A_243 = tpu.vector_load_idx %arg23[%add3A_235, %and3A_150] : memref<400x16xf32, #tpu.memory_space<vmem>>[vector<16xi32>, vector<16xi32>], vector<16xf32>,
          %gather3A_244 = tpu.vector_load_idx %arg24[%add3A_235, %and3A_132] : memref<400x16xf32, #tpu.memory_space<vmem>>[vector<16xi32>, vector<16xi32>], vector<16xf32>,
          %gather3A_245 = tpu.vector_load_idx %arg24[%add3A_235, %and3A_138] : memref<400x16xf32, #tpu.memory_space<vmem>>[vector<16xi32>, vector<16xi32>], vector<16xf32>,
          %gather3A_246 = tpu.vector_load_idx %arg24[%add3A_235, %and3A_144] : memref<400x16xf32, #tpu.memory_space<vmem>>[vector<16xi32>, vector<16xi32>], vector<16xf32>,
          %gather3A_247 = tpu.vector_load_idx %arg24[%add3A_235, %and3A_150] : memref<400x16xf32, #tpu.memory_space<vmem>>[vector<16xi32>, vector<16xi32>], vector<16xf32>,
          %get3A_248 = arith.index_cast %add3A_233 : i32 to index
          %get3A_249 = tpu.vector_load %arg18[%get3A_248] {strides = array<i32>} : memref<400xi32, #tpu.memory_space<vmem>>, vector<16xi32>,
          %select_n3A = arith.select %eq3A_155, %gather3A_167, %gather3A_168 : vector<16xi1>, vector<16xf32>
          %select_n3A_250 = arith.select %eq3A_158, %gather3A_166, %select_n3A : vector<16xi1>, vector<16xf32>
          %select_n3A_251 = arith.select %eq3A_161, %gather3A, %select_n3A_250 : vector<16xi1>, vector<16xf32>
          %select_n3A_252 = arith.select %eq3A_155, %gather3A_171, %gather3A_172 : vector<16xi1>, vector<16xf32>
          %select_n3A_253 = arith.select %eq3A_158, %gather3A_170, %select_n3A_252 : vector<16xi1>, vector<16xf32>
          %select_n3A_254 = arith.select %eq3A_161, %gather3A_169, %select_n3A_253 : vector<16xi1>, vector<16xf32>
          %select_n3A_255 = arith.select %eq3A_155, %gather3A_175, %gather3A_176 : vector<16xi1>, vector<16xf32>
          %select_n3A_256 = arith.select %eq3A_158, %gather3A_174, %select_n3A_255 : vector<16xi1>, vector<16xf32>
          %select_n3A_257 = arith.select %eq3A_161, %gather3A_173, %select_n3A_256 : vector<16xi1>, vector<16xf32>
          %sub3A = arith.subf %gather3A, %gather3A_169 : vector<16xf32>
          %sub3A_258 = arith.subf %gather3A_166, %gather3A_170 : vector<16xf32>
          %sub3A_259 = arith.subf %gather3A_167, %gather3A_171 : vector<16xf32>
          %sub3A_260 = arith.subf %gather3A_168, %gather3A_172 : vector<16xf32>
          %sub3A_261 = arith.subf %gather3A_173, %gather3A_169 : vector<16xf32>
          %sub3A_262 = arith.subf %gather3A_174, %gather3A_170 : vector<16xf32>
          %sub3A_263 = arith.subf %gather3A_175, %gather3A_171 : vector<16xf32>
          %sub3A_264 = arith.subf %gather3A_176, %gather3A_172 : vector<16xf32>
          %mul3A_265 = arith.mulf %sub3A, %sub3A : vector<16xf32>
          %mul3A_266 = arith.mulf %sub3A_258, %sub3A_258 : vector<16xf32>
          %add3A_267 = arith.addf %mul3A_265, %mul3A_266 : vector<16xf32>
          %mul3A_268 = arith.mulf %sub3A_259, %sub3A_259 : vector<16xf32>
          %mul3A_269 = arith.mulf %sub3A_260, %sub3A_260 : vector<16xf32>
          %add3A_270 = arith.addf %mul3A_268, %mul3A_269 : vector<16xf32>
          %add3A_271 = arith.addf %add3A_267, %add3A_270 : vector<16xf32>
          %mul3A_272 = arith.mulf %sub3A, %sub3A_261 : vector<16xf32>
          %mul3A_273 = arith.mulf %sub3A_258, %sub3A_262 : vector<16xf32>
          %add3A_274 = arith.addf %mul3A_272, %mul3A_273 : vector<16xf32>
          %mul3A_275 = arith.mulf %sub3A_259, %sub3A_263 : vector<16xf32>
          %mul3A_276 = arith.mulf %sub3A_260, %sub3A_264 : vector<16xf32>
          %add3A_277 = arith.addf %mul3A_275, %mul3A_276 : vector<16xf32>
          %add3A_278 = arith.addf %add3A_274, %add3A_277 : vector<16xf32>
          %mul3A_279 = arith.mulf %sub3A_261, %sub3A_261 : vector<16xf32>
          %mul3A_280 = arith.mulf %sub3A_262, %sub3A_262 : vector<16xf32>
          %add3A_281 = arith.addf %mul3A_279, %mul3A_280 : vector<16xf32>
          %mul3A_282 = arith.mulf %sub3A_263, %sub3A_263 : vector<16xf32>
          %mul3A_283 = arith.mulf %sub3A_264, %sub3A_264 : vector<16xf32>
          %add3A_284 = arith.addf %mul3A_282, %mul3A_283 : vector<16xf32>
          %add3A_285 = arith.addf %add3A_281, %add3A_284 : vector<16xf32>
          %sub3A_286 = arith.subf %select_n3A_251, %select_n3A_254 : vector<16xf32>
          %sub3A_287 = arith.subf %select_n3A_257, %select_n3A_254 : vector<16xf32>
          %mul3A_288 = arith.mulf %sub3A_286, %sub3A_286 : vector<16xf32>
          %sub3A_289 = arith.subf %add3A_271, %mul3A_288 : vector<16xf32>
          %mul3A_290 = arith.mulf %sub3A_286, %sub3A_287 : vector<16xf32>
          %sub3A_291 = arith.subf %add3A_278, %mul3A_290 : vector<16xf32>
          %mul3A_292 = arith.mulf %sub3A_287, %sub3A_287 : vector<16xf32>
          %sub3A_293 = arith.subf %add3A_285, %mul3A_292 : vector<16xf32>
          %mul3A_294 = arith.mulf %sub3A_289, %sub3A_293 : vector<16xf32>
          %mul3A_295 = arith.mulf %sub3A_291, %sub3A_291 : vector<16xf32>
          %sub3A_296 = arith.subf %mul3A_294, %mul3A_295 : vector<16xf32>
          %max3A = arith.constant 0.000000e+00 : f32
          %max3A_297 = vector.broadcast %max3A : f32 to vector<16xf32>
          %max3A_298 = arith.maximumf %sub3A_296, %max3A_297 : vector<16xf32>
          %bitcast3A = vector.bitcast %max3A_298 : vector<16xf32> to vector<16xi32>
          %broadcast_in_dim3A_299 = arith.constant 1597463007 : i32
          %broadcast_in_dim3A_300 = vector.broadcast %broadcast_in_dim3A_299 : i32 to vector<16xi32>
          %shift_right_logical3A = arith.constant 1 : i32
          %shift_right_logical3A_301 = vector.broadcast %shift_right_logical3A : i32 to vector<16xi32>
          %shift_right_logical3A_302 = arith.shrui %bitcast3A, %shift_right_logical3A_301 : vector<16xi32>
          %sub3A_303 = arith.subi %broadcast_in_dim3A_300, %shift_right_logical3A_302 : vector<16xi32>
          %bitcast3A_304 = vector.bitcast %sub3A_303 : vector<16xi32> to vector<16xf32>
          %mul3A_305 = arith.constant 5.000000e-01 : f32
          %mul3A_306 = vector.broadcast %mul3A_305 : f32 to vector<16xf32>
          %mul3A_307 = arith.mulf %max3A_298, %mul3A_306 : vector<16xf32>
          %mul3A_308 = arith.mulf %mul3A_307, %bitcast3A_304 : vector<16xf32>
          %mul3A_309 = arith.mulf %mul3A_308, %bitcast3A_304 : vector<16xf32>
          %sub3A_310 = arith.constant 1.500000e+00 : f32
          %sub3A_311 = vector.broadcast %sub3A_310 : f32 to vector<16xf32>
          %sub3A_312 = arith.subf %sub3A_311, %mul3A_309 : vector<16xf32>
          %mul3A_313 = arith.mulf %bitcast3A_304, %sub3A_312 : vector<16xf32>
          %mul3A_314 = arith.mulf %mul3A_307, %mul3A_313 : vector<16xf32>
          %mul3A_315 = arith.mulf %mul3A_314, %mul3A_313 : vector<16xf32>
          %sub3A_316 = arith.constant 1.500000e+00 : f32
          %sub3A_317 = vector.broadcast %sub3A_316 : f32 to vector<16xf32>
          %sub3A_318 = arith.subf %sub3A_317, %mul3A_315 : vector<16xf32>
          %mul3A_319 = arith.mulf %mul3A_313, %sub3A_318 : vector<16xf32>
          %mul3A_320 = arith.mulf %mul3A_307, %mul3A_319 : vector<16xf32>
          %mul3A_321 = arith.mulf %mul3A_320, %mul3A_319 : vector<16xf32>
          %sub3A_322 = arith.constant 1.500000e+00 : f32
          %sub3A_323 = vector.broadcast %sub3A_322 : f32 to vector<16xf32>
          %sub3A_324 = arith.subf %sub3A_323, %mul3A_321 : vector<16xf32>
          %mul3A_325 = arith.mulf %mul3A_319, %sub3A_324 : vector<16xf32>
          %gt3A = arith.constant 0.000000e+00 : f32
          %gt3A_326 = vector.broadcast %gt3A : f32 to vector<16xf32>
          %gt3A_327 = arith.cmpf ogt, %max3A_298, %gt3A_326 : vector<16xf32>
          %mul3A_328 = arith.mulf %max3A_298, %mul3A_325 : vector<16xf32>
          %jit3A = arith.constant 0.000000e+00 : f32
          %broadcast_in_dim3A_329 = vector.broadcast %jit3A : f32 to vector<16xf32>
          %select_n3A_330 = arith.select %gt3A_327, %mul3A_328, %broadcast_in_dim3A_329 : vector<16xi1>, vector<16xf32>
          %abs3A = math.absf %sub3A_291 : vector<16xf32>
          %max3A_331 = arith.maximumf %select_n3A_330, %abs3A : vector<16xf32>
          %min3A = arith.minimumf %select_n3A_330, %abs3A : vector<16xf32>
          %gt3A_332 = arith.constant 0.000000e+00 : f32
          %gt3A_333 = vector.broadcast %gt3A_332 : f32 to vector<16xf32>
          %gt3A_334 = arith.cmpf ogt, %max3A_331, %gt3A_333 : vector<16xf32>
          %jit3A_335 = arith.constant 1.000000e+00 : f32
          %broadcast_in_dim3A_336 = vector.broadcast %jit3A_335 : f32 to vector<16xf32>
          %select_n3A_337 = arith.select %gt3A_334, %max3A_331, %broadcast_in_dim3A_336 : vector<16xi1>, vector<16xf32>
          %div3A = arith.divf %min3A, %select_n3A_337 : vector<16xf32>
          %mul3A_338 = arith.mulf %div3A, %div3A : vector<16xf32>
          %broadcast_in_dim3A_339 = arith.constant -4.831170e-03 : f32
          %broadcast_in_dim3A_340 = vector.broadcast %broadcast_in_dim3A_339 : f32 to vector<16xf32>
          %mul3A_341 = arith.mulf %broadcast_in_dim3A_340, %mul3A_338 : vector<16xf32>
          %add3A_342 = arith.constant 0.0247567799 : f32
          %add3A_343 = vector.broadcast %add3A_342 : f32 to vector<16xf32>
          %add3A_344 = arith.addf %mul3A_341, %add3A_343 : vector<16xf32>
          %mul3A_345 = arith.mulf %add3A_344, %mul3A_338 : vector<16xf32>
          %add3A_346 = arith.constant -0.0602191314 : f32
          %add3A_347 = vector.broadcast %add3A_346 : f32 to vector<16xf32>
          %add3A_348 = arith.addf %mul3A_345, %add3A_347 : vector<16xf32>
          %mul3A_349 = arith.mulf %add3A_348, %mul3A_338 : vector<16xf32>
          %add3A_350 = arith.constant 0.099679239 : f32
          %add3A_351 = vector.broadcast %add3A_350 : f32 to vector<16xf32>
          %add3A_352 = arith.addf %mul3A_349, %add3A_351 : vector<16xf32>
          %mul3A_353 = arith.mulf %add3A_352, %mul3A_338 : vector<16xf32>
          %add3A_354 = arith.constant -0.140401393 : f32
          %add3A_355 = vector.broadcast %add3A_354 : f32 to vector<16xf32>
          %add3A_356 = arith.addf %mul3A_353, %add3A_355 : vector<16xf32>
          %mul3A_357 = arith.mulf %add3A_356, %mul3A_338 : vector<16xf32>
          %add3A_358 = arith.constant 0.199736819 : f32
          %add3A_359 = vector.broadcast %add3A_358 : f32 to vector<16xf32>
          %add3A_360 = arith.addf %mul3A_357, %add3A_359 : vector<16xf32>
          %mul3A_361 = arith.mulf %add3A_360, %mul3A_338 : vector<16xf32>
          %add3A_362 = arith.constant -0.333323032 : f32
          %add3A_363 = vector.broadcast %add3A_362 : f32 to vector<16xf32>
          %add3A_364 = arith.addf %mul3A_361, %add3A_363 : vector<16xf32>
          %mul3A_365 = arith.mulf %add3A_364, %mul3A_338 : vector<16xf32>
          %add3A_366 = arith.constant 0.99999994 : f32
          %add3A_367 = vector.broadcast %add3A_366 : f32 to vector<16xf32>
          %add3A_368 = arith.addf %mul3A_365, %add3A_367 : vector<16xf32>
          %mul3A_369 = arith.mulf %add3A_368, %div3A : vector<16xf32>
          %gt3A_370 = arith.cmpf ogt, %select_n3A_330, %abs3A : vector<16xf32>
          %sub3A_371 = arith.constant 1.57079637 : f32
          %sub3A_372 = vector.broadcast %sub3A_371 : f32 to vector<16xf32>
          %sub3A_373 = arith.subf %sub3A_372, %mul3A_369 : vector<16xf32>
          %select_n3A_374 = arith.select %gt3A_370, %sub3A_373, %mul3A_369 : vector<16xi1>, vector<16xf32>
          %lt3A_375 = arith.constant 0.000000e+00 : f32
          %lt3A_376 = vector.broadcast %lt3A_375 : f32 to vector<16xf32>
          %lt3A_377 = arith.cmpf olt, %sub3A_291, %lt3A_376 : vector<16xf32>
          %sub3A_378 = arith.constant 3.14159274 : f32
          %sub3A_379 = vector.broadcast %sub3A_378 : f32 to vector<16xf32>
          %sub3A_380 = arith.subf %sub3A_379, %select_n3A_374 : vector<16xf32>
          %select_n3A_381 = arith.select %lt3A_377, %sub3A_380, %select_n3A_374 : vector<16xi1>, vector<16xf32>
          %mul3A_382 = arith.constant 2.000000e+01 : f32
          %mul3A_383 = vector.broadcast %mul3A_382 : f32 to vector<16xf32>
          %mul3A_384 = arith.mulf %select_n3A_251, %mul3A_383 : vector<16xf32>
          %add3A_385 = arith.addf %mul3A_384, %select_n3A_254 : vector<16xf32>
          %mul3A_386 = arith.constant 2.000000e+01 : f32
          %mul3A_387 = vector.broadcast %mul3A_386 : f32 to vector<16xf32>
          %mul3A_388 = arith.mulf %add3A_385, %mul3A_387 : vector<16xf32>
          %add3A_389 = arith.addf %mul3A_388, %select_n3A_257 : vector<16xf32>
          %convert_element_type3A_390 = arith.fptosi %add3A_389 : vector<16xf32> to vector<16xi32>
          %broadcast_in_dim3A_391 = arith.constant 0 : i32
          %broadcast_in_dim3A_392 = vector.broadcast %broadcast_in_dim3A_391 : i32 to vector<16xi32>
          %gather3A_393 = tpu.vector_load_idx %arg9[%broadcast_in_dim3A_392, %convert_element_type3A_390] : memref<7x8000xf32, #tpu.memory_space<vmem>>[vector<16xi32>, vector<16xi32>], vector<16xf32>,
          %broadcast_in_dim3A_394 = arith.constant 1 : i32
          %broadcast_in_dim3A_395 = vector.broadcast %broadcast_in_dim3A_394 : i32 to vector<16xi32>
          %gather3A_396 = tpu.vector_load_idx %arg9[%broadcast_in_dim3A_395, %convert_element_type3A_390] : memref<7x8000xf32, #tpu.memory_space<vmem>>[vector<16xi32>, vector<16xi32>], vector<16xf32>,
          %broadcast_in_dim3A_397 = arith.constant 2 : i32
          %broadcast_in_dim3A_398 = vector.broadcast %broadcast_in_dim3A_397 : i32 to vector<16xi32>
          %gather3A_399 = tpu.vector_load_idx %arg9[%broadcast_in_dim3A_398, %convert_element_type3A_390] : memref<7x8000xf32, #tpu.memory_space<vmem>>[vector<16xi32>, vector<16xi32>], vector<16xf32>,
          %broadcast_in_dim3A_400 = arith.constant 3 : i32
          %broadcast_in_dim3A_401 = vector.broadcast %broadcast_in_dim3A_400 : i32 to vector<16xi32>
          %gather3A_402 = tpu.vector_load_idx %arg9[%broadcast_in_dim3A_401, %convert_element_type3A_390] : memref<7x8000xf32, #tpu.memory_space<vmem>>[vector<16xi32>, vector<16xi32>], vector<16xf32>,
          %broadcast_in_dim3A_403 = arith.constant 4 : i32
          %broadcast_in_dim3A_404 = vector.broadcast %broadcast_in_dim3A_403 : i32 to vector<16xi32>
          %gather3A_405 = tpu.vector_load_idx %arg9[%broadcast_in_dim3A_404, %convert_element_type3A_390] : memref<7x8000xf32, #tpu.memory_space<vmem>>[vector<16xi32>, vector<16xi32>], vector<16xf32>,
          %broadcast_in_dim3A_406 = arith.constant 5 : i32
          %broadcast_in_dim3A_407 = vector.broadcast %broadcast_in_dim3A_406 : i32 to vector<16xi32>
          %gather3A_408 = tpu.vector_load_idx %arg9[%broadcast_in_dim3A_407, %convert_element_type3A_390] : memref<7x8000xf32, #tpu.memory_space<vmem>>[vector<16xi32>, vector<16xi32>], vector<16xf32>,
          %broadcast_in_dim3A_409 = arith.constant 6 : i32
          %broadcast_in_dim3A_410 = vector.broadcast %broadcast_in_dim3A_409 : i32 to vector<16xi32>
          %gather3A_411 = tpu.vector_load_idx %arg9[%broadcast_in_dim3A_410, %convert_element_type3A_390] : memref<7x8000xf32, #tpu.memory_space<vmem>>[vector<16xi32>, vector<16xi32>], vector<16xf32>,
          %sub3A_412 = arith.subf %select_n3A_381, %gather3A_402 : vector<16xf32>
          %sub3A_413 = arith.subf %select_n3A_381, %gather3A_405 : vector<16xf32>
          %sub3A_414 = arith.subf %select_n3A_381, %gather3A_408 : vector<16xf32>
          %mul3A_415 = arith.mulf %sub3A_414, %sub3A_414 : vector<16xf32>
          %mul3A_416 = arith.mulf %sub3A_412, %sub3A_412 : vector<16xf32>
          %mul3A_417 = arith.mulf %gather3A_393, %mul3A_416 : vector<16xf32>
          %add3A_418 = arith.addf %gather3A_411, %mul3A_417 : vector<16xf32>
          %mul3A_419 = arith.mulf %sub3A_413, %sub3A_413 : vector<16xf32>
          %mul3A_420 = arith.mulf %mul3A_419, %sub3A_413 : vector<16xf32>
          %mul3A_421 = arith.mulf %gather3A_396, %mul3A_420 : vector<16xf32>
          %add3A_422 = arith.addf %add3A_418, %mul3A_421 : vector<16xf32>
          %mul3A_423 = arith.mulf %mul3A_415, %mul3A_415 : vector<16xf32>
          %mul3A_424 = arith.mulf %gather3A_399, %mul3A_423 : vector<16xf32>
          %add3A_425 = arith.addf %add3A_422, %mul3A_424 : vector<16xf32>
          %select_n3A_426 = arith.select %eq3A_155, %gather3A_184, %gather3A_185 : vector<16xi1>, vector<16xf32>
          %select_n3A_427 = arith.select %eq3A_158, %gather3A_183, %select_n3A_426 : vector<16xi1>, vector<16xf32>
          %select_n3A_428 = arith.select %eq3A_161, %gather3A_182, %select_n3A_427 : vector<16xi1>, vector<16xf32>
          %select_n3A_429 = arith.select %eq3A_155, %gather3A_188, %gather3A_189 : vector<16xi1>, vector<16xf32>
          %select_n3A_430 = arith.select %eq3A_158, %gather3A_187, %select_n3A_429 : vector<16xi1>, vector<16xf32>
          %select_n3A_431 = arith.select %eq3A_161, %gather3A_186, %select_n3A_430 : vector<16xi1>, vector<16xf32>
          %select_n3A_432 = arith.select %eq3A_155, %gather3A_192, %gather3A_193 : vector<16xi1>, vector<16xf32>
          %select_n3A_433 = arith.select %eq3A_158, %gather3A_191, %select_n3A_432 : vector<16xi1>, vector<16xf32>
          %select_n3A_434 = arith.select %eq3A_161, %gather3A_190, %select_n3A_433 : vector<16xi1>, vector<16xf32>
          %sub3A_435 = arith.subf %gather3A_182, %gather3A_186 : vector<16xf32>
          %sub3A_436 = arith.subf %gather3A_183, %gather3A_187 : vector<16xf32>
          %sub3A_437 = arith.subf %gather3A_184, %gather3A_188 : vector<16xf32>
          %sub3A_438 = arith.subf %gather3A_185, %gather3A_189 : vector<16xf32>
          %sub3A_439 = arith.subf %gather3A_190, %gather3A_186 : vector<16xf32>
          %sub3A_440 = arith.subf %gather3A_191, %gather3A_187 : vector<16xf32>
          %sub3A_441 = arith.subf %gather3A_192, %gather3A_188 : vector<16xf32>
          %sub3A_442 = arith.subf %gather3A_193, %gather3A_189 : vector<16xf32>
          %mul3A_443 = arith.mulf %sub3A_435, %sub3A_435 : vector<16xf32>
          %mul3A_444 = arith.mulf %sub3A_436, %sub3A_436 : vector<16xf32>
          %add3A_445 = arith.addf %mul3A_443, %mul3A_444 : vector<16xf32>
          %mul3A_446 = arith.mulf %sub3A_437, %sub3A_437 : vector<16xf32>
          %mul3A_447 = arith.mulf %sub3A_438, %sub3A_438 : vector<16xf32>
          %add3A_448 = arith.addf %mul3A_446, %mul3A_447 : vector<16xf32>
          %add3A_449 = arith.addf %add3A_445, %add3A_448 : vector<16xf32>
          %mul3A_450 = arith.mulf %sub3A_435, %sub3A_439 : vector<16xf32>
          %mul3A_451 = arith.mulf %sub3A_436, %sub3A_440 : vector<16xf32>
          %add3A_452 = arith.addf %mul3A_450, %mul3A_451 : vector<16xf32>
          %mul3A_453 = arith.mulf %sub3A_437, %sub3A_441 : vector<16xf32>
          %mul3A_454 = arith.mulf %sub3A_438, %sub3A_442 : vector<16xf32>
          %add3A_455 = arith.addf %mul3A_453, %mul3A_454 : vector<16xf32>
          %add3A_456 = arith.addf %add3A_452, %add3A_455 : vector<16xf32>
          %mul3A_457 = arith.mulf %sub3A_439, %sub3A_439 : vector<16xf32>
          %mul3A_458 = arith.mulf %sub3A_440, %sub3A_440 : vector<16xf32>
          %add3A_459 = arith.addf %mul3A_457, %mul3A_458 : vector<16xf32>
          %mul3A_460 = arith.mulf %sub3A_441, %sub3A_441 : vector<16xf32>
          %mul3A_461 = arith.mulf %sub3A_442, %sub3A_442 : vector<16xf32>
          %add3A_462 = arith.addf %mul3A_460, %mul3A_461 : vector<16xf32>
          %add3A_463 = arith.addf %add3A_459, %add3A_462 : vector<16xf32>
          %sub3A_464 = arith.subf %select_n3A_428, %select_n3A_431 : vector<16xf32>
          %sub3A_465 = arith.subf %select_n3A_434, %select_n3A_431 : vector<16xf32>
          %mul3A_466 = arith.mulf %sub3A_464, %sub3A_464 : vector<16xf32>
          %sub3A_467 = arith.subf %add3A_449, %mul3A_466 : vector<16xf32>
          %mul3A_468 = arith.mulf %sub3A_464, %sub3A_465 : vector<16xf32>
          %sub3A_469 = arith.subf %add3A_456, %mul3A_468 : vector<16xf32>
          %mul3A_470 = arith.mulf %sub3A_465, %sub3A_465 : vector<16xf32>
          %sub3A_471 = arith.subf %add3A_463, %mul3A_470 : vector<16xf32>
          %mul3A_472 = arith.mulf %sub3A_467, %sub3A_471 : vector<16xf32>
          %mul3A_473 = arith.mulf %sub3A_469, %sub3A_469 : vector<16xf32>
          %sub3A_474 = arith.subf %mul3A_472, %mul3A_473 : vector<16xf32>
          %max3A_475 = arith.constant 0.000000e+00 : f32
          %max3A_476 = vector.broadcast %max3A_475 : f32 to vector<16xf32>
          %max3A_477 = arith.maximumf %sub3A_474, %max3A_476 : vector<16xf32>
          %bitcast3A_478 = vector.bitcast %max3A_477 : vector<16xf32> to vector<16xi32>
          %broadcast_in_dim3A_479 = arith.constant 1597463007 : i32
          %broadcast_in_dim3A_480 = vector.broadcast %broadcast_in_dim3A_479 : i32 to vector<16xi32>
          %shift_right_logical3A_481 = arith.constant 1 : i32
          %shift_right_logical3A_482 = vector.broadcast %shift_right_logical3A_481 : i32 to vector<16xi32>
          %shift_right_logical3A_483 = arith.shrui %bitcast3A_478, %shift_right_logical3A_482 : vector<16xi32>
          %sub3A_484 = arith.subi %broadcast_in_dim3A_480, %shift_right_logical3A_483 : vector<16xi32>
          %bitcast3A_485 = vector.bitcast %sub3A_484 : vector<16xi32> to vector<16xf32>
          %mul3A_486 = arith.constant 5.000000e-01 : f32
          %mul3A_487 = vector.broadcast %mul3A_486 : f32 to vector<16xf32>
          %mul3A_488 = arith.mulf %max3A_477, %mul3A_487 : vector<16xf32>
          %mul3A_489 = arith.mulf %mul3A_488, %bitcast3A_485 : vector<16xf32>
          %mul3A_490 = arith.mulf %mul3A_489, %bitcast3A_485 : vector<16xf32>
          %sub3A_491 = arith.constant 1.500000e+00 : f32
          %sub3A_492 = vector.broadcast %sub3A_491 : f32 to vector<16xf32>
          %sub3A_493 = arith.subf %sub3A_492, %mul3A_490 : vector<16xf32>
          %mul3A_494 = arith.mulf %bitcast3A_485, %sub3A_493 : vector<16xf32>
          %mul3A_495 = arith.mulf %mul3A_488, %mul3A_494 : vector<16xf32>
          %mul3A_496 = arith.mulf %mul3A_495, %mul3A_494 : vector<16xf32>
          %sub3A_497 = arith.constant 1.500000e+00 : f32
          %sub3A_498 = vector.broadcast %sub3A_497 : f32 to vector<16xf32>
          %sub3A_499 = arith.subf %sub3A_498, %mul3A_496 : vector<16xf32>
          %mul3A_500 = arith.mulf %mul3A_494, %sub3A_499 : vector<16xf32>
          %mul3A_501 = arith.mulf %mul3A_488, %mul3A_500 : vector<16xf32>
          %mul3A_502 = arith.mulf %mul3A_501, %mul3A_500 : vector<16xf32>
          %sub3A_503 = arith.constant 1.500000e+00 : f32
          %sub3A_504 = vector.broadcast %sub3A_503 : f32 to vector<16xf32>
          %sub3A_505 = arith.subf %sub3A_504, %mul3A_502 : vector<16xf32>
          %mul3A_506 = arith.mulf %mul3A_500, %sub3A_505 : vector<16xf32>
          %gt3A_507 = arith.constant 0.000000e+00 : f32
          %gt3A_508 = vector.broadcast %gt3A_507 : f32 to vector<16xf32>
          %gt3A_509 = arith.cmpf ogt, %max3A_477, %gt3A_508 : vector<16xf32>
          %mul3A_510 = arith.mulf %max3A_477, %mul3A_506 : vector<16xf32>
          %jit3A_511 = arith.constant 0.000000e+00 : f32
          %broadcast_in_dim3A_512 = vector.broadcast %jit3A_511 : f32 to vector<16xf32>
          %select_n3A_513 = arith.select %gt3A_509, %mul3A_510, %broadcast_in_dim3A_512 : vector<16xi1>, vector<16xf32>
          %abs3A_514 = math.absf %sub3A_469 : vector<16xf32>
          %max3A_515 = arith.maximumf %select_n3A_513, %abs3A_514 : vector<16xf32>
          %min3A_516 = arith.minimumf %select_n3A_513, %abs3A_514 : vector<16xf32>
          %gt3A_517 = arith.constant 0.000000e+00 : f32
          %gt3A_518 = vector.broadcast %gt3A_517 : f32 to vector<16xf32>
          %gt3A_519 = arith.cmpf ogt, %max3A_515, %gt3A_518 : vector<16xf32>
          %jit3A_520 = arith.constant 1.000000e+00 : f32
          %broadcast_in_dim3A_521 = vector.broadcast %jit3A_520 : f32 to vector<16xf32>
          %select_n3A_522 = arith.select %gt3A_519, %max3A_515, %broadcast_in_dim3A_521 : vector<16xi1>, vector<16xf32>
          %div3A_523 = arith.divf %min3A_516, %select_n3A_522 : vector<16xf32>
          %mul3A_524 = arith.mulf %div3A_523, %div3A_523 : vector<16xf32>
          %broadcast_in_dim3A_525 = arith.constant -4.831170e-03 : f32
          %broadcast_in_dim3A_526 = vector.broadcast %broadcast_in_dim3A_525 : f32 to vector<16xf32>
          %mul3A_527 = arith.mulf %broadcast_in_dim3A_526, %mul3A_524 : vector<16xf32>
          %add3A_528 = arith.constant 0.0247567799 : f32
          %add3A_529 = vector.broadcast %add3A_528 : f32 to vector<16xf32>
          %add3A_530 = arith.addf %mul3A_527, %add3A_529 : vector<16xf32>
          %mul3A_531 = arith.mulf %add3A_530, %mul3A_524 : vector<16xf32>
          %add3A_532 = arith.constant -0.0602191314 : f32
          %add3A_533 = vector.broadcast %add3A_532 : f32 to vector<16xf32>
          %add3A_534 = arith.addf %mul3A_531, %add3A_533 : vector<16xf32>
          %mul3A_535 = arith.mulf %add3A_534, %mul3A_524 : vector<16xf32>
          %add3A_536 = arith.constant 0.099679239 : f32
          %add3A_537 = vector.broadcast %add3A_536 : f32 to vector<16xf32>
          %add3A_538 = arith.addf %mul3A_535, %add3A_537 : vector<16xf32>
          %mul3A_539 = arith.mulf %add3A_538, %mul3A_524 : vector<16xf32>
          %add3A_540 = arith.constant -0.140401393 : f32
          %add3A_541 = vector.broadcast %add3A_540 : f32 to vector<16xf32>
          %add3A_542 = arith.addf %mul3A_539, %add3A_541 : vector<16xf32>
          %mul3A_543 = arith.mulf %add3A_542, %mul3A_524 : vector<16xf32>
          %add3A_544 = arith.constant 0.199736819 : f32
          %add3A_545 = vector.broadcast %add3A_544 : f32 to vector<16xf32>
          %add3A_546 = arith.addf %mul3A_543, %add3A_545 : vector<16xf32>
          %mul3A_547 = arith.mulf %add3A_546, %mul3A_524 : vector<16xf32>
          %add3A_548 = arith.constant -0.333323032 : f32
          %add3A_549 = vector.broadcast %add3A_548 : f32 to vector<16xf32>
          %add3A_550 = arith.addf %mul3A_547, %add3A_549 : vector<16xf32>
          %mul3A_551 = arith.mulf %add3A_550, %mul3A_524 : vector<16xf32>
          %add3A_552 = arith.constant 0.99999994 : f32
          %add3A_553 = vector.broadcast %add3A_552 : f32 to vector<16xf32>
          %add3A_554 = arith.addf %mul3A_551, %add3A_553 : vector<16xf32>
          %mul3A_555 = arith.mulf %add3A_554, %div3A_523 : vector<16xf32>
          %gt3A_556 = arith.cmpf ogt, %select_n3A_513, %abs3A_514 : vector<16xf32>
          %sub3A_557 = arith.constant 1.57079637 : f32
          %sub3A_558 = vector.broadcast %sub3A_557 : f32 to vector<16xf32>
          %sub3A_559 = arith.subf %sub3A_558, %mul3A_555 : vector<16xf32>
          %select_n3A_560 = arith.select %gt3A_556, %sub3A_559, %mul3A_555 : vector<16xi1>, vector<16xf32>
          %lt3A_561 = arith.constant 0.000000e+00 : f32
          %lt3A_562 = vector.broadcast %lt3A_561 : f32 to vector<16xf32>
          %lt3A_563 = arith.cmpf olt, %sub3A_469, %lt3A_562 : vector<16xf32>
          %sub3A_564 = arith.constant 3.14159274 : f32
          %sub3A_565 = vector.broadcast %sub3A_564 : f32 to vector<16xf32>
          %sub3A_566 = arith.subf %sub3A_565, %select_n3A_560 : vector<16xf32>
          %select_n3A_567 = arith.select %lt3A_563, %sub3A_566, %select_n3A_560 : vector<16xi1>, vector<16xf32>
          %mul3A_568 = arith.constant 2.000000e+01 : f32
          %mul3A_569 = vector.broadcast %mul3A_568 : f32 to vector<16xf32>
          %mul3A_570 = arith.mulf %select_n3A_428, %mul3A_569 : vector<16xf32>
          %add3A_571 = arith.addf %mul3A_570, %select_n3A_431 : vector<16xf32>
          %mul3A_572 = arith.constant 2.000000e+01 : f32
          %mul3A_573 = vector.broadcast %mul3A_572 : f32 to vector<16xf32>
          %mul3A_574 = arith.mulf %add3A_571, %mul3A_573 : vector<16xf32>
          %add3A_575 = arith.addf %mul3A_574, %select_n3A_434 : vector<16xf32>
          %convert_element_type3A_576 = arith.fptosi %add3A_575 : vector<16xf32> to vector<16xi32>
          %broadcast_in_dim3A_577 = arith.constant 0 : i32
          %broadcast_in_dim3A_578 = vector.broadcast %broadcast_in_dim3A_577 : i32 to vector<16xi32>
          %gather3A_579 = tpu.vector_load_idx %arg9[%broadcast_in_dim3A_578, %convert_element_type3A_576] : memref<7x8000xf32, #tpu.memory_space<vmem>>[vector<16xi32>, vector<16xi32>], vector<16xf32>,
          %broadcast_in_dim3A_580 = arith.constant 1 : i32
          %broadcast_in_dim3A_581 = vector.broadcast %broadcast_in_dim3A_580 : i32 to vector<16xi32>
          %gather3A_582 = tpu.vector_load_idx %arg9[%broadcast_in_dim3A_581, %convert_element_type3A_576] : memref<7x8000xf32, #tpu.memory_space<vmem>>[vector<16xi32>, vector<16xi32>], vector<16xf32>,
          %broadcast_in_dim3A_583 = arith.constant 2 : i32
          %broadcast_in_dim3A_584 = vector.broadcast %broadcast_in_dim3A_583 : i32 to vector<16xi32>
          %gather3A_585 = tpu.vector_load_idx %arg9[%broadcast_in_dim3A_584, %convert_element_type3A_576] : memref<7x8000xf32, #tpu.memory_space<vmem>>[vector<16xi32>, vector<16xi32>], vector<16xf32>,
          %broadcast_in_dim3A_586 = arith.constant 3 : i32
          %broadcast_in_dim3A_587 = vector.broadcast %broadcast_in_dim3A_586 : i32 to vector<16xi32>
          %gather3A_588 = tpu.vector_load_idx %arg9[%broadcast_in_dim3A_587, %convert_element_type3A_576] : memref<7x8000xf32, #tpu.memory_space<vmem>>[vector<16xi32>, vector<16xi32>], vector<16xf32>,
          %broadcast_in_dim3A_589 = arith.constant 4 : i32
          %broadcast_in_dim3A_590 = vector.broadcast %broadcast_in_dim3A_589 : i32 to vector<16xi32>
          %gather3A_591 = tpu.vector_load_idx %arg9[%broadcast_in_dim3A_590, %convert_element_type3A_576] : memref<7x8000xf32, #tpu.memory_space<vmem>>[vector<16xi32>, vector<16xi32>], vector<16xf32>,
          %broadcast_in_dim3A_592 = arith.constant 5 : i32
          %broadcast_in_dim3A_593 = vector.broadcast %broadcast_in_dim3A_592 : i32 to vector<16xi32>
          %gather3A_594 = tpu.vector_load_idx %arg9[%broadcast_in_dim3A_593, %convert_element_type3A_576] : memref<7x8000xf32, #tpu.memory_space<vmem>>[vector<16xi32>, vector<16xi32>], vector<16xf32>,
          %broadcast_in_dim3A_595 = arith.constant 6 : i32
          %broadcast_in_dim3A_596 = vector.broadcast %broadcast_in_dim3A_595 : i32 to vector<16xi32>
          %gather3A_597 = tpu.vector_load_idx %arg9[%broadcast_in_dim3A_596, %convert_element_type3A_576] : memref<7x8000xf32, #tpu.memory_space<vmem>>[vector<16xi32>, vector<16xi32>], vector<16xf32>,
          %sub3A_598 = arith.subf %select_n3A_567, %gather3A_588 : vector<16xf32>
          %sub3A_599 = arith.subf %select_n3A_567, %gather3A_591 : vector<16xf32>
          %sub3A_600 = arith.subf %select_n3A_567, %gather3A_594 : vector<16xf32>
          %mul3A_601 = arith.mulf %sub3A_600, %sub3A_600 : vector<16xf32>
          %mul3A_602 = arith.mulf %sub3A_598, %sub3A_598 : vector<16xf32>
          %mul3A_603 = arith.mulf %gather3A_579, %mul3A_602 : vector<16xf32>
          %add3A_604 = arith.addf %gather3A_597, %mul3A_603 : vector<16xf32>
          %mul3A_605 = arith.mulf %sub3A_599, %sub3A_599 : vector<16xf32>
          %mul3A_606 = arith.mulf %mul3A_605, %sub3A_599 : vector<16xf32>
          %mul3A_607 = arith.mulf %gather3A_582, %mul3A_606 : vector<16xf32>
          %add3A_608 = arith.addf %add3A_604, %mul3A_607 : vector<16xf32>
          %mul3A_609 = arith.mulf %mul3A_601, %mul3A_601 : vector<16xf32>
          %mul3A_610 = arith.mulf %gather3A_585, %mul3A_609 : vector<16xf32>
          %add3A_611 = arith.addf %add3A_608, %mul3A_610 : vector<16xf32>
          %select_n3A_612 = arith.select %eq3A_155, %gather3A_202, %gather3A_203 : vector<16xi1>, vector<16xf32>
          %select_n3A_613 = arith.select %eq3A_158, %gather3A_201, %select_n3A_612 : vector<16xi1>, vector<16xf32>
          %select_n3A_614 = arith.select %eq3A_161, %gather3A_200, %select_n3A_613 : vector<16xi1>, vector<16xf32>
          %select_n3A_615 = arith.select %eq3A_155, %gather3A_206, %gather3A_207 : vector<16xi1>, vector<16xf32>
          %select_n3A_616 = arith.select %eq3A_158, %gather3A_205, %select_n3A_615 : vector<16xi1>, vector<16xf32>
          %select_n3A_617 = arith.select %eq3A_161, %gather3A_204, %select_n3A_616 : vector<16xi1>, vector<16xf32>
          %select_n3A_618 = arith.select %eq3A_155, %gather3A_210, %gather3A_211 : vector<16xi1>, vector<16xf32>
          %select_n3A_619 = arith.select %eq3A_158, %gather3A_209, %select_n3A_618 : vector<16xi1>, vector<16xf32>
          %select_n3A_620 = arith.select %eq3A_161, %gather3A_208, %select_n3A_619 : vector<16xi1>, vector<16xf32>
          %sub3A_621 = arith.subf %gather3A_200, %gather3A_204 : vector<16xf32>
          %sub3A_622 = arith.subf %gather3A_201, %gather3A_205 : vector<16xf32>
          %sub3A_623 = arith.subf %gather3A_202, %gather3A_206 : vector<16xf32>
          %sub3A_624 = arith.subf %gather3A_203, %gather3A_207 : vector<16xf32>
          %sub3A_625 = arith.subf %gather3A_208, %gather3A_204 : vector<16xf32>
          %sub3A_626 = arith.subf %gather3A_209, %gather3A_205 : vector<16xf32>
          %sub3A_627 = arith.subf %gather3A_210, %gather3A_206 : vector<16xf32>
          %sub3A_628 = arith.subf %gather3A_211, %gather3A_207 : vector<16xf32>
          %mul3A_629 = arith.mulf %sub3A_621, %sub3A_621 : vector<16xf32>
          %mul3A_630 = arith.mulf %sub3A_622, %sub3A_622 : vector<16xf32>
          %add3A_631 = arith.addf %mul3A_629, %mul3A_630 : vector<16xf32>
          %mul3A_632 = arith.mulf %sub3A_623, %sub3A_623 : vector<16xf32>
          %mul3A_633 = arith.mulf %sub3A_624, %sub3A_624 : vector<16xf32>
          %add3A_634 = arith.addf %mul3A_632, %mul3A_633 : vector<16xf32>
          %add3A_635 = arith.addf %add3A_631, %add3A_634 : vector<16xf32>
          %mul3A_636 = arith.mulf %sub3A_621, %sub3A_625 : vector<16xf32>
          %mul3A_637 = arith.mulf %sub3A_622, %sub3A_626 : vector<16xf32>
          %add3A_638 = arith.addf %mul3A_636, %mul3A_637 : vector<16xf32>
          %mul3A_639 = arith.mulf %sub3A_623, %sub3A_627 : vector<16xf32>
          %mul3A_640 = arith.mulf %sub3A_624, %sub3A_628 : vector<16xf32>
          %add3A_641 = arith.addf %mul3A_639, %mul3A_640 : vector<16xf32>
          %add3A_642 = arith.addf %add3A_638, %add3A_641 : vector<16xf32>
          %mul3A_643 = arith.mulf %sub3A_625, %sub3A_625 : vector<16xf32>
          %mul3A_644 = arith.mulf %sub3A_626, %sub3A_626 : vector<16xf32>
          %add3A_645 = arith.addf %mul3A_643, %mul3A_644 : vector<16xf32>
          %mul3A_646 = arith.mulf %sub3A_627, %sub3A_627 : vector<16xf32>
          %mul3A_647 = arith.mulf %sub3A_628, %sub3A_628 : vector<16xf32>
          %add3A_648 = arith.addf %mul3A_646, %mul3A_647 : vector<16xf32>
          %add3A_649 = arith.addf %add3A_645, %add3A_648 : vector<16xf32>
          %sub3A_650 = arith.subf %select_n3A_614, %select_n3A_617 : vector<16xf32>
          %sub3A_651 = arith.subf %select_n3A_620, %select_n3A_617 : vector<16xf32>
          %mul3A_652 = arith.mulf %sub3A_650, %sub3A_650 : vector<16xf32>
          %sub3A_653 = arith.subf %add3A_635, %mul3A_652 : vector<16xf32>
          %mul3A_654 = arith.mulf %sub3A_650, %sub3A_651 : vector<16xf32>
          %sub3A_655 = arith.subf %add3A_642, %mul3A_654 : vector<16xf32>
          %mul3A_656 = arith.mulf %sub3A_651, %sub3A_651 : vector<16xf32>
          %sub3A_657 = arith.subf %add3A_649, %mul3A_656 : vector<16xf32>
          %mul3A_658 = arith.mulf %sub3A_653, %sub3A_657 : vector<16xf32>
          %mul3A_659 = arith.mulf %sub3A_655, %sub3A_655 : vector<16xf32>
          %sub3A_660 = arith.subf %mul3A_658, %mul3A_659 : vector<16xf32>
          %max3A_661 = arith.constant 0.000000e+00 : f32
          %max3A_662 = vector.broadcast %max3A_661 : f32 to vector<16xf32>
          %max3A_663 = arith.maximumf %sub3A_660, %max3A_662 : vector<16xf32>
          %bitcast3A_664 = vector.bitcast %max3A_663 : vector<16xf32> to vector<16xi32>
          %broadcast_in_dim3A_665 = arith.constant 1597463007 : i32
          %broadcast_in_dim3A_666 = vector.broadcast %broadcast_in_dim3A_665 : i32 to vector<16xi32>
          %shift_right_logical3A_667 = arith.constant 1 : i32
          %shift_right_logical3A_668 = vector.broadcast %shift_right_logical3A_667 : i32 to vector<16xi32>
          %shift_right_logical3A_669 = arith.shrui %bitcast3A_664, %shift_right_logical3A_668 : vector<16xi32>
          %sub3A_670 = arith.subi %broadcast_in_dim3A_666, %shift_right_logical3A_669 : vector<16xi32>
          %bitcast3A_671 = vector.bitcast %sub3A_670 : vector<16xi32> to vector<16xf32>
          %mul3A_672 = arith.constant 5.000000e-01 : f32
          %mul3A_673 = vector.broadcast %mul3A_672 : f32 to vector<16xf32>
          %mul3A_674 = arith.mulf %max3A_663, %mul3A_673 : vector<16xf32>
          %mul3A_675 = arith.mulf %mul3A_674, %bitcast3A_671 : vector<16xf32>
          %mul3A_676 = arith.mulf %mul3A_675, %bitcast3A_671 : vector<16xf32>
          %sub3A_677 = arith.constant 1.500000e+00 : f32
          %sub3A_678 = vector.broadcast %sub3A_677 : f32 to vector<16xf32>
          %sub3A_679 = arith.subf %sub3A_678, %mul3A_676 : vector<16xf32>
          %mul3A_680 = arith.mulf %bitcast3A_671, %sub3A_679 : vector<16xf32>
          %mul3A_681 = arith.mulf %mul3A_674, %mul3A_680 : vector<16xf32>
          %mul3A_682 = arith.mulf %mul3A_681, %mul3A_680 : vector<16xf32>
          %sub3A_683 = arith.constant 1.500000e+00 : f32
          %sub3A_684 = vector.broadcast %sub3A_683 : f32 to vector<16xf32>
          %sub3A_685 = arith.subf %sub3A_684, %mul3A_682 : vector<16xf32>
          %mul3A_686 = arith.mulf %mul3A_680, %sub3A_685 : vector<16xf32>
          %mul3A_687 = arith.mulf %mul3A_674, %mul3A_686 : vector<16xf32>
          %mul3A_688 = arith.mulf %mul3A_687, %mul3A_686 : vector<16xf32>
          %sub3A_689 = arith.constant 1.500000e+00 : f32
          %sub3A_690 = vector.broadcast %sub3A_689 : f32 to vector<16xf32>
          %sub3A_691 = arith.subf %sub3A_690, %mul3A_688 : vector<16xf32>
          %mul3A_692 = arith.mulf %mul3A_686, %sub3A_691 : vector<16xf32>
          %gt3A_693 = arith.constant 0.000000e+00 : f32
          %gt3A_694 = vector.broadcast %gt3A_693 : f32 to vector<16xf32>
          %gt3A_695 = arith.cmpf ogt, %max3A_663, %gt3A_694 : vector<16xf32>
          %mul3A_696 = arith.mulf %max3A_663, %mul3A_692 : vector<16xf32>
          %jit3A_697 = arith.constant 0.000000e+00 : f32
          %broadcast_in_dim3A_698 = vector.broadcast %jit3A_697 : f32 to vector<16xf32>
          %select_n3A_699 = arith.select %gt3A_695, %mul3A_696, %broadcast_in_dim3A_698 : vector<16xi1>, vector<16xf32>
          %abs3A_700 = math.absf %sub3A_655 : vector<16xf32>
          %max3A_701 = arith.maximumf %select_n3A_699, %abs3A_700 : vector<16xf32>
          %min3A_702 = arith.minimumf %select_n3A_699, %abs3A_700 : vector<16xf32>
          %gt3A_703 = arith.constant 0.000000e+00 : f32
          %gt3A_704 = vector.broadcast %gt3A_703 : f32 to vector<16xf32>
          %gt3A_705 = arith.cmpf ogt, %max3A_701, %gt3A_704 : vector<16xf32>
          %jit3A_706 = arith.constant 1.000000e+00 : f32
          %broadcast_in_dim3A_707 = vector.broadcast %jit3A_706 : f32 to vector<16xf32>
          %select_n3A_708 = arith.select %gt3A_705, %max3A_701, %broadcast_in_dim3A_707 : vector<16xi1>, vector<16xf32>
          %div3A_709 = arith.divf %min3A_702, %select_n3A_708 : vector<16xf32>
          %mul3A_710 = arith.mulf %div3A_709, %div3A_709 : vector<16xf32>
          %broadcast_in_dim3A_711 = arith.constant -4.831170e-03 : f32
          %broadcast_in_dim3A_712 = vector.broadcast %broadcast_in_dim3A_711 : f32 to vector<16xf32>
          %mul3A_713 = arith.mulf %broadcast_in_dim3A_712, %mul3A_710 : vector<16xf32>
          %add3A_714 = arith.constant 0.0247567799 : f32
          %add3A_715 = vector.broadcast %add3A_714 : f32 to vector<16xf32>
          %add3A_716 = arith.addf %mul3A_713, %add3A_715 : vector<16xf32>
          %mul3A_717 = arith.mulf %add3A_716, %mul3A_710 : vector<16xf32>
          %add3A_718 = arith.constant -0.0602191314 : f32
          %add3A_719 = vector.broadcast %add3A_718 : f32 to vector<16xf32>
          %add3A_720 = arith.addf %mul3A_717, %add3A_719 : vector<16xf32>
          %mul3A_721 = arith.mulf %add3A_720, %mul3A_710 : vector<16xf32>
          %add3A_722 = arith.constant 0.099679239 : f32
          %add3A_723 = vector.broadcast %add3A_722 : f32 to vector<16xf32>
          %add3A_724 = arith.addf %mul3A_721, %add3A_723 : vector<16xf32>
          %mul3A_725 = arith.mulf %add3A_724, %mul3A_710 : vector<16xf32>
          %add3A_726 = arith.constant -0.140401393 : f32
          %add3A_727 = vector.broadcast %add3A_726 : f32 to vector<16xf32>
          %add3A_728 = arith.addf %mul3A_725, %add3A_727 : vector<16xf32>
          %mul3A_729 = arith.mulf %add3A_728, %mul3A_710 : vector<16xf32>
          %add3A_730 = arith.constant 0.199736819 : f32
          %add3A_731 = vector.broadcast %add3A_730 : f32 to vector<16xf32>
          %add3A_732 = arith.addf %mul3A_729, %add3A_731 : vector<16xf32>
          %mul3A_733 = arith.mulf %add3A_732, %mul3A_710 : vector<16xf32>
          %add3A_734 = arith.constant -0.333323032 : f32
          %add3A_735 = vector.broadcast %add3A_734 : f32 to vector<16xf32>
          %add3A_736 = arith.addf %mul3A_733, %add3A_735 : vector<16xf32>
          %mul3A_737 = arith.mulf %add3A_736, %mul3A_710 : vector<16xf32>
          %add3A_738 = arith.constant 0.99999994 : f32
          %add3A_739 = vector.broadcast %add3A_738 : f32 to vector<16xf32>
          %add3A_740 = arith.addf %mul3A_737, %add3A_739 : vector<16xf32>
          %mul3A_741 = arith.mulf %add3A_740, %div3A_709 : vector<16xf32>
          %gt3A_742 = arith.cmpf ogt, %select_n3A_699, %abs3A_700 : vector<16xf32>
          %sub3A_743 = arith.constant 1.57079637 : f32
          %sub3A_744 = vector.broadcast %sub3A_743 : f32 to vector<16xf32>
          %sub3A_745 = arith.subf %sub3A_744, %mul3A_741 : vector<16xf32>
          %select_n3A_746 = arith.select %gt3A_742, %sub3A_745, %mul3A_741 : vector<16xi1>, vector<16xf32>
          %lt3A_747 = arith.constant 0.000000e+00 : f32
          %lt3A_748 = vector.broadcast %lt3A_747 : f32 to vector<16xf32>
          %lt3A_749 = arith.cmpf olt, %sub3A_655, %lt3A_748 : vector<16xf32>
          %sub3A_750 = arith.constant 3.14159274 : f32
          %sub3A_751 = vector.broadcast %sub3A_750 : f32 to vector<16xf32>
          %sub3A_752 = arith.subf %sub3A_751, %select_n3A_746 : vector<16xf32>
          %select_n3A_753 = arith.select %lt3A_749, %sub3A_752, %select_n3A_746 : vector<16xi1>, vector<16xf32>
          %mul3A_754 = arith.constant 2.000000e+01 : f32
          %mul3A_755 = vector.broadcast %mul3A_754 : f32 to vector<16xf32>
          %mul3A_756 = arith.mulf %select_n3A_614, %mul3A_755 : vector<16xf32>
          %add3A_757 = arith.addf %mul3A_756, %select_n3A_617 : vector<16xf32>
          %mul3A_758 = arith.constant 2.000000e+01 : f32
          %mul3A_759 = vector.broadcast %mul3A_758 : f32 to vector<16xf32>
          %mul3A_760 = arith.mulf %add3A_757, %mul3A_759 : vector<16xf32>
          %add3A_761 = arith.addf %mul3A_760, %select_n3A_620 : vector<16xf32>
          %convert_element_type3A_762 = arith.fptosi %add3A_761 : vector<16xf32> to vector<16xi32>
          %broadcast_in_dim3A_763 = arith.constant 0 : i32
          %broadcast_in_dim3A_764 = vector.broadcast %broadcast_in_dim3A_763 : i32 to vector<16xi32>
          %gather3A_765 = tpu.vector_load_idx %arg9[%broadcast_in_dim3A_764, %convert_element_type3A_762] : memref<7x8000xf32, #tpu.memory_space<vmem>>[vector<16xi32>, vector<16xi32>], vector<16xf32>,
          %broadcast_in_dim3A_766 = arith.constant 1 : i32
          %broadcast_in_dim3A_767 = vector.broadcast %broadcast_in_dim3A_766 : i32 to vector<16xi32>
          %gather3A_768 = tpu.vector_load_idx %arg9[%broadcast_in_dim3A_767, %convert_element_type3A_762] : memref<7x8000xf32, #tpu.memory_space<vmem>>[vector<16xi32>, vector<16xi32>], vector<16xf32>,
          %broadcast_in_dim3A_769 = arith.constant 2 : i32
          %broadcast_in_dim3A_770 = vector.broadcast %broadcast_in_dim3A_769 : i32 to vector<16xi32>
          %gather3A_771 = tpu.vector_load_idx %arg9[%broadcast_in_dim3A_770, %convert_element_type3A_762] : memref<7x8000xf32, #tpu.memory_space<vmem>>[vector<16xi32>, vector<16xi32>], vector<16xf32>,
          %broadcast_in_dim3A_772 = arith.constant 3 : i32
          %broadcast_in_dim3A_773 = vector.broadcast %broadcast_in_dim3A_772 : i32 to vector<16xi32>
          %gather3A_774 = tpu.vector_load_idx %arg9[%broadcast_in_dim3A_773, %convert_element_type3A_762] : memref<7x8000xf32, #tpu.memory_space<vmem>>[vector<16xi32>, vector<16xi32>], vector<16xf32>,
          %broadcast_in_dim3A_775 = arith.constant 4 : i32
          %broadcast_in_dim3A_776 = vector.broadcast %broadcast_in_dim3A_775 : i32 to vector<16xi32>
          %gather3A_777 = tpu.vector_load_idx %arg9[%broadcast_in_dim3A_776, %convert_element_type3A_762] : memref<7x8000xf32, #tpu.memory_space<vmem>>[vector<16xi32>, vector<16xi32>], vector<16xf32>,
          %broadcast_in_dim3A_778 = arith.constant 5 : i32
          %broadcast_in_dim3A_779 = vector.broadcast %broadcast_in_dim3A_778 : i32 to vector<16xi32>
          %gather3A_780 = tpu.vector_load_idx %arg9[%broadcast_in_dim3A_779, %convert_element_type3A_762] : memref<7x8000xf32, #tpu.memory_space<vmem>>[vector<16xi32>, vector<16xi32>], vector<16xf32>,
          %broadcast_in_dim3A_781 = arith.constant 6 : i32
          %broadcast_in_dim3A_782 = vector.broadcast %broadcast_in_dim3A_781 : i32 to vector<16xi32>
          %gather3A_783 = tpu.vector_load_idx %arg9[%broadcast_in_dim3A_782, %convert_element_type3A_762] : memref<7x8000xf32, #tpu.memory_space<vmem>>[vector<16xi32>, vector<16xi32>], vector<16xf32>,
          %sub3A_784 = arith.subf %select_n3A_753, %gather3A_774 : vector<16xf32>
          %sub3A_785 = arith.subf %select_n3A_753, %gather3A_777 : vector<16xf32>
          %sub3A_786 = arith.subf %select_n3A_753, %gather3A_780 : vector<16xf32>
          %mul3A_787 = arith.mulf %sub3A_786, %sub3A_786 : vector<16xf32>
          %mul3A_788 = arith.mulf %sub3A_784, %sub3A_784 : vector<16xf32>
          %mul3A_789 = arith.mulf %gather3A_765, %mul3A_788 : vector<16xf32>
          %add3A_790 = arith.addf %gather3A_783, %mul3A_789 : vector<16xf32>
          %mul3A_791 = arith.mulf %sub3A_785, %sub3A_785 : vector<16xf32>
          %mul3A_792 = arith.mulf %mul3A_791, %sub3A_785 : vector<16xf32>
          %mul3A_793 = arith.mulf %gather3A_768, %mul3A_792 : vector<16xf32>
          %add3A_794 = arith.addf %add3A_790, %mul3A_793 : vector<16xf32>
          %mul3A_795 = arith.mulf %mul3A_787, %mul3A_787 : vector<16xf32>
          %mul3A_796 = arith.mulf %gather3A_771, %mul3A_795 : vector<16xf32>
          %add3A_797 = arith.addf %add3A_794, %mul3A_796 : vector<16xf32>
          %select_n3A_798 = arith.select %eq3A_155, %gather3A_220, %gather3A_221 : vector<16xi1>, vector<16xf32>
          %select_n3A_799 = arith.select %eq3A_158, %gather3A_219, %select_n3A_798 : vector<16xi1>, vector<16xf32>
          %select_n3A_800 = arith.select %eq3A_161, %gather3A_218, %select_n3A_799 : vector<16xi1>, vector<16xf32>
          %select_n3A_801 = arith.select %eq3A_155, %gather3A_224, %gather3A_225 : vector<16xi1>, vector<16xf32>
          %select_n3A_802 = arith.select %eq3A_158, %gather3A_223, %select_n3A_801 : vector<16xi1>, vector<16xf32>
          %select_n3A_803 = arith.select %eq3A_161, %gather3A_222, %select_n3A_802 : vector<16xi1>, vector<16xf32>
          %select_n3A_804 = arith.select %eq3A_155, %gather3A_228, %gather3A_229 : vector<16xi1>, vector<16xf32>
          %select_n3A_805 = arith.select %eq3A_158, %gather3A_227, %select_n3A_804 : vector<16xi1>, vector<16xf32>
          %select_n3A_806 = arith.select %eq3A_161, %gather3A_226, %select_n3A_805 : vector<16xi1>, vector<16xf32>
          %sub3A_807 = arith.subf %gather3A_218, %gather3A_222 : vector<16xf32>
          %sub3A_808 = arith.subf %gather3A_219, %gather3A_223 : vector<16xf32>
          %sub3A_809 = arith.subf %gather3A_220, %gather3A_224 : vector<16xf32>
          %sub3A_810 = arith.subf %gather3A_221, %gather3A_225 : vector<16xf32>
          %sub3A_811 = arith.subf %gather3A_226, %gather3A_222 : vector<16xf32>
          %sub3A_812 = arith.subf %gather3A_227, %gather3A_223 : vector<16xf32>
          %sub3A_813 = arith.subf %gather3A_228, %gather3A_224 : vector<16xf32>
          %sub3A_814 = arith.subf %gather3A_229, %gather3A_225 : vector<16xf32>
          %mul3A_815 = arith.mulf %sub3A_807, %sub3A_807 : vector<16xf32>
          %mul3A_816 = arith.mulf %sub3A_808, %sub3A_808 : vector<16xf32>
          %add3A_817 = arith.addf %mul3A_815, %mul3A_816 : vector<16xf32>
          %mul3A_818 = arith.mulf %sub3A_809, %sub3A_809 : vector<16xf32>
          %mul3A_819 = arith.mulf %sub3A_810, %sub3A_810 : vector<16xf32>
          %add3A_820 = arith.addf %mul3A_818, %mul3A_819 : vector<16xf32>
          %add3A_821 = arith.addf %add3A_817, %add3A_820 : vector<16xf32>
          %mul3A_822 = arith.mulf %sub3A_807, %sub3A_811 : vector<16xf32>
          %mul3A_823 = arith.mulf %sub3A_808, %sub3A_812 : vector<16xf32>
          %add3A_824 = arith.addf %mul3A_822, %mul3A_823 : vector<16xf32>
          %mul3A_825 = arith.mulf %sub3A_809, %sub3A_813 : vector<16xf32>
          %mul3A_826 = arith.mulf %sub3A_810, %sub3A_814 : vector<16xf32>
          %add3A_827 = arith.addf %mul3A_825, %mul3A_826 : vector<16xf32>
          %add3A_828 = arith.addf %add3A_824, %add3A_827 : vector<16xf32>
          %mul3A_829 = arith.mulf %sub3A_811, %sub3A_811 : vector<16xf32>
          %mul3A_830 = arith.mulf %sub3A_812, %sub3A_812 : vector<16xf32>
          %add3A_831 = arith.addf %mul3A_829, %mul3A_830 : vector<16xf32>
          %mul3A_832 = arith.mulf %sub3A_813, %sub3A_813 : vector<16xf32>
          %mul3A_833 = arith.mulf %sub3A_814, %sub3A_814 : vector<16xf32>
          %add3A_834 = arith.addf %mul3A_832, %mul3A_833 : vector<16xf32>
          %add3A_835 = arith.addf %add3A_831, %add3A_834 : vector<16xf32>
          %sub3A_836 = arith.subf %select_n3A_800, %select_n3A_803 : vector<16xf32>
          %sub3A_837 = arith.subf %select_n3A_806, %select_n3A_803 : vector<16xf32>
          %mul3A_838 = arith.mulf %sub3A_836, %sub3A_836 : vector<16xf32>
          %sub3A_839 = arith.subf %add3A_821, %mul3A_838 : vector<16xf32>
          %mul3A_840 = arith.mulf %sub3A_836, %sub3A_837 : vector<16xf32>
          %sub3A_841 = arith.subf %add3A_828, %mul3A_840 : vector<16xf32>
          %mul3A_842 = arith.mulf %sub3A_837, %sub3A_837 : vector<16xf32>
          %sub3A_843 = arith.subf %add3A_835, %mul3A_842 : vector<16xf32>
          %mul3A_844 = arith.mulf %sub3A_839, %sub3A_843 : vector<16xf32>
          %mul3A_845 = arith.mulf %sub3A_841, %sub3A_841 : vector<16xf32>
          %sub3A_846 = arith.subf %mul3A_844, %mul3A_845 : vector<16xf32>
          %max3A_847 = arith.constant 0.000000e+00 : f32
          %max3A_848 = vector.broadcast %max3A_847 : f32 to vector<16xf32>
          %max3A_849 = arith.maximumf %sub3A_846, %max3A_848 : vector<16xf32>
          %bitcast3A_850 = vector.bitcast %max3A_849 : vector<16xf32> to vector<16xi32>
          %broadcast_in_dim3A_851 = arith.constant 1597463007 : i32
          %broadcast_in_dim3A_852 = vector.broadcast %broadcast_in_dim3A_851 : i32 to vector<16xi32>
          %shift_right_logical3A_853 = arith.constant 1 : i32
          %shift_right_logical3A_854 = vector.broadcast %shift_right_logical3A_853 : i32 to vector<16xi32>
          %shift_right_logical3A_855 = arith.shrui %bitcast3A_850, %shift_right_logical3A_854 : vector<16xi32>
          %sub3A_856 = arith.subi %broadcast_in_dim3A_852, %shift_right_logical3A_855 : vector<16xi32>
          %bitcast3A_857 = vector.bitcast %sub3A_856 : vector<16xi32> to vector<16xf32>
          %mul3A_858 = arith.constant 5.000000e-01 : f32
          %mul3A_859 = vector.broadcast %mul3A_858 : f32 to vector<16xf32>
          %mul3A_860 = arith.mulf %max3A_849, %mul3A_859 : vector<16xf32>
          %mul3A_861 = arith.mulf %mul3A_860, %bitcast3A_857 : vector<16xf32>
          %mul3A_862 = arith.mulf %mul3A_861, %bitcast3A_857 : vector<16xf32>
          %sub3A_863 = arith.constant 1.500000e+00 : f32
          %sub3A_864 = vector.broadcast %sub3A_863 : f32 to vector<16xf32>
          %sub3A_865 = arith.subf %sub3A_864, %mul3A_862 : vector<16xf32>
          %mul3A_866 = arith.mulf %bitcast3A_857, %sub3A_865 : vector<16xf32>
          %mul3A_867 = arith.mulf %mul3A_860, %mul3A_866 : vector<16xf32>
          %mul3A_868 = arith.mulf %mul3A_867, %mul3A_866 : vector<16xf32>
          %sub3A_869 = arith.constant 1.500000e+00 : f32
          %sub3A_870 = vector.broadcast %sub3A_869 : f32 to vector<16xf32>
          %sub3A_871 = arith.subf %sub3A_870, %mul3A_868 : vector<16xf32>
          %mul3A_872 = arith.mulf %mul3A_866, %sub3A_871 : vector<16xf32>
          %mul3A_873 = arith.mulf %mul3A_860, %mul3A_872 : vector<16xf32>
          %mul3A_874 = arith.mulf %mul3A_873, %mul3A_872 : vector<16xf32>
          %sub3A_875 = arith.constant 1.500000e+00 : f32
          %sub3A_876 = vector.broadcast %sub3A_875 : f32 to vector<16xf32>
          %sub3A_877 = arith.subf %sub3A_876, %mul3A_874 : vector<16xf32>
          %mul3A_878 = arith.mulf %mul3A_872, %sub3A_877 : vector<16xf32>
          %gt3A_879 = arith.constant 0.000000e+00 : f32
          %gt3A_880 = vector.broadcast %gt3A_879 : f32 to vector<16xf32>
          %gt3A_881 = arith.cmpf ogt, %max3A_849, %gt3A_880 : vector<16xf32>
          %mul3A_882 = arith.mulf %max3A_849, %mul3A_878 : vector<16xf32>
          %jit3A_883 = arith.constant 0.000000e+00 : f32
          %broadcast_in_dim3A_884 = vector.broadcast %jit3A_883 : f32 to vector<16xf32>
          %select_n3A_885 = arith.select %gt3A_881, %mul3A_882, %broadcast_in_dim3A_884 : vector<16xi1>, vector<16xf32>
          %abs3A_886 = math.absf %sub3A_841 : vector<16xf32>
          %max3A_887 = arith.maximumf %select_n3A_885, %abs3A_886 : vector<16xf32>
          %min3A_888 = arith.minimumf %select_n3A_885, %abs3A_886 : vector<16xf32>
          %gt3A_889 = arith.constant 0.000000e+00 : f32
          %gt3A_890 = vector.broadcast %gt3A_889 : f32 to vector<16xf32>
          %gt3A_891 = arith.cmpf ogt, %max3A_887, %gt3A_890 : vector<16xf32>
          %jit3A_892 = arith.constant 1.000000e+00 : f32
          %broadcast_in_dim3A_893 = vector.broadcast %jit3A_892 : f32 to vector<16xf32>
          %select_n3A_894 = arith.select %gt3A_891, %max3A_887, %broadcast_in_dim3A_893 : vector<16xi1>, vector<16xf32>
          %div3A_895 = arith.divf %min3A_888, %select_n3A_894 : vector<16xf32>
          %mul3A_896 = arith.mulf %div3A_895, %div3A_895 : vector<16xf32>
          %broadcast_in_dim3A_897 = arith.constant -4.831170e-03 : f32
          %broadcast_in_dim3A_898 = vector.broadcast %broadcast_in_dim3A_897 : f32 to vector<16xf32>
          %mul3A_899 = arith.mulf %broadcast_in_dim3A_898, %mul3A_896 : vector<16xf32>
          %add3A_900 = arith.constant 0.0247567799 : f32
          %add3A_901 = vector.broadcast %add3A_900 : f32 to vector<16xf32>
          %add3A_902 = arith.addf %mul3A_899, %add3A_901 : vector<16xf32>
          %mul3A_903 = arith.mulf %add3A_902, %mul3A_896 : vector<16xf32>
          %add3A_904 = arith.constant -0.0602191314 : f32
          %add3A_905 = vector.broadcast %add3A_904 : f32 to vector<16xf32>
          %add3A_906 = arith.addf %mul3A_903, %add3A_905 : vector<16xf32>
          %mul3A_907 = arith.mulf %add3A_906, %mul3A_896 : vector<16xf32>
          %add3A_908 = arith.constant 0.099679239 : f32
          %add3A_909 = vector.broadcast %add3A_908 : f32 to vector<16xf32>
          %add3A_910 = arith.addf %mul3A_907, %add3A_909 : vector<16xf32>
          %mul3A_911 = arith.mulf %add3A_910, %mul3A_896 : vector<16xf32>
          %add3A_912 = arith.constant -0.140401393 : f32
          %add3A_913 = vector.broadcast %add3A_912 : f32 to vector<16xf32>
          %add3A_914 = arith.addf %mul3A_911, %add3A_913 : vector<16xf32>
          %mul3A_915 = arith.mulf %add3A_914, %mul3A_896 : vector<16xf32>
          %add3A_916 = arith.constant 0.199736819 : f32
          %add3A_917 = vector.broadcast %add3A_916 : f32 to vector<16xf32>
          %add3A_918 = arith.addf %mul3A_915, %add3A_917 : vector<16xf32>
          %mul3A_919 = arith.mulf %add3A_918, %mul3A_896 : vector<16xf32>
          %add3A_920 = arith.constant -0.333323032 : f32
          %add3A_921 = vector.broadcast %add3A_920 : f32 to vector<16xf32>
          %add3A_922 = arith.addf %mul3A_919, %add3A_921 : vector<16xf32>
          %mul3A_923 = arith.mulf %add3A_922, %mul3A_896 : vector<16xf32>
          %add3A_924 = arith.constant 0.99999994 : f32
          %add3A_925 = vector.broadcast %add3A_924 : f32 to vector<16xf32>
          %add3A_926 = arith.addf %mul3A_923, %add3A_925 : vector<16xf32>
          %mul3A_927 = arith.mulf %add3A_926, %div3A_895 : vector<16xf32>
          %gt3A_928 = arith.cmpf ogt, %select_n3A_885, %abs3A_886 : vector<16xf32>
          %sub3A_929 = arith.constant 1.57079637 : f32
          %sub3A_930 = vector.broadcast %sub3A_929 : f32 to vector<16xf32>
          %sub3A_931 = arith.subf %sub3A_930, %mul3A_927 : vector<16xf32>
          %select_n3A_932 = arith.select %gt3A_928, %sub3A_931, %mul3A_927 : vector<16xi1>, vector<16xf32>
          %lt3A_933 = arith.constant 0.000000e+00 : f32
          %lt3A_934 = vector.broadcast %lt3A_933 : f32 to vector<16xf32>
          %lt3A_935 = arith.cmpf olt, %sub3A_841, %lt3A_934 : vector<16xf32>
          %sub3A_936 = arith.constant 3.14159274 : f32
          %sub3A_937 = vector.broadcast %sub3A_936 : f32 to vector<16xf32>
          %sub3A_938 = arith.subf %sub3A_937, %select_n3A_932 : vector<16xf32>
          %select_n3A_939 = arith.select %lt3A_935, %sub3A_938, %select_n3A_932 : vector<16xi1>, vector<16xf32>
          %mul3A_940 = arith.constant 2.000000e+01 : f32
          %mul3A_941 = vector.broadcast %mul3A_940 : f32 to vector<16xf32>
          %mul3A_942 = arith.mulf %select_n3A_800, %mul3A_941 : vector<16xf32>
          %add3A_943 = arith.addf %mul3A_942, %select_n3A_803 : vector<16xf32>
          %mul3A_944 = arith.constant 2.000000e+01 : f32
          %mul3A_945 = vector.broadcast %mul3A_944 : f32 to vector<16xf32>
          %mul3A_946 = arith.mulf %add3A_943, %mul3A_945 : vector<16xf32>
          %add3A_947 = arith.addf %mul3A_946, %select_n3A_806 : vector<16xf32>
          %convert_element_type3A_948 = arith.fptosi %add3A_947 : vector<16xf32> to vector<16xi32>
          %broadcast_in_dim3A_949 = arith.constant 0 : i32
          %broadcast_in_dim3A_950 = vector.broadcast %broadcast_in_dim3A_949 : i32 to vector<16xi32>
          %gather3A_951 = tpu.vector_load_idx %arg9[%broadcast_in_dim3A_950, %convert_element_type3A_948] : memref<7x8000xf32, #tpu.memory_space<vmem>>[vector<16xi32>, vector<16xi32>], vector<16xf32>,
          %broadcast_in_dim3A_952 = arith.constant 1 : i32
          %broadcast_in_dim3A_953 = vector.broadcast %broadcast_in_dim3A_952 : i32 to vector<16xi32>
          %gather3A_954 = tpu.vector_load_idx %arg9[%broadcast_in_dim3A_953, %convert_element_type3A_948] : memref<7x8000xf32, #tpu.memory_space<vmem>>[vector<16xi32>, vector<16xi32>], vector<16xf32>,
          %broadcast_in_dim3A_955 = arith.constant 2 : i32
          %broadcast_in_dim3A_956 = vector.broadcast %broadcast_in_dim3A_955 : i32 to vector<16xi32>
          %gather3A_957 = tpu.vector_load_idx %arg9[%broadcast_in_dim3A_956, %convert_element_type3A_948] : memref<7x8000xf32, #tpu.memory_space<vmem>>[vector<16xi32>, vector<16xi32>], vector<16xf32>,
          %broadcast_in_dim3A_958 = arith.constant 3 : i32
          %broadcast_in_dim3A_959 = vector.broadcast %broadcast_in_dim3A_958 : i32 to vector<16xi32>
          %gather3A_960 = tpu.vector_load_idx %arg9[%broadcast_in_dim3A_959, %convert_element_type3A_948] : memref<7x8000xf32, #tpu.memory_space<vmem>>[vector<16xi32>, vector<16xi32>], vector<16xf32>,
          %broadcast_in_dim3A_961 = arith.constant 4 : i32
          %broadcast_in_dim3A_962 = vector.broadcast %broadcast_in_dim3A_961 : i32 to vector<16xi32>
          %gather3A_963 = tpu.vector_load_idx %arg9[%broadcast_in_dim3A_962, %convert_element_type3A_948] : memref<7x8000xf32, #tpu.memory_space<vmem>>[vector<16xi32>, vector<16xi32>], vector<16xf32>,
          %broadcast_in_dim3A_964 = arith.constant 5 : i32
          %broadcast_in_dim3A_965 = vector.broadcast %broadcast_in_dim3A_964 : i32 to vector<16xi32>
          %gather3A_966 = tpu.vector_load_idx %arg9[%broadcast_in_dim3A_965, %convert_element_type3A_948] : memref<7x8000xf32, #tpu.memory_space<vmem>>[vector<16xi32>, vector<16xi32>], vector<16xf32>,
          %broadcast_in_dim3A_967 = arith.constant 6 : i32
          %broadcast_in_dim3A_968 = vector.broadcast %broadcast_in_dim3A_967 : i32 to vector<16xi32>
          %gather3A_969 = tpu.vector_load_idx %arg9[%broadcast_in_dim3A_968, %convert_element_type3A_948] : memref<7x8000xf32, #tpu.memory_space<vmem>>[vector<16xi32>, vector<16xi32>], vector<16xf32>,
          %sub3A_970 = arith.subf %select_n3A_939, %gather3A_960 : vector<16xf32>
          %sub3A_971 = arith.subf %select_n3A_939, %gather3A_963 : vector<16xf32>
          %sub3A_972 = arith.subf %select_n3A_939, %gather3A_966 : vector<16xf32>
          %mul3A_973 = arith.mulf %sub3A_972, %sub3A_972 : vector<16xf32>
          %mul3A_974 = arith.mulf %sub3A_970, %sub3A_970 : vector<16xf32>
          %mul3A_975 = arith.mulf %gather3A_951, %mul3A_974 : vector<16xf32>
          %add3A_976 = arith.addf %gather3A_969, %mul3A_975 : vector<16xf32>
          %mul3A_977 = arith.mulf %sub3A_971, %sub3A_971 : vector<16xf32>
          %mul3A_978 = arith.mulf %mul3A_977, %sub3A_971 : vector<16xf32>
          %mul3A_979 = arith.mulf %gather3A_954, %mul3A_978 : vector<16xf32>
          %add3A_980 = arith.addf %add3A_976, %mul3A_979 : vector<16xf32>
          %mul3A_981 = arith.mulf %mul3A_973, %mul3A_973 : vector<16xf32>
          %mul3A_982 = arith.mulf %gather3A_957, %mul3A_981 : vector<16xf32>
          %add3A_983 = arith.addf %add3A_980, %mul3A_982 : vector<16xf32>
          %select_n3A_984 = arith.select %eq3A_155, %gather3A_238, %gather3A_239 : vector<16xi1>, vector<16xf32>
          %select_n3A_985 = arith.select %eq3A_158, %gather3A_237, %select_n3A_984 : vector<16xi1>, vector<16xf32>
          %select_n3A_986 = arith.select %eq3A_161, %gather3A_236, %select_n3A_985 : vector<16xi1>, vector<16xf32>
          %select_n3A_987 = arith.select %eq3A_155, %gather3A_242, %gather3A_243 : vector<16xi1>, vector<16xf32>
          %select_n3A_988 = arith.select %eq3A_158, %gather3A_241, %select_n3A_987 : vector<16xi1>, vector<16xf32>
          %select_n3A_989 = arith.select %eq3A_161, %gather3A_240, %select_n3A_988 : vector<16xi1>, vector<16xf32>
          %select_n3A_990 = arith.select %eq3A_155, %gather3A_246, %gather3A_247 : vector<16xi1>, vector<16xf32>
          %select_n3A_991 = arith.select %eq3A_158, %gather3A_245, %select_n3A_990 : vector<16xi1>, vector<16xf32>
          %select_n3A_992 = arith.select %eq3A_161, %gather3A_244, %select_n3A_991 : vector<16xi1>, vector<16xf32>
          %sub3A_993 = arith.subf %gather3A_236, %gather3A_240 : vector<16xf32>
          %sub3A_994 = arith.subf %gather3A_237, %gather3A_241 : vector<16xf32>
          %sub3A_995 = arith.subf %gather3A_238, %gather3A_242 : vector<16xf32>
          %sub3A_996 = arith.subf %gather3A_239, %gather3A_243 : vector<16xf32>
          %sub3A_997 = arith.subf %gather3A_244, %gather3A_240 : vector<16xf32>
          %sub3A_998 = arith.subf %gather3A_245, %gather3A_241 : vector<16xf32>
          %sub3A_999 = arith.subf %gather3A_246, %gather3A_242 : vector<16xf32>
          %sub3A_1000 = arith.subf %gather3A_247, %gather3A_243 : vector<16xf32>
          %mul3A_1001 = arith.mulf %sub3A_993, %sub3A_993 : vector<16xf32>
          %mul3A_1002 = arith.mulf %sub3A_994, %sub3A_994 : vector<16xf32>
          %add3A_1003 = arith.addf %mul3A_1001, %mul3A_1002 : vector<16xf32>
          %mul3A_1004 = arith.mulf %sub3A_995, %sub3A_995 : vector<16xf32>
          %mul3A_1005 = arith.mulf %sub3A_996, %sub3A_996 : vector<16xf32>
          %add3A_1006 = arith.addf %mul3A_1004, %mul3A_1005 : vector<16xf32>
          %add3A_1007 = arith.addf %add3A_1003, %add3A_1006 : vector<16xf32>
          %mul3A_1008 = arith.mulf %sub3A_993, %sub3A_997 : vector<16xf32>
          %mul3A_1009 = arith.mulf %sub3A_994, %sub3A_998 : vector<16xf32>
          %add3A_1010 = arith.addf %mul3A_1008, %mul3A_1009 : vector<16xf32>
          %mul3A_1011 = arith.mulf %sub3A_995, %sub3A_999 : vector<16xf32>
          %mul3A_1012 = arith.mulf %sub3A_996, %sub3A_1000 : vector<16xf32>
          %add3A_1013 = arith.addf %mul3A_1011, %mul3A_1012 : vector<16xf32>
          %add3A_1014 = arith.addf %add3A_1010, %add3A_1013 : vector<16xf32>
          %mul3A_1015 = arith.mulf %sub3A_997, %sub3A_997 : vector<16xf32>
          %mul3A_1016 = arith.mulf %sub3A_998, %sub3A_998 : vector<16xf32>
          %add3A_1017 = arith.addf %mul3A_1015, %mul3A_1016 : vector<16xf32>
          %mul3A_1018 = arith.mulf %sub3A_999, %sub3A_999 : vector<16xf32>
          %mul3A_1019 = arith.mulf %sub3A_1000, %sub3A_1000 : vector<16xf32>
          %add3A_1020 = arith.addf %mul3A_1018, %mul3A_1019 : vector<16xf32>
          %add3A_1021 = arith.addf %add3A_1017, %add3A_1020 : vector<16xf32>
          %sub3A_1022 = arith.subf %select_n3A_986, %select_n3A_989 : vector<16xf32>
          %sub3A_1023 = arith.subf %select_n3A_992, %select_n3A_989 : vector<16xf32>
          %mul3A_1024 = arith.mulf %sub3A_1022, %sub3A_1022 : vector<16xf32>
          %sub3A_1025 = arith.subf %add3A_1007, %mul3A_1024 : vector<16xf32>
          %mul3A_1026 = arith.mulf %sub3A_1022, %sub3A_1023 : vector<16xf32>
          %sub3A_1027 = arith.subf %add3A_1014, %mul3A_1026 : vector<16xf32>
          %mul3A_1028 = arith.mulf %sub3A_1023, %sub3A_1023 : vector<16xf32>
          %sub3A_1029 = arith.subf %add3A_1021, %mul3A_1028 : vector<16xf32>
          %mul3A_1030 = arith.mulf %sub3A_1025, %sub3A_1029 : vector<16xf32>
          %mul3A_1031 = arith.mulf %sub3A_1027, %sub3A_1027 : vector<16xf32>
          %sub3A_1032 = arith.subf %mul3A_1030, %mul3A_1031 : vector<16xf32>
          %max3A_1033 = arith.constant 0.000000e+00 : f32
          %max3A_1034 = vector.broadcast %max3A_1033 : f32 to vector<16xf32>
          %max3A_1035 = arith.maximumf %sub3A_1032, %max3A_1034 : vector<16xf32>
          %bitcast3A_1036 = vector.bitcast %max3A_1035 : vector<16xf32> to vector<16xi32>
          %broadcast_in_dim3A_1037 = arith.constant 1597463007 : i32
          %broadcast_in_dim3A_1038 = vector.broadcast %broadcast_in_dim3A_1037 : i32 to vector<16xi32>
          %shift_right_logical3A_1039 = arith.constant 1 : i32
          %shift_right_logical3A_1040 = vector.broadcast %shift_right_logical3A_1039 : i32 to vector<16xi32>
          %shift_right_logical3A_1041 = arith.shrui %bitcast3A_1036, %shift_right_logical3A_1040 : vector<16xi32>
          %sub3A_1042 = arith.subi %broadcast_in_dim3A_1038, %shift_right_logical3A_1041 : vector<16xi32>
          %bitcast3A_1043 = vector.bitcast %sub3A_1042 : vector<16xi32> to vector<16xf32>
          %mul3A_1044 = arith.constant 5.000000e-01 : f32
          %mul3A_1045 = vector.broadcast %mul3A_1044 : f32 to vector<16xf32>
          %mul3A_1046 = arith.mulf %max3A_1035, %mul3A_1045 : vector<16xf32>
          %mul3A_1047 = arith.mulf %mul3A_1046, %bitcast3A_1043 : vector<16xf32>
          %mul3A_1048 = arith.mulf %mul3A_1047, %bitcast3A_1043 : vector<16xf32>
          %sub3A_1049 = arith.constant 1.500000e+00 : f32
          %sub3A_1050 = vector.broadcast %sub3A_1049 : f32 to vector<16xf32>
          %sub3A_1051 = arith.subf %sub3A_1050, %mul3A_1048 : vector<16xf32>
          %mul3A_1052 = arith.mulf %bitcast3A_1043, %sub3A_1051 : vector<16xf32>
          %mul3A_1053 = arith.mulf %mul3A_1046, %mul3A_1052 : vector<16xf32>
          %mul3A_1054 = arith.mulf %mul3A_1053, %mul3A_1052 : vector<16xf32>
          %sub3A_1055 = arith.constant 1.500000e+00 : f32
          %sub3A_1056 = vector.broadcast %sub3A_1055 : f32 to vector<16xf32>
          %sub3A_1057 = arith.subf %sub3A_1056, %mul3A_1054 : vector<16xf32>
          %mul3A_1058 = arith.mulf %mul3A_1052, %sub3A_1057 : vector<16xf32>
          %mul3A_1059 = arith.mulf %mul3A_1046, %mul3A_1058 : vector<16xf32>
          %mul3A_1060 = arith.mulf %mul3A_1059, %mul3A_1058 : vector<16xf32>
          %sub3A_1061 = arith.constant 1.500000e+00 : f32
          %sub3A_1062 = vector.broadcast %sub3A_1061 : f32 to vector<16xf32>
          %sub3A_1063 = arith.subf %sub3A_1062, %mul3A_1060 : vector<16xf32>
          %mul3A_1064 = arith.mulf %mul3A_1058, %sub3A_1063 : vector<16xf32>
          %gt3A_1065 = arith.constant 0.000000e+00 : f32
          %gt3A_1066 = vector.broadcast %gt3A_1065 : f32 to vector<16xf32>
          %gt3A_1067 = arith.cmpf ogt, %max3A_1035, %gt3A_1066 : vector<16xf32>
          %mul3A_1068 = arith.mulf %max3A_1035, %mul3A_1064 : vector<16xf32>
          %jit3A_1069 = arith.constant 0.000000e+00 : f32
          %broadcast_in_dim3A_1070 = vector.broadcast %jit3A_1069 : f32 to vector<16xf32>
          %select_n3A_1071 = arith.select %gt3A_1067, %mul3A_1068, %broadcast_in_dim3A_1070 : vector<16xi1>, vector<16xf32>
          %abs3A_1072 = math.absf %sub3A_1027 : vector<16xf32>
          %max3A_1073 = arith.maximumf %select_n3A_1071, %abs3A_1072 : vector<16xf32>
          %min3A_1074 = arith.minimumf %select_n3A_1071, %abs3A_1072 : vector<16xf32>
          %gt3A_1075 = arith.constant 0.000000e+00 : f32
          %gt3A_1076 = vector.broadcast %gt3A_1075 : f32 to vector<16xf32>
          %gt3A_1077 = arith.cmpf ogt, %max3A_1073, %gt3A_1076 : vector<16xf32>
          %jit3A_1078 = arith.constant 1.000000e+00 : f32
          %broadcast_in_dim3A_1079 = vector.broadcast %jit3A_1078 : f32 to vector<16xf32>
          %select_n3A_1080 = arith.select %gt3A_1077, %max3A_1073, %broadcast_in_dim3A_1079 : vector<16xi1>, vector<16xf32>
          %div3A_1081 = arith.divf %min3A_1074, %select_n3A_1080 : vector<16xf32>
          %mul3A_1082 = arith.mulf %div3A_1081, %div3A_1081 : vector<16xf32>
          %broadcast_in_dim3A_1083 = arith.constant -4.831170e-03 : f32
          %broadcast_in_dim3A_1084 = vector.broadcast %broadcast_in_dim3A_1083 : f32 to vector<16xf32>
          %mul3A_1085 = arith.mulf %broadcast_in_dim3A_1084, %mul3A_1082 : vector<16xf32>
          %add3A_1086 = arith.constant 0.0247567799 : f32
          %add3A_1087 = vector.broadcast %add3A_1086 : f32 to vector<16xf32>
          %add3A_1088 = arith.addf %mul3A_1085, %add3A_1087 : vector<16xf32>
          %mul3A_1089 = arith.mulf %add3A_1088, %mul3A_1082 : vector<16xf32>
          %add3A_1090 = arith.constant -0.0602191314 : f32
          %add3A_1091 = vector.broadcast %add3A_1090 : f32 to vector<16xf32>
          %add3A_1092 = arith.addf %mul3A_1089, %add3A_1091 : vector<16xf32>
          %mul3A_1093 = arith.mulf %add3A_1092, %mul3A_1082 : vector<16xf32>
          %add3A_1094 = arith.constant 0.099679239 : f32
          %add3A_1095 = vector.broadcast %add3A_1094 : f32 to vector<16xf32>
          %add3A_1096 = arith.addf %mul3A_1093, %add3A_1095 : vector<16xf32>
          %mul3A_1097 = arith.mulf %add3A_1096, %mul3A_1082 : vector<16xf32>
          %add3A_1098 = arith.constant -0.140401393 : f32
          %add3A_1099 = vector.broadcast %add3A_1098 : f32 to vector<16xf32>
          %add3A_1100 = arith.addf %mul3A_1097, %add3A_1099 : vector<16xf32>
          %mul3A_1101 = arith.mulf %add3A_1100, %mul3A_1082 : vector<16xf32>
          %add3A_1102 = arith.constant 0.199736819 : f32
          %add3A_1103 = vector.broadcast %add3A_1102 : f32 to vector<16xf32>
          %add3A_1104 = arith.addf %mul3A_1101, %add3A_1103 : vector<16xf32>
          %mul3A_1105 = arith.mulf %add3A_1104, %mul3A_1082 : vector<16xf32>
          %add3A_1106 = arith.constant -0.333323032 : f32
          %add3A_1107 = vector.broadcast %add3A_1106 : f32 to vector<16xf32>
          %add3A_1108 = arith.addf %mul3A_1105, %add3A_1107 : vector<16xf32>
          %mul3A_1109 = arith.mulf %add3A_1108, %mul3A_1082 : vector<16xf32>
          %add3A_1110 = arith.constant 0.99999994 : f32
          %add3A_1111 = vector.broadcast %add3A_1110 : f32 to vector<16xf32>
          %add3A_1112 = arith.addf %mul3A_1109, %add3A_1111 : vector<16xf32>
          %mul3A_1113 = arith.mulf %add3A_1112, %div3A_1081 : vector<16xf32>
          %gt3A_1114 = arith.cmpf ogt, %select_n3A_1071, %abs3A_1072 : vector<16xf32>
          %sub3A_1115 = arith.constant 1.57079637 : f32
          %sub3A_1116 = vector.broadcast %sub3A_1115 : f32 to vector<16xf32>
          %sub3A_1117 = arith.subf %sub3A_1116, %mul3A_1113 : vector<16xf32>
          %select_n3A_1118 = arith.select %gt3A_1114, %sub3A_1117, %mul3A_1113 : vector<16xi1>, vector<16xf32>
          %lt3A_1119 = arith.constant 0.000000e+00 : f32
          %lt3A_1120 = vector.broadcast %lt3A_1119 : f32 to vector<16xf32>
          %lt3A_1121 = arith.cmpf olt, %sub3A_1027, %lt3A_1120 : vector<16xf32>
          %sub3A_1122 = arith.constant 3.14159274 : f32
          %sub3A_1123 = vector.broadcast %sub3A_1122 : f32 to vector<16xf32>
          %sub3A_1124 = arith.subf %sub3A_1123, %select_n3A_1118 : vector<16xf32>
          %select_n3A_1125 = arith.select %lt3A_1121, %sub3A_1124, %select_n3A_1118 : vector<16xi1>, vector<16xf32>
          %mul3A_1126 = arith.constant 2.000000e+01 : f32
          %mul3A_1127 = vector.broadcast %mul3A_1126 : f32 to vector<16xf32>
          %mul3A_1128 = arith.mulf %select_n3A_986, %mul3A_1127 : vector<16xf32>
          %add3A_1129 = arith.addf %mul3A_1128, %select_n3A_989 : vector<16xf32>
          %mul3A_1130 = arith.constant 2.000000e+01 : f32
          %mul3A_1131 = vector.broadcast %mul3A_1130 : f32 to vector<16xf32>
          %mul3A_1132 = arith.mulf %add3A_1129, %mul3A_1131 : vector<16xf32>
          %add3A_1133 = arith.addf %mul3A_1132, %select_n3A_992 : vector<16xf32>
          %convert_element_type3A_1134 = arith.fptosi %add3A_1133 : vector<16xf32> to vector<16xi32>
          %broadcast_in_dim3A_1135 = arith.constant 0 : i32
          %broadcast_in_dim3A_1136 = vector.broadcast %broadcast_in_dim3A_1135 : i32 to vector<16xi32>
          %gather3A_1137 = tpu.vector_load_idx %arg9[%broadcast_in_dim3A_1136, %convert_element_type3A_1134] : memref<7x8000xf32, #tpu.memory_space<vmem>>[vector<16xi32>, vector<16xi32>], vector<16xf32>,
          %broadcast_in_dim3A_1138 = arith.constant 1 : i32
          %broadcast_in_dim3A_1139 = vector.broadcast %broadcast_in_dim3A_1138 : i32 to vector<16xi32>
          %gather3A_1140 = tpu.vector_load_idx %arg9[%broadcast_in_dim3A_1139, %convert_element_type3A_1134] : memref<7x8000xf32, #tpu.memory_space<vmem>>[vector<16xi32>, vector<16xi32>], vector<16xf32>,
          %broadcast_in_dim3A_1141 = arith.constant 2 : i32
          %broadcast_in_dim3A_1142 = vector.broadcast %broadcast_in_dim3A_1141 : i32 to vector<16xi32>
          %gather3A_1143 = tpu.vector_load_idx %arg9[%broadcast_in_dim3A_1142, %convert_element_type3A_1134] : memref<7x8000xf32, #tpu.memory_space<vmem>>[vector<16xi32>, vector<16xi32>], vector<16xf32>,
          %broadcast_in_dim3A_1144 = arith.constant 3 : i32
          %broadcast_in_dim3A_1145 = vector.broadcast %broadcast_in_dim3A_1144 : i32 to vector<16xi32>
          %gather3A_1146 = tpu.vector_load_idx %arg9[%broadcast_in_dim3A_1145, %convert_element_type3A_1134] : memref<7x8000xf32, #tpu.memory_space<vmem>>[vector<16xi32>, vector<16xi32>], vector<16xf32>,
          %broadcast_in_dim3A_1147 = arith.constant 4 : i32
          %broadcast_in_dim3A_1148 = vector.broadcast %broadcast_in_dim3A_1147 : i32 to vector<16xi32>
          %gather3A_1149 = tpu.vector_load_idx %arg9[%broadcast_in_dim3A_1148, %convert_element_type3A_1134] : memref<7x8000xf32, #tpu.memory_space<vmem>>[vector<16xi32>, vector<16xi32>], vector<16xf32>,
          %broadcast_in_dim3A_1150 = arith.constant 5 : i32
          %broadcast_in_dim3A_1151 = vector.broadcast %broadcast_in_dim3A_1150 : i32 to vector<16xi32>
          %gather3A_1152 = tpu.vector_load_idx %arg9[%broadcast_in_dim3A_1151, %convert_element_type3A_1134] : memref<7x8000xf32, #tpu.memory_space<vmem>>[vector<16xi32>, vector<16xi32>], vector<16xf32>,
          %broadcast_in_dim3A_1153 = arith.constant 6 : i32
          %broadcast_in_dim3A_1154 = vector.broadcast %broadcast_in_dim3A_1153 : i32 to vector<16xi32>
          %gather3A_1155 = tpu.vector_load_idx %arg9[%broadcast_in_dim3A_1154, %convert_element_type3A_1134] : memref<7x8000xf32, #tpu.memory_space<vmem>>[vector<16xi32>, vector<16xi32>], vector<16xf32>,
          %sub3A_1156 = arith.subf %select_n3A_1125, %gather3A_1146 : vector<16xf32>
          %sub3A_1157 = arith.subf %select_n3A_1125, %gather3A_1149 : vector<16xf32>
          %sub3A_1158 = arith.subf %select_n3A_1125, %gather3A_1152 : vector<16xf32>
          %mul3A_1159 = arith.mulf %sub3A_1158, %sub3A_1158 : vector<16xf32>
          %mul3A_1160 = arith.mulf %sub3A_1156, %sub3A_1156 : vector<16xf32>
          %mul3A_1161 = arith.mulf %gather3A_1137, %mul3A_1160 : vector<16xf32>
          %add3A_1162 = arith.addf %gather3A_1155, %mul3A_1161 : vector<16xf32>
          %mul3A_1163 = arith.mulf %sub3A_1157, %sub3A_1157 : vector<16xf32>
          %mul3A_1164 = arith.mulf %mul3A_1163, %sub3A_1157 : vector<16xf32>
          %mul3A_1165 = arith.mulf %gather3A_1140, %mul3A_1164 : vector<16xf32>
          %add3A_1166 = arith.addf %add3A_1162, %mul3A_1165 : vector<16xf32>
          %mul3A_1167 = arith.mulf %mul3A_1159, %mul3A_1159 : vector<16xf32>
          %mul3A_1168 = arith.mulf %gather3A_1143, %mul3A_1167 : vector<16xf32>
          %add3A_1169 = arith.addf %add3A_1166, %mul3A_1168 : vector<16xf32>
          %add3A_1170 = arith.constant 0 : i32
          %add3A_1171 = vector.broadcast %add3A_1170 : i32 to vector<16xi32>
          %add3A_1172 = arith.addi %iota3A, %add3A_1171 : vector<16xi32>
          tpu.vector_store_idx %arg10[%get3A_177, %add3A_1172], %add3A_425 {add = true} : memref<128x80xf32, #tpu.memory_space<vmem>>[vector<16xi32>, vector<16xi32>], vector<16xf32>,
          %add3A_1173 = arith.constant 16 : i32
          %add3A_1174 = vector.broadcast %add3A_1173 : i32 to vector<16xi32>
          %add3A_1175 = arith.addi %iota3A, %add3A_1174 : vector<16xi32>
          tpu.vector_store_idx %arg10[%get3A_195, %add3A_1175], %add3A_611 {add = true} : memref<128x80xf32, #tpu.memory_space<vmem>>[vector<16xi32>, vector<16xi32>], vector<16xf32>,
          %add3A_1176 = arith.constant 32 : i32
          %add3A_1177 = vector.broadcast %add3A_1176 : i32 to vector<16xi32>
          %add3A_1178 = arith.addi %iota3A, %add3A_1177 : vector<16xi32>
          tpu.vector_store_idx %arg10[%get3A_213, %add3A_1178], %add3A_797 {add = true} : memref<128x80xf32, #tpu.memory_space<vmem>>[vector<16xi32>, vector<16xi32>], vector<16xf32>,
          %add3A_1179 = arith.constant 48 : i32
          %add3A_1180 = vector.broadcast %add3A_1179 : i32 to vector<16xi32>
          %add3A_1181 = arith.addi %iota3A, %add3A_1180 : vector<16xi32>
          tpu.vector_store_idx %arg10[%get3A_231, %add3A_1181], %add3A_983 {add = true} : memref<128x80xf32, #tpu.memory_space<vmem>>[vector<16xi32>, vector<16xi32>], vector<16xf32>,
          %add3A_1182 = arith.constant 64 : i32
          %add3A_1183 = vector.broadcast %add3A_1182 : i32 to vector<16xi32>
          %add3A_1184 = arith.addi %iota3A, %add3A_1183 : vector<16xi32>
          tpu.vector_store_idx %arg10[%get3A_249, %add3A_1184], %add3A_1169 {add = true} : memref<128x80xf32, #tpu.memory_space<vmem>>[vector<16xi32>, vector<16xi32>], vector<16xf32>,
        }
        %scan3A_119 = arith.constant 5 : i32
      } else {
      }
      %add3A_64 = arith.constant 1 : i32
      %add3A_65 = arith.addi %mul3A_41, %add3A_64 : i32
      %lt3A = arith.constant 250 : i32
      %lt3A_66 = arith.cmpi slt, %add3A_65, %lt3A : i32
      %convert_element_type3A_67 = arith.extui %lt3A_66 : i1 to i32
      %cond3A_68 = arith.constant 0 : i32
      %cond3A_69 = arith.cmpi ne, %convert_element_type3A_67, %cond3A_68 : i32
      scf.if %cond3A_69 {
        %add3A_104 = arith.constant 1 : i32
        %add3A_105 = arith.addi %mul3A_41, %add3A_104 : i32
        %mul3A_106 = arith.constant 400 : i32
        %mul3A_107 = arith.muli %add3A_105, %mul3A_106 : i32
        %add3A_108 = arith.addi %mul3A_7, %mul3A_107 : i32
        %dma_start3A_109 = tpu.memref_slice %arg3[%add3A_108] : memref<3200000xi32, #tpu.memory_space<hbm>> -> memref<400xi32, #tpu.memory_space<hbm>>
        %dma_start3A_110 = tpu.memref_slice %arg3[%add3A_108] : memref<3200000xi32, #tpu.memory_space<hbm>> -> memref<400xi32, #tpu.memory_space<hbm>>
        tpu.enqueue_dma source(%dma_start3A_110 : memref<400xi32, #tpu.memory_space<hbm>>) target(%arg15 : memref<400xi32, #tpu.memory_space<vmem>>) target_semaphore(%arg26 : memref<!tpu.dma_semaphore, #tpu.memory_space<semaphore_mem>>)
        %dma_start3A_111 = tpu.memref_slice %arg4[%add3A_108] : memref<3200000xi32, #tpu.memory_space<hbm>> -> memref<400xi32, #tpu.memory_space<hbm>>
        %dma_start3A_112 = tpu.memref_slice %arg4[%add3A_108] : memref<3200000xi32, #tpu.memory_space<hbm>> -> memref<400xi32, #tpu.memory_space<hbm>>
        tpu.enqueue_dma source(%dma_start3A_112 : memref<400xi32, #tpu.memory_space<hbm>>) target(%arg16 : memref<400xi32, #tpu.memory_space<vmem>>) target_semaphore(%arg26 : memref<!tpu.dma_semaphore, #tpu.memory_space<semaphore_mem>>)
        %dma_start3A_113 = tpu.memref_slice %arg5[%add3A_108] : memref<3200000xi32, #tpu.memory_space<hbm>> -> memref<400xi32, #tpu.memory_space<hbm>>
        %dma_start3A_114 = tpu.memref_slice %arg5[%add3A_108] : memref<3200000xi32, #tpu.memory_space<hbm>> -> memref<400xi32, #tpu.memory_space<hbm>>
        tpu.enqueue_dma source(%dma_start3A_114 : memref<400xi32, #tpu.memory_space<hbm>>) target(%arg17 : memref<400xi32, #tpu.memory_space<vmem>>) target_semaphore(%arg26 : memref<!tpu.dma_semaphore, #tpu.memory_space<semaphore_mem>>)
      } else {
      }
      %add3A_70 = arith.constant 1 : i32
      %add3A_71 = arith.addi %mul3A_41, %add3A_70 : i32
      %dma_wait3A_72 = tpu.memref_slice %arg3[%mul3A_7] : memref<3200000xi32, #tpu.memory_space<hbm>> -> memref<400xi32, #tpu.memory_space<hbm>>
      %dma_wait3A_73 = tpu.memref_slice %arg3[%mul3A_7] : memref<3200000xi32, #tpu.memory_space<hbm>> -> memref<400xi32, #tpu.memory_space<hbm>>
      tpu.wait_dma2 semaphore(%arg26 : memref<!tpu.dma_semaphore, #tpu.memory_space<semaphore_mem>>) src(%dma_wait3A_73 : memref<400xi32, #tpu.memory_space<hbm>>) dst(%arg15 : memref<400xi32, #tpu.memory_space<vmem>>)
      %dma_wait3A_74 = tpu.memref_slice %arg3[%mul3A_7] : memref<3200000xi32, #tpu.memory_space<hbm>> -> memref<400xi32, #tpu.memory_space<hbm>>
      %dma_wait3A_75 = tpu.memref_slice %arg3[%mul3A_7] : memref<3200000xi32, #tpu.memory_space<hbm>> -> memref<400xi32, #tpu.memory_space<hbm>>
      tpu.wait_dma2 semaphore(%arg26 : memref<!tpu.dma_semaphore, #tpu.memory_space<semaphore_mem>>) src(%dma_wait3A_75 : memref<400xi32, #tpu.memory_space<hbm>>) dst(%arg16 : memref<400xi32, #tpu.memory_space<vmem>>)
      %dma_wait3A_76 = tpu.memref_slice %arg3[%mul3A_7] : memref<3200000xi32, #tpu.memory_space<hbm>> -> memref<400xi32, #tpu.memory_space<hbm>>
      %dma_wait3A_77 = tpu.memref_slice %arg3[%mul3A_7] : memref<3200000xi32, #tpu.memory_space<hbm>> -> memref<400xi32, #tpu.memory_space<hbm>>
      tpu.wait_dma2 semaphore(%arg26 : memref<!tpu.dma_semaphore, #tpu.memory_space<semaphore_mem>>) src(%dma_wait3A_77 : memref<400xi32, #tpu.memory_space<hbm>>) dst(%arg17 : memref<400xi32, #tpu.memory_space<vmem>>)
      %mul3A_78 = arith.constant 400 : i32
      %mul3A_79 = arith.muli %add3A_71, %mul3A_78 : i32
      %add3A_80 = arith.addi %mul3A_7, %mul3A_79 : i32
      %dma_start3A_81 = arith.constant 0 : i32
      %dma_start3A_82 = arith.constant 0 : i32
      %dma_start3A_83 = tpu.memref_slice %arg2[%dma_start3A_81, %dma_start3A_82] : memref<100000x16xf32, #tpu.memory_space<hbm>> -> memref<100000x16xf32, #tpu.memory_space<hbm>>
      tpu.enqueue_indirect_dma source(%dma_start3A_83 : memref<100000x16xf32, #tpu.memory_space<hbm>>) target(%arg22 : memref<400x16xf32, #tpu.memory_space<vmem>>) offsets(%arg15 : memref<400xi32, #tpu.memory_space<vmem>>) semaphore(%arg28 : memref<!tpu.dma_semaphore, #tpu.memory_space<semaphore_mem>>)
      %dma_start3A_84 = arith.constant 0 : i32
      %dma_start3A_85 = arith.constant 0 : i32
      %dma_start3A_86 = tpu.memref_slice %arg2[%dma_start3A_84, %dma_start3A_85] : memref<100000x16xf32, #tpu.memory_space<hbm>> -> memref<100000x16xf32, #tpu.memory_space<hbm>>
      tpu.enqueue_indirect_dma source(%dma_start3A_86 : memref<100000x16xf32, #tpu.memory_space<hbm>>) target(%arg23 : memref<400x16xf32, #tpu.memory_space<vmem>>) offsets(%arg16 : memref<400xi32, #tpu.memory_space<vmem>>) semaphore(%arg28 : memref<!tpu.dma_semaphore, #tpu.memory_space<semaphore_mem>>)
      %dma_start3A_87 = arith.constant 0 : i32
      %dma_start3A_88 = arith.constant 0 : i32
      %dma_start3A_89 = tpu.memref_slice %arg2[%dma_start3A_87, %dma_start3A_88] : memref<100000x16xf32, #tpu.memory_space<hbm>> -> memref<100000x16xf32, #tpu.memory_space<hbm>>
      tpu.enqueue_indirect_dma source(%dma_start3A_89 : memref<100000x16xf32, #tpu.memory_space<hbm>>) target(%arg24 : memref<400x16xf32, #tpu.memory_space<vmem>>) offsets(%arg17 : memref<400xi32, #tpu.memory_space<vmem>>) semaphore(%arg28 : memref<!tpu.dma_semaphore, #tpu.memory_space<semaphore_mem>>)
      %dma_start3A_90 = tpu.memref_slice %arg6[%add3A_80] : memref<3200000xi32, #tpu.memory_space<hbm>> -> memref<400xi32, #tpu.memory_space<hbm>>
      %dma_start3A_91 = tpu.memref_slice %arg6[%add3A_80] : memref<3200000xi32, #tpu.memory_space<hbm>> -> memref<400xi32, #tpu.memory_space<hbm>>
      tpu.enqueue_dma source(%dma_start3A_91 : memref<400xi32, #tpu.memory_space<hbm>>) target(%arg18 : memref<400xi32, #tpu.memory_space<vmem>>) target_semaphore(%arg28 : memref<!tpu.dma_semaphore, #tpu.memory_space<semaphore_mem>>)
      %ge3A_92 = arith.constant 1 : i32
      %ge3A_93 = arith.cmpi sge, %add3A_71, %ge3A_92 : i32
      %convert_element_type3A_94 = arith.extui %ge3A_93 : i1 to i32
      %cond3A_95 = arith.constant 0 : i32
      %cond3A_96 = arith.cmpi ne, %convert_element_type3A_94, %cond3A_95 : i32
      scf.if %cond3A_96 {
        %dma_wait3A_104 = arith.constant 0 : i32
        %dma_wait3A_105 = arith.constant 0 : i32
        %dma_wait3A_106 = tpu.memref_slice %arg2[%dma_wait3A_104, %dma_wait3A_105] : memref<100000x16xf32, #tpu.memory_space<hbm>> -> memref<100000x16xf32, #tpu.memory_space<hbm>>
        tpu.wait_indirect_dma semaphore(%arg27 : memref<!tpu.dma_semaphore, #tpu.memory_space<semaphore_mem>>) src(%dma_wait3A_106 : memref<100000x16xf32, #tpu.memory_space<hbm>>) dst(%arg19 : memref<400x16xf32, #tpu.memory_space<vmem>>)
        %dma_wait3A_107 = arith.constant 0 : i32
        %dma_wait3A_108 = arith.constant 0 : i32
        %dma_wait3A_109 = tpu.memref_slice %arg2[%dma_wait3A_107, %dma_wait3A_108] : memref<100000x16xf32, #tpu.memory_space<hbm>> -> memref<100000x16xf32, #tpu.memory_space<hbm>>
        tpu.wait_indirect_dma semaphore(%arg27 : memref<!tpu.dma_semaphore, #tpu.memory_space<semaphore_mem>>) src(%dma_wait3A_109 : memref<100000x16xf32, #tpu.memory_space<hbm>>) dst(%arg20 : memref<400x16xf32, #tpu.memory_space<vmem>>)
        %dma_wait3A_110 = arith.constant 0 : i32
        %dma_wait3A_111 = arith.constant 0 : i32
        %dma_wait3A_112 = tpu.memref_slice %arg2[%dma_wait3A_110, %dma_wait3A_111] : memref<100000x16xf32, #tpu.memory_space<hbm>> -> memref<100000x16xf32, #tpu.memory_space<hbm>>
        tpu.wait_indirect_dma semaphore(%arg27 : memref<!tpu.dma_semaphore, #tpu.memory_space<semaphore_mem>>) src(%dma_wait3A_112 : memref<100000x16xf32, #tpu.memory_space<hbm>>) dst(%arg21 : memref<400x16xf32, #tpu.memory_space<vmem>>)
        %dma_wait3A_113 = tpu.memref_slice %arg6[%mul3A_7] : memref<3200000xi32, #tpu.memory_space<hbm>> -> memref<400xi32, #tpu.memory_space<hbm>>
        %dma_wait3A_114 = tpu.memref_slice %arg6[%mul3A_7] : memref<3200000xi32, #tpu.memory_space<hbm>> -> memref<400xi32, #tpu.memory_space<hbm>>
        tpu.wait_dma2 semaphore(%arg27 : memref<!tpu.dma_semaphore, #tpu.memory_space<semaphore_mem>>) src(%dma_wait3A_114 : memref<400xi32, #tpu.memory_space<hbm>>) dst(%arg14 : memref<400xi32, #tpu.memory_space<vmem>>)
        %scan3A_115 = arith.constant 0 : i32
        %scan3A_116 = arith.constant 5 : i32
        %scan3A_117 = arith.addi %scan3A_115, %scan3A_116 : i32
        %scan3A_118 = arith.constant 1 : i32
        scf.for %scan3A_120 = %scan3A_115 to %scan3A_117 step %scan3A_118  : i32 {
          %mul3A_121 = arith.constant 80 : i32
          %mul3A_122 = arith.muli %scan3A_120, %mul3A_121 : i32
          %add3A_123 = arith.constant 0 : i32
          %add3A_124 = arith.addi %add3A_123, %mul3A_122 : i32
          %iota3A = tpu.iota {dimensions = array<i32: 0>} : vector<16xi32>
          %and3A = arith.constant 3 : i32
          %and3A_125 = vector.broadcast %and3A : i32 to vector<16xi32>
          %and3A_126 = arith.andi %iota3A, %and3A_125 : vector<16xi32>
          %add3A_127 = arith.constant 0 : i32
          %add3A_128 = vector.broadcast %add3A_127 : i32 to vector<16xi32>
          %add3A_129 = arith.addi %iota3A, %add3A_128 : vector<16xi32>
          %and3A_130 = arith.constant 3 : i32
          %and3A_131 = vector.broadcast %and3A_130 : i32 to vector<16xi32>
          %and3A_132 = arith.andi %add3A_129, %and3A_131 : vector<16xi32>
          %add3A_133 = arith.constant 1 : i32
          %add3A_134 = vector.broadcast %add3A_133 : i32 to vector<16xi32>
          %add3A_135 = arith.addi %iota3A, %add3A_134 : vector<16xi32>
          %and3A_136 = arith.constant 3 : i32
          %and3A_137 = vector.broadcast %and3A_136 : i32 to vector<16xi32>
          %and3A_138 = arith.andi %add3A_135, %and3A_137 : vector<16xi32>
          %add3A_139 = arith.constant 2 : i32
          %add3A_140 = vector.broadcast %add3A_139 : i32 to vector<16xi32>
          %add3A_141 = arith.addi %iota3A, %add3A_140 : vector<16xi32>
          %and3A_142 = arith.constant 3 : i32
          %and3A_143 = vector.broadcast %and3A_142 : i32 to vector<16xi32>
          %and3A_144 = arith.andi %add3A_141, %and3A_143 : vector<16xi32>
          %add3A_145 = arith.constant 3 : i32
          %add3A_146 = vector.broadcast %add3A_145 : i32 to vector<16xi32>
          %add3A_147 = arith.addi %iota3A, %add3A_146 : vector<16xi32>
          %and3A_148 = arith.constant 3 : i32
          %and3A_149 = vector.broadcast %and3A_148 : i32 to vector<16xi32>
          %and3A_150 = arith.andi %add3A_147, %and3A_149 : vector<16xi32>
          %eq3A = arith.constant 0 : i32
          %eq3A_151 = vector.broadcast %eq3A : i32 to vector<16xi32>
          %eq3A_152 = arith.cmpi eq, %and3A_126, %eq3A_151 : vector<16xi32>
          %eq3A_153 = arith.constant 1 : i32
          %eq3A_154 = vector.broadcast %eq3A_153 : i32 to vector<16xi32>
          %eq3A_155 = arith.cmpi eq, %and3A_126, %eq3A_154 : vector<16xi32>
          %eq3A_156 = arith.constant 2 : i32
          %eq3A_157 = vector.broadcast %eq3A_156 : i32 to vector<16xi32>
          %eq3A_158 = arith.cmpi eq, %and3A_126, %eq3A_157 : vector<16xi32>
          %eq3A_159 = arith.constant 3 : i32
          %eq3A_160 = vector.broadcast %eq3A_159 : i32 to vector<16xi32>
          %eq3A_161 = arith.cmpi eq, %and3A_126, %eq3A_160 : vector<16xi32>
          %add3A_162 = arith.constant 0 : i32
          %add3A_163 = arith.addi %add3A_124, %add3A_162 : i32
          %add3A_164 = vector.broadcast %add3A_163 : i32 to vector<16xi32>
          %add3A_165 = arith.addi %add3A_164, %iota3A : vector<16xi32>
          %gather3A = tpu.vector_load_idx %arg19[%add3A_165, %and3A_132] : memref<400x16xf32, #tpu.memory_space<vmem>>[vector<16xi32>, vector<16xi32>], vector<16xf32>,
          %gather3A_166 = tpu.vector_load_idx %arg19[%add3A_165, %and3A_138] : memref<400x16xf32, #tpu.memory_space<vmem>>[vector<16xi32>, vector<16xi32>], vector<16xf32>,
          %gather3A_167 = tpu.vector_load_idx %arg19[%add3A_165, %and3A_144] : memref<400x16xf32, #tpu.memory_space<vmem>>[vector<16xi32>, vector<16xi32>], vector<16xf32>,
          %gather3A_168 = tpu.vector_load_idx %arg19[%add3A_165, %and3A_150] : memref<400x16xf32, #tpu.memory_space<vmem>>[vector<16xi32>, vector<16xi32>], vector<16xf32>,
          %gather3A_169 = tpu.vector_load_idx %arg20[%add3A_165, %and3A_132] : memref<400x16xf32, #tpu.memory_space<vmem>>[vector<16xi32>, vector<16xi32>], vector<16xf32>,
          %gather3A_170 = tpu.vector_load_idx %arg20[%add3A_165, %and3A_138] : memref<400x16xf32, #tpu.memory_space<vmem>>[vector<16xi32>, vector<16xi32>], vector<16xf32>,
          %gather3A_171 = tpu.vector_load_idx %arg20[%add3A_165, %and3A_144] : memref<400x16xf32, #tpu.memory_space<vmem>>[vector<16xi32>, vector<16xi32>], vector<16xf32>,
          %gather3A_172 = tpu.vector_load_idx %arg20[%add3A_165, %and3A_150] : memref<400x16xf32, #tpu.memory_space<vmem>>[vector<16xi32>, vector<16xi32>], vector<16xf32>,
          %gather3A_173 = tpu.vector_load_idx %arg21[%add3A_165, %and3A_132] : memref<400x16xf32, #tpu.memory_space<vmem>>[vector<16xi32>, vector<16xi32>], vector<16xf32>,
          %gather3A_174 = tpu.vector_load_idx %arg21[%add3A_165, %and3A_138] : memref<400x16xf32, #tpu.memory_space<vmem>>[vector<16xi32>, vector<16xi32>], vector<16xf32>,
          %gather3A_175 = tpu.vector_load_idx %arg21[%add3A_165, %and3A_144] : memref<400x16xf32, #tpu.memory_space<vmem>>[vector<16xi32>, vector<16xi32>], vector<16xf32>,
          %gather3A_176 = tpu.vector_load_idx %arg21[%add3A_165, %and3A_150] : memref<400x16xf32, #tpu.memory_space<vmem>>[vector<16xi32>, vector<16xi32>], vector<16xf32>,
          %get3A = arith.index_cast %add3A_163 : i32 to index
          %get3A_177 = tpu.vector_load %arg14[%get3A] {strides = array<i32>} : memref<400xi32, #tpu.memory_space<vmem>>, vector<16xi32>,
          %add3A_178 = arith.constant 16 : i32
          %add3A_179 = arith.addi %add3A_124, %add3A_178 : i32
          %add3A_180 = vector.broadcast %add3A_179 : i32 to vector<16xi32>
          %add3A_181 = arith.addi %add3A_180, %iota3A : vector<16xi32>
          %gather3A_182 = tpu.vector_load_idx %arg19[%add3A_181, %and3A_132] : memref<400x16xf32, #tpu.memory_space<vmem>>[vector<16xi32>, vector<16xi32>], vector<16xf32>,
          %gather3A_183 = tpu.vector_load_idx %arg19[%add3A_181, %and3A_138] : memref<400x16xf32, #tpu.memory_space<vmem>>[vector<16xi32>, vector<16xi32>], vector<16xf32>,
          %gather3A_184 = tpu.vector_load_idx %arg19[%add3A_181, %and3A_144] : memref<400x16xf32, #tpu.memory_space<vmem>>[vector<16xi32>, vector<16xi32>], vector<16xf32>,
          %gather3A_185 = tpu.vector_load_idx %arg19[%add3A_181, %and3A_150] : memref<400x16xf32, #tpu.memory_space<vmem>>[vector<16xi32>, vector<16xi32>], vector<16xf32>,
          %gather3A_186 = tpu.vector_load_idx %arg20[%add3A_181, %and3A_132] : memref<400x16xf32, #tpu.memory_space<vmem>>[vector<16xi32>, vector<16xi32>], vector<16xf32>,
          %gather3A_187 = tpu.vector_load_idx %arg20[%add3A_181, %and3A_138] : memref<400x16xf32, #tpu.memory_space<vmem>>[vector<16xi32>, vector<16xi32>], vector<16xf32>,
          %gather3A_188 = tpu.vector_load_idx %arg20[%add3A_181, %and3A_144] : memref<400x16xf32, #tpu.memory_space<vmem>>[vector<16xi32>, vector<16xi32>], vector<16xf32>,
          %gather3A_189 = tpu.vector_load_idx %arg20[%add3A_181, %and3A_150] : memref<400x16xf32, #tpu.memory_space<vmem>>[vector<16xi32>, vector<16xi32>], vector<16xf32>,
          %gather3A_190 = tpu.vector_load_idx %arg21[%add3A_181, %and3A_132] : memref<400x16xf32, #tpu.memory_space<vmem>>[vector<16xi32>, vector<16xi32>], vector<16xf32>,
          %gather3A_191 = tpu.vector_load_idx %arg21[%add3A_181, %and3A_138] : memref<400x16xf32, #tpu.memory_space<vmem>>[vector<16xi32>, vector<16xi32>], vector<16xf32>,
          %gather3A_192 = tpu.vector_load_idx %arg21[%add3A_181, %and3A_144] : memref<400x16xf32, #tpu.memory_space<vmem>>[vector<16xi32>, vector<16xi32>], vector<16xf32>,
          %gather3A_193 = tpu.vector_load_idx %arg21[%add3A_181, %and3A_150] : memref<400x16xf32, #tpu.memory_space<vmem>>[vector<16xi32>, vector<16xi32>], vector<16xf32>,
          %get3A_194 = arith.index_cast %add3A_179 : i32 to index
          %get3A_195 = tpu.vector_load %arg14[%get3A_194] {strides = array<i32>} : memref<400xi32, #tpu.memory_space<vmem>>, vector<16xi32>,
          %add3A_196 = arith.constant 32 : i32
          %add3A_197 = arith.addi %add3A_124, %add3A_196 : i32
          %add3A_198 = vector.broadcast %add3A_197 : i32 to vector<16xi32>
          %add3A_199 = arith.addi %add3A_198, %iota3A : vector<16xi32>
          %gather3A_200 = tpu.vector_load_idx %arg19[%add3A_199, %and3A_132] : memref<400x16xf32, #tpu.memory_space<vmem>>[vector<16xi32>, vector<16xi32>], vector<16xf32>,
          %gather3A_201 = tpu.vector_load_idx %arg19[%add3A_199, %and3A_138] : memref<400x16xf32, #tpu.memory_space<vmem>>[vector<16xi32>, vector<16xi32>], vector<16xf32>,
          %gather3A_202 = tpu.vector_load_idx %arg19[%add3A_199, %and3A_144] : memref<400x16xf32, #tpu.memory_space<vmem>>[vector<16xi32>, vector<16xi32>], vector<16xf32>,
          %gather3A_203 = tpu.vector_load_idx %arg19[%add3A_199, %and3A_150] : memref<400x16xf32, #tpu.memory_space<vmem>>[vector<16xi32>, vector<16xi32>], vector<16xf32>,
          %gather3A_204 = tpu.vector_load_idx %arg20[%add3A_199, %and3A_132] : memref<400x16xf32, #tpu.memory_space<vmem>>[vector<16xi32>, vector<16xi32>], vector<16xf32>,
          %gather3A_205 = tpu.vector_load_idx %arg20[%add3A_199, %and3A_138] : memref<400x16xf32, #tpu.memory_space<vmem>>[vector<16xi32>, vector<16xi32>], vector<16xf32>,
          %gather3A_206 = tpu.vector_load_idx %arg20[%add3A_199, %and3A_144] : memref<400x16xf32, #tpu.memory_space<vmem>>[vector<16xi32>, vector<16xi32>], vector<16xf32>,
          %gather3A_207 = tpu.vector_load_idx %arg20[%add3A_199, %and3A_150] : memref<400x16xf32, #tpu.memory_space<vmem>>[vector<16xi32>, vector<16xi32>], vector<16xf32>,
          %gather3A_208 = tpu.vector_load_idx %arg21[%add3A_199, %and3A_132] : memref<400x16xf32, #tpu.memory_space<vmem>>[vector<16xi32>, vector<16xi32>], vector<16xf32>,
          %gather3A_209 = tpu.vector_load_idx %arg21[%add3A_199, %and3A_138] : memref<400x16xf32, #tpu.memory_space<vmem>>[vector<16xi32>, vector<16xi32>], vector<16xf32>,
          %gather3A_210 = tpu.vector_load_idx %arg21[%add3A_199, %and3A_144] : memref<400x16xf32, #tpu.memory_space<vmem>>[vector<16xi32>, vector<16xi32>], vector<16xf32>,
          %gather3A_211 = tpu.vector_load_idx %arg21[%add3A_199, %and3A_150] : memref<400x16xf32, #tpu.memory_space<vmem>>[vector<16xi32>, vector<16xi32>], vector<16xf32>,
          %get3A_212 = arith.index_cast %add3A_197 : i32 to index
          %get3A_213 = tpu.vector_load %arg14[%get3A_212] {strides = array<i32>} : memref<400xi32, #tpu.memory_space<vmem>>, vector<16xi32>,
          %add3A_214 = arith.constant 48 : i32
          %add3A_215 = arith.addi %add3A_124, %add3A_214 : i32
          %add3A_216 = vector.broadcast %add3A_215 : i32 to vector<16xi32>
          %add3A_217 = arith.addi %add3A_216, %iota3A : vector<16xi32>
          %gather3A_218 = tpu.vector_load_idx %arg19[%add3A_217, %and3A_132] : memref<400x16xf32, #tpu.memory_space<vmem>>[vector<16xi32>, vector<16xi32>], vector<16xf32>,
          %gather3A_219 = tpu.vector_load_idx %arg19[%add3A_217, %and3A_138] : memref<400x16xf32, #tpu.memory_space<vmem>>[vector<16xi32>, vector<16xi32>], vector<16xf32>,
          %gather3A_220 = tpu.vector_load_idx %arg19[%add3A_217, %and3A_144] : memref<400x16xf32, #tpu.memory_space<vmem>>[vector<16xi32>, vector<16xi32>], vector<16xf32>,
          %gather3A_221 = tpu.vector_load_idx %arg19[%add3A_217, %and3A_150] : memref<400x16xf32, #tpu.memory_space<vmem>>[vector<16xi32>, vector<16xi32>], vector<16xf32>,
          %gather3A_222 = tpu.vector_load_idx %arg20[%add3A_217, %and3A_132] : memref<400x16xf32, #tpu.memory_space<vmem>>[vector<16xi32>, vector<16xi32>], vector<16xf32>,
          %gather3A_223 = tpu.vector_load_idx %arg20[%add3A_217, %and3A_138] : memref<400x16xf32, #tpu.memory_space<vmem>>[vector<16xi32>, vector<16xi32>], vector<16xf32>,
          %gather3A_224 = tpu.vector_load_idx %arg20[%add3A_217, %and3A_144] : memref<400x16xf32, #tpu.memory_space<vmem>>[vector<16xi32>, vector<16xi32>], vector<16xf32>,
          %gather3A_225 = tpu.vector_load_idx %arg20[%add3A_217, %and3A_150] : memref<400x16xf32, #tpu.memory_space<vmem>>[vector<16xi32>, vector<16xi32>], vector<16xf32>,
          %gather3A_226 = tpu.vector_load_idx %arg21[%add3A_217, %and3A_132] : memref<400x16xf32, #tpu.memory_space<vmem>>[vector<16xi32>, vector<16xi32>], vector<16xf32>,
          %gather3A_227 = tpu.vector_load_idx %arg21[%add3A_217, %and3A_138] : memref<400x16xf32, #tpu.memory_space<vmem>>[vector<16xi32>, vector<16xi32>], vector<16xf32>,
          %gather3A_228 = tpu.vector_load_idx %arg21[%add3A_217, %and3A_144] : memref<400x16xf32, #tpu.memory_space<vmem>>[vector<16xi32>, vector<16xi32>], vector<16xf32>,
          %gather3A_229 = tpu.vector_load_idx %arg21[%add3A_217, %and3A_150] : memref<400x16xf32, #tpu.memory_space<vmem>>[vector<16xi32>, vector<16xi32>], vector<16xf32>,
          %get3A_230 = arith.index_cast %add3A_215 : i32 to index
          %get3A_231 = tpu.vector_load %arg14[%get3A_230] {strides = array<i32>} : memref<400xi32, #tpu.memory_space<vmem>>, vector<16xi32>,
          %add3A_232 = arith.constant 64 : i32
          %add3A_233 = arith.addi %add3A_124, %add3A_232 : i32
          %add3A_234 = vector.broadcast %add3A_233 : i32 to vector<16xi32>
          %add3A_235 = arith.addi %add3A_234, %iota3A : vector<16xi32>
          %gather3A_236 = tpu.vector_load_idx %arg19[%add3A_235, %and3A_132] : memref<400x16xf32, #tpu.memory_space<vmem>>[vector<16xi32>, vector<16xi32>], vector<16xf32>,
          %gather3A_237 = tpu.vector_load_idx %arg19[%add3A_235, %and3A_138] : memref<400x16xf32, #tpu.memory_space<vmem>>[vector<16xi32>, vector<16xi32>], vector<16xf32>,
          %gather3A_238 = tpu.vector_load_idx %arg19[%add3A_235, %and3A_144] : memref<400x16xf32, #tpu.memory_space<vmem>>[vector<16xi32>, vector<16xi32>], vector<16xf32>,
          %gather3A_239 = tpu.vector_load_idx %arg19[%add3A_235, %and3A_150] : memref<400x16xf32, #tpu.memory_space<vmem>>[vector<16xi32>, vector<16xi32>], vector<16xf32>,
          %gather3A_240 = tpu.vector_load_idx %arg20[%add3A_235, %and3A_132] : memref<400x16xf32, #tpu.memory_space<vmem>>[vector<16xi32>, vector<16xi32>], vector<16xf32>,
          %gather3A_241 = tpu.vector_load_idx %arg20[%add3A_235, %and3A_138] : memref<400x16xf32, #tpu.memory_space<vmem>>[vector<16xi32>, vector<16xi32>], vector<16xf32>,
          %gather3A_242 = tpu.vector_load_idx %arg20[%add3A_235, %and3A_144] : memref<400x16xf32, #tpu.memory_space<vmem>>[vector<16xi32>, vector<16xi32>], vector<16xf32>,
          %gather3A_243 = tpu.vector_load_idx %arg20[%add3A_235, %and3A_150] : memref<400x16xf32, #tpu.memory_space<vmem>>[vector<16xi32>, vector<16xi32>], vector<16xf32>,
          %gather3A_244 = tpu.vector_load_idx %arg21[%add3A_235, %and3A_132] : memref<400x16xf32, #tpu.memory_space<vmem>>[vector<16xi32>, vector<16xi32>], vector<16xf32>,
          %gather3A_245 = tpu.vector_load_idx %arg21[%add3A_235, %and3A_138] : memref<400x16xf32, #tpu.memory_space<vmem>>[vector<16xi32>, vector<16xi32>], vector<16xf32>,
          %gather3A_246 = tpu.vector_load_idx %arg21[%add3A_235, %and3A_144] : memref<400x16xf32, #tpu.memory_space<vmem>>[vector<16xi32>, vector<16xi32>], vector<16xf32>,
          %gather3A_247 = tpu.vector_load_idx %arg21[%add3A_235, %and3A_150] : memref<400x16xf32, #tpu.memory_space<vmem>>[vector<16xi32>, vector<16xi32>], vector<16xf32>,
          %get3A_248 = arith.index_cast %add3A_233 : i32 to index
          %get3A_249 = tpu.vector_load %arg14[%get3A_248] {strides = array<i32>} : memref<400xi32, #tpu.memory_space<vmem>>, vector<16xi32>,
          %select_n3A = arith.select %eq3A_155, %gather3A_167, %gather3A_168 : vector<16xi1>, vector<16xf32>
          %select_n3A_250 = arith.select %eq3A_158, %gather3A_166, %select_n3A : vector<16xi1>, vector<16xf32>
          %select_n3A_251 = arith.select %eq3A_161, %gather3A, %select_n3A_250 : vector<16xi1>, vector<16xf32>
          %select_n3A_252 = arith.select %eq3A_155, %gather3A_171, %gather3A_172 : vector<16xi1>, vector<16xf32>
          %select_n3A_253 = arith.select %eq3A_158, %gather3A_170, %select_n3A_252 : vector<16xi1>, vector<16xf32>
          %select_n3A_254 = arith.select %eq3A_161, %gather3A_169, %select_n3A_253 : vector<16xi1>, vector<16xf32>
          %select_n3A_255 = arith.select %eq3A_155, %gather3A_175, %gather3A_176 : vector<16xi1>, vector<16xf32>
          %select_n3A_256 = arith.select %eq3A_158, %gather3A_174, %select_n3A_255 : vector<16xi1>, vector<16xf32>
          %select_n3A_257 = arith.select %eq3A_161, %gather3A_173, %select_n3A_256 : vector<16xi1>, vector<16xf32>
          %sub3A = arith.subf %gather3A, %gather3A_169 : vector<16xf32>
          %sub3A_258 = arith.subf %gather3A_166, %gather3A_170 : vector<16xf32>
          %sub3A_259 = arith.subf %gather3A_167, %gather3A_171 : vector<16xf32>
          %sub3A_260 = arith.subf %gather3A_168, %gather3A_172 : vector<16xf32>
          %sub3A_261 = arith.subf %gather3A_173, %gather3A_169 : vector<16xf32>
          %sub3A_262 = arith.subf %gather3A_174, %gather3A_170 : vector<16xf32>
          %sub3A_263 = arith.subf %gather3A_175, %gather3A_171 : vector<16xf32>
          %sub3A_264 = arith.subf %gather3A_176, %gather3A_172 : vector<16xf32>
          %mul3A_265 = arith.mulf %sub3A, %sub3A : vector<16xf32>
          %mul3A_266 = arith.mulf %sub3A_258, %sub3A_258 : vector<16xf32>
          %add3A_267 = arith.addf %mul3A_265, %mul3A_266 : vector<16xf32>
          %mul3A_268 = arith.mulf %sub3A_259, %sub3A_259 : vector<16xf32>
          %mul3A_269 = arith.mulf %sub3A_260, %sub3A_260 : vector<16xf32>
          %add3A_270 = arith.addf %mul3A_268, %mul3A_269 : vector<16xf32>
          %add3A_271 = arith.addf %add3A_267, %add3A_270 : vector<16xf32>
          %mul3A_272 = arith.mulf %sub3A, %sub3A_261 : vector<16xf32>
          %mul3A_273 = arith.mulf %sub3A_258, %sub3A_262 : vector<16xf32>
          %add3A_274 = arith.addf %mul3A_272, %mul3A_273 : vector<16xf32>
          %mul3A_275 = arith.mulf %sub3A_259, %sub3A_263 : vector<16xf32>
          %mul3A_276 = arith.mulf %sub3A_260, %sub3A_264 : vector<16xf32>
          %add3A_277 = arith.addf %mul3A_275, %mul3A_276 : vector<16xf32>
          %add3A_278 = arith.addf %add3A_274, %add3A_277 : vector<16xf32>
          %mul3A_279 = arith.mulf %sub3A_261, %sub3A_261 : vector<16xf32>
          %mul3A_280 = arith.mulf %sub3A_262, %sub3A_262 : vector<16xf32>
          %add3A_281 = arith.addf %mul3A_279, %mul3A_280 : vector<16xf32>
          %mul3A_282 = arith.mulf %sub3A_263, %sub3A_263 : vector<16xf32>
          %mul3A_283 = arith.mulf %sub3A_264, %sub3A_264 : vector<16xf32>
          %add3A_284 = arith.addf %mul3A_282, %mul3A_283 : vector<16xf32>
          %add3A_285 = arith.addf %add3A_281, %add3A_284 : vector<16xf32>
          %sub3A_286 = arith.subf %select_n3A_251, %select_n3A_254 : vector<16xf32>
          %sub3A_287 = arith.subf %select_n3A_257, %select_n3A_254 : vector<16xf32>
          %mul3A_288 = arith.mulf %sub3A_286, %sub3A_286 : vector<16xf32>
          %sub3A_289 = arith.subf %add3A_271, %mul3A_288 : vector<16xf32>
          %mul3A_290 = arith.mulf %sub3A_286, %sub3A_287 : vector<16xf32>
          %sub3A_291 = arith.subf %add3A_278, %mul3A_290 : vector<16xf32>
          %mul3A_292 = arith.mulf %sub3A_287, %sub3A_287 : vector<16xf32>
          %sub3A_293 = arith.subf %add3A_285, %mul3A_292 : vector<16xf32>
          %mul3A_294 = arith.mulf %sub3A_289, %sub3A_293 : vector<16xf32>
          %mul3A_295 = arith.mulf %sub3A_291, %sub3A_291 : vector<16xf32>
          %sub3A_296 = arith.subf %mul3A_294, %mul3A_295 : vector<16xf32>
          %max3A = arith.constant 0.000000e+00 : f32
          %max3A_297 = vector.broadcast %max3A : f32 to vector<16xf32>
          %max3A_298 = arith.maximumf %sub3A_296, %max3A_297 : vector<16xf32>
          %bitcast3A = vector.bitcast %max3A_298 : vector<16xf32> to vector<16xi32>
          %broadcast_in_dim3A_299 = arith.constant 1597463007 : i32
          %broadcast_in_dim3A_300 = vector.broadcast %broadcast_in_dim3A_299 : i32 to vector<16xi32>
          %shift_right_logical3A = arith.constant 1 : i32
          %shift_right_logical3A_301 = vector.broadcast %shift_right_logical3A : i32 to vector<16xi32>
          %shift_right_logical3A_302 = arith.shrui %bitcast3A, %shift_right_logical3A_301 : vector<16xi32>
          %sub3A_303 = arith.subi %broadcast_in_dim3A_300, %shift_right_logical3A_302 : vector<16xi32>
          %bitcast3A_304 = vector.bitcast %sub3A_303 : vector<16xi32> to vector<16xf32>
          %mul3A_305 = arith.constant 5.000000e-01 : f32
          %mul3A_306 = vector.broadcast %mul3A_305 : f32 to vector<16xf32>
          %mul3A_307 = arith.mulf %max3A_298, %mul3A_306 : vector<16xf32>
          %mul3A_308 = arith.mulf %mul3A_307, %bitcast3A_304 : vector<16xf32>
          %mul3A_309 = arith.mulf %mul3A_308, %bitcast3A_304 : vector<16xf32>
          %sub3A_310 = arith.constant 1.500000e+00 : f32
          %sub3A_311 = vector.broadcast %sub3A_310 : f32 to vector<16xf32>
          %sub3A_312 = arith.subf %sub3A_311, %mul3A_309 : vector<16xf32>
          %mul3A_313 = arith.mulf %bitcast3A_304, %sub3A_312 : vector<16xf32>
          %mul3A_314 = arith.mulf %mul3A_307, %mul3A_313 : vector<16xf32>
          %mul3A_315 = arith.mulf %mul3A_314, %mul3A_313 : vector<16xf32>
          %sub3A_316 = arith.constant 1.500000e+00 : f32
          %sub3A_317 = vector.broadcast %sub3A_316 : f32 to vector<16xf32>
          %sub3A_318 = arith.subf %sub3A_317, %mul3A_315 : vector<16xf32>
          %mul3A_319 = arith.mulf %mul3A_313, %sub3A_318 : vector<16xf32>
          %mul3A_320 = arith.mulf %mul3A_307, %mul3A_319 : vector<16xf32>
          %mul3A_321 = arith.mulf %mul3A_320, %mul3A_319 : vector<16xf32>
          %sub3A_322 = arith.constant 1.500000e+00 : f32
          %sub3A_323 = vector.broadcast %sub3A_322 : f32 to vector<16xf32>
          %sub3A_324 = arith.subf %sub3A_323, %mul3A_321 : vector<16xf32>
          %mul3A_325 = arith.mulf %mul3A_319, %sub3A_324 : vector<16xf32>
          %gt3A = arith.constant 0.000000e+00 : f32
          %gt3A_326 = vector.broadcast %gt3A : f32 to vector<16xf32>
          %gt3A_327 = arith.cmpf ogt, %max3A_298, %gt3A_326 : vector<16xf32>
          %mul3A_328 = arith.mulf %max3A_298, %mul3A_325 : vector<16xf32>
          %jit3A = arith.constant 0.000000e+00 : f32
          %broadcast_in_dim3A_329 = vector.broadcast %jit3A : f32 to vector<16xf32>
          %select_n3A_330 = arith.select %gt3A_327, %mul3A_328, %broadcast_in_dim3A_329 : vector<16xi1>, vector<16xf32>
          %abs3A = math.absf %sub3A_291 : vector<16xf32>
          %max3A_331 = arith.maximumf %select_n3A_330, %abs3A : vector<16xf32>
          %min3A = arith.minimumf %select_n3A_330, %abs3A : vector<16xf32>
          %gt3A_332 = arith.constant 0.000000e+00 : f32
          %gt3A_333 = vector.broadcast %gt3A_332 : f32 to vector<16xf32>
          %gt3A_334 = arith.cmpf ogt, %max3A_331, %gt3A_333 : vector<16xf32>
          %jit3A_335 = arith.constant 1.000000e+00 : f32
          %broadcast_in_dim3A_336 = vector.broadcast %jit3A_335 : f32 to vector<16xf32>
          %select_n3A_337 = arith.select %gt3A_334, %max3A_331, %broadcast_in_dim3A_336 : vector<16xi1>, vector<16xf32>
          %div3A = arith.divf %min3A, %select_n3A_337 : vector<16xf32>
          %mul3A_338 = arith.mulf %div3A, %div3A : vector<16xf32>
          %broadcast_in_dim3A_339 = arith.constant -4.831170e-03 : f32
          %broadcast_in_dim3A_340 = vector.broadcast %broadcast_in_dim3A_339 : f32 to vector<16xf32>
          %mul3A_341 = arith.mulf %broadcast_in_dim3A_340, %mul3A_338 : vector<16xf32>
          %add3A_342 = arith.constant 0.0247567799 : f32
          %add3A_343 = vector.broadcast %add3A_342 : f32 to vector<16xf32>
          %add3A_344 = arith.addf %mul3A_341, %add3A_343 : vector<16xf32>
          %mul3A_345 = arith.mulf %add3A_344, %mul3A_338 : vector<16xf32>
          %add3A_346 = arith.constant -0.0602191314 : f32
          %add3A_347 = vector.broadcast %add3A_346 : f32 to vector<16xf32>
          %add3A_348 = arith.addf %mul3A_345, %add3A_347 : vector<16xf32>
          %mul3A_349 = arith.mulf %add3A_348, %mul3A_338 : vector<16xf32>
          %add3A_350 = arith.constant 0.099679239 : f32
          %add3A_351 = vector.broadcast %add3A_350 : f32 to vector<16xf32>
          %add3A_352 = arith.addf %mul3A_349, %add3A_351 : vector<16xf32>
          %mul3A_353 = arith.mulf %add3A_352, %mul3A_338 : vector<16xf32>
          %add3A_354 = arith.constant -0.140401393 : f32
          %add3A_355 = vector.broadcast %add3A_354 : f32 to vector<16xf32>
          %add3A_356 = arith.addf %mul3A_353, %add3A_355 : vector<16xf32>
          %mul3A_357 = arith.mulf %add3A_356, %mul3A_338 : vector<16xf32>
          %add3A_358 = arith.constant 0.199736819 : f32
          %add3A_359 = vector.broadcast %add3A_358 : f32 to vector<16xf32>
          %add3A_360 = arith.addf %mul3A_357, %add3A_359 : vector<16xf32>
          %mul3A_361 = arith.mulf %add3A_360, %mul3A_338 : vector<16xf32>
          %add3A_362 = arith.constant -0.333323032 : f32
          %add3A_363 = vector.broadcast %add3A_362 : f32 to vector<16xf32>
          %add3A_364 = arith.addf %mul3A_361, %add3A_363 : vector<16xf32>
          %mul3A_365 = arith.mulf %add3A_364, %mul3A_338 : vector<16xf32>
          %add3A_366 = arith.constant 0.99999994 : f32
          %add3A_367 = vector.broadcast %add3A_366 : f32 to vector<16xf32>
          %add3A_368 = arith.addf %mul3A_365, %add3A_367 : vector<16xf32>
          %mul3A_369 = arith.mulf %add3A_368, %div3A : vector<16xf32>
          %gt3A_370 = arith.cmpf ogt, %select_n3A_330, %abs3A : vector<16xf32>
          %sub3A_371 = arith.constant 1.57079637 : f32
          %sub3A_372 = vector.broadcast %sub3A_371 : f32 to vector<16xf32>
          %sub3A_373 = arith.subf %sub3A_372, %mul3A_369 : vector<16xf32>
          %select_n3A_374 = arith.select %gt3A_370, %sub3A_373, %mul3A_369 : vector<16xi1>, vector<16xf32>
          %lt3A_375 = arith.constant 0.000000e+00 : f32
          %lt3A_376 = vector.broadcast %lt3A_375 : f32 to vector<16xf32>
          %lt3A_377 = arith.cmpf olt, %sub3A_291, %lt3A_376 : vector<16xf32>
          %sub3A_378 = arith.constant 3.14159274 : f32
          %sub3A_379 = vector.broadcast %sub3A_378 : f32 to vector<16xf32>
          %sub3A_380 = arith.subf %sub3A_379, %select_n3A_374 : vector<16xf32>
          %select_n3A_381 = arith.select %lt3A_377, %sub3A_380, %select_n3A_374 : vector<16xi1>, vector<16xf32>
          %mul3A_382 = arith.constant 2.000000e+01 : f32
          %mul3A_383 = vector.broadcast %mul3A_382 : f32 to vector<16xf32>
          %mul3A_384 = arith.mulf %select_n3A_251, %mul3A_383 : vector<16xf32>
          %add3A_385 = arith.addf %mul3A_384, %select_n3A_254 : vector<16xf32>
          %mul3A_386 = arith.constant 2.000000e+01 : f32
          %mul3A_387 = vector.broadcast %mul3A_386 : f32 to vector<16xf32>
          %mul3A_388 = arith.mulf %add3A_385, %mul3A_387 : vector<16xf32>
          %add3A_389 = arith.addf %mul3A_388, %select_n3A_257 : vector<16xf32>
          %convert_element_type3A_390 = arith.fptosi %add3A_389 : vector<16xf32> to vector<16xi32>
          %broadcast_in_dim3A_391 = arith.constant 0 : i32
          %broadcast_in_dim3A_392 = vector.broadcast %broadcast_in_dim3A_391 : i32 to vector<16xi32>
          %gather3A_393 = tpu.vector_load_idx %arg9[%broadcast_in_dim3A_392, %convert_element_type3A_390] : memref<7x8000xf32, #tpu.memory_space<vmem>>[vector<16xi32>, vector<16xi32>], vector<16xf32>,
          %broadcast_in_dim3A_394 = arith.constant 1 : i32
          %broadcast_in_dim3A_395 = vector.broadcast %broadcast_in_dim3A_394 : i32 to vector<16xi32>
          %gather3A_396 = tpu.vector_load_idx %arg9[%broadcast_in_dim3A_395, %convert_element_type3A_390] : memref<7x8000xf32, #tpu.memory_space<vmem>>[vector<16xi32>, vector<16xi32>], vector<16xf32>,
          %broadcast_in_dim3A_397 = arith.constant 2 : i32
          %broadcast_in_dim3A_398 = vector.broadcast %broadcast_in_dim3A_397 : i32 to vector<16xi32>
          %gather3A_399 = tpu.vector_load_idx %arg9[%broadcast_in_dim3A_398, %convert_element_type3A_390] : memref<7x8000xf32, #tpu.memory_space<vmem>>[vector<16xi32>, vector<16xi32>], vector<16xf32>,
          %broadcast_in_dim3A_400 = arith.constant 3 : i32
          %broadcast_in_dim3A_401 = vector.broadcast %broadcast_in_dim3A_400 : i32 to vector<16xi32>
          %gather3A_402 = tpu.vector_load_idx %arg9[%broadcast_in_dim3A_401, %convert_element_type3A_390] : memref<7x8000xf32, #tpu.memory_space<vmem>>[vector<16xi32>, vector<16xi32>], vector<16xf32>,
          %broadcast_in_dim3A_403 = arith.constant 4 : i32
          %broadcast_in_dim3A_404 = vector.broadcast %broadcast_in_dim3A_403 : i32 to vector<16xi32>
          %gather3A_405 = tpu.vector_load_idx %arg9[%broadcast_in_dim3A_404, %convert_element_type3A_390] : memref<7x8000xf32, #tpu.memory_space<vmem>>[vector<16xi32>, vector<16xi32>], vector<16xf32>,
          %broadcast_in_dim3A_406 = arith.constant 5 : i32
          %broadcast_in_dim3A_407 = vector.broadcast %broadcast_in_dim3A_406 : i32 to vector<16xi32>
          %gather3A_408 = tpu.vector_load_idx %arg9[%broadcast_in_dim3A_407, %convert_element_type3A_390] : memref<7x8000xf32, #tpu.memory_space<vmem>>[vector<16xi32>, vector<16xi32>], vector<16xf32>,
          %broadcast_in_dim3A_409 = arith.constant 6 : i32
          %broadcast_in_dim3A_410 = vector.broadcast %broadcast_in_dim3A_409 : i32 to vector<16xi32>
          %gather3A_411 = tpu.vector_load_idx %arg9[%broadcast_in_dim3A_410, %convert_element_type3A_390] : memref<7x8000xf32, #tpu.memory_space<vmem>>[vector<16xi32>, vector<16xi32>], vector<16xf32>,
          %sub3A_412 = arith.subf %select_n3A_381, %gather3A_402 : vector<16xf32>
          %sub3A_413 = arith.subf %select_n3A_381, %gather3A_405 : vector<16xf32>
          %sub3A_414 = arith.subf %select_n3A_381, %gather3A_408 : vector<16xf32>
          %mul3A_415 = arith.mulf %sub3A_414, %sub3A_414 : vector<16xf32>
          %mul3A_416 = arith.mulf %sub3A_412, %sub3A_412 : vector<16xf32>
          %mul3A_417 = arith.mulf %gather3A_393, %mul3A_416 : vector<16xf32>
          %add3A_418 = arith.addf %gather3A_411, %mul3A_417 : vector<16xf32>
          %mul3A_419 = arith.mulf %sub3A_413, %sub3A_413 : vector<16xf32>
          %mul3A_420 = arith.mulf %mul3A_419, %sub3A_413 : vector<16xf32>
          %mul3A_421 = arith.mulf %gather3A_396, %mul3A_420 : vector<16xf32>
          %add3A_422 = arith.addf %add3A_418, %mul3A_421 : vector<16xf32>
          %mul3A_423 = arith.mulf %mul3A_415, %mul3A_415 : vector<16xf32>
          %mul3A_424 = arith.mulf %gather3A_399, %mul3A_423 : vector<16xf32>
          %add3A_425 = arith.addf %add3A_422, %mul3A_424 : vector<16xf32>
          %select_n3A_426 = arith.select %eq3A_155, %gather3A_184, %gather3A_185 : vector<16xi1>, vector<16xf32>
          %select_n3A_427 = arith.select %eq3A_158, %gather3A_183, %select_n3A_426 : vector<16xi1>, vector<16xf32>
          %select_n3A_428 = arith.select %eq3A_161, %gather3A_182, %select_n3A_427 : vector<16xi1>, vector<16xf32>
          %select_n3A_429 = arith.select %eq3A_155, %gather3A_188, %gather3A_189 : vector<16xi1>, vector<16xf32>
          %select_n3A_430 = arith.select %eq3A_158, %gather3A_187, %select_n3A_429 : vector<16xi1>, vector<16xf32>
          %select_n3A_431 = arith.select %eq3A_161, %gather3A_186, %select_n3A_430 : vector<16xi1>, vector<16xf32>
          %select_n3A_432 = arith.select %eq3A_155, %gather3A_192, %gather3A_193 : vector<16xi1>, vector<16xf32>
          %select_n3A_433 = arith.select %eq3A_158, %gather3A_191, %select_n3A_432 : vector<16xi1>, vector<16xf32>
          %select_n3A_434 = arith.select %eq3A_161, %gather3A_190, %select_n3A_433 : vector<16xi1>, vector<16xf32>
          %sub3A_435 = arith.subf %gather3A_182, %gather3A_186 : vector<16xf32>
          %sub3A_436 = arith.subf %gather3A_183, %gather3A_187 : vector<16xf32>
          %sub3A_437 = arith.subf %gather3A_184, %gather3A_188 : vector<16xf32>
          %sub3A_438 = arith.subf %gather3A_185, %gather3A_189 : vector<16xf32>
          %sub3A_439 = arith.subf %gather3A_190, %gather3A_186 : vector<16xf32>
          %sub3A_440 = arith.subf %gather3A_191, %gather3A_187 : vector<16xf32>
          %sub3A_441 = arith.subf %gather3A_192, %gather3A_188 : vector<16xf32>
          %sub3A_442 = arith.subf %gather3A_193, %gather3A_189 : vector<16xf32>
          %mul3A_443 = arith.mulf %sub3A_435, %sub3A_435 : vector<16xf32>
          %mul3A_444 = arith.mulf %sub3A_436, %sub3A_436 : vector<16xf32>
          %add3A_445 = arith.addf %mul3A_443, %mul3A_444 : vector<16xf32>
          %mul3A_446 = arith.mulf %sub3A_437, %sub3A_437 : vector<16xf32>
          %mul3A_447 = arith.mulf %sub3A_438, %sub3A_438 : vector<16xf32>
          %add3A_448 = arith.addf %mul3A_446, %mul3A_447 : vector<16xf32>
          %add3A_449 = arith.addf %add3A_445, %add3A_448 : vector<16xf32>
          %mul3A_450 = arith.mulf %sub3A_435, %sub3A_439 : vector<16xf32>
          %mul3A_451 = arith.mulf %sub3A_436, %sub3A_440 : vector<16xf32>
          %add3A_452 = arith.addf %mul3A_450, %mul3A_451 : vector<16xf32>
          %mul3A_453 = arith.mulf %sub3A_437, %sub3A_441 : vector<16xf32>
          %mul3A_454 = arith.mulf %sub3A_438, %sub3A_442 : vector<16xf32>
          %add3A_455 = arith.addf %mul3A_453, %mul3A_454 : vector<16xf32>
          %add3A_456 = arith.addf %add3A_452, %add3A_455 : vector<16xf32>
          %mul3A_457 = arith.mulf %sub3A_439, %sub3A_439 : vector<16xf32>
          %mul3A_458 = arith.mulf %sub3A_440, %sub3A_440 : vector<16xf32>
          %add3A_459 = arith.addf %mul3A_457, %mul3A_458 : vector<16xf32>
          %mul3A_460 = arith.mulf %sub3A_441, %sub3A_441 : vector<16xf32>
          %mul3A_461 = arith.mulf %sub3A_442, %sub3A_442 : vector<16xf32>
          %add3A_462 = arith.addf %mul3A_460, %mul3A_461 : vector<16xf32>
          %add3A_463 = arith.addf %add3A_459, %add3A_462 : vector<16xf32>
          %sub3A_464 = arith.subf %select_n3A_428, %select_n3A_431 : vector<16xf32>
          %sub3A_465 = arith.subf %select_n3A_434, %select_n3A_431 : vector<16xf32>
          %mul3A_466 = arith.mulf %sub3A_464, %sub3A_464 : vector<16xf32>
          %sub3A_467 = arith.subf %add3A_449, %mul3A_466 : vector<16xf32>
          %mul3A_468 = arith.mulf %sub3A_464, %sub3A_465 : vector<16xf32>
          %sub3A_469 = arith.subf %add3A_456, %mul3A_468 : vector<16xf32>
          %mul3A_470 = arith.mulf %sub3A_465, %sub3A_465 : vector<16xf32>
          %sub3A_471 = arith.subf %add3A_463, %mul3A_470 : vector<16xf32>
          %mul3A_472 = arith.mulf %sub3A_467, %sub3A_471 : vector<16xf32>
          %mul3A_473 = arith.mulf %sub3A_469, %sub3A_469 : vector<16xf32>
          %sub3A_474 = arith.subf %mul3A_472, %mul3A_473 : vector<16xf32>
          %max3A_475 = arith.constant 0.000000e+00 : f32
          %max3A_476 = vector.broadcast %max3A_475 : f32 to vector<16xf32>
          %max3A_477 = arith.maximumf %sub3A_474, %max3A_476 : vector<16xf32>
          %bitcast3A_478 = vector.bitcast %max3A_477 : vector<16xf32> to vector<16xi32>
          %broadcast_in_dim3A_479 = arith.constant 1597463007 : i32
          %broadcast_in_dim3A_480 = vector.broadcast %broadcast_in_dim3A_479 : i32 to vector<16xi32>
          %shift_right_logical3A_481 = arith.constant 1 : i32
          %shift_right_logical3A_482 = vector.broadcast %shift_right_logical3A_481 : i32 to vector<16xi32>
          %shift_right_logical3A_483 = arith.shrui %bitcast3A_478, %shift_right_logical3A_482 : vector<16xi32>
          %sub3A_484 = arith.subi %broadcast_in_dim3A_480, %shift_right_logical3A_483 : vector<16xi32>
          %bitcast3A_485 = vector.bitcast %sub3A_484 : vector<16xi32> to vector<16xf32>
          %mul3A_486 = arith.constant 5.000000e-01 : f32
          %mul3A_487 = vector.broadcast %mul3A_486 : f32 to vector<16xf32>
          %mul3A_488 = arith.mulf %max3A_477, %mul3A_487 : vector<16xf32>
          %mul3A_489 = arith.mulf %mul3A_488, %bitcast3A_485 : vector<16xf32>
          %mul3A_490 = arith.mulf %mul3A_489, %bitcast3A_485 : vector<16xf32>
          %sub3A_491 = arith.constant 1.500000e+00 : f32
          %sub3A_492 = vector.broadcast %sub3A_491 : f32 to vector<16xf32>
          %sub3A_493 = arith.subf %sub3A_492, %mul3A_490 : vector<16xf32>
          %mul3A_494 = arith.mulf %bitcast3A_485, %sub3A_493 : vector<16xf32>
          %mul3A_495 = arith.mulf %mul3A_488, %mul3A_494 : vector<16xf32>
          %mul3A_496 = arith.mulf %mul3A_495, %mul3A_494 : vector<16xf32>
          %sub3A_497 = arith.constant 1.500000e+00 : f32
          %sub3A_498 = vector.broadcast %sub3A_497 : f32 to vector<16xf32>
          %sub3A_499 = arith.subf %sub3A_498, %mul3A_496 : vector<16xf32>
          %mul3A_500 = arith.mulf %mul3A_494, %sub3A_499 : vector<16xf32>
          %mul3A_501 = arith.mulf %mul3A_488, %mul3A_500 : vector<16xf32>
          %mul3A_502 = arith.mulf %mul3A_501, %mul3A_500 : vector<16xf32>
          %sub3A_503 = arith.constant 1.500000e+00 : f32
          %sub3A_504 = vector.broadcast %sub3A_503 : f32 to vector<16xf32>
          %sub3A_505 = arith.subf %sub3A_504, %mul3A_502 : vector<16xf32>
          %mul3A_506 = arith.mulf %mul3A_500, %sub3A_505 : vector<16xf32>
          %gt3A_507 = arith.constant 0.000000e+00 : f32
          %gt3A_508 = vector.broadcast %gt3A_507 : f32 to vector<16xf32>
          %gt3A_509 = arith.cmpf ogt, %max3A_477, %gt3A_508 : vector<16xf32>
          %mul3A_510 = arith.mulf %max3A_477, %mul3A_506 : vector<16xf32>
          %jit3A_511 = arith.constant 0.000000e+00 : f32
          %broadcast_in_dim3A_512 = vector.broadcast %jit3A_511 : f32 to vector<16xf32>
          %select_n3A_513 = arith.select %gt3A_509, %mul3A_510, %broadcast_in_dim3A_512 : vector<16xi1>, vector<16xf32>
          %abs3A_514 = math.absf %sub3A_469 : vector<16xf32>
          %max3A_515 = arith.maximumf %select_n3A_513, %abs3A_514 : vector<16xf32>
          %min3A_516 = arith.minimumf %select_n3A_513, %abs3A_514 : vector<16xf32>
          %gt3A_517 = arith.constant 0.000000e+00 : f32
          %gt3A_518 = vector.broadcast %gt3A_517 : f32 to vector<16xf32>
          %gt3A_519 = arith.cmpf ogt, %max3A_515, %gt3A_518 : vector<16xf32>
          %jit3A_520 = arith.constant 1.000000e+00 : f32
          %broadcast_in_dim3A_521 = vector.broadcast %jit3A_520 : f32 to vector<16xf32>
          %select_n3A_522 = arith.select %gt3A_519, %max3A_515, %broadcast_in_dim3A_521 : vector<16xi1>, vector<16xf32>
          %div3A_523 = arith.divf %min3A_516, %select_n3A_522 : vector<16xf32>
          %mul3A_524 = arith.mulf %div3A_523, %div3A_523 : vector<16xf32>
          %broadcast_in_dim3A_525 = arith.constant -4.831170e-03 : f32
          %broadcast_in_dim3A_526 = vector.broadcast %broadcast_in_dim3A_525 : f32 to vector<16xf32>
          %mul3A_527 = arith.mulf %broadcast_in_dim3A_526, %mul3A_524 : vector<16xf32>
          %add3A_528 = arith.constant 0.0247567799 : f32
          %add3A_529 = vector.broadcast %add3A_528 : f32 to vector<16xf32>
          %add3A_530 = arith.addf %mul3A_527, %add3A_529 : vector<16xf32>
          %mul3A_531 = arith.mulf %add3A_530, %mul3A_524 : vector<16xf32>
          %add3A_532 = arith.constant -0.0602191314 : f32
          %add3A_533 = vector.broadcast %add3A_532 : f32 to vector<16xf32>
          %add3A_534 = arith.addf %mul3A_531, %add3A_533 : vector<16xf32>
          %mul3A_535 = arith.mulf %add3A_534, %mul3A_524 : vector<16xf32>
          %add3A_536 = arith.constant 0.099679239 : f32
          %add3A_537 = vector.broadcast %add3A_536 : f32 to vector<16xf32>
          %add3A_538 = arith.addf %mul3A_535, %add3A_537 : vector<16xf32>
          %mul3A_539 = arith.mulf %add3A_538, %mul3A_524 : vector<16xf32>
          %add3A_540 = arith.constant -0.140401393 : f32
          %add3A_541 = vector.broadcast %add3A_540 : f32 to vector<16xf32>
          %add3A_542 = arith.addf %mul3A_539, %add3A_541 : vector<16xf32>
          %mul3A_543 = arith.mulf %add3A_542, %mul3A_524 : vector<16xf32>
          %add3A_544 = arith.constant 0.199736819 : f32
          %add3A_545 = vector.broadcast %add3A_544 : f32 to vector<16xf32>
          %add3A_546 = arith.addf %mul3A_543, %add3A_545 : vector<16xf32>
          %mul3A_547 = arith.mulf %add3A_546, %mul3A_524 : vector<16xf32>
          %add3A_548 = arith.constant -0.333323032 : f32
          %add3A_549 = vector.broadcast %add3A_548 : f32 to vector<16xf32>
          %add3A_550 = arith.addf %mul3A_547, %add3A_549 : vector<16xf32>
          %mul3A_551 = arith.mulf %add3A_550, %mul3A_524 : vector<16xf32>
          %add3A_552 = arith.constant 0.99999994 : f32
          %add3A_553 = vector.broadcast %add3A_552 : f32 to vector<16xf32>
          %add3A_554 = arith.addf %mul3A_551, %add3A_553 : vector<16xf32>
          %mul3A_555 = arith.mulf %add3A_554, %div3A_523 : vector<16xf32>
          %gt3A_556 = arith.cmpf ogt, %select_n3A_513, %abs3A_514 : vector<16xf32>
          %sub3A_557 = arith.constant 1.57079637 : f32
          %sub3A_558 = vector.broadcast %sub3A_557 : f32 to vector<16xf32>
          %sub3A_559 = arith.subf %sub3A_558, %mul3A_555 : vector<16xf32>
          %select_n3A_560 = arith.select %gt3A_556, %sub3A_559, %mul3A_555 : vector<16xi1>, vector<16xf32>
          %lt3A_561 = arith.constant 0.000000e+00 : f32
          %lt3A_562 = vector.broadcast %lt3A_561 : f32 to vector<16xf32>
          %lt3A_563 = arith.cmpf olt, %sub3A_469, %lt3A_562 : vector<16xf32>
          %sub3A_564 = arith.constant 3.14159274 : f32
          %sub3A_565 = vector.broadcast %sub3A_564 : f32 to vector<16xf32>
          %sub3A_566 = arith.subf %sub3A_565, %select_n3A_560 : vector<16xf32>
          %select_n3A_567 = arith.select %lt3A_563, %sub3A_566, %select_n3A_560 : vector<16xi1>, vector<16xf32>
          %mul3A_568 = arith.constant 2.000000e+01 : f32
          %mul3A_569 = vector.broadcast %mul3A_568 : f32 to vector<16xf32>
          %mul3A_570 = arith.mulf %select_n3A_428, %mul3A_569 : vector<16xf32>
          %add3A_571 = arith.addf %mul3A_570, %select_n3A_431 : vector<16xf32>
          %mul3A_572 = arith.constant 2.000000e+01 : f32
          %mul3A_573 = vector.broadcast %mul3A_572 : f32 to vector<16xf32>
          %mul3A_574 = arith.mulf %add3A_571, %mul3A_573 : vector<16xf32>
          %add3A_575 = arith.addf %mul3A_574, %select_n3A_434 : vector<16xf32>
          %convert_element_type3A_576 = arith.fptosi %add3A_575 : vector<16xf32> to vector<16xi32>
          %broadcast_in_dim3A_577 = arith.constant 0 : i32
          %broadcast_in_dim3A_578 = vector.broadcast %broadcast_in_dim3A_577 : i32 to vector<16xi32>
          %gather3A_579 = tpu.vector_load_idx %arg9[%broadcast_in_dim3A_578, %convert_element_type3A_576] : memref<7x8000xf32, #tpu.memory_space<vmem>>[vector<16xi32>, vector<16xi32>], vector<16xf32>,
          %broadcast_in_dim3A_580 = arith.constant 1 : i32
          %broadcast_in_dim3A_581 = vector.broadcast %broadcast_in_dim3A_580 : i32 to vector<16xi32>
          %gather3A_582 = tpu.vector_load_idx %arg9[%broadcast_in_dim3A_581, %convert_element_type3A_576] : memref<7x8000xf32, #tpu.memory_space<vmem>>[vector<16xi32>, vector<16xi32>], vector<16xf32>,
          %broadcast_in_dim3A_583 = arith.constant 2 : i32
          %broadcast_in_dim3A_584 = vector.broadcast %broadcast_in_dim3A_583 : i32 to vector<16xi32>
          %gather3A_585 = tpu.vector_load_idx %arg9[%broadcast_in_dim3A_584, %convert_element_type3A_576] : memref<7x8000xf32, #tpu.memory_space<vmem>>[vector<16xi32>, vector<16xi32>], vector<16xf32>,
          %broadcast_in_dim3A_586 = arith.constant 3 : i32
          %broadcast_in_dim3A_587 = vector.broadcast %broadcast_in_dim3A_586 : i32 to vector<16xi32>
          %gather3A_588 = tpu.vector_load_idx %arg9[%broadcast_in_dim3A_587, %convert_element_type3A_576] : memref<7x8000xf32, #tpu.memory_space<vmem>>[vector<16xi32>, vector<16xi32>], vector<16xf32>,
          %broadcast_in_dim3A_589 = arith.constant 4 : i32
          %broadcast_in_dim3A_590 = vector.broadcast %broadcast_in_dim3A_589 : i32 to vector<16xi32>
          %gather3A_591 = tpu.vector_load_idx %arg9[%broadcast_in_dim3A_590, %convert_element_type3A_576] : memref<7x8000xf32, #tpu.memory_space<vmem>>[vector<16xi32>, vector<16xi32>], vector<16xf32>,
          %broadcast_in_dim3A_592 = arith.constant 5 : i32
          %broadcast_in_dim3A_593 = vector.broadcast %broadcast_in_dim3A_592 : i32 to vector<16xi32>
          %gather3A_594 = tpu.vector_load_idx %arg9[%broadcast_in_dim3A_593, %convert_element_type3A_576] : memref<7x8000xf32, #tpu.memory_space<vmem>>[vector<16xi32>, vector<16xi32>], vector<16xf32>,
          %broadcast_in_dim3A_595 = arith.constant 6 : i32
          %broadcast_in_dim3A_596 = vector.broadcast %broadcast_in_dim3A_595 : i32 to vector<16xi32>
          %gather3A_597 = tpu.vector_load_idx %arg9[%broadcast_in_dim3A_596, %convert_element_type3A_576] : memref<7x8000xf32, #tpu.memory_space<vmem>>[vector<16xi32>, vector<16xi32>], vector<16xf32>,
          %sub3A_598 = arith.subf %select_n3A_567, %gather3A_588 : vector<16xf32>
          %sub3A_599 = arith.subf %select_n3A_567, %gather3A_591 : vector<16xf32>
          %sub3A_600 = arith.subf %select_n3A_567, %gather3A_594 : vector<16xf32>
          %mul3A_601 = arith.mulf %sub3A_600, %sub3A_600 : vector<16xf32>
          %mul3A_602 = arith.mulf %sub3A_598, %sub3A_598 : vector<16xf32>
          %mul3A_603 = arith.mulf %gather3A_579, %mul3A_602 : vector<16xf32>
          %add3A_604 = arith.addf %gather3A_597, %mul3A_603 : vector<16xf32>
          %mul3A_605 = arith.mulf %sub3A_599, %sub3A_599 : vector<16xf32>
          %mul3A_606 = arith.mulf %mul3A_605, %sub3A_599 : vector<16xf32>
          %mul3A_607 = arith.mulf %gather3A_582, %mul3A_606 : vector<16xf32>
          %add3A_608 = arith.addf %add3A_604, %mul3A_607 : vector<16xf32>
          %mul3A_609 = arith.mulf %mul3A_601, %mul3A_601 : vector<16xf32>
          %mul3A_610 = arith.mulf %gather3A_585, %mul3A_609 : vector<16xf32>
          %add3A_611 = arith.addf %add3A_608, %mul3A_610 : vector<16xf32>
          %select_n3A_612 = arith.select %eq3A_155, %gather3A_202, %gather3A_203 : vector<16xi1>, vector<16xf32>
          %select_n3A_613 = arith.select %eq3A_158, %gather3A_201, %select_n3A_612 : vector<16xi1>, vector<16xf32>
          %select_n3A_614 = arith.select %eq3A_161, %gather3A_200, %select_n3A_613 : vector<16xi1>, vector<16xf32>
          %select_n3A_615 = arith.select %eq3A_155, %gather3A_206, %gather3A_207 : vector<16xi1>, vector<16xf32>
          %select_n3A_616 = arith.select %eq3A_158, %gather3A_205, %select_n3A_615 : vector<16xi1>, vector<16xf32>
          %select_n3A_617 = arith.select %eq3A_161, %gather3A_204, %select_n3A_616 : vector<16xi1>, vector<16xf32>
          %select_n3A_618 = arith.select %eq3A_155, %gather3A_210, %gather3A_211 : vector<16xi1>, vector<16xf32>
          %select_n3A_619 = arith.select %eq3A_158, %gather3A_209, %select_n3A_618 : vector<16xi1>, vector<16xf32>
          %select_n3A_620 = arith.select %eq3A_161, %gather3A_208, %select_n3A_619 : vector<16xi1>, vector<16xf32>
          %sub3A_621 = arith.subf %gather3A_200, %gather3A_204 : vector<16xf32>
          %sub3A_622 = arith.subf %gather3A_201, %gather3A_205 : vector<16xf32>
          %sub3A_623 = arith.subf %gather3A_202, %gather3A_206 : vector<16xf32>
          %sub3A_624 = arith.subf %gather3A_203, %gather3A_207 : vector<16xf32>
          %sub3A_625 = arith.subf %gather3A_208, %gather3A_204 : vector<16xf32>
          %sub3A_626 = arith.subf %gather3A_209, %gather3A_205 : vector<16xf32>
          %sub3A_627 = arith.subf %gather3A_210, %gather3A_206 : vector<16xf32>
          %sub3A_628 = arith.subf %gather3A_211, %gather3A_207 : vector<16xf32>
          %mul3A_629 = arith.mulf %sub3A_621, %sub3A_621 : vector<16xf32>
          %mul3A_630 = arith.mulf %sub3A_622, %sub3A_622 : vector<16xf32>
          %add3A_631 = arith.addf %mul3A_629, %mul3A_630 : vector<16xf32>
          %mul3A_632 = arith.mulf %sub3A_623, %sub3A_623 : vector<16xf32>
          %mul3A_633 = arith.mulf %sub3A_624, %sub3A_624 : vector<16xf32>
          %add3A_634 = arith.addf %mul3A_632, %mul3A_633 : vector<16xf32>
          %add3A_635 = arith.addf %add3A_631, %add3A_634 : vector<16xf32>
          %mul3A_636 = arith.mulf %sub3A_621, %sub3A_625 : vector<16xf32>
          %mul3A_637 = arith.mulf %sub3A_622, %sub3A_626 : vector<16xf32>
          %add3A_638 = arith.addf %mul3A_636, %mul3A_637 : vector<16xf32>
          %mul3A_639 = arith.mulf %sub3A_623, %sub3A_627 : vector<16xf32>
          %mul3A_640 = arith.mulf %sub3A_624, %sub3A_628 : vector<16xf32>
          %add3A_641 = arith.addf %mul3A_639, %mul3A_640 : vector<16xf32>
          %add3A_642 = arith.addf %add3A_638, %add3A_641 : vector<16xf32>
          %mul3A_643 = arith.mulf %sub3A_625, %sub3A_625 : vector<16xf32>
          %mul3A_644 = arith.mulf %sub3A_626, %sub3A_626 : vector<16xf32>
          %add3A_645 = arith.addf %mul3A_643, %mul3A_644 : vector<16xf32>
          %mul3A_646 = arith.mulf %sub3A_627, %sub3A_627 : vector<16xf32>
          %mul3A_647 = arith.mulf %sub3A_628, %sub3A_628 : vector<16xf32>
          %add3A_648 = arith.addf %mul3A_646, %mul3A_647 : vector<16xf32>
          %add3A_649 = arith.addf %add3A_645, %add3A_648 : vector<16xf32>
          %sub3A_650 = arith.subf %select_n3A_614, %select_n3A_617 : vector<16xf32>
          %sub3A_651 = arith.subf %select_n3A_620, %select_n3A_617 : vector<16xf32>
          %mul3A_652 = arith.mulf %sub3A_650, %sub3A_650 : vector<16xf32>
          %sub3A_653 = arith.subf %add3A_635, %mul3A_652 : vector<16xf32>
          %mul3A_654 = arith.mulf %sub3A_650, %sub3A_651 : vector<16xf32>
          %sub3A_655 = arith.subf %add3A_642, %mul3A_654 : vector<16xf32>
          %mul3A_656 = arith.mulf %sub3A_651, %sub3A_651 : vector<16xf32>
          %sub3A_657 = arith.subf %add3A_649, %mul3A_656 : vector<16xf32>
          %mul3A_658 = arith.mulf %sub3A_653, %sub3A_657 : vector<16xf32>
          %mul3A_659 = arith.mulf %sub3A_655, %sub3A_655 : vector<16xf32>
          %sub3A_660 = arith.subf %mul3A_658, %mul3A_659 : vector<16xf32>
          %max3A_661 = arith.constant 0.000000e+00 : f32
          %max3A_662 = vector.broadcast %max3A_661 : f32 to vector<16xf32>
          %max3A_663 = arith.maximumf %sub3A_660, %max3A_662 : vector<16xf32>
          %bitcast3A_664 = vector.bitcast %max3A_663 : vector<16xf32> to vector<16xi32>
          %broadcast_in_dim3A_665 = arith.constant 1597463007 : i32
          %broadcast_in_dim3A_666 = vector.broadcast %broadcast_in_dim3A_665 : i32 to vector<16xi32>
          %shift_right_logical3A_667 = arith.constant 1 : i32
          %shift_right_logical3A_668 = vector.broadcast %shift_right_logical3A_667 : i32 to vector<16xi32>
          %shift_right_logical3A_669 = arith.shrui %bitcast3A_664, %shift_right_logical3A_668 : vector<16xi32>
          %sub3A_670 = arith.subi %broadcast_in_dim3A_666, %shift_right_logical3A_669 : vector<16xi32>
          %bitcast3A_671 = vector.bitcast %sub3A_670 : vector<16xi32> to vector<16xf32>
          %mul3A_672 = arith.constant 5.000000e-01 : f32
          %mul3A_673 = vector.broadcast %mul3A_672 : f32 to vector<16xf32>
          %mul3A_674 = arith.mulf %max3A_663, %mul3A_673 : vector<16xf32>
          %mul3A_675 = arith.mulf %mul3A_674, %bitcast3A_671 : vector<16xf32>
          %mul3A_676 = arith.mulf %mul3A_675, %bitcast3A_671 : vector<16xf32>
          %sub3A_677 = arith.constant 1.500000e+00 : f32
          %sub3A_678 = vector.broadcast %sub3A_677 : f32 to vector<16xf32>
          %sub3A_679 = arith.subf %sub3A_678, %mul3A_676 : vector<16xf32>
          %mul3A_680 = arith.mulf %bitcast3A_671, %sub3A_679 : vector<16xf32>
          %mul3A_681 = arith.mulf %mul3A_674, %mul3A_680 : vector<16xf32>
          %mul3A_682 = arith.mulf %mul3A_681, %mul3A_680 : vector<16xf32>
          %sub3A_683 = arith.constant 1.500000e+00 : f32
          %sub3A_684 = vector.broadcast %sub3A_683 : f32 to vector<16xf32>
          %sub3A_685 = arith.subf %sub3A_684, %mul3A_682 : vector<16xf32>
          %mul3A_686 = arith.mulf %mul3A_680, %sub3A_685 : vector<16xf32>
          %mul3A_687 = arith.mulf %mul3A_674, %mul3A_686 : vector<16xf32>
          %mul3A_688 = arith.mulf %mul3A_687, %mul3A_686 : vector<16xf32>
          %sub3A_689 = arith.constant 1.500000e+00 : f32
          %sub3A_690 = vector.broadcast %sub3A_689 : f32 to vector<16xf32>
          %sub3A_691 = arith.subf %sub3A_690, %mul3A_688 : vector<16xf32>
          %mul3A_692 = arith.mulf %mul3A_686, %sub3A_691 : vector<16xf32>
          %gt3A_693 = arith.constant 0.000000e+00 : f32
          %gt3A_694 = vector.broadcast %gt3A_693 : f32 to vector<16xf32>
          %gt3A_695 = arith.cmpf ogt, %max3A_663, %gt3A_694 : vector<16xf32>
          %mul3A_696 = arith.mulf %max3A_663, %mul3A_692 : vector<16xf32>
          %jit3A_697 = arith.constant 0.000000e+00 : f32
          %broadcast_in_dim3A_698 = vector.broadcast %jit3A_697 : f32 to vector<16xf32>
          %select_n3A_699 = arith.select %gt3A_695, %mul3A_696, %broadcast_in_dim3A_698 : vector<16xi1>, vector<16xf32>
          %abs3A_700 = math.absf %sub3A_655 : vector<16xf32>
          %max3A_701 = arith.maximumf %select_n3A_699, %abs3A_700 : vector<16xf32>
          %min3A_702 = arith.minimumf %select_n3A_699, %abs3A_700 : vector<16xf32>
          %gt3A_703 = arith.constant 0.000000e+00 : f32
          %gt3A_704 = vector.broadcast %gt3A_703 : f32 to vector<16xf32>
          %gt3A_705 = arith.cmpf ogt, %max3A_701, %gt3A_704 : vector<16xf32>
          %jit3A_706 = arith.constant 1.000000e+00 : f32
          %broadcast_in_dim3A_707 = vector.broadcast %jit3A_706 : f32 to vector<16xf32>
          %select_n3A_708 = arith.select %gt3A_705, %max3A_701, %broadcast_in_dim3A_707 : vector<16xi1>, vector<16xf32>
          %div3A_709 = arith.divf %min3A_702, %select_n3A_708 : vector<16xf32>
          %mul3A_710 = arith.mulf %div3A_709, %div3A_709 : vector<16xf32>
          %broadcast_in_dim3A_711 = arith.constant -4.831170e-03 : f32
          %broadcast_in_dim3A_712 = vector.broadcast %broadcast_in_dim3A_711 : f32 to vector<16xf32>
          %mul3A_713 = arith.mulf %broadcast_in_dim3A_712, %mul3A_710 : vector<16xf32>
          %add3A_714 = arith.constant 0.0247567799 : f32
          %add3A_715 = vector.broadcast %add3A_714 : f32 to vector<16xf32>
          %add3A_716 = arith.addf %mul3A_713, %add3A_715 : vector<16xf32>
          %mul3A_717 = arith.mulf %add3A_716, %mul3A_710 : vector<16xf32>
          %add3A_718 = arith.constant -0.0602191314 : f32
          %add3A_719 = vector.broadcast %add3A_718 : f32 to vector<16xf32>
          %add3A_720 = arith.addf %mul3A_717, %add3A_719 : vector<16xf32>
          %mul3A_721 = arith.mulf %add3A_720, %mul3A_710 : vector<16xf32>
          %add3A_722 = arith.constant 0.099679239 : f32
          %add3A_723 = vector.broadcast %add3A_722 : f32 to vector<16xf32>
          %add3A_724 = arith.addf %mul3A_721, %add3A_723 : vector<16xf32>
          %mul3A_725 = arith.mulf %add3A_724, %mul3A_710 : vector<16xf32>
          %add3A_726 = arith.constant -0.140401393 : f32
          %add3A_727 = vector.broadcast %add3A_726 : f32 to vector<16xf32>
          %add3A_728 = arith.addf %mul3A_725, %add3A_727 : vector<16xf32>
          %mul3A_729 = arith.mulf %add3A_728, %mul3A_710 : vector<16xf32>
          %add3A_730 = arith.constant 0.199736819 : f32
          %add3A_731 = vector.broadcast %add3A_730 : f32 to vector<16xf32>
          %add3A_732 = arith.addf %mul3A_729, %add3A_731 : vector<16xf32>
          %mul3A_733 = arith.mulf %add3A_732, %mul3A_710 : vector<16xf32>
          %add3A_734 = arith.constant -0.333323032 : f32
          %add3A_735 = vector.broadcast %add3A_734 : f32 to vector<16xf32>
          %add3A_736 = arith.addf %mul3A_733, %add3A_735 : vector<16xf32>
          %mul3A_737 = arith.mulf %add3A_736, %mul3A_710 : vector<16xf32>
          %add3A_738 = arith.constant 0.99999994 : f32
          %add3A_739 = vector.broadcast %add3A_738 : f32 to vector<16xf32>
          %add3A_740 = arith.addf %mul3A_737, %add3A_739 : vector<16xf32>
          %mul3A_741 = arith.mulf %add3A_740, %div3A_709 : vector<16xf32>
          %gt3A_742 = arith.cmpf ogt, %select_n3A_699, %abs3A_700 : vector<16xf32>
          %sub3A_743 = arith.constant 1.57079637 : f32
          %sub3A_744 = vector.broadcast %sub3A_743 : f32 to vector<16xf32>
          %sub3A_745 = arith.subf %sub3A_744, %mul3A_741 : vector<16xf32>
          %select_n3A_746 = arith.select %gt3A_742, %sub3A_745, %mul3A_741 : vector<16xi1>, vector<16xf32>
          %lt3A_747 = arith.constant 0.000000e+00 : f32
          %lt3A_748 = vector.broadcast %lt3A_747 : f32 to vector<16xf32>
          %lt3A_749 = arith.cmpf olt, %sub3A_655, %lt3A_748 : vector<16xf32>
          %sub3A_750 = arith.constant 3.14159274 : f32
          %sub3A_751 = vector.broadcast %sub3A_750 : f32 to vector<16xf32>
          %sub3A_752 = arith.subf %sub3A_751, %select_n3A_746 : vector<16xf32>
          %select_n3A_753 = arith.select %lt3A_749, %sub3A_752, %select_n3A_746 : vector<16xi1>, vector<16xf32>
          %mul3A_754 = arith.constant 2.000000e+01 : f32
          %mul3A_755 = vector.broadcast %mul3A_754 : f32 to vector<16xf32>
          %mul3A_756 = arith.mulf %select_n3A_614, %mul3A_755 : vector<16xf32>
          %add3A_757 = arith.addf %mul3A_756, %select_n3A_617 : vector<16xf32>
          %mul3A_758 = arith.constant 2.000000e+01 : f32
          %mul3A_759 = vector.broadcast %mul3A_758 : f32 to vector<16xf32>
          %mul3A_760 = arith.mulf %add3A_757, %mul3A_759 : vector<16xf32>
          %add3A_761 = arith.addf %mul3A_760, %select_n3A_620 : vector<16xf32>
          %convert_element_type3A_762 = arith.fptosi %add3A_761 : vector<16xf32> to vector<16xi32>
          %broadcast_in_dim3A_763 = arith.constant 0 : i32
          %broadcast_in_dim3A_764 = vector.broadcast %broadcast_in_dim3A_763 : i32 to vector<16xi32>
          %gather3A_765 = tpu.vector_load_idx %arg9[%broadcast_in_dim3A_764, %convert_element_type3A_762] : memref<7x8000xf32, #tpu.memory_space<vmem>>[vector<16xi32>, vector<16xi32>], vector<16xf32>,
          %broadcast_in_dim3A_766 = arith.constant 1 : i32
          %broadcast_in_dim3A_767 = vector.broadcast %broadcast_in_dim3A_766 : i32 to vector<16xi32>
          %gather3A_768 = tpu.vector_load_idx %arg9[%broadcast_in_dim3A_767, %convert_element_type3A_762] : memref<7x8000xf32, #tpu.memory_space<vmem>>[vector<16xi32>, vector<16xi32>], vector<16xf32>,
          %broadcast_in_dim3A_769 = arith.constant 2 : i32
          %broadcast_in_dim3A_770 = vector.broadcast %broadcast_in_dim3A_769 : i32 to vector<16xi32>
          %gather3A_771 = tpu.vector_load_idx %arg9[%broadcast_in_dim3A_770, %convert_element_type3A_762] : memref<7x8000xf32, #tpu.memory_space<vmem>>[vector<16xi32>, vector<16xi32>], vector<16xf32>,
          %broadcast_in_dim3A_772 = arith.constant 3 : i32
          %broadcast_in_dim3A_773 = vector.broadcast %broadcast_in_dim3A_772 : i32 to vector<16xi32>
          %gather3A_774 = tpu.vector_load_idx %arg9[%broadcast_in_dim3A_773, %convert_element_type3A_762] : memref<7x8000xf32, #tpu.memory_space<vmem>>[vector<16xi32>, vector<16xi32>], vector<16xf32>,
          %broadcast_in_dim3A_775 = arith.constant 4 : i32
          %broadcast_in_dim3A_776 = vector.broadcast %broadcast_in_dim3A_775 : i32 to vector<16xi32>
          %gather3A_777 = tpu.vector_load_idx %arg9[%broadcast_in_dim3A_776, %convert_element_type3A_762] : memref<7x8000xf32, #tpu.memory_space<vmem>>[vector<16xi32>, vector<16xi32>], vector<16xf32>,
          %broadcast_in_dim3A_778 = arith.constant 5 : i32
          %broadcast_in_dim3A_779 = vector.broadcast %broadcast_in_dim3A_778 : i32 to vector<16xi32>
          %gather3A_780 = tpu.vector_load_idx %arg9[%broadcast_in_dim3A_779, %convert_element_type3A_762] : memref<7x8000xf32, #tpu.memory_space<vmem>>[vector<16xi32>, vector<16xi32>], vector<16xf32>,
          %broadcast_in_dim3A_781 = arith.constant 6 : i32
          %broadcast_in_dim3A_782 = vector.broadcast %broadcast_in_dim3A_781 : i32 to vector<16xi32>
          %gather3A_783 = tpu.vector_load_idx %arg9[%broadcast_in_dim3A_782, %convert_element_type3A_762] : memref<7x8000xf32, #tpu.memory_space<vmem>>[vector<16xi32>, vector<16xi32>], vector<16xf32>,
          %sub3A_784 = arith.subf %select_n3A_753, %gather3A_774 : vector<16xf32>
          %sub3A_785 = arith.subf %select_n3A_753, %gather3A_777 : vector<16xf32>
          %sub3A_786 = arith.subf %select_n3A_753, %gather3A_780 : vector<16xf32>
          %mul3A_787 = arith.mulf %sub3A_786, %sub3A_786 : vector<16xf32>
          %mul3A_788 = arith.mulf %sub3A_784, %sub3A_784 : vector<16xf32>
          %mul3A_789 = arith.mulf %gather3A_765, %mul3A_788 : vector<16xf32>
          %add3A_790 = arith.addf %gather3A_783, %mul3A_789 : vector<16xf32>
          %mul3A_791 = arith.mulf %sub3A_785, %sub3A_785 : vector<16xf32>
          %mul3A_792 = arith.mulf %mul3A_791, %sub3A_785 : vector<16xf32>
          %mul3A_793 = arith.mulf %gather3A_768, %mul3A_792 : vector<16xf32>
          %add3A_794 = arith.addf %add3A_790, %mul3A_793 : vector<16xf32>
          %mul3A_795 = arith.mulf %mul3A_787, %mul3A_787 : vector<16xf32>
          %mul3A_796 = arith.mulf %gather3A_771, %mul3A_795 : vector<16xf32>
          %add3A_797 = arith.addf %add3A_794, %mul3A_796 : vector<16xf32>
          %select_n3A_798 = arith.select %eq3A_155, %gather3A_220, %gather3A_221 : vector<16xi1>, vector<16xf32>
          %select_n3A_799 = arith.select %eq3A_158, %gather3A_219, %select_n3A_798 : vector<16xi1>, vector<16xf32>
          %select_n3A_800 = arith.select %eq3A_161, %gather3A_218, %select_n3A_799 : vector<16xi1>, vector<16xf32>
          %select_n3A_801 = arith.select %eq3A_155, %gather3A_224, %gather3A_225 : vector<16xi1>, vector<16xf32>
          %select_n3A_802 = arith.select %eq3A_158, %gather3A_223, %select_n3A_801 : vector<16xi1>, vector<16xf32>
          %select_n3A_803 = arith.select %eq3A_161, %gather3A_222, %select_n3A_802 : vector<16xi1>, vector<16xf32>
          %select_n3A_804 = arith.select %eq3A_155, %gather3A_228, %gather3A_229 : vector<16xi1>, vector<16xf32>
          %select_n3A_805 = arith.select %eq3A_158, %gather3A_227, %select_n3A_804 : vector<16xi1>, vector<16xf32>
          %select_n3A_806 = arith.select %eq3A_161, %gather3A_226, %select_n3A_805 : vector<16xi1>, vector<16xf32>
          %sub3A_807 = arith.subf %gather3A_218, %gather3A_222 : vector<16xf32>
          %sub3A_808 = arith.subf %gather3A_219, %gather3A_223 : vector<16xf32>
          %sub3A_809 = arith.subf %gather3A_220, %gather3A_224 : vector<16xf32>
          %sub3A_810 = arith.subf %gather3A_221, %gather3A_225 : vector<16xf32>
          %sub3A_811 = arith.subf %gather3A_226, %gather3A_222 : vector<16xf32>
          %sub3A_812 = arith.subf %gather3A_227, %gather3A_223 : vector<16xf32>
          %sub3A_813 = arith.subf %gather3A_228, %gather3A_224 : vector<16xf32>
          %sub3A_814 = arith.subf %gather3A_229, %gather3A_225 : vector<16xf32>
          %mul3A_815 = arith.mulf %sub3A_807, %sub3A_807 : vector<16xf32>
          %mul3A_816 = arith.mulf %sub3A_808, %sub3A_808 : vector<16xf32>
          %add3A_817 = arith.addf %mul3A_815, %mul3A_816 : vector<16xf32>
          %mul3A_818 = arith.mulf %sub3A_809, %sub3A_809 : vector<16xf32>
          %mul3A_819 = arith.mulf %sub3A_810, %sub3A_810 : vector<16xf32>
          %add3A_820 = arith.addf %mul3A_818, %mul3A_819 : vector<16xf32>
          %add3A_821 = arith.addf %add3A_817, %add3A_820 : vector<16xf32>
          %mul3A_822 = arith.mulf %sub3A_807, %sub3A_811 : vector<16xf32>
          %mul3A_823 = arith.mulf %sub3A_808, %sub3A_812 : vector<16xf32>
          %add3A_824 = arith.addf %mul3A_822, %mul3A_823 : vector<16xf32>
          %mul3A_825 = arith.mulf %sub3A_809, %sub3A_813 : vector<16xf32>
          %mul3A_826 = arith.mulf %sub3A_810, %sub3A_814 : vector<16xf32>
          %add3A_827 = arith.addf %mul3A_825, %mul3A_826 : vector<16xf32>
          %add3A_828 = arith.addf %add3A_824, %add3A_827 : vector<16xf32>
          %mul3A_829 = arith.mulf %sub3A_811, %sub3A_811 : vector<16xf32>
          %mul3A_830 = arith.mulf %sub3A_812, %sub3A_812 : vector<16xf32>
          %add3A_831 = arith.addf %mul3A_829, %mul3A_830 : vector<16xf32>
          %mul3A_832 = arith.mulf %sub3A_813, %sub3A_813 : vector<16xf32>
          %mul3A_833 = arith.mulf %sub3A_814, %sub3A_814 : vector<16xf32>
          %add3A_834 = arith.addf %mul3A_832, %mul3A_833 : vector<16xf32>
          %add3A_835 = arith.addf %add3A_831, %add3A_834 : vector<16xf32>
          %sub3A_836 = arith.subf %select_n3A_800, %select_n3A_803 : vector<16xf32>
          %sub3A_837 = arith.subf %select_n3A_806, %select_n3A_803 : vector<16xf32>
          %mul3A_838 = arith.mulf %sub3A_836, %sub3A_836 : vector<16xf32>
          %sub3A_839 = arith.subf %add3A_821, %mul3A_838 : vector<16xf32>
          %mul3A_840 = arith.mulf %sub3A_836, %sub3A_837 : vector<16xf32>
          %sub3A_841 = arith.subf %add3A_828, %mul3A_840 : vector<16xf32>
          %mul3A_842 = arith.mulf %sub3A_837, %sub3A_837 : vector<16xf32>
          %sub3A_843 = arith.subf %add3A_835, %mul3A_842 : vector<16xf32>
          %mul3A_844 = arith.mulf %sub3A_839, %sub3A_843 : vector<16xf32>
          %mul3A_845 = arith.mulf %sub3A_841, %sub3A_841 : vector<16xf32>
          %sub3A_846 = arith.subf %mul3A_844, %mul3A_845 : vector<16xf32>
          %max3A_847 = arith.constant 0.000000e+00 : f32
          %max3A_848 = vector.broadcast %max3A_847 : f32 to vector<16xf32>
          %max3A_849 = arith.maximumf %sub3A_846, %max3A_848 : vector<16xf32>
          %bitcast3A_850 = vector.bitcast %max3A_849 : vector<16xf32> to vector<16xi32>
          %broadcast_in_dim3A_851 = arith.constant 1597463007 : i32
          %broadcast_in_dim3A_852 = vector.broadcast %broadcast_in_dim3A_851 : i32 to vector<16xi32>
          %shift_right_logical3A_853 = arith.constant 1 : i32
          %shift_right_logical3A_854 = vector.broadcast %shift_right_logical3A_853 : i32 to vector<16xi32>
          %shift_right_logical3A_855 = arith.shrui %bitcast3A_850, %shift_right_logical3A_854 : vector<16xi32>
          %sub3A_856 = arith.subi %broadcast_in_dim3A_852, %shift_right_logical3A_855 : vector<16xi32>
          %bitcast3A_857 = vector.bitcast %sub3A_856 : vector<16xi32> to vector<16xf32>
          %mul3A_858 = arith.constant 5.000000e-01 : f32
          %mul3A_859 = vector.broadcast %mul3A_858 : f32 to vector<16xf32>
          %mul3A_860 = arith.mulf %max3A_849, %mul3A_859 : vector<16xf32>
          %mul3A_861 = arith.mulf %mul3A_860, %bitcast3A_857 : vector<16xf32>
          %mul3A_862 = arith.mulf %mul3A_861, %bitcast3A_857 : vector<16xf32>
          %sub3A_863 = arith.constant 1.500000e+00 : f32
          %sub3A_864 = vector.broadcast %sub3A_863 : f32 to vector<16xf32>
          %sub3A_865 = arith.subf %sub3A_864, %mul3A_862 : vector<16xf32>
          %mul3A_866 = arith.mulf %bitcast3A_857, %sub3A_865 : vector<16xf32>
          %mul3A_867 = arith.mulf %mul3A_860, %mul3A_866 : vector<16xf32>
          %mul3A_868 = arith.mulf %mul3A_867, %mul3A_866 : vector<16xf32>
          %sub3A_869 = arith.constant 1.500000e+00 : f32
          %sub3A_870 = vector.broadcast %sub3A_869 : f32 to vector<16xf32>
          %sub3A_871 = arith.subf %sub3A_870, %mul3A_868 : vector<16xf32>
          %mul3A_872 = arith.mulf %mul3A_866, %sub3A_871 : vector<16xf32>
          %mul3A_873 = arith.mulf %mul3A_860, %mul3A_872 : vector<16xf32>
          %mul3A_874 = arith.mulf %mul3A_873, %mul3A_872 : vector<16xf32>
          %sub3A_875 = arith.constant 1.500000e+00 : f32
          %sub3A_876 = vector.broadcast %sub3A_875 : f32 to vector<16xf32>
          %sub3A_877 = arith.subf %sub3A_876, %mul3A_874 : vector<16xf32>
          %mul3A_878 = arith.mulf %mul3A_872, %sub3A_877 : vector<16xf32>
          %gt3A_879 = arith.constant 0.000000e+00 : f32
          %gt3A_880 = vector.broadcast %gt3A_879 : f32 to vector<16xf32>
          %gt3A_881 = arith.cmpf ogt, %max3A_849, %gt3A_880 : vector<16xf32>
          %mul3A_882 = arith.mulf %max3A_849, %mul3A_878 : vector<16xf32>
          %jit3A_883 = arith.constant 0.000000e+00 : f32
          %broadcast_in_dim3A_884 = vector.broadcast %jit3A_883 : f32 to vector<16xf32>
          %select_n3A_885 = arith.select %gt3A_881, %mul3A_882, %broadcast_in_dim3A_884 : vector<16xi1>, vector<16xf32>
          %abs3A_886 = math.absf %sub3A_841 : vector<16xf32>
          %max3A_887 = arith.maximumf %select_n3A_885, %abs3A_886 : vector<16xf32>
          %min3A_888 = arith.minimumf %select_n3A_885, %abs3A_886 : vector<16xf32>
          %gt3A_889 = arith.constant 0.000000e+00 : f32
          %gt3A_890 = vector.broadcast %gt3A_889 : f32 to vector<16xf32>
          %gt3A_891 = arith.cmpf ogt, %max3A_887, %gt3A_890 : vector<16xf32>
          %jit3A_892 = arith.constant 1.000000e+00 : f32
          %broadcast_in_dim3A_893 = vector.broadcast %jit3A_892 : f32 to vector<16xf32>
          %select_n3A_894 = arith.select %gt3A_891, %max3A_887, %broadcast_in_dim3A_893 : vector<16xi1>, vector<16xf32>
          %div3A_895 = arith.divf %min3A_888, %select_n3A_894 : vector<16xf32>
          %mul3A_896 = arith.mulf %div3A_895, %div3A_895 : vector<16xf32>
          %broadcast_in_dim3A_897 = arith.constant -4.831170e-03 : f32
          %broadcast_in_dim3A_898 = vector.broadcast %broadcast_in_dim3A_897 : f32 to vector<16xf32>
          %mul3A_899 = arith.mulf %broadcast_in_dim3A_898, %mul3A_896 : vector<16xf32>
          %add3A_900 = arith.constant 0.0247567799 : f32
          %add3A_901 = vector.broadcast %add3A_900 : f32 to vector<16xf32>
          %add3A_902 = arith.addf %mul3A_899, %add3A_901 : vector<16xf32>
          %mul3A_903 = arith.mulf %add3A_902, %mul3A_896 : vector<16xf32>
          %add3A_904 = arith.constant -0.0602191314 : f32
          %add3A_905 = vector.broadcast %add3A_904 : f32 to vector<16xf32>
          %add3A_906 = arith.addf %mul3A_903, %add3A_905 : vector<16xf32>
          %mul3A_907 = arith.mulf %add3A_906, %mul3A_896 : vector<16xf32>
          %add3A_908 = arith.constant 0.099679239 : f32
          %add3A_909 = vector.broadcast %add3A_908 : f32 to vector<16xf32>
          %add3A_910 = arith.addf %mul3A_907, %add3A_909 : vector<16xf32>
          %mul3A_911 = arith.mulf %add3A_910, %mul3A_896 : vector<16xf32>
          %add3A_912 = arith.constant -0.140401393 : f32
          %add3A_913 = vector.broadcast %add3A_912 : f32 to vector<16xf32>
          %add3A_914 = arith.addf %mul3A_911, %add3A_913 : vector<16xf32>
          %mul3A_915 = arith.mulf %add3A_914, %mul3A_896 : vector<16xf32>
          %add3A_916 = arith.constant 0.199736819 : f32
          %add3A_917 = vector.broadcast %add3A_916 : f32 to vector<16xf32>
          %add3A_918 = arith.addf %mul3A_915, %add3A_917 : vector<16xf32>
          %mul3A_919 = arith.mulf %add3A_918, %mul3A_896 : vector<16xf32>
          %add3A_920 = arith.constant -0.333323032 : f32
          %add3A_921 = vector.broadcast %add3A_920 : f32 to vector<16xf32>
          %add3A_922 = arith.addf %mul3A_919, %add3A_921 : vector<16xf32>
          %mul3A_923 = arith.mulf %add3A_922, %mul3A_896 : vector<16xf32>
          %add3A_924 = arith.constant 0.99999994 : f32
          %add3A_925 = vector.broadcast %add3A_924 : f32 to vector<16xf32>
          %add3A_926 = arith.addf %mul3A_923, %add3A_925 : vector<16xf32>
          %mul3A_927 = arith.mulf %add3A_926, %div3A_895 : vector<16xf32>
          %gt3A_928 = arith.cmpf ogt, %select_n3A_885, %abs3A_886 : vector<16xf32>
          %sub3A_929 = arith.constant 1.57079637 : f32
          %sub3A_930 = vector.broadcast %sub3A_929 : f32 to vector<16xf32>
          %sub3A_931 = arith.subf %sub3A_930, %mul3A_927 : vector<16xf32>
          %select_n3A_932 = arith.select %gt3A_928, %sub3A_931, %mul3A_927 : vector<16xi1>, vector<16xf32>
          %lt3A_933 = arith.constant 0.000000e+00 : f32
          %lt3A_934 = vector.broadcast %lt3A_933 : f32 to vector<16xf32>
          %lt3A_935 = arith.cmpf olt, %sub3A_841, %lt3A_934 : vector<16xf32>
          %sub3A_936 = arith.constant 3.14159274 : f32
          %sub3A_937 = vector.broadcast %sub3A_936 : f32 to vector<16xf32>
          %sub3A_938 = arith.subf %sub3A_937, %select_n3A_932 : vector<16xf32>
          %select_n3A_939 = arith.select %lt3A_935, %sub3A_938, %select_n3A_932 : vector<16xi1>, vector<16xf32>
          %mul3A_940 = arith.constant 2.000000e+01 : f32
          %mul3A_941 = vector.broadcast %mul3A_940 : f32 to vector<16xf32>
          %mul3A_942 = arith.mulf %select_n3A_800, %mul3A_941 : vector<16xf32>
          %add3A_943 = arith.addf %mul3A_942, %select_n3A_803 : vector<16xf32>
          %mul3A_944 = arith.constant 2.000000e+01 : f32
          %mul3A_945 = vector.broadcast %mul3A_944 : f32 to vector<16xf32>
          %mul3A_946 = arith.mulf %add3A_943, %mul3A_945 : vector<16xf32>
          %add3A_947 = arith.addf %mul3A_946, %select_n3A_806 : vector<16xf32>
          %convert_element_type3A_948 = arith.fptosi %add3A_947 : vector<16xf32> to vector<16xi32>
          %broadcast_in_dim3A_949 = arith.constant 0 : i32
          %broadcast_in_dim3A_950 = vector.broadcast %broadcast_in_dim3A_949 : i32 to vector<16xi32>
          %gather3A_951 = tpu.vector_load_idx %arg9[%broadcast_in_dim3A_950, %convert_element_type3A_948] : memref<7x8000xf32, #tpu.memory_space<vmem>>[vector<16xi32>, vector<16xi32>], vector<16xf32>,
          %broadcast_in_dim3A_952 = arith.constant 1 : i32
          %broadcast_in_dim3A_953 = vector.broadcast %broadcast_in_dim3A_952 : i32 to vector<16xi32>
          %gather3A_954 = tpu.vector_load_idx %arg9[%broadcast_in_dim3A_953, %convert_element_type3A_948] : memref<7x8000xf32, #tpu.memory_space<vmem>>[vector<16xi32>, vector<16xi32>], vector<16xf32>,
          %broadcast_in_dim3A_955 = arith.constant 2 : i32
          %broadcast_in_dim3A_956 = vector.broadcast %broadcast_in_dim3A_955 : i32 to vector<16xi32>
          %gather3A_957 = tpu.vector_load_idx %arg9[%broadcast_in_dim3A_956, %convert_element_type3A_948] : memref<7x8000xf32, #tpu.memory_space<vmem>>[vector<16xi32>, vector<16xi32>], vector<16xf32>,
          %broadcast_in_dim3A_958 = arith.constant 3 : i32
          %broadcast_in_dim3A_959 = vector.broadcast %broadcast_in_dim3A_958 : i32 to vector<16xi32>
          %gather3A_960 = tpu.vector_load_idx %arg9[%broadcast_in_dim3A_959, %convert_element_type3A_948] : memref<7x8000xf32, #tpu.memory_space<vmem>>[vector<16xi32>, vector<16xi32>], vector<16xf32>,
          %broadcast_in_dim3A_961 = arith.constant 4 : i32
          %broadcast_in_dim3A_962 = vector.broadcast %broadcast_in_dim3A_961 : i32 to vector<16xi32>
          %gather3A_963 = tpu.vector_load_idx %arg9[%broadcast_in_dim3A_962, %convert_element_type3A_948] : memref<7x8000xf32, #tpu.memory_space<vmem>>[vector<16xi32>, vector<16xi32>], vector<16xf32>,
          %broadcast_in_dim3A_964 = arith.constant 5 : i32
          %broadcast_in_dim3A_965 = vector.broadcast %broadcast_in_dim3A_964 : i32 to vector<16xi32>
          %gather3A_966 = tpu.vector_load_idx %arg9[%broadcast_in_dim3A_965, %convert_element_type3A_948] : memref<7x8000xf32, #tpu.memory_space<vmem>>[vector<16xi32>, vector<16xi32>], vector<16xf32>,
          %broadcast_in_dim3A_967 = arith.constant 6 : i32
          %broadcast_in_dim3A_968 = vector.broadcast %broadcast_in_dim3A_967 : i32 to vector<16xi32>
          %gather3A_969 = tpu.vector_load_idx %arg9[%broadcast_in_dim3A_968, %convert_element_type3A_948] : memref<7x8000xf32, #tpu.memory_space<vmem>>[vector<16xi32>, vector<16xi32>], vector<16xf32>,
          %sub3A_970 = arith.subf %select_n3A_939, %gather3A_960 : vector<16xf32>
          %sub3A_971 = arith.subf %select_n3A_939, %gather3A_963 : vector<16xf32>
          %sub3A_972 = arith.subf %select_n3A_939, %gather3A_966 : vector<16xf32>
          %mul3A_973 = arith.mulf %sub3A_972, %sub3A_972 : vector<16xf32>
          %mul3A_974 = arith.mulf %sub3A_970, %sub3A_970 : vector<16xf32>
          %mul3A_975 = arith.mulf %gather3A_951, %mul3A_974 : vector<16xf32>
          %add3A_976 = arith.addf %gather3A_969, %mul3A_975 : vector<16xf32>
          %mul3A_977 = arith.mulf %sub3A_971, %sub3A_971 : vector<16xf32>
          %mul3A_978 = arith.mulf %mul3A_977, %sub3A_971 : vector<16xf32>
          %mul3A_979 = arith.mulf %gather3A_954, %mul3A_978 : vector<16xf32>
          %add3A_980 = arith.addf %add3A_976, %mul3A_979 : vector<16xf32>
          %mul3A_981 = arith.mulf %mul3A_973, %mul3A_973 : vector<16xf32>
          %mul3A_982 = arith.mulf %gather3A_957, %mul3A_981 : vector<16xf32>
          %add3A_983 = arith.addf %add3A_980, %mul3A_982 : vector<16xf32>
          %select_n3A_984 = arith.select %eq3A_155, %gather3A_238, %gather3A_239 : vector<16xi1>, vector<16xf32>
          %select_n3A_985 = arith.select %eq3A_158, %gather3A_237, %select_n3A_984 : vector<16xi1>, vector<16xf32>
          %select_n3A_986 = arith.select %eq3A_161, %gather3A_236, %select_n3A_985 : vector<16xi1>, vector<16xf32>
          %select_n3A_987 = arith.select %eq3A_155, %gather3A_242, %gather3A_243 : vector<16xi1>, vector<16xf32>
          %select_n3A_988 = arith.select %eq3A_158, %gather3A_241, %select_n3A_987 : vector<16xi1>, vector<16xf32>
          %select_n3A_989 = arith.select %eq3A_161, %gather3A_240, %select_n3A_988 : vector<16xi1>, vector<16xf32>
          %select_n3A_990 = arith.select %eq3A_155, %gather3A_246, %gather3A_247 : vector<16xi1>, vector<16xf32>
          %select_n3A_991 = arith.select %eq3A_158, %gather3A_245, %select_n3A_990 : vector<16xi1>, vector<16xf32>
          %select_n3A_992 = arith.select %eq3A_161, %gather3A_244, %select_n3A_991 : vector<16xi1>, vector<16xf32>
          %sub3A_993 = arith.subf %gather3A_236, %gather3A_240 : vector<16xf32>
          %sub3A_994 = arith.subf %gather3A_237, %gather3A_241 : vector<16xf32>
          %sub3A_995 = arith.subf %gather3A_238, %gather3A_242 : vector<16xf32>
          %sub3A_996 = arith.subf %gather3A_239, %gather3A_243 : vector<16xf32>
          %sub3A_997 = arith.subf %gather3A_244, %gather3A_240 : vector<16xf32>
          %sub3A_998 = arith.subf %gather3A_245, %gather3A_241 : vector<16xf32>
          %sub3A_999 = arith.subf %gather3A_246, %gather3A_242 : vector<16xf32>
          %sub3A_1000 = arith.subf %gather3A_247, %gather3A_243 : vector<16xf32>
          %mul3A_1001 = arith.mulf %sub3A_993, %sub3A_993 : vector<16xf32>
          %mul3A_1002 = arith.mulf %sub3A_994, %sub3A_994 : vector<16xf32>
          %add3A_1003 = arith.addf %mul3A_1001, %mul3A_1002 : vector<16xf32>
          %mul3A_1004 = arith.mulf %sub3A_995, %sub3A_995 : vector<16xf32>
          %mul3A_1005 = arith.mulf %sub3A_996, %sub3A_996 : vector<16xf32>
          %add3A_1006 = arith.addf %mul3A_1004, %mul3A_1005 : vector<16xf32>
          %add3A_1007 = arith.addf %add3A_1003, %add3A_1006 : vector<16xf32>
          %mul3A_1008 = arith.mulf %sub3A_993, %sub3A_997 : vector<16xf32>
          %mul3A_1009 = arith.mulf %sub3A_994, %sub3A_998 : vector<16xf32>
          %add3A_1010 = arith.addf %mul3A_1008, %mul3A_1009 : vector<16xf32>
          %mul3A_1011 = arith.mulf %sub3A_995, %sub3A_999 : vector<16xf32>
          %mul3A_1012 = arith.mulf %sub3A_996, %sub3A_1000 : vector<16xf32>
          %add3A_1013 = arith.addf %mul3A_1011, %mul3A_1012 : vector<16xf32>
          %add3A_1014 = arith.addf %add3A_1010, %add3A_1013 : vector<16xf32>
          %mul3A_1015 = arith.mulf %sub3A_997, %sub3A_997 : vector<16xf32>
          %mul3A_1016 = arith.mulf %sub3A_998, %sub3A_998 : vector<16xf32>
          %add3A_1017 = arith.addf %mul3A_1015, %mul3A_1016 : vector<16xf32>
          %mul3A_1018 = arith.mulf %sub3A_999, %sub3A_999 : vector<16xf32>
          %mul3A_1019 = arith.mulf %sub3A_1000, %sub3A_1000 : vector<16xf32>
          %add3A_1020 = arith.addf %mul3A_1018, %mul3A_1019 : vector<16xf32>
          %add3A_1021 = arith.addf %add3A_1017, %add3A_1020 : vector<16xf32>
          %sub3A_1022 = arith.subf %select_n3A_986, %select_n3A_989 : vector<16xf32>
          %sub3A_1023 = arith.subf %select_n3A_992, %select_n3A_989 : vector<16xf32>
          %mul3A_1024 = arith.mulf %sub3A_1022, %sub3A_1022 : vector<16xf32>
          %sub3A_1025 = arith.subf %add3A_1007, %mul3A_1024 : vector<16xf32>
          %mul3A_1026 = arith.mulf %sub3A_1022, %sub3A_1023 : vector<16xf32>
          %sub3A_1027 = arith.subf %add3A_1014, %mul3A_1026 : vector<16xf32>
          %mul3A_1028 = arith.mulf %sub3A_1023, %sub3A_1023 : vector<16xf32>
          %sub3A_1029 = arith.subf %add3A_1021, %mul3A_1028 : vector<16xf32>
          %mul3A_1030 = arith.mulf %sub3A_1025, %sub3A_1029 : vector<16xf32>
          %mul3A_1031 = arith.mulf %sub3A_1027, %sub3A_1027 : vector<16xf32>
          %sub3A_1032 = arith.subf %mul3A_1030, %mul3A_1031 : vector<16xf32>
          %max3A_1033 = arith.constant 0.000000e+00 : f32
          %max3A_1034 = vector.broadcast %max3A_1033 : f32 to vector<16xf32>
          %max3A_1035 = arith.maximumf %sub3A_1032, %max3A_1034 : vector<16xf32>
          %bitcast3A_1036 = vector.bitcast %max3A_1035 : vector<16xf32> to vector<16xi32>
          %broadcast_in_dim3A_1037 = arith.constant 1597463007 : i32
          %broadcast_in_dim3A_1038 = vector.broadcast %broadcast_in_dim3A_1037 : i32 to vector<16xi32>
          %shift_right_logical3A_1039 = arith.constant 1 : i32
          %shift_right_logical3A_1040 = vector.broadcast %shift_right_logical3A_1039 : i32 to vector<16xi32>
          %shift_right_logical3A_1041 = arith.shrui %bitcast3A_1036, %shift_right_logical3A_1040 : vector<16xi32>
          %sub3A_1042 = arith.subi %broadcast_in_dim3A_1038, %shift_right_logical3A_1041 : vector<16xi32>
          %bitcast3A_1043 = vector.bitcast %sub3A_1042 : vector<16xi32> to vector<16xf32>
          %mul3A_1044 = arith.constant 5.000000e-01 : f32
          %mul3A_1045 = vector.broadcast %mul3A_1044 : f32 to vector<16xf32>
          %mul3A_1046 = arith.mulf %max3A_1035, %mul3A_1045 : vector<16xf32>
          %mul3A_1047 = arith.mulf %mul3A_1046, %bitcast3A_1043 : vector<16xf32>
          %mul3A_1048 = arith.mulf %mul3A_1047, %bitcast3A_1043 : vector<16xf32>
          %sub3A_1049 = arith.constant 1.500000e+00 : f32
          %sub3A_1050 = vector.broadcast %sub3A_1049 : f32 to vector<16xf32>
          %sub3A_1051 = arith.subf %sub3A_1050, %mul3A_1048 : vector<16xf32>
          %mul3A_1052 = arith.mulf %bitcast3A_1043, %sub3A_1051 : vector<16xf32>
          %mul3A_1053 = arith.mulf %mul3A_1046, %mul3A_1052 : vector<16xf32>
          %mul3A_1054 = arith.mulf %mul3A_1053, %mul3A_1052 : vector<16xf32>
          %sub3A_1055 = arith.constant 1.500000e+00 : f32
          %sub3A_1056 = vector.broadcast %sub3A_1055 : f32 to vector<16xf32>
          %sub3A_1057 = arith.subf %sub3A_1056, %mul3A_1054 : vector<16xf32>
          %mul3A_1058 = arith.mulf %mul3A_1052, %sub3A_1057 : vector<16xf32>
          %mul3A_1059 = arith.mulf %mul3A_1046, %mul3A_1058 : vector<16xf32>
          %mul3A_1060 = arith.mulf %mul3A_1059, %mul3A_1058 : vector<16xf32>
          %sub3A_1061 = arith.constant 1.500000e+00 : f32
          %sub3A_1062 = vector.broadcast %sub3A_1061 : f32 to vector<16xf32>
          %sub3A_1063 = arith.subf %sub3A_1062, %mul3A_1060 : vector<16xf32>
          %mul3A_1064 = arith.mulf %mul3A_1058, %sub3A_1063 : vector<16xf32>
          %gt3A_1065 = arith.constant 0.000000e+00 : f32
          %gt3A_1066 = vector.broadcast %gt3A_1065 : f32 to vector<16xf32>
          %gt3A_1067 = arith.cmpf ogt, %max3A_1035, %gt3A_1066 : vector<16xf32>
          %mul3A_1068 = arith.mulf %max3A_1035, %mul3A_1064 : vector<16xf32>
          %jit3A_1069 = arith.constant 0.000000e+00 : f32
          %broadcast_in_dim3A_1070 = vector.broadcast %jit3A_1069 : f32 to vector<16xf32>
          %select_n3A_1071 = arith.select %gt3A_1067, %mul3A_1068, %broadcast_in_dim3A_1070 : vector<16xi1>, vector<16xf32>
          %abs3A_1072 = math.absf %sub3A_1027 : vector<16xf32>
          %max3A_1073 = arith.maximumf %select_n3A_1071, %abs3A_1072 : vector<16xf32>
          %min3A_1074 = arith.minimumf %select_n3A_1071, %abs3A_1072 : vector<16xf32>
          %gt3A_1075 = arith.constant 0.000000e+00 : f32
          %gt3A_1076 = vector.broadcast %gt3A_1075 : f32 to vector<16xf32>
          %gt3A_1077 = arith.cmpf ogt, %max3A_1073, %gt3A_1076 : vector<16xf32>
          %jit3A_1078 = arith.constant 1.000000e+00 : f32
          %broadcast_in_dim3A_1079 = vector.broadcast %jit3A_1078 : f32 to vector<16xf32>
          %select_n3A_1080 = arith.select %gt3A_1077, %max3A_1073, %broadcast_in_dim3A_1079 : vector<16xi1>, vector<16xf32>
          %div3A_1081 = arith.divf %min3A_1074, %select_n3A_1080 : vector<16xf32>
          %mul3A_1082 = arith.mulf %div3A_1081, %div3A_1081 : vector<16xf32>
          %broadcast_in_dim3A_1083 = arith.constant -4.831170e-03 : f32
          %broadcast_in_dim3A_1084 = vector.broadcast %broadcast_in_dim3A_1083 : f32 to vector<16xf32>
          %mul3A_1085 = arith.mulf %broadcast_in_dim3A_1084, %mul3A_1082 : vector<16xf32>
          %add3A_1086 = arith.constant 0.0247567799 : f32
          %add3A_1087 = vector.broadcast %add3A_1086 : f32 to vector<16xf32>
          %add3A_1088 = arith.addf %mul3A_1085, %add3A_1087 : vector<16xf32>
          %mul3A_1089 = arith.mulf %add3A_1088, %mul3A_1082 : vector<16xf32>
          %add3A_1090 = arith.constant -0.0602191314 : f32
          %add3A_1091 = vector.broadcast %add3A_1090 : f32 to vector<16xf32>
          %add3A_1092 = arith.addf %mul3A_1089, %add3A_1091 : vector<16xf32>
          %mul3A_1093 = arith.mulf %add3A_1092, %mul3A_1082 : vector<16xf32>
          %add3A_1094 = arith.constant 0.099679239 : f32
          %add3A_1095 = vector.broadcast %add3A_1094 : f32 to vector<16xf32>
          %add3A_1096 = arith.addf %mul3A_1093, %add3A_1095 : vector<16xf32>
          %mul3A_1097 = arith.mulf %add3A_1096, %mul3A_1082 : vector<16xf32>
          %add3A_1098 = arith.constant -0.140401393 : f32
          %add3A_1099 = vector.broadcast %add3A_1098 : f32 to vector<16xf32>
          %add3A_1100 = arith.addf %mul3A_1097, %add3A_1099 : vector<16xf32>
          %mul3A_1101 = arith.mulf %add3A_1100, %mul3A_1082 : vector<16xf32>
          %add3A_1102 = arith.constant 0.199736819 : f32
          %add3A_1103 = vector.broadcast %add3A_1102 : f32 to vector<16xf32>
          %add3A_1104 = arith.addf %mul3A_1101, %add3A_1103 : vector<16xf32>
          %mul3A_1105 = arith.mulf %add3A_1104, %mul3A_1082 : vector<16xf32>
          %add3A_1106 = arith.constant -0.333323032 : f32
          %add3A_1107 = vector.broadcast %add3A_1106 : f32 to vector<16xf32>
          %add3A_1108 = arith.addf %mul3A_1105, %add3A_1107 : vector<16xf32>
          %mul3A_1109 = arith.mulf %add3A_1108, %mul3A_1082 : vector<16xf32>
          %add3A_1110 = arith.constant 0.99999994 : f32
          %add3A_1111 = vector.broadcast %add3A_1110 : f32 to vector<16xf32>
          %add3A_1112 = arith.addf %mul3A_1109, %add3A_1111 : vector<16xf32>
          %mul3A_1113 = arith.mulf %add3A_1112, %div3A_1081 : vector<16xf32>
          %gt3A_1114 = arith.cmpf ogt, %select_n3A_1071, %abs3A_1072 : vector<16xf32>
          %sub3A_1115 = arith.constant 1.57079637 : f32
          %sub3A_1116 = vector.broadcast %sub3A_1115 : f32 to vector<16xf32>
          %sub3A_1117 = arith.subf %sub3A_1116, %mul3A_1113 : vector<16xf32>
          %select_n3A_1118 = arith.select %gt3A_1114, %sub3A_1117, %mul3A_1113 : vector<16xi1>, vector<16xf32>
          %lt3A_1119 = arith.constant 0.000000e+00 : f32
          %lt3A_1120 = vector.broadcast %lt3A_1119 : f32 to vector<16xf32>
          %lt3A_1121 = arith.cmpf olt, %sub3A_1027, %lt3A_1120 : vector<16xf32>
          %sub3A_1122 = arith.constant 3.14159274 : f32
          %sub3A_1123 = vector.broadcast %sub3A_1122 : f32 to vector<16xf32>
          %sub3A_1124 = arith.subf %sub3A_1123, %select_n3A_1118 : vector<16xf32>
          %select_n3A_1125 = arith.select %lt3A_1121, %sub3A_1124, %select_n3A_1118 : vector<16xi1>, vector<16xf32>
          %mul3A_1126 = arith.constant 2.000000e+01 : f32
          %mul3A_1127 = vector.broadcast %mul3A_1126 : f32 to vector<16xf32>
          %mul3A_1128 = arith.mulf %select_n3A_986, %mul3A_1127 : vector<16xf32>
          %add3A_1129 = arith.addf %mul3A_1128, %select_n3A_989 : vector<16xf32>
          %mul3A_1130 = arith.constant 2.000000e+01 : f32
          %mul3A_1131 = vector.broadcast %mul3A_1130 : f32 to vector<16xf32>
          %mul3A_1132 = arith.mulf %add3A_1129, %mul3A_1131 : vector<16xf32>
          %add3A_1133 = arith.addf %mul3A_1132, %select_n3A_992 : vector<16xf32>
          %convert_element_type3A_1134 = arith.fptosi %add3A_1133 : vector<16xf32> to vector<16xi32>
          %broadcast_in_dim3A_1135 = arith.constant 0 : i32
          %broadcast_in_dim3A_1136 = vector.broadcast %broadcast_in_dim3A_1135 : i32 to vector<16xi32>
          %gather3A_1137 = tpu.vector_load_idx %arg9[%broadcast_in_dim3A_1136, %convert_element_type3A_1134] : memref<7x8000xf32, #tpu.memory_space<vmem>>[vector<16xi32>, vector<16xi32>], vector<16xf32>,
          %broadcast_in_dim3A_1138 = arith.constant 1 : i32
          %broadcast_in_dim3A_1139 = vector.broadcast %broadcast_in_dim3A_1138 : i32 to vector<16xi32>
          %gather3A_1140 = tpu.vector_load_idx %arg9[%broadcast_in_dim3A_1139, %convert_element_type3A_1134] : memref<7x8000xf32, #tpu.memory_space<vmem>>[vector<16xi32>, vector<16xi32>], vector<16xf32>,
          %broadcast_in_dim3A_1141 = arith.constant 2 : i32
          %broadcast_in_dim3A_1142 = vector.broadcast %broadcast_in_dim3A_1141 : i32 to vector<16xi32>
          %gather3A_1143 = tpu.vector_load_idx %arg9[%broadcast_in_dim3A_1142, %convert_element_type3A_1134] : memref<7x8000xf32, #tpu.memory_space<vmem>>[vector<16xi32>, vector<16xi32>], vector<16xf32>,
          %broadcast_in_dim3A_1144 = arith.constant 3 : i32
          %broadcast_in_dim3A_1145 = vector.broadcast %broadcast_in_dim3A_1144 : i32 to vector<16xi32>
          %gather3A_1146 = tpu.vector_load_idx %arg9[%broadcast_in_dim3A_1145, %convert_element_type3A_1134] : memref<7x8000xf32, #tpu.memory_space<vmem>>[vector<16xi32>, vector<16xi32>], vector<16xf32>,
          %broadcast_in_dim3A_1147 = arith.constant 4 : i32
          %broadcast_in_dim3A_1148 = vector.broadcast %broadcast_in_dim3A_1147 : i32 to vector<16xi32>
          %gather3A_1149 = tpu.vector_load_idx %arg9[%broadcast_in_dim3A_1148, %convert_element_type3A_1134] : memref<7x8000xf32, #tpu.memory_space<vmem>>[vector<16xi32>, vector<16xi32>], vector<16xf32>,
          %broadcast_in_dim3A_1150 = arith.constant 5 : i32
          %broadcast_in_dim3A_1151 = vector.broadcast %broadcast_in_dim3A_1150 : i32 to vector<16xi32>
          %gather3A_1152 = tpu.vector_load_idx %arg9[%broadcast_in_dim3A_1151, %convert_element_type3A_1134] : memref<7x8000xf32, #tpu.memory_space<vmem>>[vector<16xi32>, vector<16xi32>], vector<16xf32>,
          %broadcast_in_dim3A_1153 = arith.constant 6 : i32
          %broadcast_in_dim3A_1154 = vector.broadcast %broadcast_in_dim3A_1153 : i32 to vector<16xi32>
          %gather3A_1155 = tpu.vector_load_idx %arg9[%broadcast_in_dim3A_1154, %convert_element_type3A_1134] : memref<7x8000xf32, #tpu.memory_space<vmem>>[vector<16xi32>, vector<16xi32>], vector<16xf32>,
          %sub3A_1156 = arith.subf %select_n3A_1125, %gather3A_1146 : vector<16xf32>
          %sub3A_1157 = arith.subf %select_n3A_1125, %gather3A_1149 : vector<16xf32>
          %sub3A_1158 = arith.subf %select_n3A_1125, %gather3A_1152 : vector<16xf32>
          %mul3A_1159 = arith.mulf %sub3A_1158, %sub3A_1158 : vector<16xf32>
          %mul3A_1160 = arith.mulf %sub3A_1156, %sub3A_1156 : vector<16xf32>
          %mul3A_1161 = arith.mulf %gather3A_1137, %mul3A_1160 : vector<16xf32>
          %add3A_1162 = arith.addf %gather3A_1155, %mul3A_1161 : vector<16xf32>
          %mul3A_1163 = arith.mulf %sub3A_1157, %sub3A_1157 : vector<16xf32>
          %mul3A_1164 = arith.mulf %mul3A_1163, %sub3A_1157 : vector<16xf32>
          %mul3A_1165 = arith.mulf %gather3A_1140, %mul3A_1164 : vector<16xf32>
          %add3A_1166 = arith.addf %add3A_1162, %mul3A_1165 : vector<16xf32>
          %mul3A_1167 = arith.mulf %mul3A_1159, %mul3A_1159 : vector<16xf32>
          %mul3A_1168 = arith.mulf %gather3A_1143, %mul3A_1167 : vector<16xf32>
          %add3A_1169 = arith.addf %add3A_1166, %mul3A_1168 : vector<16xf32>
          %add3A_1170 = arith.constant 0 : i32
          %add3A_1171 = vector.broadcast %add3A_1170 : i32 to vector<16xi32>
          %add3A_1172 = arith.addi %iota3A, %add3A_1171 : vector<16xi32>
          tpu.vector_store_idx %arg10[%get3A_177, %add3A_1172], %add3A_425 {add = true} : memref<128x80xf32, #tpu.memory_space<vmem>>[vector<16xi32>, vector<16xi32>], vector<16xf32>,
          %add3A_1173 = arith.constant 16 : i32
          %add3A_1174 = vector.broadcast %add3A_1173 : i32 to vector<16xi32>
          %add3A_1175 = arith.addi %iota3A, %add3A_1174 : vector<16xi32>
          tpu.vector_store_idx %arg10[%get3A_195, %add3A_1175], %add3A_611 {add = true} : memref<128x80xf32, #tpu.memory_space<vmem>>[vector<16xi32>, vector<16xi32>], vector<16xf32>,
          %add3A_1176 = arith.constant 32 : i32
          %add3A_1177 = vector.broadcast %add3A_1176 : i32 to vector<16xi32>
          %add3A_1178 = arith.addi %iota3A, %add3A_1177 : vector<16xi32>
          tpu.vector_store_idx %arg10[%get3A_213, %add3A_1178], %add3A_797 {add = true} : memref<128x80xf32, #tpu.memory_space<vmem>>[vector<16xi32>, vector<16xi32>], vector<16xf32>,
          %add3A_1179 = arith.constant 48 : i32
          %add3A_1180 = vector.broadcast %add3A_1179 : i32 to vector<16xi32>
          %add3A_1181 = arith.addi %iota3A, %add3A_1180 : vector<16xi32>
          tpu.vector_store_idx %arg10[%get3A_231, %add3A_1181], %add3A_983 {add = true} : memref<128x80xf32, #tpu.memory_space<vmem>>[vector<16xi32>, vector<16xi32>], vector<16xf32>,
          %add3A_1182 = arith.constant 64 : i32
          %add3A_1183 = vector.broadcast %add3A_1182 : i32 to vector<16xi32>
          %add3A_1184 = arith.addi %iota3A, %add3A_1183 : vector<16xi32>
          tpu.vector_store_idx %arg10[%get3A_249, %add3A_1184], %add3A_1169 {add = true} : memref<128x80xf32, #tpu.memory_space<vmem>>[vector<16xi32>, vector<16xi32>], vector<16xf32>,
        }
        %scan3A_119 = arith.constant 5 : i32
      } else {
      }
      %add3A_97 = arith.constant 1 : i32
      %add3A_98 = arith.addi %add3A_71, %add3A_97 : i32
      %lt3A_99 = arith.constant 250 : i32
      %lt3A_100 = arith.cmpi slt, %add3A_98, %lt3A_99 : i32
      %convert_element_type3A_101 = arith.extui %lt3A_100 : i1 to i32
      %cond3A_102 = arith.constant 0 : i32
      %cond3A_103 = arith.cmpi ne, %convert_element_type3A_101, %cond3A_102 : i32
      scf.if %cond3A_103 {
        %add3A_104 = arith.constant 1 : i32
        %add3A_105 = arith.addi %add3A_71, %add3A_104 : i32
        %mul3A_106 = arith.constant 400 : i32
        %mul3A_107 = arith.muli %add3A_105, %mul3A_106 : i32
        %add3A_108 = arith.addi %mul3A_7, %mul3A_107 : i32
        %dma_start3A_109 = tpu.memref_slice %arg3[%add3A_108] : memref<3200000xi32, #tpu.memory_space<hbm>> -> memref<400xi32, #tpu.memory_space<hbm>>
        %dma_start3A_110 = tpu.memref_slice %arg3[%add3A_108] : memref<3200000xi32, #tpu.memory_space<hbm>> -> memref<400xi32, #tpu.memory_space<hbm>>
        tpu.enqueue_dma source(%dma_start3A_110 : memref<400xi32, #tpu.memory_space<hbm>>) target(%arg11 : memref<400xi32, #tpu.memory_space<vmem>>) target_semaphore(%arg25 : memref<!tpu.dma_semaphore, #tpu.memory_space<semaphore_mem>>)
        %dma_start3A_111 = tpu.memref_slice %arg4[%add3A_108] : memref<3200000xi32, #tpu.memory_space<hbm>> -> memref<400xi32, #tpu.memory_space<hbm>>
        %dma_start3A_112 = tpu.memref_slice %arg4[%add3A_108] : memref<3200000xi32, #tpu.memory_space<hbm>> -> memref<400xi32, #tpu.memory_space<hbm>>
        tpu.enqueue_dma source(%dma_start3A_112 : memref<400xi32, #tpu.memory_space<hbm>>) target(%arg12 : memref<400xi32, #tpu.memory_space<vmem>>) target_semaphore(%arg25 : memref<!tpu.dma_semaphore, #tpu.memory_space<semaphore_mem>>)
        %dma_start3A_113 = tpu.memref_slice %arg5[%add3A_108] : memref<3200000xi32, #tpu.memory_space<hbm>> -> memref<400xi32, #tpu.memory_space<hbm>>
        %dma_start3A_114 = tpu.memref_slice %arg5[%add3A_108] : memref<3200000xi32, #tpu.memory_space<hbm>> -> memref<400xi32, #tpu.memory_space<hbm>>
        tpu.enqueue_dma source(%dma_start3A_114 : memref<400xi32, #tpu.memory_space<hbm>>) target(%arg13 : memref<400xi32, #tpu.memory_space<vmem>>) target_semaphore(%arg25 : memref<!tpu.dma_semaphore, #tpu.memory_space<semaphore_mem>>)
      } else {
      }
    }
    %scan3A_19 = arith.constant 125 : i32
    %dma_wait3A = arith.constant 0 : i32
    %dma_wait3A_20 = arith.constant 0 : i32
    %dma_wait3A_21 = tpu.memref_slice %arg2[%dma_wait3A, %dma_wait3A_20] : memref<100000x16xf32, #tpu.memory_space<hbm>> -> memref<100000x16xf32, #tpu.memory_space<hbm>>
    tpu.wait_indirect_dma semaphore(%arg28 : memref<!tpu.dma_semaphore, #tpu.memory_space<semaphore_mem>>) src(%dma_wait3A_21 : memref<100000x16xf32, #tpu.memory_space<hbm>>) dst(%arg22 : memref<400x16xf32, #tpu.memory_space<vmem>>)
    %dma_wait3A_22 = arith.constant 0 : i32
    %dma_wait3A_23 = arith.constant 0 : i32
    %dma_wait3A_24 = tpu.memref_slice %arg2[%dma_wait3A_22, %dma_wait3A_23] : memref<100000x16xf32, #tpu.memory_space<hbm>> -> memref<100000x16xf32, #tpu.memory_space<hbm>>
    tpu.wait_indirect_dma semaphore(%arg28 : memref<!tpu.dma_semaphore, #tpu.memory_space<semaphore_mem>>) src(%dma_wait3A_24 : memref<100000x16xf32, #tpu.memory_space<hbm>>) dst(%arg23 : memref<400x16xf32, #tpu.memory_space<vmem>>)
    %dma_wait3A_25 = arith.constant 0 : i32
    %dma_wait3A_26 = arith.constant 0 : i32
    %dma_wait3A_27 = tpu.memref_slice %arg2[%dma_wait3A_25, %dma_wait3A_26] : memref<100000x16xf32, #tpu.memory_space<hbm>> -> memref<100000x16xf32, #tpu.memory_space<hbm>>
    tpu.wait_indirect_dma semaphore(%arg28 : memref<!tpu.dma_semaphore, #tpu.memory_space<semaphore_mem>>) src(%dma_wait3A_27 : memref<100000x16xf32, #tpu.memory_space<hbm>>) dst(%arg24 : memref<400x16xf32, #tpu.memory_space<vmem>>)
    %dma_wait3A_28 = tpu.memref_slice %arg6[%mul3A_7] : memref<3200000xi32, #tpu.memory_space<hbm>> -> memref<400xi32, #tpu.memory_space<hbm>>
    %dma_wait3A_29 = tpu.memref_slice %arg6[%mul3A_7] : memref<3200000xi32, #tpu.memory_space<hbm>> -> memref<400xi32, #tpu.memory_space<hbm>>
    tpu.wait_dma2 semaphore(%arg28 : memref<!tpu.dma_semaphore, #tpu.memory_space<semaphore_mem>>) src(%dma_wait3A_29 : memref<400xi32, #tpu.memory_space<hbm>>) dst(%arg18 : memref<400xi32, #tpu.memory_space<vmem>>)
    %scan3A_30 = arith.constant 0 : i32
    %scan3A_31 = arith.constant 5 : i32
    %scan3A_32 = arith.addi %scan3A_30, %scan3A_31 : i32
    %scan3A_33 = arith.constant 1 : i32
    scf.for %scan3A_35 = %scan3A_30 to %scan3A_32 step %scan3A_33  : i32 {
      %mul3A_36 = arith.constant 80 : i32
      %mul3A_37 = arith.muli %scan3A_35, %mul3A_36 : i32
      %add3A_38 = arith.constant 0 : i32
      %add3A_39 = arith.addi %add3A_38, %mul3A_37 : i32
      %iota3A = tpu.iota {dimensions = array<i32: 0>} : vector<16xi32>
      %and3A = arith.constant 3 : i32
      %and3A_40 = vector.broadcast %and3A : i32 to vector<16xi32>
      %and3A_41 = arith.andi %iota3A, %and3A_40 : vector<16xi32>
      %add3A_42 = arith.constant 0 : i32
      %add3A_43 = vector.broadcast %add3A_42 : i32 to vector<16xi32>
      %add3A_44 = arith.addi %iota3A, %add3A_43 : vector<16xi32>
      %and3A_45 = arith.constant 3 : i32
      %and3A_46 = vector.broadcast %and3A_45 : i32 to vector<16xi32>
      %and3A_47 = arith.andi %add3A_44, %and3A_46 : vector<16xi32>
      %add3A_48 = arith.constant 1 : i32
      %add3A_49 = vector.broadcast %add3A_48 : i32 to vector<16xi32>
      %add3A_50 = arith.addi %iota3A, %add3A_49 : vector<16xi32>
      %and3A_51 = arith.constant 3 : i32
      %and3A_52 = vector.broadcast %and3A_51 : i32 to vector<16xi32>
      %and3A_53 = arith.andi %add3A_50, %and3A_52 : vector<16xi32>
      %add3A_54 = arith.constant 2 : i32
      %add3A_55 = vector.broadcast %add3A_54 : i32 to vector<16xi32>
      %add3A_56 = arith.addi %iota3A, %add3A_55 : vector<16xi32>
      %and3A_57 = arith.constant 3 : i32
      %and3A_58 = vector.broadcast %and3A_57 : i32 to vector<16xi32>
      %and3A_59 = arith.andi %add3A_56, %and3A_58 : vector<16xi32>
      %add3A_60 = arith.constant 3 : i32
      %add3A_61 = vector.broadcast %add3A_60 : i32 to vector<16xi32>
      %add3A_62 = arith.addi %iota3A, %add3A_61 : vector<16xi32>
      %and3A_63 = arith.constant 3 : i32
      %and3A_64 = vector.broadcast %and3A_63 : i32 to vector<16xi32>
      %and3A_65 = arith.andi %add3A_62, %and3A_64 : vector<16xi32>
      %eq3A = arith.constant 0 : i32
      %eq3A_66 = vector.broadcast %eq3A : i32 to vector<16xi32>
      %eq3A_67 = arith.cmpi eq, %and3A_41, %eq3A_66 : vector<16xi32>
      %eq3A_68 = arith.constant 1 : i32
      %eq3A_69 = vector.broadcast %eq3A_68 : i32 to vector<16xi32>
      %eq3A_70 = arith.cmpi eq, %and3A_41, %eq3A_69 : vector<16xi32>
      %eq3A_71 = arith.constant 2 : i32
      %eq3A_72 = vector.broadcast %eq3A_71 : i32 to vector<16xi32>
      %eq3A_73 = arith.cmpi eq, %and3A_41, %eq3A_72 : vector<16xi32>
      %eq3A_74 = arith.constant 3 : i32
      %eq3A_75 = vector.broadcast %eq3A_74 : i32 to vector<16xi32>
      %eq3A_76 = arith.cmpi eq, %and3A_41, %eq3A_75 : vector<16xi32>
      %add3A_77 = arith.constant 0 : i32
      %add3A_78 = arith.addi %add3A_39, %add3A_77 : i32
      %add3A_79 = vector.broadcast %add3A_78 : i32 to vector<16xi32>
      %add3A_80 = arith.addi %add3A_79, %iota3A : vector<16xi32>
      %gather3A = tpu.vector_load_idx %arg22[%add3A_80, %and3A_47] : memref<400x16xf32, #tpu.memory_space<vmem>>[vector<16xi32>, vector<16xi32>], vector<16xf32>,
      %gather3A_81 = tpu.vector_load_idx %arg22[%add3A_80, %and3A_53] : memref<400x16xf32, #tpu.memory_space<vmem>>[vector<16xi32>, vector<16xi32>], vector<16xf32>,
      %gather3A_82 = tpu.vector_load_idx %arg22[%add3A_80, %and3A_59] : memref<400x16xf32, #tpu.memory_space<vmem>>[vector<16xi32>, vector<16xi32>], vector<16xf32>,
      %gather3A_83 = tpu.vector_load_idx %arg22[%add3A_80, %and3A_65] : memref<400x16xf32, #tpu.memory_space<vmem>>[vector<16xi32>, vector<16xi32>], vector<16xf32>,
      %gather3A_84 = tpu.vector_load_idx %arg23[%add3A_80, %and3A_47] : memref<400x16xf32, #tpu.memory_space<vmem>>[vector<16xi32>, vector<16xi32>], vector<16xf32>,
      %gather3A_85 = tpu.vector_load_idx %arg23[%add3A_80, %and3A_53] : memref<400x16xf32, #tpu.memory_space<vmem>>[vector<16xi32>, vector<16xi32>], vector<16xf32>,
      %gather3A_86 = tpu.vector_load_idx %arg23[%add3A_80, %and3A_59] : memref<400x16xf32, #tpu.memory_space<vmem>>[vector<16xi32>, vector<16xi32>], vector<16xf32>,
      %gather3A_87 = tpu.vector_load_idx %arg23[%add3A_80, %and3A_65] : memref<400x16xf32, #tpu.memory_space<vmem>>[vector<16xi32>, vector<16xi32>], vector<16xf32>,
      %gather3A_88 = tpu.vector_load_idx %arg24[%add3A_80, %and3A_47] : memref<400x16xf32, #tpu.memory_space<vmem>>[vector<16xi32>, vector<16xi32>], vector<16xf32>,
      %gather3A_89 = tpu.vector_load_idx %arg24[%add3A_80, %and3A_53] : memref<400x16xf32, #tpu.memory_space<vmem>>[vector<16xi32>, vector<16xi32>], vector<16xf32>,
      %gather3A_90 = tpu.vector_load_idx %arg24[%add3A_80, %and3A_59] : memref<400x16xf32, #tpu.memory_space<vmem>>[vector<16xi32>, vector<16xi32>], vector<16xf32>,
      %gather3A_91 = tpu.vector_load_idx %arg24[%add3A_80, %and3A_65] : memref<400x16xf32, #tpu.memory_space<vmem>>[vector<16xi32>, vector<16xi32>], vector<16xf32>,
      %get3A = arith.index_cast %add3A_78 : i32 to index
      %get3A_92 = tpu.vector_load %arg18[%get3A] {strides = array<i32>} : memref<400xi32, #tpu.memory_space<vmem>>, vector<16xi32>,
      %add3A_93 = arith.constant 16 : i32
      %add3A_94 = arith.addi %add3A_39, %add3A_93 : i32
      %add3A_95 = vector.broadcast %add3A_94 : i32 to vector<16xi32>
      %add3A_96 = arith.addi %add3A_95, %iota3A : vector<16xi32>
      %gather3A_97 = tpu.vector_load_idx %arg22[%add3A_96, %and3A_47] : memref<400x16xf32, #tpu.memory_space<vmem>>[vector<16xi32>, vector<16xi32>], vector<16xf32>,
      %gather3A_98 = tpu.vector_load_idx %arg22[%add3A_96, %and3A_53] : memref<400x16xf32, #tpu.memory_space<vmem>>[vector<16xi32>, vector<16xi32>], vector<16xf32>,
      %gather3A_99 = tpu.vector_load_idx %arg22[%add3A_96, %and3A_59] : memref<400x16xf32, #tpu.memory_space<vmem>>[vector<16xi32>, vector<16xi32>], vector<16xf32>,
      %gather3A_100 = tpu.vector_load_idx %arg22[%add3A_96, %and3A_65] : memref<400x16xf32, #tpu.memory_space<vmem>>[vector<16xi32>, vector<16xi32>], vector<16xf32>,
      %gather3A_101 = tpu.vector_load_idx %arg23[%add3A_96, %and3A_47] : memref<400x16xf32, #tpu.memory_space<vmem>>[vector<16xi32>, vector<16xi32>], vector<16xf32>,
      %gather3A_102 = tpu.vector_load_idx %arg23[%add3A_96, %and3A_53] : memref<400x16xf32, #tpu.memory_space<vmem>>[vector<16xi32>, vector<16xi32>], vector<16xf32>,
      %gather3A_103 = tpu.vector_load_idx %arg23[%add3A_96, %and3A_59] : memref<400x16xf32, #tpu.memory_space<vmem>>[vector<16xi32>, vector<16xi32>], vector<16xf32>,
      %gather3A_104 = tpu.vector_load_idx %arg23[%add3A_96, %and3A_65] : memref<400x16xf32, #tpu.memory_space<vmem>>[vector<16xi32>, vector<16xi32>], vector<16xf32>,
      %gather3A_105 = tpu.vector_load_idx %arg24[%add3A_96, %and3A_47] : memref<400x16xf32, #tpu.memory_space<vmem>>[vector<16xi32>, vector<16xi32>], vector<16xf32>,
      %gather3A_106 = tpu.vector_load_idx %arg24[%add3A_96, %and3A_53] : memref<400x16xf32, #tpu.memory_space<vmem>>[vector<16xi32>, vector<16xi32>], vector<16xf32>,
      %gather3A_107 = tpu.vector_load_idx %arg24[%add3A_96, %and3A_59] : memref<400x16xf32, #tpu.memory_space<vmem>>[vector<16xi32>, vector<16xi32>], vector<16xf32>,
      %gather3A_108 = tpu.vector_load_idx %arg24[%add3A_96, %and3A_65] : memref<400x16xf32, #tpu.memory_space<vmem>>[vector<16xi32>, vector<16xi32>], vector<16xf32>,
      %get3A_109 = arith.index_cast %add3A_94 : i32 to index
      %get3A_110 = tpu.vector_load %arg18[%get3A_109] {strides = array<i32>} : memref<400xi32, #tpu.memory_space<vmem>>, vector<16xi32>,
      %add3A_111 = arith.constant 32 : i32
      %add3A_112 = arith.addi %add3A_39, %add3A_111 : i32
      %add3A_113 = vector.broadcast %add3A_112 : i32 to vector<16xi32>
      %add3A_114 = arith.addi %add3A_113, %iota3A : vector<16xi32>
      %gather3A_115 = tpu.vector_load_idx %arg22[%add3A_114, %and3A_47] : memref<400x16xf32, #tpu.memory_space<vmem>>[vector<16xi32>, vector<16xi32>], vector<16xf32>,
      %gather3A_116 = tpu.vector_load_idx %arg22[%add3A_114, %and3A_53] : memref<400x16xf32, #tpu.memory_space<vmem>>[vector<16xi32>, vector<16xi32>], vector<16xf32>,
      %gather3A_117 = tpu.vector_load_idx %arg22[%add3A_114, %and3A_59] : memref<400x16xf32, #tpu.memory_space<vmem>>[vector<16xi32>, vector<16xi32>], vector<16xf32>,
      %gather3A_118 = tpu.vector_load_idx %arg22[%add3A_114, %and3A_65] : memref<400x16xf32, #tpu.memory_space<vmem>>[vector<16xi32>, vector<16xi32>], vector<16xf32>,
      %gather3A_119 = tpu.vector_load_idx %arg23[%add3A_114, %and3A_47] : memref<400x16xf32, #tpu.memory_space<vmem>>[vector<16xi32>, vector<16xi32>], vector<16xf32>,
      %gather3A_120 = tpu.vector_load_idx %arg23[%add3A_114, %and3A_53] : memref<400x16xf32, #tpu.memory_space<vmem>>[vector<16xi32>, vector<16xi32>], vector<16xf32>,
      %gather3A_121 = tpu.vector_load_idx %arg23[%add3A_114, %and3A_59] : memref<400x16xf32, #tpu.memory_space<vmem>>[vector<16xi32>, vector<16xi32>], vector<16xf32>,
      %gather3A_122 = tpu.vector_load_idx %arg23[%add3A_114, %and3A_65] : memref<400x16xf32, #tpu.memory_space<vmem>>[vector<16xi32>, vector<16xi32>], vector<16xf32>,
      %gather3A_123 = tpu.vector_load_idx %arg24[%add3A_114, %and3A_47] : memref<400x16xf32, #tpu.memory_space<vmem>>[vector<16xi32>, vector<16xi32>], vector<16xf32>,
      %gather3A_124 = tpu.vector_load_idx %arg24[%add3A_114, %and3A_53] : memref<400x16xf32, #tpu.memory_space<vmem>>[vector<16xi32>, vector<16xi32>], vector<16xf32>,
      %gather3A_125 = tpu.vector_load_idx %arg24[%add3A_114, %and3A_59] : memref<400x16xf32, #tpu.memory_space<vmem>>[vector<16xi32>, vector<16xi32>], vector<16xf32>,
      %gather3A_126 = tpu.vector_load_idx %arg24[%add3A_114, %and3A_65] : memref<400x16xf32, #tpu.memory_space<vmem>>[vector<16xi32>, vector<16xi32>], vector<16xf32>,
      %get3A_127 = arith.index_cast %add3A_112 : i32 to index
      %get3A_128 = tpu.vector_load %arg18[%get3A_127] {strides = array<i32>} : memref<400xi32, #tpu.memory_space<vmem>>, vector<16xi32>,
      %add3A_129 = arith.constant 48 : i32
      %add3A_130 = arith.addi %add3A_39, %add3A_129 : i32
      %add3A_131 = vector.broadcast %add3A_130 : i32 to vector<16xi32>
      %add3A_132 = arith.addi %add3A_131, %iota3A : vector<16xi32>
      %gather3A_133 = tpu.vector_load_idx %arg22[%add3A_132, %and3A_47] : memref<400x16xf32, #tpu.memory_space<vmem>>[vector<16xi32>, vector<16xi32>], vector<16xf32>,
      %gather3A_134 = tpu.vector_load_idx %arg22[%add3A_132, %and3A_53] : memref<400x16xf32, #tpu.memory_space<vmem>>[vector<16xi32>, vector<16xi32>], vector<16xf32>,
      %gather3A_135 = tpu.vector_load_idx %arg22[%add3A_132, %and3A_59] : memref<400x16xf32, #tpu.memory_space<vmem>>[vector<16xi32>, vector<16xi32>], vector<16xf32>,
      %gather3A_136 = tpu.vector_load_idx %arg22[%add3A_132, %and3A_65] : memref<400x16xf32, #tpu.memory_space<vmem>>[vector<16xi32>, vector<16xi32>], vector<16xf32>,
      %gather3A_137 = tpu.vector_load_idx %arg23[%add3A_132, %and3A_47] : memref<400x16xf32, #tpu.memory_space<vmem>>[vector<16xi32>, vector<16xi32>], vector<16xf32>,
      %gather3A_138 = tpu.vector_load_idx %arg23[%add3A_132, %and3A_53] : memref<400x16xf32, #tpu.memory_space<vmem>>[vector<16xi32>, vector<16xi32>], vector<16xf32>,
      %gather3A_139 = tpu.vector_load_idx %arg23[%add3A_132, %and3A_59] : memref<400x16xf32, #tpu.memory_space<vmem>>[vector<16xi32>, vector<16xi32>], vector<16xf32>,
      %gather3A_140 = tpu.vector_load_idx %arg23[%add3A_132, %and3A_65] : memref<400x16xf32, #tpu.memory_space<vmem>>[vector<16xi32>, vector<16xi32>], vector<16xf32>,
      %gather3A_141 = tpu.vector_load_idx %arg24[%add3A_132, %and3A_47] : memref<400x16xf32, #tpu.memory_space<vmem>>[vector<16xi32>, vector<16xi32>], vector<16xf32>,
      %gather3A_142 = tpu.vector_load_idx %arg24[%add3A_132, %and3A_53] : memref<400x16xf32, #tpu.memory_space<vmem>>[vector<16xi32>, vector<16xi32>], vector<16xf32>,
      %gather3A_143 = tpu.vector_load_idx %arg24[%add3A_132, %and3A_59] : memref<400x16xf32, #tpu.memory_space<vmem>>[vector<16xi32>, vector<16xi32>], vector<16xf32>,
      %gather3A_144 = tpu.vector_load_idx %arg24[%add3A_132, %and3A_65] : memref<400x16xf32, #tpu.memory_space<vmem>>[vector<16xi32>, vector<16xi32>], vector<16xf32>,
      %get3A_145 = arith.index_cast %add3A_130 : i32 to index
      %get3A_146 = tpu.vector_load %arg18[%get3A_145] {strides = array<i32>} : memref<400xi32, #tpu.memory_space<vmem>>, vector<16xi32>,
      %add3A_147 = arith.constant 64 : i32
      %add3A_148 = arith.addi %add3A_39, %add3A_147 : i32
      %add3A_149 = vector.broadcast %add3A_148 : i32 to vector<16xi32>
      %add3A_150 = arith.addi %add3A_149, %iota3A : vector<16xi32>
      %gather3A_151 = tpu.vector_load_idx %arg22[%add3A_150, %and3A_47] : memref<400x16xf32, #tpu.memory_space<vmem>>[vector<16xi32>, vector<16xi32>], vector<16xf32>,
      %gather3A_152 = tpu.vector_load_idx %arg22[%add3A_150, %and3A_53] : memref<400x16xf32, #tpu.memory_space<vmem>>[vector<16xi32>, vector<16xi32>], vector<16xf32>,
      %gather3A_153 = tpu.vector_load_idx %arg22[%add3A_150, %and3A_59] : memref<400x16xf32, #tpu.memory_space<vmem>>[vector<16xi32>, vector<16xi32>], vector<16xf32>,
      %gather3A_154 = tpu.vector_load_idx %arg22[%add3A_150, %and3A_65] : memref<400x16xf32, #tpu.memory_space<vmem>>[vector<16xi32>, vector<16xi32>], vector<16xf32>,
      %gather3A_155 = tpu.vector_load_idx %arg23[%add3A_150, %and3A_47] : memref<400x16xf32, #tpu.memory_space<vmem>>[vector<16xi32>, vector<16xi32>], vector<16xf32>,
      %gather3A_156 = tpu.vector_load_idx %arg23[%add3A_150, %and3A_53] : memref<400x16xf32, #tpu.memory_space<vmem>>[vector<16xi32>, vector<16xi32>], vector<16xf32>,
      %gather3A_157 = tpu.vector_load_idx %arg23[%add3A_150, %and3A_59] : memref<400x16xf32, #tpu.memory_space<vmem>>[vector<16xi32>, vector<16xi32>], vector<16xf32>,
      %gather3A_158 = tpu.vector_load_idx %arg23[%add3A_150, %and3A_65] : memref<400x16xf32, #tpu.memory_space<vmem>>[vector<16xi32>, vector<16xi32>], vector<16xf32>,
      %gather3A_159 = tpu.vector_load_idx %arg24[%add3A_150, %and3A_47] : memref<400x16xf32, #tpu.memory_space<vmem>>[vector<16xi32>, vector<16xi32>], vector<16xf32>,
      %gather3A_160 = tpu.vector_load_idx %arg24[%add3A_150, %and3A_53] : memref<400x16xf32, #tpu.memory_space<vmem>>[vector<16xi32>, vector<16xi32>], vector<16xf32>,
      %gather3A_161 = tpu.vector_load_idx %arg24[%add3A_150, %and3A_59] : memref<400x16xf32, #tpu.memory_space<vmem>>[vector<16xi32>, vector<16xi32>], vector<16xf32>,
      %gather3A_162 = tpu.vector_load_idx %arg24[%add3A_150, %and3A_65] : memref<400x16xf32, #tpu.memory_space<vmem>>[vector<16xi32>, vector<16xi32>], vector<16xf32>,
      %get3A_163 = arith.index_cast %add3A_148 : i32 to index
      %get3A_164 = tpu.vector_load %arg18[%get3A_163] {strides = array<i32>} : memref<400xi32, #tpu.memory_space<vmem>>, vector<16xi32>,
      %select_n3A = arith.select %eq3A_70, %gather3A_82, %gather3A_83 : vector<16xi1>, vector<16xf32>
      %select_n3A_165 = arith.select %eq3A_73, %gather3A_81, %select_n3A : vector<16xi1>, vector<16xf32>
      %select_n3A_166 = arith.select %eq3A_76, %gather3A, %select_n3A_165 : vector<16xi1>, vector<16xf32>
      %select_n3A_167 = arith.select %eq3A_70, %gather3A_86, %gather3A_87 : vector<16xi1>, vector<16xf32>
      %select_n3A_168 = arith.select %eq3A_73, %gather3A_85, %select_n3A_167 : vector<16xi1>, vector<16xf32>
      %select_n3A_169 = arith.select %eq3A_76, %gather3A_84, %select_n3A_168 : vector<16xi1>, vector<16xf32>
      %select_n3A_170 = arith.select %eq3A_70, %gather3A_90, %gather3A_91 : vector<16xi1>, vector<16xf32>
      %select_n3A_171 = arith.select %eq3A_73, %gather3A_89, %select_n3A_170 : vector<16xi1>, vector<16xf32>
      %select_n3A_172 = arith.select %eq3A_76, %gather3A_88, %select_n3A_171 : vector<16xi1>, vector<16xf32>
      %sub3A = arith.subf %gather3A, %gather3A_84 : vector<16xf32>
      %sub3A_173 = arith.subf %gather3A_81, %gather3A_85 : vector<16xf32>
      %sub3A_174 = arith.subf %gather3A_82, %gather3A_86 : vector<16xf32>
      %sub3A_175 = arith.subf %gather3A_83, %gather3A_87 : vector<16xf32>
      %sub3A_176 = arith.subf %gather3A_88, %gather3A_84 : vector<16xf32>
      %sub3A_177 = arith.subf %gather3A_89, %gather3A_85 : vector<16xf32>
      %sub3A_178 = arith.subf %gather3A_90, %gather3A_86 : vector<16xf32>
      %sub3A_179 = arith.subf %gather3A_91, %gather3A_87 : vector<16xf32>
      %mul3A_180 = arith.mulf %sub3A, %sub3A : vector<16xf32>
      %mul3A_181 = arith.mulf %sub3A_173, %sub3A_173 : vector<16xf32>
      %add3A_182 = arith.addf %mul3A_180, %mul3A_181 : vector<16xf32>
      %mul3A_183 = arith.mulf %sub3A_174, %sub3A_174 : vector<16xf32>
      %mul3A_184 = arith.mulf %sub3A_175, %sub3A_175 : vector<16xf32>
      %add3A_185 = arith.addf %mul3A_183, %mul3A_184 : vector<16xf32>
      %add3A_186 = arith.addf %add3A_182, %add3A_185 : vector<16xf32>
      %mul3A_187 = arith.mulf %sub3A, %sub3A_176 : vector<16xf32>
      %mul3A_188 = arith.mulf %sub3A_173, %sub3A_177 : vector<16xf32>
      %add3A_189 = arith.addf %mul3A_187, %mul3A_188 : vector<16xf32>
      %mul3A_190 = arith.mulf %sub3A_174, %sub3A_178 : vector<16xf32>
      %mul3A_191 = arith.mulf %sub3A_175, %sub3A_179 : vector<16xf32>
      %add3A_192 = arith.addf %mul3A_190, %mul3A_191 : vector<16xf32>
      %add3A_193 = arith.addf %add3A_189, %add3A_192 : vector<16xf32>
      %mul3A_194 = arith.mulf %sub3A_176, %sub3A_176 : vector<16xf32>
      %mul3A_195 = arith.mulf %sub3A_177, %sub3A_177 : vector<16xf32>
      %add3A_196 = arith.addf %mul3A_194, %mul3A_195 : vector<16xf32>
      %mul3A_197 = arith.mulf %sub3A_178, %sub3A_178 : vector<16xf32>
      %mul3A_198 = arith.mulf %sub3A_179, %sub3A_179 : vector<16xf32>
      %add3A_199 = arith.addf %mul3A_197, %mul3A_198 : vector<16xf32>
      %add3A_200 = arith.addf %add3A_196, %add3A_199 : vector<16xf32>
      %sub3A_201 = arith.subf %select_n3A_166, %select_n3A_169 : vector<16xf32>
      %sub3A_202 = arith.subf %select_n3A_172, %select_n3A_169 : vector<16xf32>
      %mul3A_203 = arith.mulf %sub3A_201, %sub3A_201 : vector<16xf32>
      %sub3A_204 = arith.subf %add3A_186, %mul3A_203 : vector<16xf32>
      %mul3A_205 = arith.mulf %sub3A_201, %sub3A_202 : vector<16xf32>
      %sub3A_206 = arith.subf %add3A_193, %mul3A_205 : vector<16xf32>
      %mul3A_207 = arith.mulf %sub3A_202, %sub3A_202 : vector<16xf32>
      %sub3A_208 = arith.subf %add3A_200, %mul3A_207 : vector<16xf32>
      %mul3A_209 = arith.mulf %sub3A_204, %sub3A_208 : vector<16xf32>
      %mul3A_210 = arith.mulf %sub3A_206, %sub3A_206 : vector<16xf32>
      %sub3A_211 = arith.subf %mul3A_209, %mul3A_210 : vector<16xf32>
      %max3A = arith.constant 0.000000e+00 : f32
      %max3A_212 = vector.broadcast %max3A : f32 to vector<16xf32>
      %max3A_213 = arith.maximumf %sub3A_211, %max3A_212 : vector<16xf32>
      %bitcast3A = vector.bitcast %max3A_213 : vector<16xf32> to vector<16xi32>
      %broadcast_in_dim3A_214 = arith.constant 1597463007 : i32
      %broadcast_in_dim3A_215 = vector.broadcast %broadcast_in_dim3A_214 : i32 to vector<16xi32>
      %shift_right_logical3A = arith.constant 1 : i32
      %shift_right_logical3A_216 = vector.broadcast %shift_right_logical3A : i32 to vector<16xi32>
      %shift_right_logical3A_217 = arith.shrui %bitcast3A, %shift_right_logical3A_216 : vector<16xi32>
      %sub3A_218 = arith.subi %broadcast_in_dim3A_215, %shift_right_logical3A_217 : vector<16xi32>
      %bitcast3A_219 = vector.bitcast %sub3A_218 : vector<16xi32> to vector<16xf32>
      %mul3A_220 = arith.constant 5.000000e-01 : f32
      %mul3A_221 = vector.broadcast %mul3A_220 : f32 to vector<16xf32>
      %mul3A_222 = arith.mulf %max3A_213, %mul3A_221 : vector<16xf32>
      %mul3A_223 = arith.mulf %mul3A_222, %bitcast3A_219 : vector<16xf32>
      %mul3A_224 = arith.mulf %mul3A_223, %bitcast3A_219 : vector<16xf32>
      %sub3A_225 = arith.constant 1.500000e+00 : f32
      %sub3A_226 = vector.broadcast %sub3A_225 : f32 to vector<16xf32>
      %sub3A_227 = arith.subf %sub3A_226, %mul3A_224 : vector<16xf32>
      %mul3A_228 = arith.mulf %bitcast3A_219, %sub3A_227 : vector<16xf32>
      %mul3A_229 = arith.mulf %mul3A_222, %mul3A_228 : vector<16xf32>
      %mul3A_230 = arith.mulf %mul3A_229, %mul3A_228 : vector<16xf32>
      %sub3A_231 = arith.constant 1.500000e+00 : f32
      %sub3A_232 = vector.broadcast %sub3A_231 : f32 to vector<16xf32>
      %sub3A_233 = arith.subf %sub3A_232, %mul3A_230 : vector<16xf32>
      %mul3A_234 = arith.mulf %mul3A_228, %sub3A_233 : vector<16xf32>
      %mul3A_235 = arith.mulf %mul3A_222, %mul3A_234 : vector<16xf32>
      %mul3A_236 = arith.mulf %mul3A_235, %mul3A_234 : vector<16xf32>
      %sub3A_237 = arith.constant 1.500000e+00 : f32
      %sub3A_238 = vector.broadcast %sub3A_237 : f32 to vector<16xf32>
      %sub3A_239 = arith.subf %sub3A_238, %mul3A_236 : vector<16xf32>
      %mul3A_240 = arith.mulf %mul3A_234, %sub3A_239 : vector<16xf32>
      %gt3A = arith.constant 0.000000e+00 : f32
      %gt3A_241 = vector.broadcast %gt3A : f32 to vector<16xf32>
      %gt3A_242 = arith.cmpf ogt, %max3A_213, %gt3A_241 : vector<16xf32>
      %mul3A_243 = arith.mulf %max3A_213, %mul3A_240 : vector<16xf32>
      %jit3A = arith.constant 0.000000e+00 : f32
      %broadcast_in_dim3A_244 = vector.broadcast %jit3A : f32 to vector<16xf32>
      %select_n3A_245 = arith.select %gt3A_242, %mul3A_243, %broadcast_in_dim3A_244 : vector<16xi1>, vector<16xf32>
      %abs3A = math.absf %sub3A_206 : vector<16xf32>
      %max3A_246 = arith.maximumf %select_n3A_245, %abs3A : vector<16xf32>
      %min3A = arith.minimumf %select_n3A_245, %abs3A : vector<16xf32>
      %gt3A_247 = arith.constant 0.000000e+00 : f32
      %gt3A_248 = vector.broadcast %gt3A_247 : f32 to vector<16xf32>
      %gt3A_249 = arith.cmpf ogt, %max3A_246, %gt3A_248 : vector<16xf32>
      %jit3A_250 = arith.constant 1.000000e+00 : f32
      %broadcast_in_dim3A_251 = vector.broadcast %jit3A_250 : f32 to vector<16xf32>
      %select_n3A_252 = arith.select %gt3A_249, %max3A_246, %broadcast_in_dim3A_251 : vector<16xi1>, vector<16xf32>
      %div3A = arith.divf %min3A, %select_n3A_252 : vector<16xf32>
      %mul3A_253 = arith.mulf %div3A, %div3A : vector<16xf32>
      %broadcast_in_dim3A_254 = arith.constant -4.831170e-03 : f32
      %broadcast_in_dim3A_255 = vector.broadcast %broadcast_in_dim3A_254 : f32 to vector<16xf32>
      %mul3A_256 = arith.mulf %broadcast_in_dim3A_255, %mul3A_253 : vector<16xf32>
      %add3A_257 = arith.constant 0.0247567799 : f32
      %add3A_258 = vector.broadcast %add3A_257 : f32 to vector<16xf32>
      %add3A_259 = arith.addf %mul3A_256, %add3A_258 : vector<16xf32>
      %mul3A_260 = arith.mulf %add3A_259, %mul3A_253 : vector<16xf32>
      %add3A_261 = arith.constant -0.0602191314 : f32
      %add3A_262 = vector.broadcast %add3A_261 : f32 to vector<16xf32>
      %add3A_263 = arith.addf %mul3A_260, %add3A_262 : vector<16xf32>
      %mul3A_264 = arith.mulf %add3A_263, %mul3A_253 : vector<16xf32>
      %add3A_265 = arith.constant 0.099679239 : f32
      %add3A_266 = vector.broadcast %add3A_265 : f32 to vector<16xf32>
      %add3A_267 = arith.addf %mul3A_264, %add3A_266 : vector<16xf32>
      %mul3A_268 = arith.mulf %add3A_267, %mul3A_253 : vector<16xf32>
      %add3A_269 = arith.constant -0.140401393 : f32
      %add3A_270 = vector.broadcast %add3A_269 : f32 to vector<16xf32>
      %add3A_271 = arith.addf %mul3A_268, %add3A_270 : vector<16xf32>
      %mul3A_272 = arith.mulf %add3A_271, %mul3A_253 : vector<16xf32>
      %add3A_273 = arith.constant 0.199736819 : f32
      %add3A_274 = vector.broadcast %add3A_273 : f32 to vector<16xf32>
      %add3A_275 = arith.addf %mul3A_272, %add3A_274 : vector<16xf32>
      %mul3A_276 = arith.mulf %add3A_275, %mul3A_253 : vector<16xf32>
      %add3A_277 = arith.constant -0.333323032 : f32
      %add3A_278 = vector.broadcast %add3A_277 : f32 to vector<16xf32>
      %add3A_279 = arith.addf %mul3A_276, %add3A_278 : vector<16xf32>
      %mul3A_280 = arith.mulf %add3A_279, %mul3A_253 : vector<16xf32>
      %add3A_281 = arith.constant 0.99999994 : f32
      %add3A_282 = vector.broadcast %add3A_281 : f32 to vector<16xf32>
      %add3A_283 = arith.addf %mul3A_280, %add3A_282 : vector<16xf32>
      %mul3A_284 = arith.mulf %add3A_283, %div3A : vector<16xf32>
      %gt3A_285 = arith.cmpf ogt, %select_n3A_245, %abs3A : vector<16xf32>
      %sub3A_286 = arith.constant 1.57079637 : f32
      %sub3A_287 = vector.broadcast %sub3A_286 : f32 to vector<16xf32>
      %sub3A_288 = arith.subf %sub3A_287, %mul3A_284 : vector<16xf32>
      %select_n3A_289 = arith.select %gt3A_285, %sub3A_288, %mul3A_284 : vector<16xi1>, vector<16xf32>
      %lt3A = arith.constant 0.000000e+00 : f32
      %lt3A_290 = vector.broadcast %lt3A : f32 to vector<16xf32>
      %lt3A_291 = arith.cmpf olt, %sub3A_206, %lt3A_290 : vector<16xf32>
      %sub3A_292 = arith.constant 3.14159274 : f32
      %sub3A_293 = vector.broadcast %sub3A_292 : f32 to vector<16xf32>
      %sub3A_294 = arith.subf %sub3A_293, %select_n3A_289 : vector<16xf32>
      %select_n3A_295 = arith.select %lt3A_291, %sub3A_294, %select_n3A_289 : vector<16xi1>, vector<16xf32>
      %mul3A_296 = arith.constant 2.000000e+01 : f32
      %mul3A_297 = vector.broadcast %mul3A_296 : f32 to vector<16xf32>
      %mul3A_298 = arith.mulf %select_n3A_166, %mul3A_297 : vector<16xf32>
      %add3A_299 = arith.addf %mul3A_298, %select_n3A_169 : vector<16xf32>
      %mul3A_300 = arith.constant 2.000000e+01 : f32
      %mul3A_301 = vector.broadcast %mul3A_300 : f32 to vector<16xf32>
      %mul3A_302 = arith.mulf %add3A_299, %mul3A_301 : vector<16xf32>
      %add3A_303 = arith.addf %mul3A_302, %select_n3A_172 : vector<16xf32>
      %convert_element_type3A = arith.fptosi %add3A_303 : vector<16xf32> to vector<16xi32>
      %broadcast_in_dim3A_304 = arith.constant 0 : i32
      %broadcast_in_dim3A_305 = vector.broadcast %broadcast_in_dim3A_304 : i32 to vector<16xi32>
      %gather3A_306 = tpu.vector_load_idx %arg9[%broadcast_in_dim3A_305, %convert_element_type3A] : memref<7x8000xf32, #tpu.memory_space<vmem>>[vector<16xi32>, vector<16xi32>], vector<16xf32>,
      %broadcast_in_dim3A_307 = arith.constant 1 : i32
      %broadcast_in_dim3A_308 = vector.broadcast %broadcast_in_dim3A_307 : i32 to vector<16xi32>
      %gather3A_309 = tpu.vector_load_idx %arg9[%broadcast_in_dim3A_308, %convert_element_type3A] : memref<7x8000xf32, #tpu.memory_space<vmem>>[vector<16xi32>, vector<16xi32>], vector<16xf32>,
      %broadcast_in_dim3A_310 = arith.constant 2 : i32
      %broadcast_in_dim3A_311 = vector.broadcast %broadcast_in_dim3A_310 : i32 to vector<16xi32>
      %gather3A_312 = tpu.vector_load_idx %arg9[%broadcast_in_dim3A_311, %convert_element_type3A] : memref<7x8000xf32, #tpu.memory_space<vmem>>[vector<16xi32>, vector<16xi32>], vector<16xf32>,
      %broadcast_in_dim3A_313 = arith.constant 3 : i32
      %broadcast_in_dim3A_314 = vector.broadcast %broadcast_in_dim3A_313 : i32 to vector<16xi32>
      %gather3A_315 = tpu.vector_load_idx %arg9[%broadcast_in_dim3A_314, %convert_element_type3A] : memref<7x8000xf32, #tpu.memory_space<vmem>>[vector<16xi32>, vector<16xi32>], vector<16xf32>,
      %broadcast_in_dim3A_316 = arith.constant 4 : i32
      %broadcast_in_dim3A_317 = vector.broadcast %broadcast_in_dim3A_316 : i32 to vector<16xi32>
      %gather3A_318 = tpu.vector_load_idx %arg9[%broadcast_in_dim3A_317, %convert_element_type3A] : memref<7x8000xf32, #tpu.memory_space<vmem>>[vector<16xi32>, vector<16xi32>], vector<16xf32>,
      %broadcast_in_dim3A_319 = arith.constant 5 : i32
      %broadcast_in_dim3A_320 = vector.broadcast %broadcast_in_dim3A_319 : i32 to vector<16xi32>
      %gather3A_321 = tpu.vector_load_idx %arg9[%broadcast_in_dim3A_320, %convert_element_type3A] : memref<7x8000xf32, #tpu.memory_space<vmem>>[vector<16xi32>, vector<16xi32>], vector<16xf32>,
      %broadcast_in_dim3A_322 = arith.constant 6 : i32
      %broadcast_in_dim3A_323 = vector.broadcast %broadcast_in_dim3A_322 : i32 to vector<16xi32>
      %gather3A_324 = tpu.vector_load_idx %arg9[%broadcast_in_dim3A_323, %convert_element_type3A] : memref<7x8000xf32, #tpu.memory_space<vmem>>[vector<16xi32>, vector<16xi32>], vector<16xf32>,
      %sub3A_325 = arith.subf %select_n3A_295, %gather3A_315 : vector<16xf32>
      %sub3A_326 = arith.subf %select_n3A_295, %gather3A_318 : vector<16xf32>
      %sub3A_327 = arith.subf %select_n3A_295, %gather3A_321 : vector<16xf32>
      %mul3A_328 = arith.mulf %sub3A_327, %sub3A_327 : vector<16xf32>
      %mul3A_329 = arith.mulf %sub3A_325, %sub3A_325 : vector<16xf32>
      %mul3A_330 = arith.mulf %gather3A_306, %mul3A_329 : vector<16xf32>
      %add3A_331 = arith.addf %gather3A_324, %mul3A_330 : vector<16xf32>
      %mul3A_332 = arith.mulf %sub3A_326, %sub3A_326 : vector<16xf32>
      %mul3A_333 = arith.mulf %mul3A_332, %sub3A_326 : vector<16xf32>
      %mul3A_334 = arith.mulf %gather3A_309, %mul3A_333 : vector<16xf32>
      %add3A_335 = arith.addf %add3A_331, %mul3A_334 : vector<16xf32>
      %mul3A_336 = arith.mulf %mul3A_328, %mul3A_328 : vector<16xf32>
      %mul3A_337 = arith.mulf %gather3A_312, %mul3A_336 : vector<16xf32>
      %add3A_338 = arith.addf %add3A_335, %mul3A_337 : vector<16xf32>
      %select_n3A_339 = arith.select %eq3A_70, %gather3A_99, %gather3A_100 : vector<16xi1>, vector<16xf32>
      %select_n3A_340 = arith.select %eq3A_73, %gather3A_98, %select_n3A_339 : vector<16xi1>, vector<16xf32>
      %select_n3A_341 = arith.select %eq3A_76, %gather3A_97, %select_n3A_340 : vector<16xi1>, vector<16xf32>
      %select_n3A_342 = arith.select %eq3A_70, %gather3A_103, %gather3A_104 : vector<16xi1>, vector<16xf32>
      %select_n3A_343 = arith.select %eq3A_73, %gather3A_102, %select_n3A_342 : vector<16xi1>, vector<16xf32>
      %select_n3A_344 = arith.select %eq3A_76, %gather3A_101, %select_n3A_343 : vector<16xi1>, vector<16xf32>
      %select_n3A_345 = arith.select %eq3A_70, %gather3A_107, %gather3A_108 : vector<16xi1>, vector<16xf32>
      %select_n3A_346 = arith.select %eq3A_73, %gather3A_106, %select_n3A_345 : vector<16xi1>, vector<16xf32>
      %select_n3A_347 = arith.select %eq3A_76, %gather3A_105, %select_n3A_346 : vector<16xi1>, vector<16xf32>
      %sub3A_348 = arith.subf %gather3A_97, %gather3A_101 : vector<16xf32>
      %sub3A_349 = arith.subf %gather3A_98, %gather3A_102 : vector<16xf32>
      %sub3A_350 = arith.subf %gather3A_99, %gather3A_103 : vector<16xf32>
      %sub3A_351 = arith.subf %gather3A_100, %gather3A_104 : vector<16xf32>
      %sub3A_352 = arith.subf %gather3A_105, %gather3A_101 : vector<16xf32>
      %sub3A_353 = arith.subf %gather3A_106, %gather3A_102 : vector<16xf32>
      %sub3A_354 = arith.subf %gather3A_107, %gather3A_103 : vector<16xf32>
      %sub3A_355 = arith.subf %gather3A_108, %gather3A_104 : vector<16xf32>
      %mul3A_356 = arith.mulf %sub3A_348, %sub3A_348 : vector<16xf32>
      %mul3A_357 = arith.mulf %sub3A_349, %sub3A_349 : vector<16xf32>
      %add3A_358 = arith.addf %mul3A_356, %mul3A_357 : vector<16xf32>
      %mul3A_359 = arith.mulf %sub3A_350, %sub3A_350 : vector<16xf32>
      %mul3A_360 = arith.mulf %sub3A_351, %sub3A_351 : vector<16xf32>
      %add3A_361 = arith.addf %mul3A_359, %mul3A_360 : vector<16xf32>
      %add3A_362 = arith.addf %add3A_358, %add3A_361 : vector<16xf32>
      %mul3A_363 = arith.mulf %sub3A_348, %sub3A_352 : vector<16xf32>
      %mul3A_364 = arith.mulf %sub3A_349, %sub3A_353 : vector<16xf32>
      %add3A_365 = arith.addf %mul3A_363, %mul3A_364 : vector<16xf32>
      %mul3A_366 = arith.mulf %sub3A_350, %sub3A_354 : vector<16xf32>
      %mul3A_367 = arith.mulf %sub3A_351, %sub3A_355 : vector<16xf32>
      %add3A_368 = arith.addf %mul3A_366, %mul3A_367 : vector<16xf32>
      %add3A_369 = arith.addf %add3A_365, %add3A_368 : vector<16xf32>
      %mul3A_370 = arith.mulf %sub3A_352, %sub3A_352 : vector<16xf32>
      %mul3A_371 = arith.mulf %sub3A_353, %sub3A_353 : vector<16xf32>
      %add3A_372 = arith.addf %mul3A_370, %mul3A_371 : vector<16xf32>
      %mul3A_373 = arith.mulf %sub3A_354, %sub3A_354 : vector<16xf32>
      %mul3A_374 = arith.mulf %sub3A_355, %sub3A_355 : vector<16xf32>
      %add3A_375 = arith.addf %mul3A_373, %mul3A_374 : vector<16xf32>
      %add3A_376 = arith.addf %add3A_372, %add3A_375 : vector<16xf32>
      %sub3A_377 = arith.subf %select_n3A_341, %select_n3A_344 : vector<16xf32>
      %sub3A_378 = arith.subf %select_n3A_347, %select_n3A_344 : vector<16xf32>
      %mul3A_379 = arith.mulf %sub3A_377, %sub3A_377 : vector<16xf32>
      %sub3A_380 = arith.subf %add3A_362, %mul3A_379 : vector<16xf32>
      %mul3A_381 = arith.mulf %sub3A_377, %sub3A_378 : vector<16xf32>
      %sub3A_382 = arith.subf %add3A_369, %mul3A_381 : vector<16xf32>
      %mul3A_383 = arith.mulf %sub3A_378, %sub3A_378 : vector<16xf32>
      %sub3A_384 = arith.subf %add3A_376, %mul3A_383 : vector<16xf32>
      %mul3A_385 = arith.mulf %sub3A_380, %sub3A_384 : vector<16xf32>
      %mul3A_386 = arith.mulf %sub3A_382, %sub3A_382 : vector<16xf32>
      %sub3A_387 = arith.subf %mul3A_385, %mul3A_386 : vector<16xf32>
      %max3A_388 = arith.constant 0.000000e+00 : f32
      %max3A_389 = vector.broadcast %max3A_388 : f32 to vector<16xf32>
      %max3A_390 = arith.maximumf %sub3A_387, %max3A_389 : vector<16xf32>
      %bitcast3A_391 = vector.bitcast %max3A_390 : vector<16xf32> to vector<16xi32>
      %broadcast_in_dim3A_392 = arith.constant 1597463007 : i32
      %broadcast_in_dim3A_393 = vector.broadcast %broadcast_in_dim3A_392 : i32 to vector<16xi32>
      %shift_right_logical3A_394 = arith.constant 1 : i32
      %shift_right_logical3A_395 = vector.broadcast %shift_right_logical3A_394 : i32 to vector<16xi32>
      %shift_right_logical3A_396 = arith.shrui %bitcast3A_391, %shift_right_logical3A_395 : vector<16xi32>
      %sub3A_397 = arith.subi %broadcast_in_dim3A_393, %shift_right_logical3A_396 : vector<16xi32>
      %bitcast3A_398 = vector.bitcast %sub3A_397 : vector<16xi32> to vector<16xf32>
      %mul3A_399 = arith.constant 5.000000e-01 : f32
      %mul3A_400 = vector.broadcast %mul3A_399 : f32 to vector<16xf32>
      %mul3A_401 = arith.mulf %max3A_390, %mul3A_400 : vector<16xf32>
      %mul3A_402 = arith.mulf %mul3A_401, %bitcast3A_398 : vector<16xf32>
      %mul3A_403 = arith.mulf %mul3A_402, %bitcast3A_398 : vector<16xf32>
      %sub3A_404 = arith.constant 1.500000e+00 : f32
      %sub3A_405 = vector.broadcast %sub3A_404 : f32 to vector<16xf32>
      %sub3A_406 = arith.subf %sub3A_405, %mul3A_403 : vector<16xf32>
      %mul3A_407 = arith.mulf %bitcast3A_398, %sub3A_406 : vector<16xf32>
      %mul3A_408 = arith.mulf %mul3A_401, %mul3A_407 : vector<16xf32>
      %mul3A_409 = arith.mulf %mul3A_408, %mul3A_407 : vector<16xf32>
      %sub3A_410 = arith.constant 1.500000e+00 : f32
      %sub3A_411 = vector.broadcast %sub3A_410 : f32 to vector<16xf32>
      %sub3A_412 = arith.subf %sub3A_411, %mul3A_409 : vector<16xf32>
      %mul3A_413 = arith.mulf %mul3A_407, %sub3A_412 : vector<16xf32>
      %mul3A_414 = arith.mulf %mul3A_401, %mul3A_413 : vector<16xf32>
      %mul3A_415 = arith.mulf %mul3A_414, %mul3A_413 : vector<16xf32>
      %sub3A_416 = arith.constant 1.500000e+00 : f32
      %sub3A_417 = vector.broadcast %sub3A_416 : f32 to vector<16xf32>
      %sub3A_418 = arith.subf %sub3A_417, %mul3A_415 : vector<16xf32>
      %mul3A_419 = arith.mulf %mul3A_413, %sub3A_418 : vector<16xf32>
      %gt3A_420 = arith.constant 0.000000e+00 : f32
      %gt3A_421 = vector.broadcast %gt3A_420 : f32 to vector<16xf32>
      %gt3A_422 = arith.cmpf ogt, %max3A_390, %gt3A_421 : vector<16xf32>
      %mul3A_423 = arith.mulf %max3A_390, %mul3A_419 : vector<16xf32>
      %jit3A_424 = arith.constant 0.000000e+00 : f32
      %broadcast_in_dim3A_425 = vector.broadcast %jit3A_424 : f32 to vector<16xf32>
      %select_n3A_426 = arith.select %gt3A_422, %mul3A_423, %broadcast_in_dim3A_425 : vector<16xi1>, vector<16xf32>
      %abs3A_427 = math.absf %sub3A_382 : vector<16xf32>
      %max3A_428 = arith.maximumf %select_n3A_426, %abs3A_427 : vector<16xf32>
      %min3A_429 = arith.minimumf %select_n3A_426, %abs3A_427 : vector<16xf32>
      %gt3A_430 = arith.constant 0.000000e+00 : f32
      %gt3A_431 = vector.broadcast %gt3A_430 : f32 to vector<16xf32>
      %gt3A_432 = arith.cmpf ogt, %max3A_428, %gt3A_431 : vector<16xf32>
      %jit3A_433 = arith.constant 1.000000e+00 : f32
      %broadcast_in_dim3A_434 = vector.broadcast %jit3A_433 : f32 to vector<16xf32>
      %select_n3A_435 = arith.select %gt3A_432, %max3A_428, %broadcast_in_dim3A_434 : vector<16xi1>, vector<16xf32>
      %div3A_436 = arith.divf %min3A_429, %select_n3A_435 : vector<16xf32>
      %mul3A_437 = arith.mulf %div3A_436, %div3A_436 : vector<16xf32>
      %broadcast_in_dim3A_438 = arith.constant -4.831170e-03 : f32
      %broadcast_in_dim3A_439 = vector.broadcast %broadcast_in_dim3A_438 : f32 to vector<16xf32>
      %mul3A_440 = arith.mulf %broadcast_in_dim3A_439, %mul3A_437 : vector<16xf32>
      %add3A_441 = arith.constant 0.0247567799 : f32
      %add3A_442 = vector.broadcast %add3A_441 : f32 to vector<16xf32>
      %add3A_443 = arith.addf %mul3A_440, %add3A_442 : vector<16xf32>
      %mul3A_444 = arith.mulf %add3A_443, %mul3A_437 : vector<16xf32>
      %add3A_445 = arith.constant -0.0602191314 : f32
      %add3A_446 = vector.broadcast %add3A_445 : f32 to vector<16xf32>
      %add3A_447 = arith.addf %mul3A_444, %add3A_446 : vector<16xf32>
      %mul3A_448 = arith.mulf %add3A_447, %mul3A_437 : vector<16xf32>
      %add3A_449 = arith.constant 0.099679239 : f32
      %add3A_450 = vector.broadcast %add3A_449 : f32 to vector<16xf32>
      %add3A_451 = arith.addf %mul3A_448, %add3A_450 : vector<16xf32>
      %mul3A_452 = arith.mulf %add3A_451, %mul3A_437 : vector<16xf32>
      %add3A_453 = arith.constant -0.140401393 : f32
      %add3A_454 = vector.broadcast %add3A_453 : f32 to vector<16xf32>
      %add3A_455 = arith.addf %mul3A_452, %add3A_454 : vector<16xf32>
      %mul3A_456 = arith.mulf %add3A_455, %mul3A_437 : vector<16xf32>
      %add3A_457 = arith.constant 0.199736819 : f32
      %add3A_458 = vector.broadcast %add3A_457 : f32 to vector<16xf32>
      %add3A_459 = arith.addf %mul3A_456, %add3A_458 : vector<16xf32>
      %mul3A_460 = arith.mulf %add3A_459, %mul3A_437 : vector<16xf32>
      %add3A_461 = arith.constant -0.333323032 : f32
      %add3A_462 = vector.broadcast %add3A_461 : f32 to vector<16xf32>
      %add3A_463 = arith.addf %mul3A_460, %add3A_462 : vector<16xf32>
      %mul3A_464 = arith.mulf %add3A_463, %mul3A_437 : vector<16xf32>
      %add3A_465 = arith.constant 0.99999994 : f32
      %add3A_466 = vector.broadcast %add3A_465 : f32 to vector<16xf32>
      %add3A_467 = arith.addf %mul3A_464, %add3A_466 : vector<16xf32>
      %mul3A_468 = arith.mulf %add3A_467, %div3A_436 : vector<16xf32>
      %gt3A_469 = arith.cmpf ogt, %select_n3A_426, %abs3A_427 : vector<16xf32>
      %sub3A_470 = arith.constant 1.57079637 : f32
      %sub3A_471 = vector.broadcast %sub3A_470 : f32 to vector<16xf32>
      %sub3A_472 = arith.subf %sub3A_471, %mul3A_468 : vector<16xf32>
      %select_n3A_473 = arith.select %gt3A_469, %sub3A_472, %mul3A_468 : vector<16xi1>, vector<16xf32>
      %lt3A_474 = arith.constant 0.000000e+00 : f32
      %lt3A_475 = vector.broadcast %lt3A_474 : f32 to vector<16xf32>
      %lt3A_476 = arith.cmpf olt, %sub3A_382, %lt3A_475 : vector<16xf32>
      %sub3A_477 = arith.constant 3.14159274 : f32
      %sub3A_478 = vector.broadcast %sub3A_477 : f32 to vector<16xf32>
      %sub3A_479 = arith.subf %sub3A_478, %select_n3A_473 : vector<16xf32>
      %select_n3A_480 = arith.select %lt3A_476, %sub3A_479, %select_n3A_473 : vector<16xi1>, vector<16xf32>
      %mul3A_481 = arith.constant 2.000000e+01 : f32
      %mul3A_482 = vector.broadcast %mul3A_481 : f32 to vector<16xf32>
      %mul3A_483 = arith.mulf %select_n3A_341, %mul3A_482 : vector<16xf32>
      %add3A_484 = arith.addf %mul3A_483, %select_n3A_344 : vector<16xf32>
      %mul3A_485 = arith.constant 2.000000e+01 : f32
      %mul3A_486 = vector.broadcast %mul3A_485 : f32 to vector<16xf32>
      %mul3A_487 = arith.mulf %add3A_484, %mul3A_486 : vector<16xf32>
      %add3A_488 = arith.addf %mul3A_487, %select_n3A_347 : vector<16xf32>
      %convert_element_type3A_489 = arith.fptosi %add3A_488 : vector<16xf32> to vector<16xi32>
      %broadcast_in_dim3A_490 = arith.constant 0 : i32
      %broadcast_in_dim3A_491 = vector.broadcast %broadcast_in_dim3A_490 : i32 to vector<16xi32>
      %gather3A_492 = tpu.vector_load_idx %arg9[%broadcast_in_dim3A_491, %convert_element_type3A_489] : memref<7x8000xf32, #tpu.memory_space<vmem>>[vector<16xi32>, vector<16xi32>], vector<16xf32>,
      %broadcast_in_dim3A_493 = arith.constant 1 : i32
      %broadcast_in_dim3A_494 = vector.broadcast %broadcast_in_dim3A_493 : i32 to vector<16xi32>
      %gather3A_495 = tpu.vector_load_idx %arg9[%broadcast_in_dim3A_494, %convert_element_type3A_489] : memref<7x8000xf32, #tpu.memory_space<vmem>>[vector<16xi32>, vector<16xi32>], vector<16xf32>,
      %broadcast_in_dim3A_496 = arith.constant 2 : i32
      %broadcast_in_dim3A_497 = vector.broadcast %broadcast_in_dim3A_496 : i32 to vector<16xi32>
      %gather3A_498 = tpu.vector_load_idx %arg9[%broadcast_in_dim3A_497, %convert_element_type3A_489] : memref<7x8000xf32, #tpu.memory_space<vmem>>[vector<16xi32>, vector<16xi32>], vector<16xf32>,
      %broadcast_in_dim3A_499 = arith.constant 3 : i32
      %broadcast_in_dim3A_500 = vector.broadcast %broadcast_in_dim3A_499 : i32 to vector<16xi32>
      %gather3A_501 = tpu.vector_load_idx %arg9[%broadcast_in_dim3A_500, %convert_element_type3A_489] : memref<7x8000xf32, #tpu.memory_space<vmem>>[vector<16xi32>, vector<16xi32>], vector<16xf32>,
      %broadcast_in_dim3A_502 = arith.constant 4 : i32
      %broadcast_in_dim3A_503 = vector.broadcast %broadcast_in_dim3A_502 : i32 to vector<16xi32>
      %gather3A_504 = tpu.vector_load_idx %arg9[%broadcast_in_dim3A_503, %convert_element_type3A_489] : memref<7x8000xf32, #tpu.memory_space<vmem>>[vector<16xi32>, vector<16xi32>], vector<16xf32>,
      %broadcast_in_dim3A_505 = arith.constant 5 : i32
      %broadcast_in_dim3A_506 = vector.broadcast %broadcast_in_dim3A_505 : i32 to vector<16xi32>
      %gather3A_507 = tpu.vector_load_idx %arg9[%broadcast_in_dim3A_506, %convert_element_type3A_489] : memref<7x8000xf32, #tpu.memory_space<vmem>>[vector<16xi32>, vector<16xi32>], vector<16xf32>,
      %broadcast_in_dim3A_508 = arith.constant 6 : i32
      %broadcast_in_dim3A_509 = vector.broadcast %broadcast_in_dim3A_508 : i32 to vector<16xi32>
      %gather3A_510 = tpu.vector_load_idx %arg9[%broadcast_in_dim3A_509, %convert_element_type3A_489] : memref<7x8000xf32, #tpu.memory_space<vmem>>[vector<16xi32>, vector<16xi32>], vector<16xf32>,
      %sub3A_511 = arith.subf %select_n3A_480, %gather3A_501 : vector<16xf32>
      %sub3A_512 = arith.subf %select_n3A_480, %gather3A_504 : vector<16xf32>
      %sub3A_513 = arith.subf %select_n3A_480, %gather3A_507 : vector<16xf32>
      %mul3A_514 = arith.mulf %sub3A_513, %sub3A_513 : vector<16xf32>
      %mul3A_515 = arith.mulf %sub3A_511, %sub3A_511 : vector<16xf32>
      %mul3A_516 = arith.mulf %gather3A_492, %mul3A_515 : vector<16xf32>
      %add3A_517 = arith.addf %gather3A_510, %mul3A_516 : vector<16xf32>
      %mul3A_518 = arith.mulf %sub3A_512, %sub3A_512 : vector<16xf32>
      %mul3A_519 = arith.mulf %mul3A_518, %sub3A_512 : vector<16xf32>
      %mul3A_520 = arith.mulf %gather3A_495, %mul3A_519 : vector<16xf32>
      %add3A_521 = arith.addf %add3A_517, %mul3A_520 : vector<16xf32>
      %mul3A_522 = arith.mulf %mul3A_514, %mul3A_514 : vector<16xf32>
      %mul3A_523 = arith.mulf %gather3A_498, %mul3A_522 : vector<16xf32>
      %add3A_524 = arith.addf %add3A_521, %mul3A_523 : vector<16xf32>
      %select_n3A_525 = arith.select %eq3A_70, %gather3A_117, %gather3A_118 : vector<16xi1>, vector<16xf32>
      %select_n3A_526 = arith.select %eq3A_73, %gather3A_116, %select_n3A_525 : vector<16xi1>, vector<16xf32>
      %select_n3A_527 = arith.select %eq3A_76, %gather3A_115, %select_n3A_526 : vector<16xi1>, vector<16xf32>
      %select_n3A_528 = arith.select %eq3A_70, %gather3A_121, %gather3A_122 : vector<16xi1>, vector<16xf32>
      %select_n3A_529 = arith.select %eq3A_73, %gather3A_120, %select_n3A_528 : vector<16xi1>, vector<16xf32>
      %select_n3A_530 = arith.select %eq3A_76, %gather3A_119, %select_n3A_529 : vector<16xi1>, vector<16xf32>
      %select_n3A_531 = arith.select %eq3A_70, %gather3A_125, %gather3A_126 : vector<16xi1>, vector<16xf32>
      %select_n3A_532 = arith.select %eq3A_73, %gather3A_124, %select_n3A_531 : vector<16xi1>, vector<16xf32>
      %select_n3A_533 = arith.select %eq3A_76, %gather3A_123, %select_n3A_532 : vector<16xi1>, vector<16xf32>
      %sub3A_534 = arith.subf %gather3A_115, %gather3A_119 : vector<16xf32>
      %sub3A_535 = arith.subf %gather3A_116, %gather3A_120 : vector<16xf32>
      %sub3A_536 = arith.subf %gather3A_117, %gather3A_121 : vector<16xf32>
      %sub3A_537 = arith.subf %gather3A_118, %gather3A_122 : vector<16xf32>
      %sub3A_538 = arith.subf %gather3A_123, %gather3A_119 : vector<16xf32>
      %sub3A_539 = arith.subf %gather3A_124, %gather3A_120 : vector<16xf32>
      %sub3A_540 = arith.subf %gather3A_125, %gather3A_121 : vector<16xf32>
      %sub3A_541 = arith.subf %gather3A_126, %gather3A_122 : vector<16xf32>
      %mul3A_542 = arith.mulf %sub3A_534, %sub3A_534 : vector<16xf32>
      %mul3A_543 = arith.mulf %sub3A_535, %sub3A_535 : vector<16xf32>
      %add3A_544 = arith.addf %mul3A_542, %mul3A_543 : vector<16xf32>
      %mul3A_545 = arith.mulf %sub3A_536, %sub3A_536 : vector<16xf32>
      %mul3A_546 = arith.mulf %sub3A_537, %sub3A_537 : vector<16xf32>
      %add3A_547 = arith.addf %mul3A_545, %mul3A_546 : vector<16xf32>
      %add3A_548 = arith.addf %add3A_544, %add3A_547 : vector<16xf32>
      %mul3A_549 = arith.mulf %sub3A_534, %sub3A_538 : vector<16xf32>
      %mul3A_550 = arith.mulf %sub3A_535, %sub3A_539 : vector<16xf32>
      %add3A_551 = arith.addf %mul3A_549, %mul3A_550 : vector<16xf32>
      %mul3A_552 = arith.mulf %sub3A_536, %sub3A_540 : vector<16xf32>
      %mul3A_553 = arith.mulf %sub3A_537, %sub3A_541 : vector<16xf32>
      %add3A_554 = arith.addf %mul3A_552, %mul3A_553 : vector<16xf32>
      %add3A_555 = arith.addf %add3A_551, %add3A_554 : vector<16xf32>
      %mul3A_556 = arith.mulf %sub3A_538, %sub3A_538 : vector<16xf32>
      %mul3A_557 = arith.mulf %sub3A_539, %sub3A_539 : vector<16xf32>
      %add3A_558 = arith.addf %mul3A_556, %mul3A_557 : vector<16xf32>
      %mul3A_559 = arith.mulf %sub3A_540, %sub3A_540 : vector<16xf32>
      %mul3A_560 = arith.mulf %sub3A_541, %sub3A_541 : vector<16xf32>
      %add3A_561 = arith.addf %mul3A_559, %mul3A_560 : vector<16xf32>
      %add3A_562 = arith.addf %add3A_558, %add3A_561 : vector<16xf32>
      %sub3A_563 = arith.subf %select_n3A_527, %select_n3A_530 : vector<16xf32>
      %sub3A_564 = arith.subf %select_n3A_533, %select_n3A_530 : vector<16xf32>
      %mul3A_565 = arith.mulf %sub3A_563, %sub3A_563 : vector<16xf32>
      %sub3A_566 = arith.subf %add3A_548, %mul3A_565 : vector<16xf32>
      %mul3A_567 = arith.mulf %sub3A_563, %sub3A_564 : vector<16xf32>
      %sub3A_568 = arith.subf %add3A_555, %mul3A_567 : vector<16xf32>
      %mul3A_569 = arith.mulf %sub3A_564, %sub3A_564 : vector<16xf32>
      %sub3A_570 = arith.subf %add3A_562, %mul3A_569 : vector<16xf32>
      %mul3A_571 = arith.mulf %sub3A_566, %sub3A_570 : vector<16xf32>
      %mul3A_572 = arith.mulf %sub3A_568, %sub3A_568 : vector<16xf32>
      %sub3A_573 = arith.subf %mul3A_571, %mul3A_572 : vector<16xf32>
      %max3A_574 = arith.constant 0.000000e+00 : f32
      %max3A_575 = vector.broadcast %max3A_574 : f32 to vector<16xf32>
      %max3A_576 = arith.maximumf %sub3A_573, %max3A_575 : vector<16xf32>
      %bitcast3A_577 = vector.bitcast %max3A_576 : vector<16xf32> to vector<16xi32>
      %broadcast_in_dim3A_578 = arith.constant 1597463007 : i32
      %broadcast_in_dim3A_579 = vector.broadcast %broadcast_in_dim3A_578 : i32 to vector<16xi32>
      %shift_right_logical3A_580 = arith.constant 1 : i32
      %shift_right_logical3A_581 = vector.broadcast %shift_right_logical3A_580 : i32 to vector<16xi32>
      %shift_right_logical3A_582 = arith.shrui %bitcast3A_577, %shift_right_logical3A_581 : vector<16xi32>
      %sub3A_583 = arith.subi %broadcast_in_dim3A_579, %shift_right_logical3A_582 : vector<16xi32>
      %bitcast3A_584 = vector.bitcast %sub3A_583 : vector<16xi32> to vector<16xf32>
      %mul3A_585 = arith.constant 5.000000e-01 : f32
      %mul3A_586 = vector.broadcast %mul3A_585 : f32 to vector<16xf32>
      %mul3A_587 = arith.mulf %max3A_576, %mul3A_586 : vector<16xf32>
      %mul3A_588 = arith.mulf %mul3A_587, %bitcast3A_584 : vector<16xf32>
      %mul3A_589 = arith.mulf %mul3A_588, %bitcast3A_584 : vector<16xf32>
      %sub3A_590 = arith.constant 1.500000e+00 : f32
      %sub3A_591 = vector.broadcast %sub3A_590 : f32 to vector<16xf32>
      %sub3A_592 = arith.subf %sub3A_591, %mul3A_589 : vector<16xf32>
      %mul3A_593 = arith.mulf %bitcast3A_584, %sub3A_592 : vector<16xf32>
      %mul3A_594 = arith.mulf %mul3A_587, %mul3A_593 : vector<16xf32>
      %mul3A_595 = arith.mulf %mul3A_594, %mul3A_593 : vector<16xf32>
      %sub3A_596 = arith.constant 1.500000e+00 : f32
      %sub3A_597 = vector.broadcast %sub3A_596 : f32 to vector<16xf32>
      %sub3A_598 = arith.subf %sub3A_597, %mul3A_595 : vector<16xf32>
      %mul3A_599 = arith.mulf %mul3A_593, %sub3A_598 : vector<16xf32>
      %mul3A_600 = arith.mulf %mul3A_587, %mul3A_599 : vector<16xf32>
      %mul3A_601 = arith.mulf %mul3A_600, %mul3A_599 : vector<16xf32>
      %sub3A_602 = arith.constant 1.500000e+00 : f32
      %sub3A_603 = vector.broadcast %sub3A_602 : f32 to vector<16xf32>
      %sub3A_604 = arith.subf %sub3A_603, %mul3A_601 : vector<16xf32>
      %mul3A_605 = arith.mulf %mul3A_599, %sub3A_604 : vector<16xf32>
      %gt3A_606 = arith.constant 0.000000e+00 : f32
      %gt3A_607 = vector.broadcast %gt3A_606 : f32 to vector<16xf32>
      %gt3A_608 = arith.cmpf ogt, %max3A_576, %gt3A_607 : vector<16xf32>
      %mul3A_609 = arith.mulf %max3A_576, %mul3A_605 : vector<16xf32>
      %jit3A_610 = arith.constant 0.000000e+00 : f32
      %broadcast_in_dim3A_611 = vector.broadcast %jit3A_610 : f32 to vector<16xf32>
      %select_n3A_612 = arith.select %gt3A_608, %mul3A_609, %broadcast_in_dim3A_611 : vector<16xi1>, vector<16xf32>
      %abs3A_613 = math.absf %sub3A_568 : vector<16xf32>
      %max3A_614 = arith.maximumf %select_n3A_612, %abs3A_613 : vector<16xf32>
      %min3A_615 = arith.minimumf %select_n3A_612, %abs3A_613 : vector<16xf32>
      %gt3A_616 = arith.constant 0.000000e+00 : f32
      %gt3A_617 = vector.broadcast %gt3A_616 : f32 to vector<16xf32>
      %gt3A_618 = arith.cmpf ogt, %max3A_614, %gt3A_617 : vector<16xf32>
      %jit3A_619 = arith.constant 1.000000e+00 : f32
      %broadcast_in_dim3A_620 = vector.broadcast %jit3A_619 : f32 to vector<16xf32>
      %select_n3A_621 = arith.select %gt3A_618, %max3A_614, %broadcast_in_dim3A_620 : vector<16xi1>, vector<16xf32>
      %div3A_622 = arith.divf %min3A_615, %select_n3A_621 : vector<16xf32>
      %mul3A_623 = arith.mulf %div3A_622, %div3A_622 : vector<16xf32>
      %broadcast_in_dim3A_624 = arith.constant -4.831170e-03 : f32
      %broadcast_in_dim3A_625 = vector.broadcast %broadcast_in_dim3A_624 : f32 to vector<16xf32>
      %mul3A_626 = arith.mulf %broadcast_in_dim3A_625, %mul3A_623 : vector<16xf32>
      %add3A_627 = arith.constant 0.0247567799 : f32
      %add3A_628 = vector.broadcast %add3A_627 : f32 to vector<16xf32>
      %add3A_629 = arith.addf %mul3A_626, %add3A_628 : vector<16xf32>
      %mul3A_630 = arith.mulf %add3A_629, %mul3A_623 : vector<16xf32>
      %add3A_631 = arith.constant -0.0602191314 : f32
      %add3A_632 = vector.broadcast %add3A_631 : f32 to vector<16xf32>
      %add3A_633 = arith.addf %mul3A_630, %add3A_632 : vector<16xf32>
      %mul3A_634 = arith.mulf %add3A_633, %mul3A_623 : vector<16xf32>
      %add3A_635 = arith.constant 0.099679239 : f32
      %add3A_636 = vector.broadcast %add3A_635 : f32 to vector<16xf32>
      %add3A_637 = arith.addf %mul3A_634, %add3A_636 : vector<16xf32>
      %mul3A_638 = arith.mulf %add3A_637, %mul3A_623 : vector<16xf32>
      %add3A_639 = arith.constant -0.140401393 : f32
      %add3A_640 = vector.broadcast %add3A_639 : f32 to vector<16xf32>
      %add3A_641 = arith.addf %mul3A_638, %add3A_640 : vector<16xf32>
      %mul3A_642 = arith.mulf %add3A_641, %mul3A_623 : vector<16xf32>
      %add3A_643 = arith.constant 0.199736819 : f32
      %add3A_644 = vector.broadcast %add3A_643 : f32 to vector<16xf32>
      %add3A_645 = arith.addf %mul3A_642, %add3A_644 : vector<16xf32>
      %mul3A_646 = arith.mulf %add3A_645, %mul3A_623 : vector<16xf32>
      %add3A_647 = arith.constant -0.333323032 : f32
      %add3A_648 = vector.broadcast %add3A_647 : f32 to vector<16xf32>
      %add3A_649 = arith.addf %mul3A_646, %add3A_648 : vector<16xf32>
      %mul3A_650 = arith.mulf %add3A_649, %mul3A_623 : vector<16xf32>
      %add3A_651 = arith.constant 0.99999994 : f32
      %add3A_652 = vector.broadcast %add3A_651 : f32 to vector<16xf32>
      %add3A_653 = arith.addf %mul3A_650, %add3A_652 : vector<16xf32>
      %mul3A_654 = arith.mulf %add3A_653, %div3A_622 : vector<16xf32>
      %gt3A_655 = arith.cmpf ogt, %select_n3A_612, %abs3A_613 : vector<16xf32>
      %sub3A_656 = arith.constant 1.57079637 : f32
      %sub3A_657 = vector.broadcast %sub3A_656 : f32 to vector<16xf32>
      %sub3A_658 = arith.subf %sub3A_657, %mul3A_654 : vector<16xf32>
      %select_n3A_659 = arith.select %gt3A_655, %sub3A_658, %mul3A_654 : vector<16xi1>, vector<16xf32>
      %lt3A_660 = arith.constant 0.000000e+00 : f32
      %lt3A_661 = vector.broadcast %lt3A_660 : f32 to vector<16xf32>
      %lt3A_662 = arith.cmpf olt, %sub3A_568, %lt3A_661 : vector<16xf32>
      %sub3A_663 = arith.constant 3.14159274 : f32
      %sub3A_664 = vector.broadcast %sub3A_663 : f32 to vector<16xf32>
      %sub3A_665 = arith.subf %sub3A_664, %select_n3A_659 : vector<16xf32>
      %select_n3A_666 = arith.select %lt3A_662, %sub3A_665, %select_n3A_659 : vector<16xi1>, vector<16xf32>
      %mul3A_667 = arith.constant 2.000000e+01 : f32
      %mul3A_668 = vector.broadcast %mul3A_667 : f32 to vector<16xf32>
      %mul3A_669 = arith.mulf %select_n3A_527, %mul3A_668 : vector<16xf32>
      %add3A_670 = arith.addf %mul3A_669, %select_n3A_530 : vector<16xf32>
      %mul3A_671 = arith.constant 2.000000e+01 : f32
      %mul3A_672 = vector.broadcast %mul3A_671 : f32 to vector<16xf32>
      %mul3A_673 = arith.mulf %add3A_670, %mul3A_672 : vector<16xf32>
      %add3A_674 = arith.addf %mul3A_673, %select_n3A_533 : vector<16xf32>
      %convert_element_type3A_675 = arith.fptosi %add3A_674 : vector<16xf32> to vector<16xi32>
      %broadcast_in_dim3A_676 = arith.constant 0 : i32
      %broadcast_in_dim3A_677 = vector.broadcast %broadcast_in_dim3A_676 : i32 to vector<16xi32>
      %gather3A_678 = tpu.vector_load_idx %arg9[%broadcast_in_dim3A_677, %convert_element_type3A_675] : memref<7x8000xf32, #tpu.memory_space<vmem>>[vector<16xi32>, vector<16xi32>], vector<16xf32>,
      %broadcast_in_dim3A_679 = arith.constant 1 : i32
      %broadcast_in_dim3A_680 = vector.broadcast %broadcast_in_dim3A_679 : i32 to vector<16xi32>
      %gather3A_681 = tpu.vector_load_idx %arg9[%broadcast_in_dim3A_680, %convert_element_type3A_675] : memref<7x8000xf32, #tpu.memory_space<vmem>>[vector<16xi32>, vector<16xi32>], vector<16xf32>,
      %broadcast_in_dim3A_682 = arith.constant 2 : i32
      %broadcast_in_dim3A_683 = vector.broadcast %broadcast_in_dim3A_682 : i32 to vector<16xi32>
      %gather3A_684 = tpu.vector_load_idx %arg9[%broadcast_in_dim3A_683, %convert_element_type3A_675] : memref<7x8000xf32, #tpu.memory_space<vmem>>[vector<16xi32>, vector<16xi32>], vector<16xf32>,
      %broadcast_in_dim3A_685 = arith.constant 3 : i32
      %broadcast_in_dim3A_686 = vector.broadcast %broadcast_in_dim3A_685 : i32 to vector<16xi32>
      %gather3A_687 = tpu.vector_load_idx %arg9[%broadcast_in_dim3A_686, %convert_element_type3A_675] : memref<7x8000xf32, #tpu.memory_space<vmem>>[vector<16xi32>, vector<16xi32>], vector<16xf32>,
      %broadcast_in_dim3A_688 = arith.constant 4 : i32
      %broadcast_in_dim3A_689 = vector.broadcast %broadcast_in_dim3A_688 : i32 to vector<16xi32>
      %gather3A_690 = tpu.vector_load_idx %arg9[%broadcast_in_dim3A_689, %convert_element_type3A_675] : memref<7x8000xf32, #tpu.memory_space<vmem>>[vector<16xi32>, vector<16xi32>], vector<16xf32>,
      %broadcast_in_dim3A_691 = arith.constant 5 : i32
      %broadcast_in_dim3A_692 = vector.broadcast %broadcast_in_dim3A_691 : i32 to vector<16xi32>
      %gather3A_693 = tpu.vector_load_idx %arg9[%broadcast_in_dim3A_692, %convert_element_type3A_675] : memref<7x8000xf32, #tpu.memory_space<vmem>>[vector<16xi32>, vector<16xi32>], vector<16xf32>,
      %broadcast_in_dim3A_694 = arith.constant 6 : i32
      %broadcast_in_dim3A_695 = vector.broadcast %broadcast_in_dim3A_694 : i32 to vector<16xi32>
      %gather3A_696 = tpu.vector_load_idx %arg9[%broadcast_in_dim3A_695, %convert_element_type3A_675] : memref<7x8000xf32, #tpu.memory_space<vmem>>[vector<16xi32>, vector<16xi32>], vector<16xf32>,
      %sub3A_697 = arith.subf %select_n3A_666, %gather3A_687 : vector<16xf32>
      %sub3A_698 = arith.subf %select_n3A_666, %gather3A_690 : vector<16xf32>
      %sub3A_699 = arith.subf %select_n3A_666, %gather3A_693 : vector<16xf32>
      %mul3A_700 = arith.mulf %sub3A_699, %sub3A_699 : vector<16xf32>
      %mul3A_701 = arith.mulf %sub3A_697, %sub3A_697 : vector<16xf32>
      %mul3A_702 = arith.mulf %gather3A_678, %mul3A_701 : vector<16xf32>
      %add3A_703 = arith.addf %gather3A_696, %mul3A_702 : vector<16xf32>
      %mul3A_704 = arith.mulf %sub3A_698, %sub3A_698 : vector<16xf32>
      %mul3A_705 = arith.mulf %mul3A_704, %sub3A_698 : vector<16xf32>
      %mul3A_706 = arith.mulf %gather3A_681, %mul3A_705 : vector<16xf32>
      %add3A_707 = arith.addf %add3A_703, %mul3A_706 : vector<16xf32>
      %mul3A_708 = arith.mulf %mul3A_700, %mul3A_700 : vector<16xf32>
      %mul3A_709 = arith.mulf %gather3A_684, %mul3A_708 : vector<16xf32>
      %add3A_710 = arith.addf %add3A_707, %mul3A_709 : vector<16xf32>
      %select_n3A_711 = arith.select %eq3A_70, %gather3A_135, %gather3A_136 : vector<16xi1>, vector<16xf32>
      %select_n3A_712 = arith.select %eq3A_73, %gather3A_134, %select_n3A_711 : vector<16xi1>, vector<16xf32>
      %select_n3A_713 = arith.select %eq3A_76, %gather3A_133, %select_n3A_712 : vector<16xi1>, vector<16xf32>
      %select_n3A_714 = arith.select %eq3A_70, %gather3A_139, %gather3A_140 : vector<16xi1>, vector<16xf32>
      %select_n3A_715 = arith.select %eq3A_73, %gather3A_138, %select_n3A_714 : vector<16xi1>, vector<16xf32>
      %select_n3A_716 = arith.select %eq3A_76, %gather3A_137, %select_n3A_715 : vector<16xi1>, vector<16xf32>
      %select_n3A_717 = arith.select %eq3A_70, %gather3A_143, %gather3A_144 : vector<16xi1>, vector<16xf32>
      %select_n3A_718 = arith.select %eq3A_73, %gather3A_142, %select_n3A_717 : vector<16xi1>, vector<16xf32>
      %select_n3A_719 = arith.select %eq3A_76, %gather3A_141, %select_n3A_718 : vector<16xi1>, vector<16xf32>
      %sub3A_720 = arith.subf %gather3A_133, %gather3A_137 : vector<16xf32>
      %sub3A_721 = arith.subf %gather3A_134, %gather3A_138 : vector<16xf32>
      %sub3A_722 = arith.subf %gather3A_135, %gather3A_139 : vector<16xf32>
      %sub3A_723 = arith.subf %gather3A_136, %gather3A_140 : vector<16xf32>
      %sub3A_724 = arith.subf %gather3A_141, %gather3A_137 : vector<16xf32>
      %sub3A_725 = arith.subf %gather3A_142, %gather3A_138 : vector<16xf32>
      %sub3A_726 = arith.subf %gather3A_143, %gather3A_139 : vector<16xf32>
      %sub3A_727 = arith.subf %gather3A_144, %gather3A_140 : vector<16xf32>
      %mul3A_728 = arith.mulf %sub3A_720, %sub3A_720 : vector<16xf32>
      %mul3A_729 = arith.mulf %sub3A_721, %sub3A_721 : vector<16xf32>
      %add3A_730 = arith.addf %mul3A_728, %mul3A_729 : vector<16xf32>
      %mul3A_731 = arith.mulf %sub3A_722, %sub3A_722 : vector<16xf32>
      %mul3A_732 = arith.mulf %sub3A_723, %sub3A_723 : vector<16xf32>
      %add3A_733 = arith.addf %mul3A_731, %mul3A_732 : vector<16xf32>
      %add3A_734 = arith.addf %add3A_730, %add3A_733 : vector<16xf32>
      %mul3A_735 = arith.mulf %sub3A_720, %sub3A_724 : vector<16xf32>
      %mul3A_736 = arith.mulf %sub3A_721, %sub3A_725 : vector<16xf32>
      %add3A_737 = arith.addf %mul3A_735, %mul3A_736 : vector<16xf32>
      %mul3A_738 = arith.mulf %sub3A_722, %sub3A_726 : vector<16xf32>
      %mul3A_739 = arith.mulf %sub3A_723, %sub3A_727 : vector<16xf32>
      %add3A_740 = arith.addf %mul3A_738, %mul3A_739 : vector<16xf32>
      %add3A_741 = arith.addf %add3A_737, %add3A_740 : vector<16xf32>
      %mul3A_742 = arith.mulf %sub3A_724, %sub3A_724 : vector<16xf32>
      %mul3A_743 = arith.mulf %sub3A_725, %sub3A_725 : vector<16xf32>
      %add3A_744 = arith.addf %mul3A_742, %mul3A_743 : vector<16xf32>
      %mul3A_745 = arith.mulf %sub3A_726, %sub3A_726 : vector<16xf32>
      %mul3A_746 = arith.mulf %sub3A_727, %sub3A_727 : vector<16xf32>
      %add3A_747 = arith.addf %mul3A_745, %mul3A_746 : vector<16xf32>
      %add3A_748 = arith.addf %add3A_744, %add3A_747 : vector<16xf32>
      %sub3A_749 = arith.subf %select_n3A_713, %select_n3A_716 : vector<16xf32>
      %sub3A_750 = arith.subf %select_n3A_719, %select_n3A_716 : vector<16xf32>
      %mul3A_751 = arith.mulf %sub3A_749, %sub3A_749 : vector<16xf32>
      %sub3A_752 = arith.subf %add3A_734, %mul3A_751 : vector<16xf32>
      %mul3A_753 = arith.mulf %sub3A_749, %sub3A_750 : vector<16xf32>
      %sub3A_754 = arith.subf %add3A_741, %mul3A_753 : vector<16xf32>
      %mul3A_755 = arith.mulf %sub3A_750, %sub3A_750 : vector<16xf32>
      %sub3A_756 = arith.subf %add3A_748, %mul3A_755 : vector<16xf32>
      %mul3A_757 = arith.mulf %sub3A_752, %sub3A_756 : vector<16xf32>
      %mul3A_758 = arith.mulf %sub3A_754, %sub3A_754 : vector<16xf32>
      %sub3A_759 = arith.subf %mul3A_757, %mul3A_758 : vector<16xf32>
      %max3A_760 = arith.constant 0.000000e+00 : f32
      %max3A_761 = vector.broadcast %max3A_760 : f32 to vector<16xf32>
      %max3A_762 = arith.maximumf %sub3A_759, %max3A_761 : vector<16xf32>
      %bitcast3A_763 = vector.bitcast %max3A_762 : vector<16xf32> to vector<16xi32>
      %broadcast_in_dim3A_764 = arith.constant 1597463007 : i32
      %broadcast_in_dim3A_765 = vector.broadcast %broadcast_in_dim3A_764 : i32 to vector<16xi32>
      %shift_right_logical3A_766 = arith.constant 1 : i32
      %shift_right_logical3A_767 = vector.broadcast %shift_right_logical3A_766 : i32 to vector<16xi32>
      %shift_right_logical3A_768 = arith.shrui %bitcast3A_763, %shift_right_logical3A_767 : vector<16xi32>
      %sub3A_769 = arith.subi %broadcast_in_dim3A_765, %shift_right_logical3A_768 : vector<16xi32>
      %bitcast3A_770 = vector.bitcast %sub3A_769 : vector<16xi32> to vector<16xf32>
      %mul3A_771 = arith.constant 5.000000e-01 : f32
      %mul3A_772 = vector.broadcast %mul3A_771 : f32 to vector<16xf32>
      %mul3A_773 = arith.mulf %max3A_762, %mul3A_772 : vector<16xf32>
      %mul3A_774 = arith.mulf %mul3A_773, %bitcast3A_770 : vector<16xf32>
      %mul3A_775 = arith.mulf %mul3A_774, %bitcast3A_770 : vector<16xf32>
      %sub3A_776 = arith.constant 1.500000e+00 : f32
      %sub3A_777 = vector.broadcast %sub3A_776 : f32 to vector<16xf32>
      %sub3A_778 = arith.subf %sub3A_777, %mul3A_775 : vector<16xf32>
      %mul3A_779 = arith.mulf %bitcast3A_770, %sub3A_778 : vector<16xf32>
      %mul3A_780 = arith.mulf %mul3A_773, %mul3A_779 : vector<16xf32>
      %mul3A_781 = arith.mulf %mul3A_780, %mul3A_779 : vector<16xf32>
      %sub3A_782 = arith.constant 1.500000e+00 : f32
      %sub3A_783 = vector.broadcast %sub3A_782 : f32 to vector<16xf32>
      %sub3A_784 = arith.subf %sub3A_783, %mul3A_781 : vector<16xf32>
      %mul3A_785 = arith.mulf %mul3A_779, %sub3A_784 : vector<16xf32>
      %mul3A_786 = arith.mulf %mul3A_773, %mul3A_785 : vector<16xf32>
      %mul3A_787 = arith.mulf %mul3A_786, %mul3A_785 : vector<16xf32>
      %sub3A_788 = arith.constant 1.500000e+00 : f32
      %sub3A_789 = vector.broadcast %sub3A_788 : f32 to vector<16xf32>
      %sub3A_790 = arith.subf %sub3A_789, %mul3A_787 : vector<16xf32>
      %mul3A_791 = arith.mulf %mul3A_785, %sub3A_790 : vector<16xf32>
      %gt3A_792 = arith.constant 0.000000e+00 : f32
      %gt3A_793 = vector.broadcast %gt3A_792 : f32 to vector<16xf32>
      %gt3A_794 = arith.cmpf ogt, %max3A_762, %gt3A_793 : vector<16xf32>
      %mul3A_795 = arith.mulf %max3A_762, %mul3A_791 : vector<16xf32>
      %jit3A_796 = arith.constant 0.000000e+00 : f32
      %broadcast_in_dim3A_797 = vector.broadcast %jit3A_796 : f32 to vector<16xf32>
      %select_n3A_798 = arith.select %gt3A_794, %mul3A_795, %broadcast_in_dim3A_797 : vector<16xi1>, vector<16xf32>
      %abs3A_799 = math.absf %sub3A_754 : vector<16xf32>
      %max3A_800 = arith.maximumf %select_n3A_798, %abs3A_799 : vector<16xf32>
      %min3A_801 = arith.minimumf %select_n3A_798, %abs3A_799 : vector<16xf32>
      %gt3A_802 = arith.constant 0.000000e+00 : f32
      %gt3A_803 = vector.broadcast %gt3A_802 : f32 to vector<16xf32>
      %gt3A_804 = arith.cmpf ogt, %max3A_800, %gt3A_803 : vector<16xf32>
      %jit3A_805 = arith.constant 1.000000e+00 : f32
      %broadcast_in_dim3A_806 = vector.broadcast %jit3A_805 : f32 to vector<16xf32>
      %select_n3A_807 = arith.select %gt3A_804, %max3A_800, %broadcast_in_dim3A_806 : vector<16xi1>, vector<16xf32>
      %div3A_808 = arith.divf %min3A_801, %select_n3A_807 : vector<16xf32>
      %mul3A_809 = arith.mulf %div3A_808, %div3A_808 : vector<16xf32>
      %broadcast_in_dim3A_810 = arith.constant -4.831170e-03 : f32
      %broadcast_in_dim3A_811 = vector.broadcast %broadcast_in_dim3A_810 : f32 to vector<16xf32>
      %mul3A_812 = arith.mulf %broadcast_in_dim3A_811, %mul3A_809 : vector<16xf32>
      %add3A_813 = arith.constant 0.0247567799 : f32
      %add3A_814 = vector.broadcast %add3A_813 : f32 to vector<16xf32>
      %add3A_815 = arith.addf %mul3A_812, %add3A_814 : vector<16xf32>
      %mul3A_816 = arith.mulf %add3A_815, %mul3A_809 : vector<16xf32>
      %add3A_817 = arith.constant -0.0602191314 : f32
      %add3A_818 = vector.broadcast %add3A_817 : f32 to vector<16xf32>
      %add3A_819 = arith.addf %mul3A_816, %add3A_818 : vector<16xf32>
      %mul3A_820 = arith.mulf %add3A_819, %mul3A_809 : vector<16xf32>
      %add3A_821 = arith.constant 0.099679239 : f32
      %add3A_822 = vector.broadcast %add3A_821 : f32 to vector<16xf32>
      %add3A_823 = arith.addf %mul3A_820, %add3A_822 : vector<16xf32>
      %mul3A_824 = arith.mulf %add3A_823, %mul3A_809 : vector<16xf32>
      %add3A_825 = arith.constant -0.140401393 : f32
      %add3A_826 = vector.broadcast %add3A_825 : f32 to vector<16xf32>
      %add3A_827 = arith.addf %mul3A_824, %add3A_826 : vector<16xf32>
      %mul3A_828 = arith.mulf %add3A_827, %mul3A_809 : vector<16xf32>
      %add3A_829 = arith.constant 0.199736819 : f32
      %add3A_830 = vector.broadcast %add3A_829 : f32 to vector<16xf32>
      %add3A_831 = arith.addf %mul3A_828, %add3A_830 : vector<16xf32>
      %mul3A_832 = arith.mulf %add3A_831, %mul3A_809 : vector<16xf32>
      %add3A_833 = arith.constant -0.333323032 : f32
      %add3A_834 = vector.broadcast %add3A_833 : f32 to vector<16xf32>
      %add3A_835 = arith.addf %mul3A_832, %add3A_834 : vector<16xf32>
      %mul3A_836 = arith.mulf %add3A_835, %mul3A_809 : vector<16xf32>
      %add3A_837 = arith.constant 0.99999994 : f32
      %add3A_838 = vector.broadcast %add3A_837 : f32 to vector<16xf32>
      %add3A_839 = arith.addf %mul3A_836, %add3A_838 : vector<16xf32>
      %mul3A_840 = arith.mulf %add3A_839, %div3A_808 : vector<16xf32>
      %gt3A_841 = arith.cmpf ogt, %select_n3A_798, %abs3A_799 : vector<16xf32>
      %sub3A_842 = arith.constant 1.57079637 : f32
      %sub3A_843 = vector.broadcast %sub3A_842 : f32 to vector<16xf32>
      %sub3A_844 = arith.subf %sub3A_843, %mul3A_840 : vector<16xf32>
      %select_n3A_845 = arith.select %gt3A_841, %sub3A_844, %mul3A_840 : vector<16xi1>, vector<16xf32>
      %lt3A_846 = arith.constant 0.000000e+00 : f32
      %lt3A_847 = vector.broadcast %lt3A_846 : f32 to vector<16xf32>
      %lt3A_848 = arith.cmpf olt, %sub3A_754, %lt3A_847 : vector<16xf32>
      %sub3A_849 = arith.constant 3.14159274 : f32
      %sub3A_850 = vector.broadcast %sub3A_849 : f32 to vector<16xf32>
      %sub3A_851 = arith.subf %sub3A_850, %select_n3A_845 : vector<16xf32>
      %select_n3A_852 = arith.select %lt3A_848, %sub3A_851, %select_n3A_845 : vector<16xi1>, vector<16xf32>
      %mul3A_853 = arith.constant 2.000000e+01 : f32
      %mul3A_854 = vector.broadcast %mul3A_853 : f32 to vector<16xf32>
      %mul3A_855 = arith.mulf %select_n3A_713, %mul3A_854 : vector<16xf32>
      %add3A_856 = arith.addf %mul3A_855, %select_n3A_716 : vector<16xf32>
      %mul3A_857 = arith.constant 2.000000e+01 : f32
      %mul3A_858 = vector.broadcast %mul3A_857 : f32 to vector<16xf32>
      %mul3A_859 = arith.mulf %add3A_856, %mul3A_858 : vector<16xf32>
      %add3A_860 = arith.addf %mul3A_859, %select_n3A_719 : vector<16xf32>
      %convert_element_type3A_861 = arith.fptosi %add3A_860 : vector<16xf32> to vector<16xi32>
      %broadcast_in_dim3A_862 = arith.constant 0 : i32
      %broadcast_in_dim3A_863 = vector.broadcast %broadcast_in_dim3A_862 : i32 to vector<16xi32>
      %gather3A_864 = tpu.vector_load_idx %arg9[%broadcast_in_dim3A_863, %convert_element_type3A_861] : memref<7x8000xf32, #tpu.memory_space<vmem>>[vector<16xi32>, vector<16xi32>], vector<16xf32>,
      %broadcast_in_dim3A_865 = arith.constant 1 : i32
      %broadcast_in_dim3A_866 = vector.broadcast %broadcast_in_dim3A_865 : i32 to vector<16xi32>
      %gather3A_867 = tpu.vector_load_idx %arg9[%broadcast_in_dim3A_866, %convert_element_type3A_861] : memref<7x8000xf32, #tpu.memory_space<vmem>>[vector<16xi32>, vector<16xi32>], vector<16xf32>,
      %broadcast_in_dim3A_868 = arith.constant 2 : i32
      %broadcast_in_dim3A_869 = vector.broadcast %broadcast_in_dim3A_868 : i32 to vector<16xi32>
      %gather3A_870 = tpu.vector_load_idx %arg9[%broadcast_in_dim3A_869, %convert_element_type3A_861] : memref<7x8000xf32, #tpu.memory_space<vmem>>[vector<16xi32>, vector<16xi32>], vector<16xf32>,
      %broadcast_in_dim3A_871 = arith.constant 3 : i32
      %broadcast_in_dim3A_872 = vector.broadcast %broadcast_in_dim3A_871 : i32 to vector<16xi32>
      %gather3A_873 = tpu.vector_load_idx %arg9[%broadcast_in_dim3A_872, %convert_element_type3A_861] : memref<7x8000xf32, #tpu.memory_space<vmem>>[vector<16xi32>, vector<16xi32>], vector<16xf32>,
      %broadcast_in_dim3A_874 = arith.constant 4 : i32
      %broadcast_in_dim3A_875 = vector.broadcast %broadcast_in_dim3A_874 : i32 to vector<16xi32>
      %gather3A_876 = tpu.vector_load_idx %arg9[%broadcast_in_dim3A_875, %convert_element_type3A_861] : memref<7x8000xf32, #tpu.memory_space<vmem>>[vector<16xi32>, vector<16xi32>], vector<16xf32>,
      %broadcast_in_dim3A_877 = arith.constant 5 : i32
      %broadcast_in_dim3A_878 = vector.broadcast %broadcast_in_dim3A_877 : i32 to vector<16xi32>
      %gather3A_879 = tpu.vector_load_idx %arg9[%broadcast_in_dim3A_878, %convert_element_type3A_861] : memref<7x8000xf32, #tpu.memory_space<vmem>>[vector<16xi32>, vector<16xi32>], vector<16xf32>,
      %broadcast_in_dim3A_880 = arith.constant 6 : i32
      %broadcast_in_dim3A_881 = vector.broadcast %broadcast_in_dim3A_880 : i32 to vector<16xi32>
      %gather3A_882 = tpu.vector_load_idx %arg9[%broadcast_in_dim3A_881, %convert_element_type3A_861] : memref<7x8000xf32, #tpu.memory_space<vmem>>[vector<16xi32>, vector<16xi32>], vector<16xf32>,
      %sub3A_883 = arith.subf %select_n3A_852, %gather3A_873 : vector<16xf32>
      %sub3A_884 = arith.subf %select_n3A_852, %gather3A_876 : vector<16xf32>
      %sub3A_885 = arith.subf %select_n3A_852, %gather3A_879 : vector<16xf32>
      %mul3A_886 = arith.mulf %sub3A_885, %sub3A_885 : vector<16xf32>
      %mul3A_887 = arith.mulf %sub3A_883, %sub3A_883 : vector<16xf32>
      %mul3A_888 = arith.mulf %gather3A_864, %mul3A_887 : vector<16xf32>
      %add3A_889 = arith.addf %gather3A_882, %mul3A_888 : vector<16xf32>
      %mul3A_890 = arith.mulf %sub3A_884, %sub3A_884 : vector<16xf32>
      %mul3A_891 = arith.mulf %mul3A_890, %sub3A_884 : vector<16xf32>
      %mul3A_892 = arith.mulf %gather3A_867, %mul3A_891 : vector<16xf32>
      %add3A_893 = arith.addf %add3A_889, %mul3A_892 : vector<16xf32>
      %mul3A_894 = arith.mulf %mul3A_886, %mul3A_886 : vector<16xf32>
      %mul3A_895 = arith.mulf %gather3A_870, %mul3A_894 : vector<16xf32>
      %add3A_896 = arith.addf %add3A_893, %mul3A_895 : vector<16xf32>
      %select_n3A_897 = arith.select %eq3A_70, %gather3A_153, %gather3A_154 : vector<16xi1>, vector<16xf32>
      %select_n3A_898 = arith.select %eq3A_73, %gather3A_152, %select_n3A_897 : vector<16xi1>, vector<16xf32>
      %select_n3A_899 = arith.select %eq3A_76, %gather3A_151, %select_n3A_898 : vector<16xi1>, vector<16xf32>
      %select_n3A_900 = arith.select %eq3A_70, %gather3A_157, %gather3A_158 : vector<16xi1>, vector<16xf32>
      %select_n3A_901 = arith.select %eq3A_73, %gather3A_156, %select_n3A_900 : vector<16xi1>, vector<16xf32>
      %select_n3A_902 = arith.select %eq3A_76, %gather3A_155, %select_n3A_901 : vector<16xi1>, vector<16xf32>
      %select_n3A_903 = arith.select %eq3A_70, %gather3A_161, %gather3A_162 : vector<16xi1>, vector<16xf32>
      %select_n3A_904 = arith.select %eq3A_73, %gather3A_160, %select_n3A_903 : vector<16xi1>, vector<16xf32>
      %select_n3A_905 = arith.select %eq3A_76, %gather3A_159, %select_n3A_904 : vector<16xi1>, vector<16xf32>
      %sub3A_906 = arith.subf %gather3A_151, %gather3A_155 : vector<16xf32>
      %sub3A_907 = arith.subf %gather3A_152, %gather3A_156 : vector<16xf32>
      %sub3A_908 = arith.subf %gather3A_153, %gather3A_157 : vector<16xf32>
      %sub3A_909 = arith.subf %gather3A_154, %gather3A_158 : vector<16xf32>
      %sub3A_910 = arith.subf %gather3A_159, %gather3A_155 : vector<16xf32>
      %sub3A_911 = arith.subf %gather3A_160, %gather3A_156 : vector<16xf32>
      %sub3A_912 = arith.subf %gather3A_161, %gather3A_157 : vector<16xf32>
      %sub3A_913 = arith.subf %gather3A_162, %gather3A_158 : vector<16xf32>
      %mul3A_914 = arith.mulf %sub3A_906, %sub3A_906 : vector<16xf32>
      %mul3A_915 = arith.mulf %sub3A_907, %sub3A_907 : vector<16xf32>
      %add3A_916 = arith.addf %mul3A_914, %mul3A_915 : vector<16xf32>
      %mul3A_917 = arith.mulf %sub3A_908, %sub3A_908 : vector<16xf32>
      %mul3A_918 = arith.mulf %sub3A_909, %sub3A_909 : vector<16xf32>
      %add3A_919 = arith.addf %mul3A_917, %mul3A_918 : vector<16xf32>
      %add3A_920 = arith.addf %add3A_916, %add3A_919 : vector<16xf32>
      %mul3A_921 = arith.mulf %sub3A_906, %sub3A_910 : vector<16xf32>
      %mul3A_922 = arith.mulf %sub3A_907, %sub3A_911 : vector<16xf32>
      %add3A_923 = arith.addf %mul3A_921, %mul3A_922 : vector<16xf32>
      %mul3A_924 = arith.mulf %sub3A_908, %sub3A_912 : vector<16xf32>
      %mul3A_925 = arith.mulf %sub3A_909, %sub3A_913 : vector<16xf32>
      %add3A_926 = arith.addf %mul3A_924, %mul3A_925 : vector<16xf32>
      %add3A_927 = arith.addf %add3A_923, %add3A_926 : vector<16xf32>
      %mul3A_928 = arith.mulf %sub3A_910, %sub3A_910 : vector<16xf32>
      %mul3A_929 = arith.mulf %sub3A_911, %sub3A_911 : vector<16xf32>
      %add3A_930 = arith.addf %mul3A_928, %mul3A_929 : vector<16xf32>
      %mul3A_931 = arith.mulf %sub3A_912, %sub3A_912 : vector<16xf32>
      %mul3A_932 = arith.mulf %sub3A_913, %sub3A_913 : vector<16xf32>
      %add3A_933 = arith.addf %mul3A_931, %mul3A_932 : vector<16xf32>
      %add3A_934 = arith.addf %add3A_930, %add3A_933 : vector<16xf32>
      %sub3A_935 = arith.subf %select_n3A_899, %select_n3A_902 : vector<16xf32>
      %sub3A_936 = arith.subf %select_n3A_905, %select_n3A_902 : vector<16xf32>
      %mul3A_937 = arith.mulf %sub3A_935, %sub3A_935 : vector<16xf32>
      %sub3A_938 = arith.subf %add3A_920, %mul3A_937 : vector<16xf32>
      %mul3A_939 = arith.mulf %sub3A_935, %sub3A_936 : vector<16xf32>
      %sub3A_940 = arith.subf %add3A_927, %mul3A_939 : vector<16xf32>
      %mul3A_941 = arith.mulf %sub3A_936, %sub3A_936 : vector<16xf32>
      %sub3A_942 = arith.subf %add3A_934, %mul3A_941 : vector<16xf32>
      %mul3A_943 = arith.mulf %sub3A_938, %sub3A_942 : vector<16xf32>
      %mul3A_944 = arith.mulf %sub3A_940, %sub3A_940 : vector<16xf32>
      %sub3A_945 = arith.subf %mul3A_943, %mul3A_944 : vector<16xf32>
      %max3A_946 = arith.constant 0.000000e+00 : f32
      %max3A_947 = vector.broadcast %max3A_946 : f32 to vector<16xf32>
      %max3A_948 = arith.maximumf %sub3A_945, %max3A_947 : vector<16xf32>
      %bitcast3A_949 = vector.bitcast %max3A_948 : vector<16xf32> to vector<16xi32>
      %broadcast_in_dim3A_950 = arith.constant 1597463007 : i32
      %broadcast_in_dim3A_951 = vector.broadcast %broadcast_in_dim3A_950 : i32 to vector<16xi32>
      %shift_right_logical3A_952 = arith.constant 1 : i32
      %shift_right_logical3A_953 = vector.broadcast %shift_right_logical3A_952 : i32 to vector<16xi32>
      %shift_right_logical3A_954 = arith.shrui %bitcast3A_949, %shift_right_logical3A_953 : vector<16xi32>
      %sub3A_955 = arith.subi %broadcast_in_dim3A_951, %shift_right_logical3A_954 : vector<16xi32>
      %bitcast3A_956 = vector.bitcast %sub3A_955 : vector<16xi32> to vector<16xf32>
      %mul3A_957 = arith.constant 5.000000e-01 : f32
      %mul3A_958 = vector.broadcast %mul3A_957 : f32 to vector<16xf32>
      %mul3A_959 = arith.mulf %max3A_948, %mul3A_958 : vector<16xf32>
      %mul3A_960 = arith.mulf %mul3A_959, %bitcast3A_956 : vector<16xf32>
      %mul3A_961 = arith.mulf %mul3A_960, %bitcast3A_956 : vector<16xf32>
      %sub3A_962 = arith.constant 1.500000e+00 : f32
      %sub3A_963 = vector.broadcast %sub3A_962 : f32 to vector<16xf32>
      %sub3A_964 = arith.subf %sub3A_963, %mul3A_961 : vector<16xf32>
      %mul3A_965 = arith.mulf %bitcast3A_956, %sub3A_964 : vector<16xf32>
      %mul3A_966 = arith.mulf %mul3A_959, %mul3A_965 : vector<16xf32>
      %mul3A_967 = arith.mulf %mul3A_966, %mul3A_965 : vector<16xf32>
      %sub3A_968 = arith.constant 1.500000e+00 : f32
      %sub3A_969 = vector.broadcast %sub3A_968 : f32 to vector<16xf32>
      %sub3A_970 = arith.subf %sub3A_969, %mul3A_967 : vector<16xf32>
      %mul3A_971 = arith.mulf %mul3A_965, %sub3A_970 : vector<16xf32>
      %mul3A_972 = arith.mulf %mul3A_959, %mul3A_971 : vector<16xf32>
      %mul3A_973 = arith.mulf %mul3A_972, %mul3A_971 : vector<16xf32>
      %sub3A_974 = arith.constant 1.500000e+00 : f32
      %sub3A_975 = vector.broadcast %sub3A_974 : f32 to vector<16xf32>
      %sub3A_976 = arith.subf %sub3A_975, %mul3A_973 : vector<16xf32>
      %mul3A_977 = arith.mulf %mul3A_971, %sub3A_976 : vector<16xf32>
      %gt3A_978 = arith.constant 0.000000e+00 : f32
      %gt3A_979 = vector.broadcast %gt3A_978 : f32 to vector<16xf32>
      %gt3A_980 = arith.cmpf ogt, %max3A_948, %gt3A_979 : vector<16xf32>
      %mul3A_981 = arith.mulf %max3A_948, %mul3A_977 : vector<16xf32>
      %jit3A_982 = arith.constant 0.000000e+00 : f32
      %broadcast_in_dim3A_983 = vector.broadcast %jit3A_982 : f32 to vector<16xf32>
      %select_n3A_984 = arith.select %gt3A_980, %mul3A_981, %broadcast_in_dim3A_983 : vector<16xi1>, vector<16xf32>
      %abs3A_985 = math.absf %sub3A_940 : vector<16xf32>
      %max3A_986 = arith.maximumf %select_n3A_984, %abs3A_985 : vector<16xf32>
      %min3A_987 = arith.minimumf %select_n3A_984, %abs3A_985 : vector<16xf32>
      %gt3A_988 = arith.constant 0.000000e+00 : f32
      %gt3A_989 = vector.broadcast %gt3A_988 : f32 to vector<16xf32>
      %gt3A_990 = arith.cmpf ogt, %max3A_986, %gt3A_989 : vector<16xf32>
      %jit3A_991 = arith.constant 1.000000e+00 : f32
      %broadcast_in_dim3A_992 = vector.broadcast %jit3A_991 : f32 to vector<16xf32>
      %select_n3A_993 = arith.select %gt3A_990, %max3A_986, %broadcast_in_dim3A_992 : vector<16xi1>, vector<16xf32>
      %div3A_994 = arith.divf %min3A_987, %select_n3A_993 : vector<16xf32>
      %mul3A_995 = arith.mulf %div3A_994, %div3A_994 : vector<16xf32>
      %broadcast_in_dim3A_996 = arith.constant -4.831170e-03 : f32
      %broadcast_in_dim3A_997 = vector.broadcast %broadcast_in_dim3A_996 : f32 to vector<16xf32>
      %mul3A_998 = arith.mulf %broadcast_in_dim3A_997, %mul3A_995 : vector<16xf32>
      %add3A_999 = arith.constant 0.0247567799 : f32
      %add3A_1000 = vector.broadcast %add3A_999 : f32 to vector<16xf32>
      %add3A_1001 = arith.addf %mul3A_998, %add3A_1000 : vector<16xf32>
      %mul3A_1002 = arith.mulf %add3A_1001, %mul3A_995 : vector<16xf32>
      %add3A_1003 = arith.constant -0.0602191314 : f32
      %add3A_1004 = vector.broadcast %add3A_1003 : f32 to vector<16xf32>
      %add3A_1005 = arith.addf %mul3A_1002, %add3A_1004 : vector<16xf32>
      %mul3A_1006 = arith.mulf %add3A_1005, %mul3A_995 : vector<16xf32>
      %add3A_1007 = arith.constant 0.099679239 : f32
      %add3A_1008 = vector.broadcast %add3A_1007 : f32 to vector<16xf32>
      %add3A_1009 = arith.addf %mul3A_1006, %add3A_1008 : vector<16xf32>
      %mul3A_1010 = arith.mulf %add3A_1009, %mul3A_995 : vector<16xf32>
      %add3A_1011 = arith.constant -0.140401393 : f32
      %add3A_1012 = vector.broadcast %add3A_1011 : f32 to vector<16xf32>
      %add3A_1013 = arith.addf %mul3A_1010, %add3A_1012 : vector<16xf32>
      %mul3A_1014 = arith.mulf %add3A_1013, %mul3A_995 : vector<16xf32>
      %add3A_1015 = arith.constant 0.199736819 : f32
      %add3A_1016 = vector.broadcast %add3A_1015 : f32 to vector<16xf32>
      %add3A_1017 = arith.addf %mul3A_1014, %add3A_1016 : vector<16xf32>
      %mul3A_1018 = arith.mulf %add3A_1017, %mul3A_995 : vector<16xf32>
      %add3A_1019 = arith.constant -0.333323032 : f32
      %add3A_1020 = vector.broadcast %add3A_1019 : f32 to vector<16xf32>
      %add3A_1021 = arith.addf %mul3A_1018, %add3A_1020 : vector<16xf32>
      %mul3A_1022 = arith.mulf %add3A_1021, %mul3A_995 : vector<16xf32>
      %add3A_1023 = arith.constant 0.99999994 : f32
      %add3A_1024 = vector.broadcast %add3A_1023 : f32 to vector<16xf32>
      %add3A_1025 = arith.addf %mul3A_1022, %add3A_1024 : vector<16xf32>
      %mul3A_1026 = arith.mulf %add3A_1025, %div3A_994 : vector<16xf32>
      %gt3A_1027 = arith.cmpf ogt, %select_n3A_984, %abs3A_985 : vector<16xf32>
      %sub3A_1028 = arith.constant 1.57079637 : f32
      %sub3A_1029 = vector.broadcast %sub3A_1028 : f32 to vector<16xf32>
      %sub3A_1030 = arith.subf %sub3A_1029, %mul3A_1026 : vector<16xf32>
      %select_n3A_1031 = arith.select %gt3A_1027, %sub3A_1030, %mul3A_1026 : vector<16xi1>, vector<16xf32>
      %lt3A_1032 = arith.constant 0.000000e+00 : f32
      %lt3A_1033 = vector.broadcast %lt3A_1032 : f32 to vector<16xf32>
      %lt3A_1034 = arith.cmpf olt, %sub3A_940, %lt3A_1033 : vector<16xf32>
      %sub3A_1035 = arith.constant 3.14159274 : f32
      %sub3A_1036 = vector.broadcast %sub3A_1035 : f32 to vector<16xf32>
      %sub3A_1037 = arith.subf %sub3A_1036, %select_n3A_1031 : vector<16xf32>
      %select_n3A_1038 = arith.select %lt3A_1034, %sub3A_1037, %select_n3A_1031 : vector<16xi1>, vector<16xf32>
      %mul3A_1039 = arith.constant 2.000000e+01 : f32
      %mul3A_1040 = vector.broadcast %mul3A_1039 : f32 to vector<16xf32>
      %mul3A_1041 = arith.mulf %select_n3A_899, %mul3A_1040 : vector<16xf32>
      %add3A_1042 = arith.addf %mul3A_1041, %select_n3A_902 : vector<16xf32>
      %mul3A_1043 = arith.constant 2.000000e+01 : f32
      %mul3A_1044 = vector.broadcast %mul3A_1043 : f32 to vector<16xf32>
      %mul3A_1045 = arith.mulf %add3A_1042, %mul3A_1044 : vector<16xf32>
      %add3A_1046 = arith.addf %mul3A_1045, %select_n3A_905 : vector<16xf32>
      %convert_element_type3A_1047 = arith.fptosi %add3A_1046 : vector<16xf32> to vector<16xi32>
      %broadcast_in_dim3A_1048 = arith.constant 0 : i32
      %broadcast_in_dim3A_1049 = vector.broadcast %broadcast_in_dim3A_1048 : i32 to vector<16xi32>
      %gather3A_1050 = tpu.vector_load_idx %arg9[%broadcast_in_dim3A_1049, %convert_element_type3A_1047] : memref<7x8000xf32, #tpu.memory_space<vmem>>[vector<16xi32>, vector<16xi32>], vector<16xf32>,
      %broadcast_in_dim3A_1051 = arith.constant 1 : i32
      %broadcast_in_dim3A_1052 = vector.broadcast %broadcast_in_dim3A_1051 : i32 to vector<16xi32>
      %gather3A_1053 = tpu.vector_load_idx %arg9[%broadcast_in_dim3A_1052, %convert_element_type3A_1047] : memref<7x8000xf32, #tpu.memory_space<vmem>>[vector<16xi32>, vector<16xi32>], vector<16xf32>,
      %broadcast_in_dim3A_1054 = arith.constant 2 : i32
      %broadcast_in_dim3A_1055 = vector.broadcast %broadcast_in_dim3A_1054 : i32 to vector<16xi32>
      %gather3A_1056 = tpu.vector_load_idx %arg9[%broadcast_in_dim3A_1055, %convert_element_type3A_1047] : memref<7x8000xf32, #tpu.memory_space<vmem>>[vector<16xi32>, vector<16xi32>], vector<16xf32>,
      %broadcast_in_dim3A_1057 = arith.constant 3 : i32
      %broadcast_in_dim3A_1058 = vector.broadcast %broadcast_in_dim3A_1057 : i32 to vector<16xi32>
      %gather3A_1059 = tpu.vector_load_idx %arg9[%broadcast_in_dim3A_1058, %convert_element_type3A_1047] : memref<7x8000xf32, #tpu.memory_space<vmem>>[vector<16xi32>, vector<16xi32>], vector<16xf32>,
      %broadcast_in_dim3A_1060 = arith.constant 4 : i32
      %broadcast_in_dim3A_1061 = vector.broadcast %broadcast_in_dim3A_1060 : i32 to vector<16xi32>
      %gather3A_1062 = tpu.vector_load_idx %arg9[%broadcast_in_dim3A_1061, %convert_element_type3A_1047] : memref<7x8000xf32, #tpu.memory_space<vmem>>[vector<16xi32>, vector<16xi32>], vector<16xf32>,
      %broadcast_in_dim3A_1063 = arith.constant 5 : i32
      %broadcast_in_dim3A_1064 = vector.broadcast %broadcast_in_dim3A_1063 : i32 to vector<16xi32>
      %gather3A_1065 = tpu.vector_load_idx %arg9[%broadcast_in_dim3A_1064, %convert_element_type3A_1047] : memref<7x8000xf32, #tpu.memory_space<vmem>>[vector<16xi32>, vector<16xi32>], vector<16xf32>,
      %broadcast_in_dim3A_1066 = arith.constant 6 : i32
      %broadcast_in_dim3A_1067 = vector.broadcast %broadcast_in_dim3A_1066 : i32 to vector<16xi32>
      %gather3A_1068 = tpu.vector_load_idx %arg9[%broadcast_in_dim3A_1067, %convert_element_type3A_1047] : memref<7x8000xf32, #tpu.memory_space<vmem>>[vector<16xi32>, vector<16xi32>], vector<16xf32>,
      %sub3A_1069 = arith.subf %select_n3A_1038, %gather3A_1059 : vector<16xf32>
      %sub3A_1070 = arith.subf %select_n3A_1038, %gather3A_1062 : vector<16xf32>
      %sub3A_1071 = arith.subf %select_n3A_1038, %gather3A_1065 : vector<16xf32>
      %mul3A_1072 = arith.mulf %sub3A_1071, %sub3A_1071 : vector<16xf32>
      %mul3A_1073 = arith.mulf %sub3A_1069, %sub3A_1069 : vector<16xf32>
      %mul3A_1074 = arith.mulf %gather3A_1050, %mul3A_1073 : vector<16xf32>
      %add3A_1075 = arith.addf %gather3A_1068, %mul3A_1074 : vector<16xf32>
      %mul3A_1076 = arith.mulf %sub3A_1070, %sub3A_1070 : vector<16xf32>
      %mul3A_1077 = arith.mulf %mul3A_1076, %sub3A_1070 : vector<16xf32>
      %mul3A_1078 = arith.mulf %gather3A_1053, %mul3A_1077 : vector<16xf32>
      %add3A_1079 = arith.addf %add3A_1075, %mul3A_1078 : vector<16xf32>
      %mul3A_1080 = arith.mulf %mul3A_1072, %mul3A_1072 : vector<16xf32>
      %mul3A_1081 = arith.mulf %gather3A_1056, %mul3A_1080 : vector<16xf32>
      %add3A_1082 = arith.addf %add3A_1079, %mul3A_1081 : vector<16xf32>
      %add3A_1083 = arith.constant 0 : i32
      %add3A_1084 = vector.broadcast %add3A_1083 : i32 to vector<16xi32>
      %add3A_1085 = arith.addi %iota3A, %add3A_1084 : vector<16xi32>
      tpu.vector_store_idx %arg10[%get3A_92, %add3A_1085], %add3A_338 {add = true} : memref<128x80xf32, #tpu.memory_space<vmem>>[vector<16xi32>, vector<16xi32>], vector<16xf32>,
      %add3A_1086 = arith.constant 16 : i32
      %add3A_1087 = vector.broadcast %add3A_1086 : i32 to vector<16xi32>
      %add3A_1088 = arith.addi %iota3A, %add3A_1087 : vector<16xi32>
      tpu.vector_store_idx %arg10[%get3A_110, %add3A_1088], %add3A_524 {add = true} : memref<128x80xf32, #tpu.memory_space<vmem>>[vector<16xi32>, vector<16xi32>], vector<16xf32>,
      %add3A_1089 = arith.constant 32 : i32
      %add3A_1090 = vector.broadcast %add3A_1089 : i32 to vector<16xi32>
      %add3A_1091 = arith.addi %iota3A, %add3A_1090 : vector<16xi32>
      tpu.vector_store_idx %arg10[%get3A_128, %add3A_1091], %add3A_710 {add = true} : memref<128x80xf32, #tpu.memory_space<vmem>>[vector<16xi32>, vector<16xi32>], vector<16xf32>,
      %add3A_1092 = arith.constant 48 : i32
      %add3A_1093 = vector.broadcast %add3A_1092 : i32 to vector<16xi32>
      %add3A_1094 = arith.addi %iota3A, %add3A_1093 : vector<16xi32>
      tpu.vector_store_idx %arg10[%get3A_146, %add3A_1094], %add3A_896 {add = true} : memref<128x80xf32, #tpu.memory_space<vmem>>[vector<16xi32>, vector<16xi32>], vector<16xf32>,
      %add3A_1095 = arith.constant 64 : i32
      %add3A_1096 = vector.broadcast %add3A_1095 : i32 to vector<16xi32>
      %add3A_1097 = arith.addi %iota3A, %add3A_1096 : vector<16xi32>
      tpu.vector_store_idx %arg10[%get3A_164, %add3A_1097], %add3A_1082 {add = true} : memref<128x80xf32, #tpu.memory_space<vmem>>[vector<16xi32>, vector<16xi32>], vector<16xf32>,
    }
    %scan3A_34 = arith.constant 5 : i32
    "tpu.region"() ({
      %run_scoped3A = tpu.sem_alloc : memref<!tpu.dma_semaphore, #tpu.memory_space<semaphore_mem>>
      %dma_start3A_35 = arith.constant 0 : i32
      %dma_start3A_36 = arith.constant 0 : i32
      %dma_start3A_37 = tpu.memref_slice %arg8[%add3A, %dma_start3A_35, %dma_start3A_36] : memref<32x128x80xf32, #tpu.memory_space<hbm>> -> memref<1x128x80xf32, #tpu.memory_space<hbm>>
      %dma_start3A_38 = tpu.memref_squeeze %dma_start3A_37 : memref<1x128x80xf32, #tpu.memory_space<hbm>> -> memref<128x80xf32, #tpu.memory_space<hbm>>
      %dma_start3A_39 = arith.constant 0 : i32
      %dma_start3A_40 = arith.constant 0 : i32
      %dma_start3A_41 = tpu.memref_slice %arg8[%add3A, %dma_start3A_39, %dma_start3A_40] : memref<32x128x80xf32, #tpu.memory_space<hbm>> -> memref<1x128x80xf32, #tpu.memory_space<hbm>>
      %dma_start3A_42 = tpu.memref_squeeze %dma_start3A_41 : memref<1x128x80xf32, #tpu.memory_space<hbm>> -> memref<128x80xf32, #tpu.memory_space<hbm>>
      tpu.enqueue_dma source(%arg10 : memref<128x80xf32, #tpu.memory_space<vmem>>) target(%dma_start3A_42 : memref<128x80xf32, #tpu.memory_space<hbm>>) target_semaphore(%run_scoped3A : memref<!tpu.dma_semaphore, #tpu.memory_space<semaphore_mem>>)
      %dma_wait3A_43 = arith.constant 0 : i32
      %dma_wait3A_44 = arith.constant 0 : i32
      %dma_wait3A_45 = tpu.memref_slice %arg8[%add3A, %dma_wait3A_43, %dma_wait3A_44] : memref<32x128x80xf32, #tpu.memory_space<hbm>> -> memref<1x128x80xf32, #tpu.memory_space<hbm>>
      %dma_wait3A_46 = tpu.memref_squeeze %dma_wait3A_45 : memref<1x128x80xf32, #tpu.memory_space<hbm>> -> memref<128x80xf32, #tpu.memory_space<hbm>>
      %dma_wait3A_47 = arith.constant 0 : i32
      %dma_wait3A_48 = arith.constant 0 : i32
      %dma_wait3A_49 = tpu.memref_slice %arg8[%add3A, %dma_wait3A_47, %dma_wait3A_48] : memref<32x128x80xf32, #tpu.memory_space<hbm>> -> memref<1x128x80xf32, #tpu.memory_space<hbm>>
      %dma_wait3A_50 = tpu.memref_squeeze %dma_wait3A_49 : memref<1x128x80xf32, #tpu.memory_space<hbm>> -> memref<128x80xf32, #tpu.memory_space<hbm>>
      tpu.wait_dma2 semaphore(%run_scoped3A : memref<!tpu.dma_semaphore, #tpu.memory_space<semaphore_mem>>) src(%arg10 : memref<128x80xf32, #tpu.memory_space<vmem>>) dst(%dma_wait3A_50 : memref<128x80xf32, #tpu.memory_space<hbm>>)
      tpu.yield
    }) : () -> ()
    return
  }
}

module attributes {stable_mosaic.version = 14 : i64} {
  func.func @body(%arg0: memref<32x128x80xf32, #tpu.memory_space<vmem>>, %arg1: memref<128xf32, #tpu.memory_space<vmem>>) attributes {dimension_semantics = [], scalar_prefetch = 0 : i64, scratch_operands = 0 : i64, tpu.core_type = #tpu.core_type<tc>} {
    %get3A = arith.constant 0 : index
    %get3A_0 = arith.constant 0 : index
    %get3A_1 = arith.constant 0 : index
    %get3A_2 = vector.load %arg0[%get3A, %get3A_0, %get3A_1] : memref<32x128x80xf32, #tpu.memory_space<vmem>>, vector<32x128x80xf32>
    %reduce_sum3A = arith.constant dense<0.000000e+00> : vector<128xf32>
    %reduce_sum3A_3 = vector.multi_reduction <add>, %get3A_2, %reduce_sum3A [0, 2] : vector<32x128x80xf32> to vector<128xf32>
    %swap3A = arith.constant 0 : index
    %swap3A_4 = vector.load %arg1[%swap3A] : memref<128xf32, #tpu.memory_space<vmem>>, vector<128xf32>
    tpu.vector_store %arg1[%swap3A], %reduce_sum3A_3 {strides = array<i32>} : memref<128xf32, #tpu.memory_space<vmem>>, vector<128xf32>,
    return
  }
}

</mosaic_0001>

<sc_bundles>
// kernel: kernel.4.cloned.1.call-start
scs
__scs_entry_jumppad:
0x0: {  	(pc) =	sbr.rel $0x88, $3  }
0x1: {  	(tag) =	ssettag $0x0;
	lr =	simm.s32 $0x1  }
0x2: {  	[smem:$0x3F9A] =	sst lr;
	_ =	strace $0xD0000000  }
0x3: {  	_ = 	snop  }
0x4: {  	_ = 	snop  }
0x5: {  	_ = 	snop  }
0x6: {  	_ = 	snop  }
0x7: {  	_ = 	snop  }
__scs_overlays_trampoline_lowered:
0x8: {  	[smem:$0x3FA9] =	sst s0  }
0x9: {  	[smem:$0x3FAA] =	sst s1  }
0xa: {  	[smem:$0x3FAB] =	sst s2  }
0xb: {  	[smem:$0x3FAC] =	sst s3  }
0xc: {  	[smem:$0x3FAD] =	sst s4  }
0xd: {  	[smem:$0x3FAE] =	sst s5  }
0xe: {  	[smem:$0x3FAF] =	sst s6  }
0xf: {  	[smem:$0x3FB0] =	sst s7  }
0x10: {  	[smem:$0x3FB1] =	sst s8  }
0x11: {  	[smem:$0x3FB2] =	sst s9;
	s0 =	simm.s32 @!p0 $0x0  }
0x12: {  	s1 =	sld [smem:$0x3F98];
	s0 =	simm.s32 @p0 $0x1  }
0x13: {  	[smem:$0x3FB3] =	sst s0;
	s0 =	simm.s32 @!p1 $0x0  }
0x14: {  	s2 =	sld [smem:$0x3F97];
	s0 =	simm.s32 @p1 $0x1  }
0x15: {  	[smem:$0x3FB4] =	sst s0;
	s0 =	simm.s32 @!p2 $0x0  }
0x16: {  	s3 =	sld [smem:$0x3FDB];
	s0 =	simm.s32 @p2 $0x1  }
0x17: {  	s4 =	simm.s32 $0x1BF5;
	[smem:$0x3FB6] =	sst s0  }
0x18: {  	s0 =	sld [smem:$0x3F99];
	_ =	swait.ge [sflag:s4], $0x0  }
0x19: {  	s7 =	sld [smem:$0x3F9A]  }
0x1a: {  	s8 =	sadd.s32 $0xFFFFE003, lr  }
0x1b: {  	s9 =	sadd.s32 $0xFFFFFEF7, lr;
	s5 =	simm.s32 $0xFFFFFFFF;
	p2 =	slt.u32 s8, $0xFFFFF086  }
0x1c: {  	p1 =	slt.u32 s9, $0xF7A;
	s5 =	simm.s32 @!p2 $0x0  }
0x1d: {  	s5 =	simm.s32 @p1 $0x1;
	p0 =	seq.s32 s7, s2  }
0x1e: {  	s7 =	smul.u32 @!p0 $0xF7A, s2;
	p2 =	seq.s32 @!p0 s5, $0x0  }
0x1f: {  	s9 =	smul.u32 $0xF7A, s1;
	s8 =	simm.s32 @!p0 $0x1BF5;
	p2 =	por !p2, p0  }
0x20: {  	[sflag:s8] =	ssyncset.s32 @!p0 $0xFFFFF086;
	s6 =	sadd.s32 @!p0 s3, s7;
	s7 =	simm.s32 @!p0 $0x108  }
0x21: {  	s3 =	sadd.s32 s3, s9;
	s6 =	sadd.s32 @!p0 $0x88, s6;
	s7 =	simm.s32 @p2 $0x1082  }
0x22: {  	[simem:s7], [sflag:s8] =	dma.local @!p0 [hbm:s6], $0xF7A  }
0x23: {  	s9 =	sor.u32 $0xD0000000, s2;
	s6 =	simm.s32 $0x108;
	_ =	swait.ge @!p0 [sflag:s8], $0x0  }
0x24: {  	s3 =	sadd.s32 $0x88, s3;
	s6 =	simm.s32 @!p1 $0x1082;
	[sflag:s4] =	ssyncset.s32 $0xFFFFF086  }
0x25: {  	[simem:s6], [sflag:s4] =	dma.local [hbm:s3], $0xF7A  }
0x26: {  	[smem:$0x3F9A] =	sst s1;
	(tag) =	ssettag s2;
	_ =	strace s9  }
0x27: {  	s1 =	sld [smem:$0x3FAA]  }
0x28: {  	s2 =	sld [smem:$0x3FAB]  }
0x29: {  	s4 =	sld [smem:$0x3FAD]  }
0x2a: {  	p0 =	seq.s32 s5, $0x0;
	s5 =	sld [smem:$0x3FAE]  }
0x2b: {  	s6 =	sld [smem:$0x3FAF]  }
0x2c: {  	s7 =	sld [smem:$0x3FB0]  }
0x2d: {  	s3 =	simm.s32 $0x108;
	s8 =	sld [smem:$0x3FB1]  }
0x2e: {  	s3 =	simm.s32 @!p0 $0x1082;
	s9 =	sld [smem:$0x3FB2]  }
0x2f: {  	lr =	sadd.s32 s0, s3;
	s0 =	sld [smem:$0x3FA9]  }
0x30: {  	s3 =	sld [smem:$0x3FAC]  }
0x31: {  	[smem:$0x3FB5] =	sst s10  }
0x32: {  	s10 =	sld [smem:$0x3FB3];
	_ =	sdelay $0x3  }
0x33: {  	p0 =	seq.s32 s10, $0x1;
	s10 =	sld [smem:$0x3FB5];
	_ =	sdelay $0x3  }
0x34: {  	[smem:$0x3FB5] =	sst s10  }
0x35: {  	s10 =	sld [smem:$0x3FB4];
	_ =	sdelay $0x3  }
0x36: {  	p1 =	seq.s32 s10, $0x1;
	s10 =	sld [smem:$0x3FB5];
	_ =	sdelay $0x3  }
0x37: {  	[smem:$0x3FB5] =	sst s10  }
0x38: {  	s10 =	sld [smem:$0x3FB6]  }
0x39: {  	_ = 	snop;
	(pc) =	sbr.ind lr, $3  }
0x3a: {  	_ = 	snop  }
0x3b: {  	_ = 	snop  }
0x3c: {  	p2 =	seq.s32 s10, $0x1;
	s10 =	sld [smem:$0x3FB5]  }
0x3d: {  	_ =	shalt  }
0x3e: {  	_ =	shalt  }
0x3f: {  	_ =	shalt  }
0x40: {  	_ =	shalt  }
0x41: {  	_ =	shalt  }
0x42: {  	_ =	shalt  }
0x43: {  	_ =	shalt  }
0x44: {  	_ =	shalt  }
0x45: {  	_ =	shalt  }
0x46: {  	_ =	shalt  }
0x47: {  	_ =	shalt  }
0x48: {  	_ =	shalt  }
0x49: {  	_ =	shalt  }
0x4a: {  	_ =	shalt  }
0x4b: {  	_ =	shalt  }
0x4c: {  	_ =	shalt  }
0x4d: {  	_ =	shalt  }
0x4e: {  	_ =	shalt  }
0x4f: {  	_ =	shalt  }
0x50: {  	_ =	shalt  }
0x51: {  	_ =	shalt  }
0x52: {  	_ =	shalt  }
0x53: {  	_ =	shalt  }
0x54: {  	_ =	shalt  }
0x55: {  	_ =	shalt  }
0x56: {  	_ =	shalt  }
0x57: {  	_ =	shalt  }
0x58: {  	_ =	shalt  }
0x59: {  	_ =	shalt  }
0x5a: {  	_ =	shalt  }
0x5b: {  	_ =	shalt  }
0x5c: {  	_ =	shalt  }
0x5d: {  	_ =	shalt  }
0x5e: {  	_ =	shalt  }
0x5f: {  	_ =	shalt  }
0x60: {  	_ =	shalt  }
0x61: {  	_ =	shalt  }
0x62: {  	_ =	shalt  }
0x63: {  	_ =	shalt  }
0x64: {  	_ =	shalt  }
0x65: {  	_ =	shalt  }
0x66: {  	_ =	shalt  }
0x67: {  	_ =	shalt  }
0x68: {  	_ =	shalt  }
0x69: {  	_ =	shalt  }
0x6a: {  	_ =	shalt  }
0x6b: {  	_ =	shalt  }
0x6c: {  	_ =	shalt  }
0x6d: {  	_ =	shalt  }
0x6e: {  	_ =	shalt  }
0x6f: {  	_ =	shalt  }
0x70: {  	_ =	shalt  }
0x71: {  	_ =	shalt  }
0x72: {  	_ =	shalt  }
0x73: {  	_ =	shalt  }
0x74: {  	_ =	shalt  }
0x75: {  	_ =	shalt  }
0x76: {  	_ =	shalt  }
0x77: {  	_ =	shalt  }
0x78: {  	_ =	shalt  }
0x79: {  	_ =	shalt  }
0x7a: {  	_ =	shalt  }
0x7b: {  	_ =	shalt  }
0x7c: {  	_ =	shalt  }
0x7d: {  	_ =	shalt  }
0x7e: {  	_ =	shalt  }
0x7f: {  	_ =	shalt  }
0x80: {  	_ =	shalt  }
0x81: {  	_ =	shalt  }
0x82: {  	_ =	shalt  }
0x83: {  	_ =	shalt  }
0x84: {  	_ =	shalt  }
0x85: {  	_ =	shalt  }
0x86: {  	_ =	shalt  }
0x87: {  	_ =	shalt  }
.Lfunc_end0:
.L_simem_size_0:
called_computation_lowered:
.L_overlay_start_0:
0x88: {  	s2 =	sld [smem:$0x3FD9]  }
0x89: {  	s3 =	sld [smem:$0x3FFE];
	_ =	sdelay $0x1  }
0x8a: {  	s1 =	srdreg.scid  }
0x8b: {  	s0 =	sand.u32 $0x1, s1  }
0x8c: {  	s17 =	sshll.u32 s0, $0xA;
	s2 =	sadd.s32 s3, s2  }
0x8d: {  	s2 =	sadd.s32 s2, s17  }
0x8e: {  	[smem:$0x3FC1] =	sst s2  }
0x8f: {  	_ = 	snop  }
0x90: {  	s2 =	sld [smem:$0x3FC7];
	(tm) =	ssettm $0x1  }
0x91: {  	s18 =	sld [smem:$0x3FFB];
	_ =	sdelay $0x3  }
0x92: {  	_ =	strace s18  }
0x93: {  	s3 =	sld [smem:$0x3FFC];
	_ =	sdelay $0x3  }
0x94: {  	_ =	strace s3  }
0x95: {  	s3 =	sld [smem:$0x3FFD];
	_ =	sdelay $0x3  }
0x96: {  	_ =	strace s3  }
0x97: {  	_ =	strace $0x8FFFFFFF  }
0x98: {  	s19 =	sld [smem:$0x3FDB];
	_ =	sdelay $0x1  }
0x99: {  	s4 =	simm.s32 $_scs_section_size  }
0x9a: {  	s5 =	simm.s32 $_size__tile_overlayer_lowered;
	s6 =	simm.s32 $_tile_overlayer_lowered  }
0x9b: {  	s22 =	simm.s32 $0x1BFF;
	s21 =	sshll.u32 s6, $0x1;
	s3 =	sadd.s32 s4, s19  }
0x9c: {  	s7 =	simm.s32 $0x0;
	s20 =	sshll.u32 s5, $0x1;
	s5 =	sadd.s32 s21, s3  }
0x9d: {  	[timem:s7], [sflag:s22] =	dma.local [hbm:s5], s20  }
0x9e: {  	_ =	swait.ge [sflag:s22], s20  }
0x9f: {  	s4 =	ssub.s32 $0x0, s20;
	[sflag:s22] =	ssyncset.done $0x0  }
0xa0: {  	[sflag:s22] =	ssyncadd.s32 s4;
	_ =	sdelay $0x1  }
0xa1: {  	s23 =	simm.s32 $0x1B8B  }
0xa2: {  	_ =	swait.ge [sflag:s23], $0x1  }
0xa3: {  	[sflag:s23] =	ssyncset.done $0x0  }
0xa4: {  	s25 =	simm.s32 $0x1B8E;
	s24 =	sld [smem:$0x3FFE];
	[sflag:s23] =	ssyncadd.s32 $0xFFFFFFFF  }
0xa5: {  	s26 =	simm.s32 $execute0_lowered;
	[smem:$0x3FD2] =	sst s25  }
0xa6: {  	s5 =	sshll.u32 s26, $0x1;
	_ =	strace $0x80000046;
	[dreg:$0x1] =	wrdreg $0xFFFFFFFF  }
0xa7: {  	s28 =	simm.s32 $_size_execute0_lowered;
	s3 =	sadd.s32 s3, s5;
	[dreg:$0x0] =	wrdreg $0x0  }
0xa8: {  	s5 =	sshll.u32 s28, $0x1;
	[dreg:$0x2] =	wrdreg s3  }
0xa9: {  	[dreg:$0x3] =	wrdreg s5  }
0xaa: {  	[dreg:$0x4] =	wrdreg $0xC0  }
0xab: {  	_ =	task [dreg:s7], $0x5FFFF  }
0xac: {  	[dreg:$0x1] =	wrdreg $0xFFFFFFFF  }
0xad: {  	[dreg:$0x0] =	wrdreg $0x60  }
0xae: {  	[dreg:$0x2] =	wrdreg s24  }
0xaf: {  	[dreg:$0x3] =	wrdreg s2  }
0xb0: {  	[dreg:$0x4] =	wrdreg $0x9  }
0xb1: {  	_ =	task.clear_ibuf [dreg:s7], $0x5FFFF;
	_ =	strace $0x90000046  }
0xb2: {  	s29 =	simm.s32 $0x9;
	_ =	strace $0x80000048  }
0xb3: {  	_ =	swait.ge [sflag:s29], $0x1  }
0xb4: {  	[sflag:s29] =	ssyncadd.s32 $0xFFFFFFFF  }
0xb5: {  	_ =	strace $0x90000048  }
0xb6: {  	_ =	sfence  }
0xb7: {  	s30 =	sld [smem:$0x0];
	_ =	sdelay $0x2  }
0xb8: {  	s31 =	sshll.u32 s1, $0xD;
	s1 =	sshrl.u32 s1, $0x2  }
0xb9: {  	s3 =	sand.u32 $0x4000, s31;
	s1 =	sadd.s32 s1, s30  }
0xba: {  	s0 =	sor.u32 s3, s0;
	s1 =	sshll.u32 s1, $0x11  }
0xbb: {  	s0 =	sor.u32 s1, s0  }
0xbc: {  	s0 =	sadd.s32 $0x8F2B, s0  }
0xbd: {  	[sflag:s0] =	ssyncadd.remote.s32 $0x1  }
0xbe: {  	_ =	sfence.sel $0xFFFF  }
0xbf: {  	[dreg:$0x0] =	wrdreg $0xFFFFFFFF;
	(pc) =	sbr.abs _section_cstart, $3  }
0xc0: {  	[dreg:$0x1] =	wrdreg $0xFFFFFFFF  }
0xc1: {  	_ =	task.clear_ibuf [dreg:s7], $0x2FFFF;
	_ =	strace $0x9FFFFFFF  }
0xc2: {  	(tm) =	ssettm $0x7FFFFFFF  }
0xc3: {  	_ =	shalt  }
tec
execute0_lowered:
.L_overlay_start_1:
0x0: {  	(tag) =	ssettag $0x1  }
0x1: {  	s0 =	rddreg [dreg:$0x0]  }
0x2: {  	s2 =	rddreg [dreg:$0x1]  }
0x3: {  	s3 =	simm.s32 $0x0;
	s1 =	srdreg.scid;
	s4 =	stileid.u32  }
0x4: {  	s14 =	simm.s32 $0x5;
	s18 =	simm.s32 $0x102C0;
	s19 =	simm.s32 $0x10450  }
0x5: {  	s28 =	simm.s32 $0x10900;
	s29 =	simm.s32 $0x10A90;
	s30 =	simm.s32 $0x10C20  }
0x6: {  	s31 =	simm.s32 $0x2;
	s11 =	simm.s32 $0x3;
	s12 =	simm.s32 $0xDAC0  }
0x7: {  	s15 =	simm.s32 $0x4;
	s16 =	simm.s32 $0x0;
	[smem:$0x7FF] =	sst s3  }
0x8: {  	s1 =	sand.u32 $0x1, s1;
	s4 =	sshll.u32 s4, $0x1;
	s5 =	sadd.s32 $0xC4400, s0  }
0x9: {  	v0 =	vimm.f32 $0.0e+00;
	v1 =	vlaneseq.u32;
	s6 =	sadd.s32 $0x62800, s0;
	s8 =	sadd.s32 $0xC00, s0;
	s7 =	sor.u32 s1, s4  }
0xa: {  	v4 =	vimm.s32 $0x30201;
	vm0 =	vcmask $0x1310;
	v5 =	vimm.s32 $0x1000302;
	s10 =	sadd.s32 $0x126000, s0;
	s1 =	ssub.s32 $0x2, s1;
	s9 =	smul.u32 $0x500, s7  }
0xb: {  	vm1 =	vcmask $0x300;
	vm2 =	vcmask $0x700;
	vm3 =	vcmask $0x3330;
	_ =	strace $0x80000047;
	s7 =	smul.u32 $0x186A0, s7;
	s20 =	sshrl.u32 s1, $0x1  }
0xc: {  	v6 =	vimm.s32 $0x2010003;
	v2 =	vmul.u32 $0x10, v1;
	v3 =	vand.u32 $0x3, v1;
	s4 =	sadd.s32 $0x187600, s0;
	[dreg:$0x3] =	wrdreg s10;
	s1 =	ssub.s32 s1, s20  }
0xd: {  	v4 =	vunpack.c.0.s8.s32 v4;
	vm0 =	vmor vm1, vm0;
	vm1 =	vcmask $0x2320;
	s20 =	simm.s32 $0x105E0;
	s0 =	sadd.s32 s9, s0;
	s25 =	sadd.s32 $0x320, s7  }
0xe: {  	v5 =	vunpack.c.0.s8.s32 v5;
	vm0 =	vmor vm0, vm1;
	vm1 =	vcmask $0x1710;
	s21 =	sshrl.u32 s7, $0x3;
	s26 =	smax.u32 s1, $0x1;
	[dreg:$0x7] =	wrdreg s25  }
0xf: {  	v6 =	vunpack.c.0.s8.s32 v6;
	vm1 =	vmor vm2, vm1;
	vm2 =	vcmask $0x2720;
	s13 =	sadd.s32 $0x190, s7;
	s22 =	sadd.s32 s5, s21;
	[dreg:$0x9] =	wrdreg s26  }
0x10: {  	vm0 =	vmor vm0, vm3;
	vm1 =	vmor vm1, vm2;
	vm2 =	vcmask $0x3730;
	s1 =	simm.s32 $0x17340;
	s23 =	sadd.s32 s6, s21;
	[dreg:$0x4] =	wrdreg s22  }
0x11: {  	vm3 =	vcmask $0xB00;
	vm1 =	vmor vm1, vm2;
	vm2 =	vcmask $0x1B10;
	s9 =	simm.s32 $0x18C40;
	s24 =	sadd.s32 s8, s21;
	[dreg:$0x5] =	wrdreg s23  }
0x12: {  	v7 =	vor.u32 $0x10, v1;
	s0 =	sadd.s32 $0x127C00, s0;
	s21 =	simm.s32 $0x1;
	vm2 =	vmor vm3, vm2;
	vm3 =	vcmask $0x2B20;
	[dreg:$0x6] =	wrdreg s24  }
0x13: {  	v8 =	vor.u32 $0x20, v1;
	s25 =	simm.s32 $0x14140;
	[dreg:$0x8] =	wrdreg s0;
	s22 =	simm.s32 $0x190;
	vm2 =	vmor vm2, vm3;
	vm3 =	vcmask $0x3B30  }
0x14: {  	v9 =	vor.u32 $0x30, v1;
	v10 =	vor.u32 $0x40, v1;
	s23 =	simm.s32 $0x10F40;
	s24 =	simm.s32 $0x12840;
	s0 =	simm.s32 $0x15A40;
	vm2 =	vmor vm2, vm3  }
.LBB2_1:
0x15: {  	[dreg:$0xa] =	wrdreg s16  }
0x16: {  	s10 =	rddreg [dreg:$0x3]  }
0x17: {  	[tilespmem:s3], [sflag:$0x5] =	stream.linear.gather [hbm4b:s10+s3], $0xDAC0, $0x38;
	[tilespmem:$0x1A540] =	vst v63  }
0x18: {  	_ =	swait.ge [sflag:s14], $0xDAC0  }
0x19: {  	[sflag:s14] =	ssyncset.done $0x0  }
0x1a: {  	s16 =	simm.s32 $0x140;
	s10 =	simm.s32 $0x0;
	[sflag:s14] =	ssyncadd.s32 $0xFFFF2540  }
.LBB2_2:
0x1b: {  	p0 =	sne.s32 s16, $0x9EC0;
	[tilespmem:s10+$0xDB00] =	vst v0;
	s17 =	smov.u32 s16;
	s16 =	sadd.s32 $0x140, s16  }
.Ltmp0:
0x1c: {  	[tilespmem:s10+$0xDAF0] =	vst v0;
	(pc) =	sbr.rel @p0 .LBB2_2-.Ltmp0, $4  }
0x1d: {  	[tilespmem:s10+$0xDAE0] =	vst v0  }
0x1e: {  	[tilespmem:s10+$0xDAC0] =	vst v0  }
0x1f: {  	[tilespmem:s10+$0xDAD0] =	vst v0  }
0x20: {  	s10 =	sshra.s32 s17, $0x2  }
0x21: {  	[tilespmem:s10+$0xDB00] =	vst v0  }
0x22: {  	[tilespmem:s10+$0xDAF0] =	vst v0  }
0x23: {  	[tilespmem:s10+$0xDAE0] =	vst v0  }
0x24: {  	[tilespmem:s10+$0xDAC0] =	vst v0  }
0x25: {  	[tilespmem:s10+$0xDAD0] =	vst v0;
	s17 =	simm.s32 $0x0;
	s14 =	rddreg [dreg:$0x4]  }
0x26: {  	[tilespmem:s18], [sflag:$0x1] =	stream.linear.gather [hbm4b:s14+s17], $0x190, $0x38;
	[tilespmem:$0x1A540] =	vst v63  }
0x27: {  	s16 =	rddreg [dreg:$0x5]  }
0x28: {  	[tilespmem:s19], [sflag:$0x1] =	stream.linear.gather [hbm4b:s16+s17], $0x190, $0x38;
	[tilespmem:$0x1A540] =	vst v63  }
0x29: {  	s26 =	rddreg [dreg:$0x6]  }
0x2a: {  	[tilespmem:s20], [sflag:$0x1] =	stream.linear.gather [hbm4b:s26+s17], $0x190, $0x38;
	[tilespmem:$0x1A540] =	vst v63  }
.LBB2_4:
0x2b: {  	_ =	swait.ge [sflag:s21], $0x190  }
0x2c: {  	[sflag:s21] =	ssyncset.done $0x0  }
0x2d: {  	[sflag:s21] =	ssyncadd.s32 $0xFFFFFE70  }
0x2e: {  	_ =	swait.ge [sflag:s21], $0x190  }
0x2f: {  	[sflag:s21] =	ssyncset.done $0x0  }
0x30: {  	[sflag:s21] =	ssyncadd.s32 $0xFFFFFE70  }
0x31: {  	_ =	swait.ge [sflag:s21], $0x190  }
0x32: {  	[sflag:s21] =	ssyncset.done $0x0  }
0x33: {  	[sflag:s21] =	ssyncadd.s32 $0xFFFFFE70  }
0x34: {  	[tilespmem:s23], [sflag:$0x3] =	stream.indirect.gather [hbm4b:s4+s22], $0x10, s18, s22, $0xb8;
	[tilespmem:$0x1A540] =	vst v63  }
0x35: {  	s16 =	smul.u32 $0x320, s17;
	p0 =	seq.s32 s17, $0x0  }
0x36: {  	[tilespmem:s24], [sflag:$0x3] =	stream.indirect.gather [hbm4b:s4+s22], $0x10, s19, s22, $0xb8;
	[tilespmem:$0x1A540] =	vst v63  }
.Ltmp1:
0x37: {  	s10 =	sadd.s32 s7, s16;
	(pc) =	sbr.rel @p0 .LBB2_7-.Ltmp1, $4  }
0x38: {  	s10 =	sshrl.u32 s10, $0x3  }
0x39: {  	[tilespmem:s25], [sflag:$0x3] =	stream.indirect.gather [hbm4b:s4+s22], $0x10, s20, s22, $0xb8;
	[tilespmem:$0x1A540] =	vst v63  }
0x3a: {  	s14 =	simm.s32 $0x10770;
	s10 =	sadd.s32 s2, s10  }
0x3b: {  	[tilespmem:s14], [sflag:$0x3] =	stream.linear.gather [hbm4b:s10+s3], $0x190, $0x38;
	[tilespmem:$0x1A540] =	vst v63  }
0x3c: {  	_ =	swait.ge [sflag:s15], $0x1900  }
0x3d: {  	[sflag:s15] =	ssyncset.done $0x0  }
0x3e: {  	[sflag:s15] =	ssyncadd.s32 $0xFFFFE700  }
0x3f: {  	_ =	swait.ge [sflag:s15], $0x1900  }
0x40: {  	[sflag:s15] =	ssyncset.done $0x0  }
0x41: {  	[sflag:s15] =	ssyncadd.s32 $0xFFFFE700  }
0x42: {  	_ =	swait.ge [sflag:s15], $0x1900  }
0x43: {  	[sflag:s15] =	ssyncset.done $0x0  }
0x44: {  	[sflag:s15] =	ssyncadd.s32 $0xFFFFE700  }
0x45: {  	_ =	swait.ge [sflag:s15], $0x190  }
0x46: {  	[sflag:s15] =	ssyncset.done $0x0  }
0x47: {  	s26 =	simm.s32 $0x40;
	s10 =	simm.s32 $0x10DD0;
	[sflag:s15] =	ssyncadd.s32 $0xFFFFFE70  }
.LBB2_6:
0x48: {  	s14 =	sadd.s32 $0xFFFFFFC0, s26  }
0x49: {  	v11 =	vmov s14  }
0x4a: {  	v11 =	vshll.u32 v11, $0x4  }
0x4b: {  	v11 =	vor.u32 v2, v11  }
0x4c: {  	v13 =	vor.u32 v4, v11  }
0x4d: {  	v14 =	vor.u32 v5, v11  }
0x4e: {  	v12 =	vor.u32 v3, v11;
	v11 =	vor.u32 v6, v11;
	_ =	sdelay $0x2  }
0x4f: {  	v16 =	vld.idx.msk [tilespmem:v13+s0+$0x0], $0xffff  }
0x50: {  	v17 =	vld.idx.msk [tilespmem:v14+s0+$0x0], $0xffff  }
0x51: {  	v18 =	vld.idx.msk [tilespmem:v11+s0+$0x0], $0xffff  }
0x52: {  	v21 =	vld.idx.msk [tilespmem:v14+s1+$0x0], $0xffff  }
0x53: {  	v24 =	vld.idx.msk [tilespmem:v11+s1+$0x0], $0xffff  }
0x54: {  	v14 =	vld.idx.msk [tilespmem:v14+s9+$0x0], $0xffff  }
0x55: {  	v11 =	vld.idx.msk [tilespmem:v11+s9+$0x0], $0xffff  }
0x56: {  	v20 =	vld.idx.msk [tilespmem:v13+s1+$0x0], $0xffff  }
0x57: {  	v13 =	vld.idx.msk [tilespmem:v13+s9+$0x0], $0xffff  }
0x58: {  	v15 =	vld.idx.msk [tilespmem:v12+s0+$0x0], $0xffff  }
0x59: {  	v19 =	vld.idx.msk [tilespmem:v12+s1+$0x0], $0xffff;
	v22 =	vsel vm0, v18, v17;
	v25 =	vsel vm0, v24, v21;
	v17 =	vsub.f32 v17, v21  }
0x5a: {  	v32 =	vsel vm0, v11, v14;
	v18 =	vsub.f32 v18, v24;
	v14 =	vsub.f32 v14, v21  }
0x5b: {  	v12 =	vld.idx.msk [tilespmem:v12+s9+$0x0], $0xffff;
	v11 =	vsub.f32 v11, v24;
	v22 =	vsel vm1, v22, v16;
	v31 =	vsel vm1, v25, v20  }
0x5c: {  	v16 =	vsub.f32 v16, v20;
	v25 =	vsel vm1, v32, v13;
	v13 =	vsub.f32 v13, v20  }
0x5d: {  	v23 =	vsel vm2, v22, v15;
	v35 =	vmul.f32 v17, v17;
	v26 =	vmul.f32 v18, v18  }
0x5e: {  	v22 =	vsel vm2, v31, v19;
	v17 =	vmul.f32 v14, v17;
	v18 =	vmul.f32 v11, v18  }
0x5f: {  	v15 =	vsub.f32 v15, v19;
	v14 =	vmul.f32 v14, v14;
	v11 =	vmul.f32 v11, v11  }
0x60: {  	v19 =	vsub.f32 v12, v19;
	v34 =	vmul.f32 v16, v16;
	v16 =	vmul.f32 v13, v16  }
0x61: {  	v13 =	vmul.f32 v13, v13;
	v39 =	vsub.f32 v23, v22;
	v33 =	vmul.f32 v15, v15  }
0x62: {  	v15 =	vmul.f32 v19, v15;
	v36 =	vadd.f32 v26, v35;
	v37 =	vmul.f32 v19, v19  }
0x63: {  	v17 =	vadd.f32 v18, v17;
	v26 =	vsel vm2, v25, v12;
	v11 =	vadd.f32 v11, v14  }
0x64: {  	v40 =	vsub.f32 v26, v22;
	v20 =	vadd.f32 v34, v33  }
0x65: {  	v15 =	vadd.f32 v16, v15;
	v38 =	vadd.f32 v13, v37  }
0x66: {  	v42 =	vmul.f32 v39, v39;
	v43 =	vmul.f32 v40, v40;
	v41 =	vadd.f32 v36, v20  }
0x67: {  	v15 =	vadd.f32 v17, v15;
	v12 =	vadd.f32 v11, v38;
	v11 =	vmul.f32 v40, v39  }
0x68: {  	v44 =	vsub.f32 v41, v42  }
0x69: {  	v11 =	vsub.f32 v15, v11;
	v12 =	vsub.f32 v12, v43;
	_ =	sdelay $0x1  }
0x6a: {  	v12 =	vmul.f32 v12, v44;
	v45 =	vmul.f32 v11, v11;
	_ =	sdelay $0x1  }
0x6b: {  	v12 =	vsub.f32 v12, v45;
	_ =	sdelay $0x1  }
0x6c: {  	v12 =	vmax.f32 v12, $0.0e+00  }
0x6d: {  	s14 =	sadd.s32 $0xFFFFFFD0, s26;
	v46 =	vshrl.u32 v12, $0x1;
	v47 =	vmul.f32 $5.000000000e-01, v12  }
0x6e: {  	v49 =	vmov s14;
	v13 =	vsub.s32 $0x5F3759DF, v46  }
0x6f: {  	v16 =	vshll.u32 v49, $0x4;
	v48 =	vmul.f32 v13, v47  }
0x70: {  	v16 =	vor.u32 v2, v16  }
0x71: {  	v50 =	vor.u32 v3, v16;
	v15 =	vmul.f32 v13, v48  }
0x72: {  	v51 =	vor.u32 v4, v16  }
0x73: {  	v52 =	vor.u32 v5, v16;
	v15 =	vsub.f32 $1.500000000e+00, v15  }
0x74: {  	v53 =	vor.u32 v6, v16  }
0x75: {  	v13 =	vmul.f32 v13, v15  }
0x76: {  	v54 =	vld.idx.msk [tilespmem:v50+s0+$0x0], $0xffff  }
0x77: {  	v55 =	vld.idx.msk [tilespmem:v51+s0+$0x0], $0xffff;
	v15 =	vmul.f32 v13, v47  }
0x78: {  	v56 =	vld.idx.msk [tilespmem:v52+s0+$0x0], $0xffff  }
0x79: {  	v27 =	vld.idx.msk [tilespmem:v53+s0+$0x0], $0xffff;
	v15 =	vmul.f32 v15, v13  }
0x7a: {  	v30 =	vld.idx.msk [tilespmem:v52+s1+$0x0], $0xffff  }
0x7b: {  	v31 =	vld.idx.msk [tilespmem:v53+s1+$0x0], $0xffff;
	v15 =	vsub.f32 $1.500000000e+00, v15  }
0x7c: {  	v28 =	vld.idx.msk [tilespmem:v50+s1+$0x0], $0xffff  }
0x7d: {  	s14 =	sadd.s32 $0xFFFFFFE0, s26;
	v23 =	vmul.f32 $2.000000000e+01, v23;
	v29 =	vld.idx.msk [tilespmem:v51+s1+$0x0], $0xffff;
	v13 =	vmul.f32 v15, v13  }
0x7e: {  	v57 =	vmov s14  }
0x7f: {  	v22 =	vadd.f32 v22, v23;
	v21 =	vand.u32 $0x7FFFFFFF, v11;
	v58 =	vld.idx.msk [tilespmem:v52+s9+$0x0], $0xffff;
	v14 =	vmul.f32 v13, v47  }
0x80: {  	v60 =	vsel vm0, v27, v56;
	v25 =	vsub.f32 v56, v30;
	v27 =	vsub.f32 v27, v31;
	v15 =	vld.idx.msk [tilespmem:v53+s9+$0x0], $0xffff  }
0x81: {  	v18 =	vld.idx.msk [tilespmem:v51+s9+$0x0], $0xffff;
	v33 =	vsel vm0, v31, v30;
	v16 =	vsub.f32 v54, v28;
	v14 =	vmul.f32 v14, v13  }
0x82: {  	v24 =	vsub.f32 v55, v29;
	v37 =	vmul.f32 v25, v25;
	v34 =	vmul.f32 v27, v27  }
0x83: {  	vm3 =	vgt.f32 v12, $0.0e+00;
	v61 =	vsel vm1, v33, v29;
	v14 =	vsub.f32 $1.500000000e+00, v14  }
0x84: {  	v63 =	vmul.f32 v16, v16;
	v36 =	vmul.f32 v24, v24;
	v38 =	vadd.f32 v34, v37  }
0x85: {  	v62 =	vsel vm0, v15, v58;
	v13 =	vmul.f32 v14, v13;
	v14 =	vshll.u32 v57, $0x4  }
0x86: {  	v17 =	vld.idx.msk [tilespmem:v50+s9+$0x0], $0xffff;
	v15 =	vsub.f32 v15, v31;
	v33 =	vsel vm1, v62, v18;
	v59 =	vor.u32 v2, v14  }
0x87: {  	v18 =	vsub.f32 v18, v29;
	v13 =	vmul.f32 v13, v12;
	v48 =	vor.u32 v3, v59  }
0x88: {  	v29 =	vadd.f32 v36, v63;
	v27 =	vmul.f32 v15, v27;
	v50 =	vor.u32 v5, v59  }
0x89: {  	v15 =	vmul.f32 v15, v15;
	v19 =	vor.u32 v6, v59;
	v20 =	vnsel vm3, $0x0, v13  }
0x8a: {  	v24 =	vmul.f32 v18, v24;
	v40 =	vmul.f32 v18, v18;
	v13 =	vmax.f32 v20, v21  }
0x8b: {  	v18 =	vsel vm2, v33, v17;
	v12 =	vsub.f32 v58, v30;
	vm3 =	vgt.f32 v13, $0.0e+00  }
0x8c: {  	v45 =	vadd.f32 v38, v29;
	v14 =	vsel vm1, v60, v55;
	v13 =	vnsel vm3, $0x3F800000, v13;
	v53 =	vld.idx.msk [tilespmem:v48+s0+$0x0], $0xffff  }
0x8d: {  	v14 =	vsel vm2, v14, v54;
	v25 =	vmul.f32 v12, v25;
	v55 =	vld.idx.msk [tilespmem:v50+s0+$0x0], $0xffff;
	(erf) = vrcp.f32 v13  }
0x8e: {  	v49 =	vor.u32 v4, v59;
	v12 =	vmul.f32 v12, v12;
	v32 =	vmin.f32 v20, v21;
	v56 =	vld.idx.msk [tilespmem:v19+s0+$0x0], $0xffff  }
0x8f: {  	v25 =	vadd.f32 v27, v25;
	v35 =	vld.idx.msk [tilespmem:v48+s1+$0x0], $0xffff;
	v13 =	vsel vm2, v61, v28;
	v28 =	vsub.f32 v17, v28  }
0x90: {  	v38 =	vld.idx.msk [tilespmem:v50+s1+$0x0], $0xffff;
	v43 =	vsub.f32 v14, v13;
	v44 =	vsub.f32 v18, v13;
	v14 =	vmul.f32 $2.000000000e+01, v14  }
0x91: {  	v12 =	vadd.f32 v15, v12;
	v16 =	vmul.f32 v28, v16;
	v39 =	vmul.f32 v28, v28  }
0x92: {  	v46 =	vmul.f32 v43, v43;
	v47 =	vmul.f32 v44, v43;
	v13 =	vadd.f32 v13, v14  }
0x93: {  	s14 =	sadd.s32 $0xFFFFFFF0, s26;
	v15 =	vmul.f32 v44, v44;
	v16 =	vadd.f32 v24, v16;
	v42 =	vadd.f32 v40, v39  }
0x94: {  	v39 =	vmov s14;
	v57 =	vsel vm0, v56, v55;
	v30 =	vsub.f32 v53, v35  }
0x95: {  	v54 =	vld.idx.msk [tilespmem:v49+s0+$0x0], $0xffff;
	v31 =	vsub.f32 v55, v38;
	v39 =	vshll.u32 v39, $0x4;
	v16 =	vadd.f32 v25, v16  }
0x96: {  	v40 =	vld.idx.msk [tilespmem:v19+s1+$0x0], $0xffff;
	v13 =	vmul.f32 $2.000000000e+01, v13;
	v17 =	vadd.f32 v12, v42;
	v25 =	vsub.f32 v45, v46;
	v41 =	vpop (erf)  }
0x97: {  	v36 =	vld.idx.msk [tilespmem:v49+s1+$0x0], $0xffff;
	v39 =	vor.u32 v2, v39;
	v60 =	vmul.f32 v30, v30;
	v27 =	vmul.f32 v41, v32  }
0x98: {  	v62 =	vmul.f32 v31, v31;
	v12 =	vsub.f32 v16, v47;
	v15 =	vsub.f32 v17, v15  }
0x99: {  	v42 =	vor.u32 v4, v39;
	v43 =	vor.u32 v5, v39;
	v29 =	vmul.f32 v27, v27  }
0x9a: {  	v19 =	vld.idx.msk [tilespmem:v19+s9+$0x0], $0xffff;
	v18 =	vadd.f32 v18, v13;
	v15 =	vmul.f32 v15, v25;
	v52 =	vmul.f32 v12, v12  }
0x9b: {  	v16 =	vld.idx.msk [tilespmem:v50+s9+$0x0], $0xffff;
	v45 =	vsel vm0, v40, v38;
	v33 =	vsub.f32 v56, v40;
	v51 =	vmul.f32 $4.831170200e-03, v29  }
0x9c: {  	v41 =	vor.u32 v3, v39;
	v25 =	vsub.f32 v54, v36;
	v15 =	vsub.f32 v15, v52  }
0x9d: {  	v28 =	vld.idx.msk [tilespmem:v49+s9+$0x0], $0xffff;
	v39 =	vor.u32 v6, v39;
	v58 =	vsel vm1, v45, v36;
	v17 =	vsub.f32 $2.475677990e-02, v51  }
0x9e: {  	v47 =	vmul.f32 v33, v33;
	v61 =	vmul.f32 v25, v25;
	v32 =	vmax.f32 v15, $0.0e+00  }
0x9f: {  	v15 =	vshrl.u32 v32, $0x1;
	v34 =	vmul.f32 $5.000000000e-01, v32;
	v17 =	vmul.f32 v17, v29  }
0xa0: {  	v59 =	vsel vm0, v19, v16;
	v16 =	vsub.f32 v16, v38;
	v15 =	vsub.s32 $0x5F3759DF, v15  }
0xa1: {  	v24 =	vld.idx.msk [tilespmem:v48+s9+$0x0], $0xffff;
	v19 =	vsub.f32 v19, v40;
	v37 =	vmul.f32 v15, v34;
	v17 =	vadd.f32 $-6.021913140e-02, v17  }
0xa2: {  	v63 =	vadd.f32 v47, v62;
	v45 =	vsel vm1, v59, v28;
	v31 =	vmul.f32 v16, v31  }
0xa3: {  	v28 =	vsub.f32 v28, v36;
	v37 =	vmul.f32 v15, v37;
	v17 =	vmul.f32 v17, v29  }
0xa4: {  	v36 =	vadd.f32 v61, v60;
	v33 =	vmul.f32 v19, v33;
	v16 =	vmul.f32 v16, v16  }
0xa5: {  	v47 =	vmul.f32 v19, v19;
	v37 =	vsub.f32 $1.500000000e+00, v37;
	v17 =	vadd.f32 $9.967923900e-02, v17  }
0xa6: {  	v19 =	vsel vm2, v45, v24;
	v25 =	vmul.f32 v28, v25;
	v28 =	vmul.f32 v28, v28  }
0xa7: {  	vm3 =	vgt.f32 v32, $0.0e+00;
	v37 =	vmul.f32 v15, v37;
	v17 =	vmul.f32 v17, v29  }
0xa8: {  	v31 =	vadd.f32 v33, v31;
	v15 =	vsel vm1, v57, v54;
	v57 =	vmov s26  }
0xa9: {  	v33 =	vshll.u32 v57, $0x4;
	v46 =	vmul.f32 v37, v34;
	v44 =	vadd.f32 $-1.404013930e-01, v17  }
0xaa: {  	v17 =	vsel vm2, v15, v53;
	v15 =	vsel vm2, v58, v35;
	v35 =	vsub.f32 v24, v35  }
0xab: {  	v52 =	vadd.f32 v63, v36;
	v16 =	vadd.f32 v47, v16;
	v59 =	vor.u32 v2, v33  }
0xac: {  	v45 =	vor.u32 v3, v59;
	v50 =	vmul.f32 v46, v37;
	v30 =	vmul.f32 v35, v30  }
0xad: {  	v46 =	vor.u32 v4, v59;
	v49 =	vsub.f32 v17, v15;
	v40 =	vmul.f32 v35, v35  }
0xae: {  	v38 =	vld.idx.msk [tilespmem:v39+s0+$0x0], $0xffff;
	v51 =	vsub.f32 v19, v15;
	v56 =	vmul.f32 v44, v29;
	v25 =	vadd.f32 v25, v30  }
0xaf: {  	v36 =	vld.idx.msk [tilespmem:v41+s0+$0x0], $0xffff;
	v53 =	vmul.f32 v49, v49;
	v48 =	vadd.f32 v28, v40;
	v30 =	vsub.f32 $1.500000000e+00, v50  }
0xb0: {  	v54 =	vmul.f32 v51, v49;
	v55 =	vmul.f32 v51, v51;
	v28 =	vadd.f32 $1.997368190e-01, v56;
	v40 =	vld.idx.msk [tilespmem:v41+s1+$0x0], $0xffff  }
0xb1: {  	v25 =	vadd.f32 v31, v25;
	v24 =	vadd.f32 v16, v48;
	v30 =	vmul.f32 v30, v37;
	v37 =	vld.idx.msk [tilespmem:v43+s0+$0x0], $0xffff  }
0xb2: {  	v17 =	vmul.f32 $2.000000000e+01, v17;
	v31 =	vsub.f32 v52, v53;
	v28 =	vmul.f32 v28, v29;
	v48 =	vld.idx.msk [tilespmem:v39+s1+$0x0], $0xffff  }
0xb3: {  	v44 =	vmul.f32 $2.000000000e+01, v22;
	v53 =	vld.idx.msk [tilespmem:v43+s1+$0x0], $0xffff;
	v16 =	vsub.f32 v25, v54;
	v24 =	vsub.f32 v24, v55  }
0xb4: {  	v49 =	vor.u32 v5, v59;
	v43 =	vld.idx.msk [tilespmem:v43+s9+$0x0], $0xffff;
	v52 =	vmul.f32 v30, v34;
	v61 =	vadd.f32 $-3.333230320e-01, v28  }
0xb5: {  	v15 =	vadd.f32 v15, v17;
	v25 =	vld.idx.msk [tilespmem:v42+s0+$0x0], $0xffff;
	v24 =	vmul.f32 v24, v31;
	v58 =	vmul.f32 v16, v16  }
0xb6: {  	v55 =	vld.idx.msk [tilespmem:v42+s9+$0x0], $0xffff;
	v60 =	vmul.f32 v52, v30;
	v35 =	vmul.f32 v61, v29;
	v61 =	vsub.f32 v36, v40  }
0xb7: {  	v31 =	vld.idx.msk [tilespmem:v42+s1+$0x0], $0xffff;
	v57 =	vsel vm0, v38, v37;
	v38 =	vsub.f32 v38, v48;
	v24 =	vsub.f32 v24, v58  }
0xb8: {  	v52 =	vld.idx.msk [tilespmem:v39+s9+$0x0], $0xffff;
	v39 =	vor.u32 v6, v59;
	v37 =	vsub.f32 v37, v53;
	v63 =	vsub.f32 $1.500000000e+00, v60  }
0xb9: {  	v58 =	vsel vm0, v48, v53;
	v50 =	vmul.f32 v38, v38;
	v33 =	vmax.f32 v24, $0.0e+00  }
0xba: {  	v54 =	vmul.f32 v63, v30;
	v24 =	vsel vm1, v57, v25;
	v63 =	vsub.f32 v43, v53  }
0xbb: {  	v53 =	vmul.f32 v61, v61;
	v62 =	vshrl.u32 v33, $0x1;
	v34 =	vmul.f32 $5.000000000e-01, v33  }
0xbc: {  	v41 =	vld.idx.msk [tilespmem:v41+s9+$0x0], $0xffff;
	v24 =	vsel vm2, v24, v36;
	v60 =	vsel vm1, v58, v31;
	v25 =	vsub.f32 v25, v31  }
0xbd: {  	v30 =	vsub.f32 v55, v31;
	v29 =	vsub.f32 v52, v48;
	v28 =	vsub.s32 $0x5F3759DF, v62  }
0xbe: {  	v22 =	vmul.f32 v54, v32;
	v23 =	vsel vm2, v60, v40;
	v31 =	vmul.f32 v63, v63  }
0xbf: {  	v62 =	vsel vm0, v52, v43;
	v51 =	vmul.f32 v28, v34;
	v54 =	vmul.f32 v25, v25  }
0xc0: {  	v36 =	vsel vm1, v62, v55;
	v55 =	vmul.f32 v37, v37;
	v25 =	vmul.f32 v30, v25  }
0xc1: {  	v40 =	vsub.f32 v41, v40;
	v37 =	vmul.f32 v63, v37;
	v38 =	vmul.f32 v29, v38  }
0xc2: {  	v47 =	vld.idx.msk [tilespmem:v45+s0+$0x0], $0xffff;
	v26 =	vadd.f32 v26, v44;
	v30 =	vmul.f32 v30, v30;
	v29 =	vmul.f32 v29, v29  }
0xc3: {  	v42 =	vld.idx.msk [tilespmem:v46+s1+$0x0], $0xffff;
	v32 =	vmul.f32 v40, v61;
	v40 =	vmul.f32 v40, v40;
	v43 =	vadd.f32 v54, v53  }
0xc4: {  	v63 =	vld.idx.msk [tilespmem:v46+s9+$0x0], $0xffff;
	v56 =	vmul.f32 v28, v51;
	v48 =	vadd.f32 v50, v55;
	v37 =	vadd.f32 v38, v37  }
0xc5: {  	v18 =	vtrunc.f32 v18;
	v51 =	vld.idx.msk [tilespmem:v49+s0+$0x0], $0xffff;
	v57 =	vadd.f32 v29, v31;
	v32 =	vadd.f32 v25, v32  }
0xc6: {  	v38 =	vld.idx.msk [tilespmem:v39+s0+$0x0], $0xffff;
	v25 =	vsel vm2, v36, v41;
	v30 =	vadd.f32 v30, v40;
	v59 =	vsub.f32 $1.500000000e+00, v56  }
0xc7: {  	v50 =	vld.idx.msk [tilespmem:v46+s0+$0x0], $0xffff;
	v31 =	vnsel vm3, $0x0, v22;
	v56 =	vsub.f32 v24, v23;
	v58 =	vsub.f32 v25, v23  }
0xc8: {  	v40 =	vld.idx.msk [tilespmem:v45+s1+$0x0], $0xffff;
	v43 =	vadd.f32 v48, v43;
	v37 =	vadd.f32 v37, v32;
	v32 =	vand.u32 $0x7FFFFFFF, v12  }
0xc9: {  	v36 =	vld.idx.msk [tilespmem:v39+s1+$0x0], $0xffff;
	v41 =	vmul.f32 v28, v59;
	v59 =	vmul.f32 v56, v56;
	v28 =	vadd.f32 v57, v30  }
0xca: {  	v48 =	vld.idx.msk [tilespmem:v49+s1+$0x0], $0xffff;
	v60 =	vmul.f32 v58, v56;
	v29 =	vmul.f32 v58, v58;
	v61 =	vmax.f32 v31, v32  }
0xcb: {  	vm3 =	vgt.f32 v61, $0.0e+00;
	v54 =	vsel vm0, v38, v51;
	v43 =	vsub.f32 v43, v59  }
0xcc: {  	v49 =	vld.idx.msk [tilespmem:v49+s9+$0x0], $0xffff;
	v22 =	vsub.f32 v37, v60;
	v28 =	vsub.f32 v28, v29;
	v62 =	vmul.f32 v41, v34  }
0xcd: {  	v44 =	vld.idx.msk [tilespmem:v45+s9+$0x0], $0xffff;
	v30 =	vnsel vm3, $0x3F800000, v61;
	v57 =	vsub.f32 v47, v40;
	v59 =	vsub.f32 v50, v42  }
0xce: {  	v37 =	vld.idx.msk [tilespmem:v39+s9+$0x0], $0xffff;
	v55 =	vsel vm1, v54, v50;
	v38 =	vsub.f32 v38, v36;
	v39 =	vsub.f32 v63, v42  }
0xcf: {  	(erf) = vrcp.f32 v30;
	v56 =	vsel vm0, v36, v48;
	v28 =	vmul.f32 v28, v43  }
0xd0: {  	v60 =	vsub.f32 v51, v48;
	v52 =	vmul.f32 v22, v22;
	v53 =	vmul.f32 v62, v41  }
0xd1: {  	v29 =	vsel vm1, v56, v42;
	v42 =	vsub.f32 v49, v48;
	v61 =	vmul.f32 v57, v57  }
0xd2: {  	v62 =	vmul.f32 v59, v59;
	v29 =	vsel vm2, v29, v40;
	v40 =	vsub.f32 v44, v40  }
0xd3: {  	v54 =	vmul.f32 v60, v60;
	v43 =	vsub.f32 v28, v52;
	v28 =	vsel vm2, v55, v47  }
0xd4: {  	v55 =	vmul.f32 v38, v38;
	v56 =	vsub.f32 $1.500000000e+00, v53;
	v60 =	vmul.f32 v42, v60  }
0xd5: {  	v42 =	vmul.f32 v42, v42;
	v58 =	vsel vm0, v37, v49;
	v36 =	vsub.f32 v37, v36  }
0xd6: {  	v57 =	vmul.f32 v40, v57;
	v40 =	vmul.f32 v40, v40;
	v46 =	vsel vm1, v58, v63  }
0xd7: {  	v63 =	vadd.f32 v62, v61;
	v58 =	vmul.f32 v39, v59;
	v59 =	vadd.f32 v55, v54  }
0xd8: {  	v39 =	vmul.f32 v39, v39;
	v61 =	vsub.f32 v28, v29;
	v38 =	vmul.f32 v36, v38  }
0xd9: {  	v36 =	vmul.f32 v36, v36;
	v30 =	vsel vm2, v46, v44;
	v45 =	vadd.f32 v58, v57  }
0xda: {  	v18 =	vcvt.f32.s32 v18;
	v39 =	vadd.f32 v39, v40;
	v62 =	vsub.f32 v30, v29  }
0xdb: {  	v15 =	vmul.f32 $2.000000000e+01, v15;
	v38 =	vadd.f32 v38, v60;
	v36 =	vadd.f32 v36, v42  }
0xdc: {  	v37 =	vadd.f32 v59, v63;
	v63 =	vmul.f32 v61, v61;
	v46 =	vmul.f32 v62, v62  }
0xdd: {  	v38 =	vadd.f32 v38, v45;
	v36 =	vadd.f32 v36, v39;
	v45 =	vmul.f32 v62, v61  }
0xde: {  	v15 =	vadd.f32 v19, v15;
	v41 =	vmul.f32 v56, v41;
	v37 =	vsub.f32 v37, v63  }
0xdf: {  	v47 =	vtrunc.f32 v26;
	v26 =	vsub.f32 v38, v45;
	v36 =	vsub.f32 v36, v46  }
0xe0: {  	v15 =	vtrunc.f32 v15;
	v34 =	vmul.f32 v41, v34  }
0xe1: {  	v43 =	vmax.f32 v43, $0.0e+00;
	v36 =	vmul.f32 v36, v37;
	v49 =	vmul.f32 v26, v26  }
0xe2: {  	v35 =	vadd.f32 $9.999999400e-01, v35;
	v48 =	vshrl.u32 v43, $0x1;
	v38 =	vmul.f32 $5.000000000e-01, v43  }
0xe3: {  	v34 =	vmul.f32 v34, v41;
	v39 =	vsub.s32 $0x5F3759DF, v48;
	v36 =	vsub.f32 v36, v49  }
0xe4: {  	v35 =	vmul.f32 v35, v27;
	v53 =	vmin.f32 v31, v32;
	v51 =	vmul.f32 v39, v38  }
0xe5: {  	v40 =	vcvt.f32.s32 v47;
	v50 =	vsub.f32 $1.500000000e+00, v34;
	v36 =	vmax.f32 v36, $0.0e+00  }
0xe6: {  	v54 =	vpop (erf);
	v34 =	vmul.f32 v39, v51;
	v55 =	vshrl.u32 v36, $0x1;
	v45 =	vmul.f32 $5.000000000e-01, v36  }
0xe7: {  	v27 =	vmul.f32 v50, v41;
	v41 =	vmul.f32 v54, v53;
	v44 =	vsub.s32 $0x5F3759DF, v55  }
0xe8: {  	vm3 =	vgt.f32 v33, $0.0e+00;
	v34 =	vsub.f32 $1.500000000e+00, v34;
	v56 =	vmul.f32 v44, v45  }
0xe9: {  	v52 =	vadd.s32 $0x5DC0, v40;
	v27 =	vmul.f32 v27, v33;
	v46 =	vmul.f32 v41, v41  }
0xea: {  	v42 =	vadd.s32 $0x7D00, v40;
	v34 =	vmul.f32 v39, v34;
	v47 =	vmul.f32 v44, v56  }
0xeb: {  	v59 =	vadd.s32 $0x9C40, v40;
	v33 =	vand.u32 $0x7FFFFFFF, v16;
	v57 =	vmul.f32 $4.831170200e-03, v46  }
0xec: {  	v27 =	vnsel vm3, $0x0, v27;
	v60 =	vmul.f32 v34, v38;
	v47 =	vsub.f32 $1.500000000e+00, v47  }
0xed: {  	v61 =	vsub.f32 $1.570796370e+00, v35;
	v58 =	vmax.f32 v27, v33;
	v39 =	vsub.f32 $2.475677990e-02, v57  }
0xee: {  	vm3 =	vgt.f32 v58, $0.0e+00;
	v50 =	vmul.f32 v60, v34;
	v51 =	vmul.f32 v44, v47  }
0xef: {  	v48 =	vnsel vm3, $0x3F800000, v58;
	vm3 =	vgt.f32 v20, v21;
	v63 =	vmul.f32 v39, v46  }
0xf0: {  	v62 =	vld.idx.msk [tilespmem:v52+s3+$0x0], $0xffff;
	(erf) = vrcp.f32 v48;
	v52 =	vsub.f32 $1.500000000e+00, v50;
	v47 =	vmul.f32 v51, v45  }
0xf1: {  	v35 =	vsel vm3, v61, v35;
	vm3 =	vlt.f32 v11, $0.0e+00;
	v21 =	vadd.f32 $-6.021913140e-02, v63  }
0xf2: {  	v53 =	vsub.f32 $3.141592740e+00, v35;
	v11 =	vmul.f32 v52, v34;
	v56 =	vmul.f32 v47, v51  }
0xf3: {  	v15 =	vcvt.f32.s32 v15;
	v42 =	vld.idx.msk [tilespmem:v42+s3+$0x0], $0xffff;
	v21 =	vmul.f32 v21, v46  }
0xf4: {  	v55 =	vld.idx.msk [tilespmem:v40+s3+$0x0], $0xffff;
	v35 =	vsel vm3, v53, v35;
	v38 =	vmul.f32 v11, v38;
	v44 =	vsub.f32 $1.500000000e+00, v56  }
0xf5: {  	v24 =	vmul.f32 $2.000000000e+01, v24;
	v20 =	vsub.f32 v35, v62;
	v21 =	vadd.f32 $9.967923900e-02, v21  }
0xf6: {  	v54 =	vld.idx.msk [tilespmem:v59+s3+$0x0], $0xffff;
	v58 =	vmin.f32 v27, v33;
	v38 =	vmul.f32 v38, v11;
	v57 =	vmul.f32 v44, v51  }
0xf7: {  	v61 =	vadd.s32 $0x1F40, v40;
	v20 =	vmul.f32 v20, v20;
	v21 =	vmul.f32 v21, v46  }
0xf8: {  	vm3 =	vgt.f32 v43, $0.0e+00;
	v38 =	vsub.f32 $1.500000000e+00, v38;
	v60 =	vmul.f32 v57, v45  }
0xf9: {  	v42 =	vsub.f32 v35, v42;
	v37 =	vmul.f32 v20, v55;
	v21 =	vadd.f32 $-1.404013930e-01, v21  }
0xfa: {  	v62 =	vadd.s32 $0x3E80, v40;
	v11 =	vmul.f32 v38, v11;
	v20 =	vmul.f32 v60, v57  }
0xfb: {  	v40 =	vadd.s32 $0xBB80, v40;
	v34 =	vsub.f32 v35, v54;
	v59 =	vpop (erf);
	v21 =	vmul.f32 v21, v46  }
0xfc: {  	v39 =	vmul.f32 v59, v58;
	v11 =	vmul.f32 v11, v43;
	v47 =	vsub.f32 $1.500000000e+00, v20  }
0xfd: {  	v55 =	vld.idx.msk [tilespmem:v61+s3+$0x0], $0xffff;
	v61 =	vadd.s32 $0x9C40, v18;
	v63 =	vadd.f32 $1.997368190e-01, v21;
	v21 =	vand.u32 $0x7FFFFFFF, v22  }
0xfe: {  	v45 =	vmul.f32 v39, v39;
	v20 =	vnsel vm3, $0x0, v11;
	v11 =	vmul.f32 v47, v57  }
0xff: {  	v34 =	vmul.f32 v34, v34;
	v14 =	vmul.f32 v63, v46;
	v49 =	vmax.f32 v20, v21  }
0x100: {  	v48 =	vmul.f32 $4.831170200e-03, v45;
	vm3 =	vgt.f32 v49, $0.0e+00;
	v11 =	vmul.f32 v11, v36  }
0x101: {  	v51 =	vadd.f32 $-3.333230320e-01, v14;
	v52 =	vnsel vm3, $0x3F800000, v49;
	vm3 =	vgt.f32 v36, $0.0e+00  }
0x102: {  	v14 =	vand.u32 $0x7FFFFFFF, v26;
	v50 =	vsub.f32 $2.475677990e-02, v48;
	v13 =	vnsel vm3, $0x0, v11  }
0x103: {  	v58 =	vadd.s32 $0x5DC0, v18;
	v38 =	vld.idx.msk [tilespmem:v62+s3+$0x0], $0xffff;
	v53 =	vmul.f32 v51, v46;
	v54 =	vmax.f32 v13, v14  }
0x104: {  	v35 =	vmul.f32 v50, v45;
	(erf) = vrcp.f32 v52;
	vm3 =	vgt.f32 v54, $0.0e+00  }
0x105: {  	v34 =	vmul.f32 v34, v34;
	v36 =	vadd.f32 $9.999999400e-01, v53;
	v11 =	vld.idx.msk [tilespmem:v40+s3+$0x0], $0xffff;
	v40 =	vnsel vm3, $0x3F800000, v54  }
0x106: {  	v60 =	vadd.s32 $0x7D00, v18;
	v35 =	vadd.f32 $-6.021913140e-02, v35;
	(erf) = vrcp.f32 v40  }
0x107: {  	v56 =	vmul.f32 v42, v42;
	v36 =	vmul.f32 v36, v41  }
0x108: {  	v34 =	vmul.f32 v34, v38;
	v35 =	vmul.f32 v35, v45  }
0x109: {  	v63 =	vld.idx.msk [tilespmem:v58+s3+$0x0], $0xffff;
	v51 =	vadd.s32 $0x1F40, v18;
	v57 =	vmul.f32 v56, v42;
	v41 =	vsub.f32 $1.570796370e+00, v36  }
0x10a: {  	v48 =	vld.idx.msk [tilespmem:v61+s3+$0x0], $0xffff;
	v42 =	vmin.f32 v20, v21;
	v35 =	vadd.f32 $9.967923900e-02, v35;
	vm3 =	vgt.f32 v31, v32  }
0x10b: {  	v46 =	vld.idx.msk [tilespmem:v60+s3+$0x0], $0xffff;
	v59 =	vmul.f32 v57, v55;
	v52 =	vadd.s32 $0xBB80, v18;
	v32 =	vsel vm3, v41, v36  }
0x10c: {  	v56 =	vld.idx.msk [tilespmem:v18+s3+$0x0], $0xffff;
	v18 =	vadd.s32 $0x3E80, v18;
	v35 =	vmul.f32 v35, v45;
	v44 =	vsub.f32 $3.141592740e+00, v32  }
0x10d: {  	v49 =	vmin.f32 v13, v14;
	vm3 =	vlt.f32 v12, $0.0e+00;
	v11 =	vadd.f32 v37, v11;
	v62 =	vpop (erf)  }
0x10e: {  	v35 =	vadd.f32 $-1.404013930e-01, v35;
	v32 =	vsel vm3, v44, v32;
	v31 =	vmul.f32 v62, v42  }
0x10f: {  	v11 =	vadd.f32 v59, v11;
	vm3 =	vgt.f32 v27, v33;
	v36 =	vsub.f32 v32, v63;
	v50 =	vpop (erf)  }
0x110: {  	v12 =	vsub.f32 v32, v46;
	v37 =	vmul.f32 v31, v31;
	v38 =	vmul.f32 v50, v49  }
0x111: {  	v47 =	vmul.f32 v35, v45;
	v32 =	vsub.f32 v32, v48;
	v42 =	vadd.f32 v23, v24  }
0x112: {  	v46 =	vadd.s32 $0x1F40, v15;
	v53 =	vmul.f32 $4.831170200e-03, v37;
	v54 =	vmul.f32 v38, v38  }
0x113: {  	v58 =	vld.idx.msk [tilespmem:v51+s3+$0x0], $0xffff;
	v11 =	vadd.f32 v34, v11;
	v34 =	vadd.f32 $1.997368190e-01, v47;
	v59 =	vmul.f32 v12, v12  }
0x114: {  	v40 =	vld.idx.msk [tilespmem:v52+s3+$0x0], $0xffff;
	v36 =	vmul.f32 v36, v36;
	v55 =	vsub.f32 $2.475677990e-02, v53;
	v57 =	vmul.f32 $4.831170200e-03, v54  }
0x115: {  	v48 =	vadd.s32 $0x9C40, v15;
	v32 =	vmul.f32 v32, v32;
	v34 =	vmul.f32 v34, v45  }
0x116: {  	v18 =	vld.idx.msk [tilespmem:v18+s3+$0x0], $0xffff;
	v47 =	vadd.s32 $0x3E80, v15;
	v33 =	vmul.f32 v55, v37;
	v35 =	vsub.f32 $2.475677990e-02, v57  }
0x117: {  	v12 =	vmul.f32 v59, v12;
	v36 =	vmul.f32 v36, v56;
	v34 =	vadd.f32 $-3.333230320e-01, v34  }
0x118: {  	v32 =	vmul.f32 v32, v32;
	v33 =	vadd.f32 $-6.021913140e-02, v33;
	v35 =	vmul.f32 v35, v54  }
0x119: {  	v12 =	vmul.f32 v12, v58;
	v63 =	vadd.f32 v36, v40;
	v34 =	vmul.f32 v34, v45  }
0x11a: {  	v45 =	vmul.f32 $2.000000000e+01, v28;
	v60 =	vmul.f32 v33, v37;
	v62 =	vadd.f32 $-6.021913140e-02, v35  }
0x11b: {  	v18 =	vmul.f32 v32, v18;
	v40 =	vadd.s32 $0x7D00, v15;
	v34 =	vadd.f32 $9.999999400e-01, v34  }
0x11c: {  	v24 =	vadd.f32 v29, v45;
	v19 =	vadd.f32 $9.967923900e-02, v60;
	v33 =	vmul.f32 v62, v54  }
0x11d: {  	v12 =	vadd.f32 v12, v63;
	v61 =	vmul.f32 v34, v39;
	v39 =	vadd.s32 $0x5DC0, v15  }
0x11e: {  	v24 =	vmul.f32 $2.000000000e+01, v24;
	v19 =	vmul.f32 v19, v37;
	v33 =	vadd.f32 $9.967923900e-02, v33  }
0x11f: {  	v49 =	vadd.s32 $0xBB80, v15;
	v50 =	vld [tilespmem:s10+$0xFFFFFFE0];
	v12 =	vadd.f32 v18, v12;
	v36 =	vsub.f32 $1.570796370e+00, v61  }
0x120: {  	v24 =	vadd.f32 v30, v24;
	v19 =	vadd.f32 $-1.404013930e-01, v19;
	v33 =	vmul.f32 v33, v54  }
0x121: {  	v17 =	vsel vm3, v36, v61;
	vm3 =	vlt.f32 v16, $0.0e+00;
	v16 =	vmul.f32 $2.000000000e+01, v42  }
0x122: {  	v32 =	vld.idx.msk [tilespmem:v40+s3+$0x0], $0xffff;
	v24 =	vtrunc.f32 v24;
	v19 =	vmul.f32 v19, v37;
	v43 =	vadd.f32 $-1.404013930e-01, v33  }
0x123: {  	v41 =	vsub.f32 $3.141592740e+00, v17;
	v44 =	vld.idx.msk [tilespmem:v39+s3+$0x0], $0xffff;
	v24 =	vcvt.f32.s32 v24;
	v16 =	vadd.f32 v25, v16  }
0x124: {  	v25 =	vld.idx.msk [tilespmem:v49+s3+$0x0], $0xffff;
	v49 =	vmul.u32 $0x50, v50;
	v19 =	vadd.f32 $1.997368190e-01, v19;
	v23 =	vmul.f32 v43, v54  }
0x125: {  	v17 =	vsel vm3, v41, v17;
	v56 =	vadd.s32 $0x5DC0, v24;
	vm3 =	vgt.f32 v20, v21  }
0x126: {  	v29 =	vld.idx.msk [tilespmem:v48+s3+$0x0], $0xffff;
	v62 =	vadd.s32 $0x7D00, v24;
	v19 =	vmul.f32 v19, v37;
	v23 =	vadd.f32 $1.997368190e-01, v23  }
0x127: {  	v53 =	vld.idx.msk [tilespmem:v46+s3+$0x0], $0xffff;
	v39 =	vadd.s32 $0x9C40, v24;
	v41 =	vadd.s32 $0xBB80, v24;
	v16 =	vtrunc.f32 v16  }
0x128: {  	v48 =	vld [tilespmem:s10+$0x0];
	v16 =	vcvt.f32.s32 v16;
	v19 =	vadd.f32 $-3.333230320e-01, v19;
	v23 =	vmul.f32 v23, v54  }
0x129: {  	v15 =	vld.idx.msk [tilespmem:v15+s3+$0x0], $0xffff;
	v46 =	vadd.s32 $0x1F40, v24;
	v32 =	vsub.f32 v17, v32;
	v18 =	vsub.f32 v17, v44  }
0x12a: {  	v30 =	vld [tilespmem:s10+$0xFFFFFFF0];
	v52 =	vadd.s32 $0x5DC0, v16;
	v19 =	vmul.f32 v19, v37;
	v23 =	vadd.f32 $-3.333230320e-01, v23  }
0x12b: {  	v17 =	vsub.f32 v17, v29;
	v51 =	vadd.s32 $0x1F40, v16;
	v55 =	vadd.s32 $0x7D00, v16;
	v45 =	vld.idx.msk [tilespmem:v24+s3+$0x0], $0xffff  }
0x12c: {  	v58 =	vadd.s32 $0x9C40, v16;
	v33 =	vld.idx.msk [tilespmem:v47+s3+$0x0], $0xffff;
	v19 =	vadd.f32 $9.999999400e-01, v19;
	v23 =	vmul.f32 v23, v54  }
0x12d: {  	v60 =	vadd.s32 $0xBB80, v16;
	v18 =	vmul.f32 v18, v18;
	v17 =	vmul.f32 v17, v17;
	v44 =	vld.idx.msk [tilespmem:v62+s3+$0x0], $0xffff  }
0x12e: {  	v24 =	vadd.s32 $0x3E80, v24;
	v57 =	vld.idx.msk [tilespmem:v16+s3+$0x0], $0xffff;
	v19 =	vmul.f32 v19, v31;
	v23 =	vadd.f32 $9.999999400e-01, v23  }
0x12f: {  	v15 =	vmul.f32 v18, v15;
	v17 =	vmul.f32 v17, v17;
	v16 =	vadd.s32 $0x3E80, v16;
	v61 =	vld.idx.msk [tilespmem:v52+s3+$0x0], $0xffff  }
0x130: {  	v63 =	vld.idx.msk [tilespmem:v55+s3+$0x0], $0xffff;
	v54 =	vmul.f32 v32, v32;
	v59 =	vsub.f32 $1.570796370e+00, v19;
	v23 =	vmul.f32 v23, v38  }
0x131: {  	v15 =	vadd.f32 v15, v25;
	v21 =	vld.idx.msk [tilespmem:v58+s3+$0x0], $0xffff;
	v58 =	vmul.u32 $0x50, v48;
	v17 =	vmul.f32 v17, v33  }
0x132: {  	v52 =	vld [tilespmem:s10+$0x20];
	v18 =	vmul.f32 v54, v32;
	v19 =	vsel vm3, v59, v19;
	v36 =	vsub.f32 $1.570796370e+00, v23  }
0x133: {  	vm3 =	vgt.f32 v13, v14;
	v59 =	vadd.s32 v8, v58;
	v40 =	vsub.f32 $3.141592740e+00, v19;
	v38 =	vld.idx.msk [tilespmem:v56+s3+$0x0], $0xffff  }
0x134: {  	v28 =	vld.idx.msk [tilespmem:v41+s3+$0x0], $0xffff;
	v18 =	vmul.f32 v18, v53;
	v23 =	vsel vm3, v36, v23;
	vm3 =	vlt.f32 v22, $0.0e+00  }
0x135: {  	v14 =	vld.idx.msk [tilespmem:v39+s3+$0x0], $0xffff;
	v53 =	vor.u32 v1, v49;
	v43 =	vsub.f32 $3.141592740e+00, v23;
	v19 =	vsel vm3, v40, v19  }
0x136: {  	v35 =	vld.idx.msk [tilespmem:v51+s3+$0x0], $0xffff;
	v15 =	vadd.f32 v18, v15;
	vm3 =	vlt.f32 v26, $0.0e+00;
	v25 =	vsub.f32 v19, v61  }
0x137: {  	v51 =	vld [tilespmem:s10+$0x10];
	v27 =	vsub.f32 v19, v63;
	v19 =	vsub.f32 v19, v21;
	v22 =	vsel vm3, v43, v23  }
0x138: {  	v42 =	vld.idx.msk [tilespmem:v60+s3+$0x0], $0xffff;
	v21 =	vmul.u32 $0x50, v52;
	v13 =	vsub.f32 v22, v38;
	v25 =	vmul.f32 v25, v25  }
0x139: {  	v55 =	vld.idx.msk [tilespmem:v46+s3+$0x0], $0xffff;
	v47 =	vmul.f32 v27, v27;
	v26 =	vsub.f32 v22, v44;
	v19 =	vmul.f32 v19, v19  }
0x13a: {  	v24 =	vld.idx.msk [tilespmem:v24+s3+$0x0], $0xffff;
	v14 =	vsub.f32 v22, v14;
	v13 =	vmul.f32 v13, v13;
	v20 =	vmul.f32 v25, v57  }
0x13b: {  	v16 =	vld.idx.msk [tilespmem:v16+s3+$0x0], $0xffff;
	v50 =	vmul.f32 v47, v27;
	v56 =	vmul.f32 v26, v26;
	v57 =	vmul.u32 $0x50, v30  }
0x13c: {  	[tilespmem:v53+s12+$0x0] =	vst.idx.add.f32.msk $0xffff, v11;
	v14 =	vmul.f32 v14, v14;
	v27 =	vmul.u32 $0x50, v51;
	v11 =	vmul.f32 v19, v19  }
0x13d: {  	v13 =	vmul.f32 v13, v45;
	v26 =	vmul.f32 v56, v26;
	v22 =	vadd.s32 v7, v57  }
0x13e: {  	v18 =	vadd.f32 v20, v42;
	v54 =	vmul.f32 v50, v35;
	v14 =	vmul.f32 v14, v14  }
0x13f: {  	v61 =	vadd.s32 v9, v27;
	v13 =	vadd.f32 v13, v28;
	v60 =	vmul.f32 v26, v55  }
0x140: {  	p0 =	sne.s32 s26, $0x180;
	v62 =	vadd.s32 v10, v21;
	v11 =	vmul.f32 v11, v16;
	v18 =	vadd.f32 v54, v18  }
.Ltmp2:
0x141: {  	v15 =	vadd.f32 v15, v17;
	v14 =	vmul.f32 v14, v24;
	v13 =	vadd.f32 v60, v13;
	(pc) =	sbr.rel @p0 .LBB2_6-.Ltmp2, $4  }
0x142: {  	v11 =	vadd.f32 v18, v11;
	[tilespmem:v22+s12+$0x0] =	vst.idx.add.f32.msk $0xffff, v12  }
0x143: {  	[tilespmem:v59+s12+$0x0] =	vst.idx.add.f32.msk $0xffff, v15;
	v63 =	vadd.f32 v13, v14  }
0x144: {  	[tilespmem:v61+s12+$0x0] =	vst.idx.add.f32.msk $0xffff, v11  }
0x145: {  	s26 =	sadd.s32 $0x50, s26;
	s10 =	sadd.s32 $0x50, s10;
	[tilespmem:v62+s12+$0x0] =	vst.idx.add.f32.msk $0xffff, v63  }
.LBB2_7:
0x146: {  	s10 =	sadd.s32 s16, s13  }
0x147: {  	s10 =	sshrl.u32 s10, $0x3  }
0x148: {  	s14 =	sadd.s32 s5, s10  }
0x149: {  	[tilespmem:s28], [sflag:$0x2] =	stream.linear.gather [hbm4b:s14+s3], $0x190, $0x38;
	[tilespmem:$0x1A540] =	vst v63  }
0x14a: {  	s26 =	sadd.s32 s6, s10  }
0x14b: {  	[tilespmem:s29], [sflag:$0x2] =	stream.linear.gather [hbm4b:s26+s3], $0x190, $0x38;
	[tilespmem:$0x1A540] =	vst v63  }
0x14c: {  	s26 =	sadd.s32 s8, s10  }
0x14d: {  	[tilespmem:s30], [sflag:$0x2] =	stream.linear.gather [hbm4b:s26+s3], $0x190, $0x38;
	[tilespmem:$0x1A540] =	vst v63  }
0x14e: {  	_ =	swait.ge [sflag:s31], $0x190  }
0x14f: {  	[sflag:s31] =	ssyncset.done $0x0  }
0x150: {  	[sflag:s31] =	ssyncadd.s32 $0xFFFFFE70  }
0x151: {  	_ =	swait.ge [sflag:s31], $0x190  }
0x152: {  	[sflag:s31] =	ssyncset.done $0x0  }
0x153: {  	[sflag:s31] =	ssyncadd.s32 $0xFFFFFE70  }
0x154: {  	_ =	swait.ge [sflag:s31], $0x190  }
0x155: {  	[sflag:s31] =	ssyncset.done $0x0  }
0x156: {  	[sflag:s31] =	ssyncadd.s32 $0xFFFFFE70  }
0x157: {  	[tilespmem:s0], [sflag:$0x4] =	stream.indirect.gather [hbm4b:s4+s22], $0x10, s28, s22, $0xb8;
	[tilespmem:$0x1A540] =	vst v63  }
0x158: {  	_ = 	snop  }
0x159: {  	[tilespmem:s1], [sflag:$0x4] =	stream.indirect.gather [hbm4b:s4+s22], $0x10, s29, s22, $0xb8;
	[tilespmem:$0x1A540] =	vst v63  }
0x15a: {  	_ = 	snop  }
0x15b: {  	[tilespmem:s9], [sflag:$0x4] =	stream.indirect.gather [hbm4b:s4+s22], $0x10, s30, s22, $0xb8;
	[tilespmem:$0x1A540] =	vst v63  }
0x15c: {  	s10 =	sadd.s32 s2, s10;
	s26 =	simm.s32 $0x10DB0  }
0x15d: {  	[tilespmem:s26], [sflag:$0x4] =	stream.linear.gather [hbm4b:s10+s3], $0x190, $0x38;
	[tilespmem:$0x1A540] =	vst v63  }
0x15e: {  	_ =	swait.ge [sflag:s11], $0x1900  }
0x15f: {  	[sflag:s11] =	ssyncset.done $0x0  }
0x160: {  	[sflag:s11] =	ssyncadd.s32 $0xFFFFE700  }
0x161: {  	_ =	swait.ge [sflag:s11], $0x1900  }
0x162: {  	[sflag:s11] =	ssyncset.done $0x0  }
0x163: {  	[sflag:s11] =	ssyncadd.s32 $0xFFFFE700  }
0x164: {  	_ =	swait.ge [sflag:s11], $0x1900  }
0x165: {  	[sflag:s11] =	ssyncset.done $0x0  }
0x166: {  	[sflag:s11] =	ssyncadd.s32 $0xFFFFE700  }
0x167: {  	_ =	swait.ge [sflag:s11], $0x190  }
0x168: {  	[sflag:s11] =	ssyncset.done $0x0  }
0x169: {  	s26 =	simm.s32 $0x40;
	s10 =	simm.s32 $0x10790;
	[sflag:s11] =	ssyncadd.s32 $0xFFFFFE70  }
.LBB2_8:
0x16a: {  	s14 =	sadd.s32 $0xFFFFFFC0, s26  }
0x16b: {  	v11 =	vmov s14  }
0x16c: {  	v11 =	vshll.u32 v11, $0x4  }
0x16d: {  	v11 =	vor.u32 v2, v11  }
0x16e: {  	v13 =	vor.u32 v4, v11  }
0x16f: {  	v14 =	vor.u32 v5, v11  }
0x170: {  	v12 =	vor.u32 v3, v11;
	v11 =	vor.u32 v6, v11;
	_ =	sdelay $0x2  }
0x171: {  	v16 =	vld.idx.msk [tilespmem:v13+s23+$0x0], $0xffff  }
0x172: {  	v17 =	vld.idx.msk [tilespmem:v14+s23+$0x0], $0xffff  }
0x173: {  	v18 =	vld.idx.msk [tilespmem:v11+s23+$0x0], $0xffff  }
0x174: {  	v21 =	vld.idx.msk [tilespmem:v14+s24+$0x0], $0xffff  }
0x175: {  	v24 =	vld.idx.msk [tilespmem:v11+s24+$0x0], $0xffff  }
0x176: {  	v14 =	vld.idx.msk [tilespmem:v14+s25+$0x0], $0xffff  }
0x177: {  	v11 =	vld.idx.msk [tilespmem:v11+s25+$0x0], $0xffff  }
0x178: {  	v20 =	vld.idx.msk [tilespmem:v13+s24+$0x0], $0xffff  }
0x179: {  	v13 =	vld.idx.msk [tilespmem:v13+s25+$0x0], $0xffff  }
0x17a: {  	v15 =	vld.idx.msk [tilespmem:v12+s23+$0x0], $0xffff  }
0x17b: {  	v19 =	vld.idx.msk [tilespmem:v12+s24+$0x0], $0xffff;
	v22 =	vsel vm0, v18, v17;
	v25 =	vsel vm0, v24, v21;
	v17 =	vsub.f32 v17, v21  }
0x17c: {  	v32 =	vsel vm0, v11, v14;
	v18 =	vsub.f32 v18, v24;
	v14 =	vsub.f32 v14, v21  }
0x17d: {  	v12 =	vld.idx.msk [tilespmem:v12+s25+$0x0], $0xffff;
	v11 =	vsub.f32 v11, v24;
	v22 =	vsel vm1, v22, v16;
	v31 =	vsel vm1, v25, v20  }
0x17e: {  	v16 =	vsub.f32 v16, v20;
	v25 =	vsel vm1, v32, v13;
	v13 =	vsub.f32 v13, v20  }
0x17f: {  	v23 =	vsel vm2, v22, v15;
	v35 =	vmul.f32 v17, v17;
	v26 =	vmul.f32 v18, v18  }
0x180: {  	v22 =	vsel vm2, v31, v19;
	v17 =	vmul.f32 v14, v17;
	v18 =	vmul.f32 v11, v18  }
0x181: {  	v15 =	vsub.f32 v15, v19;
	v14 =	vmul.f32 v14, v14;
	v11 =	vmul.f32 v11, v11  }
0x182: {  	v19 =	vsub.f32 v12, v19;
	v34 =	vmul.f32 v16, v16;
	v16 =	vmul.f32 v13, v16  }
0x183: {  	v13 =	vmul.f32 v13, v13;
	v39 =	vsub.f32 v23, v22;
	v33 =	vmul.f32 v15, v15  }
0x184: {  	v15 =	vmul.f32 v19, v15;
	v36 =	vadd.f32 v26, v35;
	v37 =	vmul.f32 v19, v19  }
0x185: {  	v17 =	vadd.f32 v18, v17;
	v26 =	vsel vm2, v25, v12;
	v11 =	vadd.f32 v11, v14  }
0x186: {  	v40 =	vsub.f32 v26, v22;
	v20 =	vadd.f32 v34, v33  }
0x187: {  	v15 =	vadd.f32 v16, v15;
	v38 =	vadd.f32 v13, v37  }
0x188: {  	v42 =	vmul.f32 v39, v39;
	v43 =	vmul.f32 v40, v40;
	v41 =	vadd.f32 v36, v20  }
0x189: {  	v15 =	vadd.f32 v17, v15;
	v12 =	vadd.f32 v11, v38;
	v11 =	vmul.f32 v40, v39  }
0x18a: {  	v44 =	vsub.f32 v41, v42  }
0x18b: {  	v11 =	vsub.f32 v15, v11;
	v12 =	vsub.f32 v12, v43;
	_ =	sdelay $0x1  }
0x18c: {  	v12 =	vmul.f32 v12, v44;
	v45 =	vmul.f32 v11, v11;
	_ =	sdelay $0x1  }
0x18d: {  	v12 =	vsub.f32 v12, v45;
	_ =	sdelay $0x1  }
0x18e: {  	v12 =	vmax.f32 v12, $0.0e+00  }
0x18f: {  	s14 =	sadd.s32 $0xFFFFFFD0, s26;
	v46 =	vshrl.u32 v12, $0x1;
	v47 =	vmul.f32 $5.000000000e-01, v12  }
0x190: {  	v49 =	vmov s14;
	v13 =	vsub.s32 $0x5F3759DF, v46  }
0x191: {  	v16 =	vshll.u32 v49, $0x4;
	v48 =	vmul.f32 v13, v47  }
0x192: {  	v16 =	vor.u32 v2, v16  }
0x193: {  	v50 =	vor.u32 v3, v16;
	v15 =	vmul.f32 v13, v48  }
0x194: {  	v51 =	vor.u32 v4, v16  }
0x195: {  	v52 =	vor.u32 v5, v16;
	v15 =	vsub.f32 $1.500000000e+00, v15  }
0x196: {  	v53 =	vor.u32 v6, v16  }
0x197: {  	v13 =	vmul.f32 v13, v15  }
0x198: {  	v54 =	vld.idx.msk [tilespmem:v50+s23+$0x0], $0xffff  }
0x199: {  	v55 =	vld.idx.msk [tilespmem:v51+s23+$0x0], $0xffff;
	v15 =	vmul.f32 v13, v47  }
0x19a: {  	v56 =	vld.idx.msk [tilespmem:v52+s23+$0x0], $0xffff  }
0x19b: {  	v27 =	vld.idx.msk [tilespmem:v53+s23+$0x0], $0xffff;
	v15 =	vmul.f32 v15, v13  }
0x19c: {  	v30 =	vld.idx.msk [tilespmem:v52+s24+$0x0], $0xffff  }
0x19d: {  	v31 =	vld.idx.msk [tilespmem:v53+s24+$0x0], $0xffff;
	v15 =	vsub.f32 $1.500000000e+00, v15  }
0x19e: {  	v28 =	vld.idx.msk [tilespmem:v50+s24+$0x0], $0xffff  }
0x19f: {  	s14 =	sadd.s32 $0xFFFFFFE0, s26;
	v23 =	vmul.f32 $2.000000000e+01, v23;
	v29 =	vld.idx.msk [tilespmem:v51+s24+$0x0], $0xffff;
	v13 =	vmul.f32 v15, v13  }
0x1a0: {  	v57 =	vmov s14  }
0x1a1: {  	v22 =	vadd.f32 v22, v23;
	v21 =	vand.u32 $0x7FFFFFFF, v11;
	v58 =	vld.idx.msk [tilespmem:v52+s25+$0x0], $0xffff;
	v14 =	vmul.f32 v13, v47  }
0x1a2: {  	v60 =	vsel vm0, v27, v56;
	v25 =	vsub.f32 v56, v30;
	v27 =	vsub.f32 v27, v31;
	v15 =	vld.idx.msk [tilespmem:v53+s25+$0x0], $0xffff  }
0x1a3: {  	v18 =	vld.idx.msk [tilespmem:v51+s25+$0x0], $0xffff;
	v33 =	vsel vm0, v31, v30;
	v16 =	vsub.f32 v54, v28;
	v14 =	vmul.f32 v14, v13  }
0x1a4: {  	v24 =	vsub.f32 v55, v29;
	v37 =	vmul.f32 v25, v25;
	v34 =	vmul.f32 v27, v27  }
0x1a5: {  	vm3 =	vgt.f32 v12, $0.0e+00;
	v61 =	vsel vm1, v33, v29;
	v14 =	vsub.f32 $1.500000000e+00, v14  }
0x1a6: {  	v63 =	vmul.f32 v16, v16;
	v36 =	vmul.f32 v24, v24;
	v38 =	vadd.f32 v34, v37  }
0x1a7: {  	v62 =	vsel vm0, v15, v58;
	v13 =	vmul.f32 v14, v13;
	v14 =	vshll.u32 v57, $0x4  }
0x1a8: {  	v17 =	vld.idx.msk [tilespmem:v50+s25+$0x0], $0xffff;
	v15 =	vsub.f32 v15, v31;
	v33 =	vsel vm1, v62, v18;
	v59 =	vor.u32 v2, v14  }
0x1a9: {  	v18 =	vsub.f32 v18, v29;
	v13 =	vmul.f32 v13, v12;
	v48 =	vor.u32 v3, v59  }
0x1aa: {  	v29 =	vadd.f32 v36, v63;
	v27 =	vmul.f32 v15, v27;
	v50 =	vor.u32 v5, v59  }
0x1ab: {  	v15 =	vmul.f32 v15, v15;
	v19 =	vor.u32 v6, v59;
	v20 =	vnsel vm3, $0x0, v13  }
0x1ac: {  	v24 =	vmul.f32 v18, v24;
	v40 =	vmul.f32 v18, v18;
	v13 =	vmax.f32 v20, v21  }
0x1ad: {  	v18 =	vsel vm2, v33, v17;
	v12 =	vsub.f32 v58, v30;
	vm3 =	vgt.f32 v13, $0.0e+00  }
0x1ae: {  	v45 =	vadd.f32 v38, v29;
	v14 =	vsel vm1, v60, v55;
	v13 =	vnsel vm3, $0x3F800000, v13;
	v53 =	vld.idx.msk [tilespmem:v48+s23+$0x0], $0xffff  }
0x1af: {  	v14 =	vsel vm2, v14, v54;
	v25 =	vmul.f32 v12, v25;
	v55 =	vld.idx.msk [tilespmem:v50+s23+$0x0], $0xffff;
	(erf) = vrcp.f32 v13  }
0x1b0: {  	v49 =	vor.u32 v4, v59;
	v12 =	vmul.f32 v12, v12;
	v32 =	vmin.f32 v20, v21;
	v56 =	vld.idx.msk [tilespmem:v19+s23+$0x0], $0xffff  }
0x1b1: {  	v25 =	vadd.f32 v27, v25;
	v35 =	vld.idx.msk [tilespmem:v48+s24+$0x0], $0xffff;
	v13 =	vsel vm2, v61, v28;
	v28 =	vsub.f32 v17, v28  }
0x1b2: {  	v38 =	vld.idx.msk [tilespmem:v50+s24+$0x0], $0xffff;
	v43 =	vsub.f32 v14, v13;
	v44 =	vsub.f32 v18, v13;
	v14 =	vmul.f32 $2.000000000e+01, v14  }
0x1b3: {  	v12 =	vadd.f32 v15, v12;
	v16 =	vmul.f32 v28, v16;
	v39 =	vmul.f32 v28, v28  }
0x1b4: {  	v46 =	vmul.f32 v43, v43;
	v47 =	vmul.f32 v44, v43;
	v13 =	vadd.f32 v13, v14  }
0x1b5: {  	s14 =	sadd.s32 $0xFFFFFFF0, s26;
	v15 =	vmul.f32 v44, v44;
	v16 =	vadd.f32 v24, v16;
	v42 =	vadd.f32 v40, v39  }
0x1b6: {  	v39 =	vmov s14;
	v57 =	vsel vm0, v56, v55;
	v30 =	vsub.f32 v53, v35  }
0x1b7: {  	v54 =	vld.idx.msk [tilespmem:v49+s23+$0x0], $0xffff;
	v31 =	vsub.f32 v55, v38;
	v39 =	vshll.u32 v39, $0x4;
	v16 =	vadd.f32 v25, v16  }
0x1b8: {  	v40 =	vld.idx.msk [tilespmem:v19+s24+$0x0], $0xffff;
	v13 =	vmul.f32 $2.000000000e+01, v13;
	v17 =	vadd.f32 v12, v42;
	v25 =	vsub.f32 v45, v46;
	v41 =	vpop (erf)  }
0x1b9: {  	v36 =	vld.idx.msk [tilespmem:v49+s24+$0x0], $0xffff;
	v39 =	vor.u32 v2, v39;
	v60 =	vmul.f32 v30, v30;
	v27 =	vmul.f32 v41, v32  }
0x1ba: {  	v62 =	vmul.f32 v31, v31;
	v12 =	vsub.f32 v16, v47;
	v15 =	vsub.f32 v17, v15  }
0x1bb: {  	v42 =	vor.u32 v4, v39;
	v43 =	vor.u32 v5, v39;
	v29 =	vmul.f32 v27, v27  }
0x1bc: {  	v19 =	vld.idx.msk [tilespmem:v19+s25+$0x0], $0xffff;
	v18 =	vadd.f32 v18, v13;
	v15 =	vmul.f32 v15, v25;
	v52 =	vmul.f32 v12, v12  }
0x1bd: {  	v16 =	vld.idx.msk [tilespmem:v50+s25+$0x0], $0xffff;
	v45 =	vsel vm0, v40, v38;
	v33 =	vsub.f32 v56, v40;
	v51 =	vmul.f32 $4.831170200e-03, v29  }
0x1be: {  	v41 =	vor.u32 v3, v39;
	v25 =	vsub.f32 v54, v36;
	v15 =	vsub.f32 v15, v52  }
0x1bf: {  	v28 =	vld.idx.msk [tilespmem:v49+s25+$0x0], $0xffff;
	v39 =	vor.u32 v6, v39;
	v58 =	vsel vm1, v45, v36;
	v17 =	vsub.f32 $2.475677990e-02, v51  }
0x1c0: {  	v47 =	vmul.f32 v33, v33;
	v61 =	vmul.f32 v25, v25;
	v32 =	vmax.f32 v15, $0.0e+00  }
0x1c1: {  	v15 =	vshrl.u32 v32, $0x1;
	v34 =	vmul.f32 $5.000000000e-01, v32;
	v17 =	vmul.f32 v17, v29  }
0x1c2: {  	v59 =	vsel vm0, v19, v16;
	v16 =	vsub.f32 v16, v38;
	v15 =	vsub.s32 $0x5F3759DF, v15  }
0x1c3: {  	v24 =	vld.idx.msk [tilespmem:v48+s25+$0x0], $0xffff;
	v19 =	vsub.f32 v19, v40;
	v37 =	vmul.f32 v15, v34;
	v17 =	vadd.f32 $-6.021913140e-02, v17  }
0x1c4: {  	v63 =	vadd.f32 v47, v62;
	v45 =	vsel vm1, v59, v28;
	v31 =	vmul.f32 v16, v31  }
0x1c5: {  	v28 =	vsub.f32 v28, v36;
	v37 =	vmul.f32 v15, v37;
	v17 =	vmul.f32 v17, v29  }
0x1c6: {  	v36 =	vadd.f32 v61, v60;
	v33 =	vmul.f32 v19, v33;
	v16 =	vmul.f32 v16, v16  }
0x1c7: {  	v47 =	vmul.f32 v19, v19;
	v37 =	vsub.f32 $1.500000000e+00, v37;
	v17 =	vadd.f32 $9.967923900e-02, v17  }
0x1c8: {  	v19 =	vsel vm2, v45, v24;
	v25 =	vmul.f32 v28, v25;
	v28 =	vmul.f32 v28, v28  }
0x1c9: {  	vm3 =	vgt.f32 v32, $0.0e+00;
	v37 =	vmul.f32 v15, v37;
	v17 =	vmul.f32 v17, v29  }
0x1ca: {  	v31 =	vadd.f32 v33, v31;
	v15 =	vsel vm1, v57, v54;
	v57 =	vmov s26  }
0x1cb: {  	v33 =	vshll.u32 v57, $0x4;
	v46 =	vmul.f32 v37, v34;
	v44 =	vadd.f32 $-1.404013930e-01, v17  }
0x1cc: {  	v17 =	vsel vm2, v15, v53;
	v15 =	vsel vm2, v58, v35;
	v35 =	vsub.f32 v24, v35  }
0x1cd: {  	v52 =	vadd.f32 v63, v36;
	v16 =	vadd.f32 v47, v16;
	v59 =	vor.u32 v2, v33  }
0x1ce: {  	v45 =	vor.u32 v3, v59;
	v50 =	vmul.f32 v46, v37;
	v30 =	vmul.f32 v35, v30  }
0x1cf: {  	v46 =	vor.u32 v4, v59;
	v49 =	vsub.f32 v17, v15;
	v40 =	vmul.f32 v35, v35  }
0x1d0: {  	v38 =	vld.idx.msk [tilespmem:v39+s23+$0x0], $0xffff;
	v51 =	vsub.f32 v19, v15;
	v56 =	vmul.f32 v44, v29;
	v25 =	vadd.f32 v25, v30  }
0x1d1: {  	v36 =	vld.idx.msk [tilespmem:v41+s23+$0x0], $0xffff;
	v53 =	vmul.f32 v49, v49;
	v48 =	vadd.f32 v28, v40;
	v30 =	vsub.f32 $1.500000000e+00, v50  }
0x1d2: {  	v54 =	vmul.f32 v51, v49;
	v55 =	vmul.f32 v51, v51;
	v28 =	vadd.f32 $1.997368190e-01, v56;
	v40 =	vld.idx.msk [tilespmem:v41+s24+$0x0], $0xffff  }
0x1d3: {  	v25 =	vadd.f32 v31, v25;
	v24 =	vadd.f32 v16, v48;
	v30 =	vmul.f32 v30, v37;
	v37 =	vld.idx.msk [tilespmem:v43+s23+$0x0], $0xffff  }
0x1d4: {  	v17 =	vmul.f32 $2.000000000e+01, v17;
	v31 =	vsub.f32 v52, v53;
	v28 =	vmul.f32 v28, v29;
	v48 =	vld.idx.msk [tilespmem:v39+s24+$0x0], $0xffff  }
0x1d5: {  	v44 =	vmul.f32 $2.000000000e+01, v22;
	v53 =	vld.idx.msk [tilespmem:v43+s24+$0x0], $0xffff;
	v16 =	vsub.f32 v25, v54;
	v24 =	vsub.f32 v24, v55  }
0x1d6: {  	v49 =	vor.u32 v5, v59;
	v43 =	vld.idx.msk [tilespmem:v43+s25+$0x0], $0xffff;
	v52 =	vmul.f32 v30, v34;
	v61 =	vadd.f32 $-3.333230320e-01, v28  }
0x1d7: {  	v15 =	vadd.f32 v15, v17;
	v25 =	vld.idx.msk [tilespmem:v42+s23+$0x0], $0xffff;
	v24 =	vmul.f32 v24, v31;
	v58 =	vmul.f32 v16, v16  }
0x1d8: {  	v55 =	vld.idx.msk [tilespmem:v42+s25+$0x0], $0xffff;
	v60 =	vmul.f32 v52, v30;
	v35 =	vmul.f32 v61, v29;
	v61 =	vsub.f32 v36, v40  }
0x1d9: {  	v31 =	vld.idx.msk [tilespmem:v42+s24+$0x0], $0xffff;
	v57 =	vsel vm0, v38, v37;
	v38 =	vsub.f32 v38, v48;
	v24 =	vsub.f32 v24, v58  }
0x1da: {  	v52 =	vld.idx.msk [tilespmem:v39+s25+$0x0], $0xffff;
	v39 =	vor.u32 v6, v59;
	v37 =	vsub.f32 v37, v53;
	v63 =	vsub.f32 $1.500000000e+00, v60  }
0x1db: {  	v58 =	vsel vm0, v48, v53;
	v50 =	vmul.f32 v38, v38;
	v33 =	vmax.f32 v24, $0.0e+00  }
0x1dc: {  	v54 =	vmul.f32 v63, v30;
	v24 =	vsel vm1, v57, v25;
	v63 =	vsub.f32 v43, v53  }
0x1dd: {  	v53 =	vmul.f32 v61, v61;
	v62 =	vshrl.u32 v33, $0x1;
	v34 =	vmul.f32 $5.000000000e-01, v33  }
0x1de: {  	v41 =	vld.idx.msk [tilespmem:v41+s25+$0x0], $0xffff;
	v24 =	vsel vm2, v24, v36;
	v60 =	vsel vm1, v58, v31;
	v25 =	vsub.f32 v25, v31  }
0x1df: {  	v30 =	vsub.f32 v55, v31;
	v29 =	vsub.f32 v52, v48;
	v28 =	vsub.s32 $0x5F3759DF, v62  }
0x1e0: {  	v22 =	vmul.f32 v54, v32;
	v23 =	vsel vm2, v60, v40;
	v31 =	vmul.f32 v63, v63  }
0x1e1: {  	v62 =	vsel vm0, v52, v43;
	v51 =	vmul.f32 v28, v34;
	v54 =	vmul.f32 v25, v25  }
0x1e2: {  	v36 =	vsel vm1, v62, v55;
	v55 =	vmul.f32 v37, v37;
	v25 =	vmul.f32 v30, v25  }
0x1e3: {  	v40 =	vsub.f32 v41, v40;
	v37 =	vmul.f32 v63, v37;
	v38 =	vmul.f32 v29, v38  }
0x1e4: {  	v47 =	vld.idx.msk [tilespmem:v45+s23+$0x0], $0xffff;
	v26 =	vadd.f32 v26, v44;
	v30 =	vmul.f32 v30, v30;
	v29 =	vmul.f32 v29, v29  }
0x1e5: {  	v42 =	vld.idx.msk [tilespmem:v46+s24+$0x0], $0xffff;
	v32 =	vmul.f32 v40, v61;
	v40 =	vmul.f32 v40, v40;
	v43 =	vadd.f32 v54, v53  }
0x1e6: {  	v63 =	vld.idx.msk [tilespmem:v46+s25+$0x0], $0xffff;
	v56 =	vmul.f32 v28, v51;
	v48 =	vadd.f32 v50, v55;
	v37 =	vadd.f32 v38, v37  }
0x1e7: {  	v18 =	vtrunc.f32 v18;
	v51 =	vld.idx.msk [tilespmem:v49+s23+$0x0], $0xffff;
	v57 =	vadd.f32 v29, v31;
	v32 =	vadd.f32 v25, v32  }
0x1e8: {  	v38 =	vld.idx.msk [tilespmem:v39+s23+$0x0], $0xffff;
	v25 =	vsel vm2, v36, v41;
	v30 =	vadd.f32 v30, v40;
	v59 =	vsub.f32 $1.500000000e+00, v56  }
0x1e9: {  	v50 =	vld.idx.msk [tilespmem:v46+s23+$0x0], $0xffff;
	v31 =	vnsel vm3, $0x0, v22;
	v56 =	vsub.f32 v24, v23;
	v58 =	vsub.f32 v25, v23  }
0x1ea: {  	v40 =	vld.idx.msk [tilespmem:v45+s24+$0x0], $0xffff;
	v43 =	vadd.f32 v48, v43;
	v37 =	vadd.f32 v37, v32;
	v32 =	vand.u32 $0x7FFFFFFF, v12  }
0x1eb: {  	v36 =	vld.idx.msk [tilespmem:v39+s24+$0x0], $0xffff;
	v41 =	vmul.f32 v28, v59;
	v59 =	vmul.f32 v56, v56;
	v28 =	vadd.f32 v57, v30  }
0x1ec: {  	v48 =	vld.idx.msk [tilespmem:v49+s24+$0x0], $0xffff;
	v60 =	vmul.f32 v58, v56;
	v29 =	vmul.f32 v58, v58;
	v61 =	vmax.f32 v31, v32  }
0x1ed: {  	vm3 =	vgt.f32 v61, $0.0e+00;
	v54 =	vsel vm0, v38, v51;
	v43 =	vsub.f32 v43, v59  }
0x1ee: {  	v49 =	vld.idx.msk [tilespmem:v49+s25+$0x0], $0xffff;
	v22 =	vsub.f32 v37, v60;
	v28 =	vsub.f32 v28, v29;
	v62 =	vmul.f32 v41, v34  }
0x1ef: {  	v44 =	vld.idx.msk [tilespmem:v45+s25+$0x0], $0xffff;
	v30 =	vnsel vm3, $0x3F800000, v61;
	v57 =	vsub.f32 v47, v40;
	v59 =	vsub.f32 v50, v42  }
0x1f0: {  	v37 =	vld.idx.msk [tilespmem:v39+s25+$0x0], $0xffff;
	v55 =	vsel vm1, v54, v50;
	v38 =	vsub.f32 v38, v36;
	v39 =	vsub.f32 v63, v42  }
0x1f1: {  	(erf) = vrcp.f32 v30;
	v56 =	vsel vm0, v36, v48;
	v28 =	vmul.f32 v28, v43  }
0x1f2: {  	v60 =	vsub.f32 v51, v48;
	v52 =	vmul.f32 v22, v22;
	v53 =	vmul.f32 v62, v41  }
0x1f3: {  	v29 =	vsel vm1, v56, v42;
	v42 =	vsub.f32 v49, v48;
	v61 =	vmul.f32 v57, v57  }
0x1f4: {  	v62 =	vmul.f32 v59, v59;
	v29 =	vsel vm2, v29, v40;
	v40 =	vsub.f32 v44, v40  }
0x1f5: {  	v54 =	vmul.f32 v60, v60;
	v43 =	vsub.f32 v28, v52;
	v28 =	vsel vm2, v55, v47  }
0x1f6: {  	v55 =	vmul.f32 v38, v38;
	v56 =	vsub.f32 $1.500000000e+00, v53;
	v60 =	vmul.f32 v42, v60  }
0x1f7: {  	v42 =	vmul.f32 v42, v42;
	v58 =	vsel vm0, v37, v49;
	v36 =	vsub.f32 v37, v36  }
0x1f8: {  	v57 =	vmul.f32 v40, v57;
	v40 =	vmul.f32 v40, v40;
	v46 =	vsel vm1, v58, v63  }
0x1f9: {  	v63 =	vadd.f32 v62, v61;
	v58 =	vmul.f32 v39, v59;
	v59 =	vadd.f32 v55, v54  }
0x1fa: {  	v39 =	vmul.f32 v39, v39;
	v61 =	vsub.f32 v28, v29;
	v38 =	vmul.f32 v36, v38  }
0x1fb: {  	v36 =	vmul.f32 v36, v36;
	v30 =	vsel vm2, v46, v44;
	v45 =	vadd.f32 v58, v57  }
0x1fc: {  	v18 =	vcvt.f32.s32 v18;
	v39 =	vadd.f32 v39, v40;
	v62 =	vsub.f32 v30, v29  }
0x1fd: {  	v15 =	vmul.f32 $2.000000000e+01, v15;
	v38 =	vadd.f32 v38, v60;
	v36 =	vadd.f32 v36, v42  }
0x1fe: {  	v37 =	vadd.f32 v59, v63;
	v63 =	vmul.f32 v61, v61;
	v46 =	vmul.f32 v62, v62  }
0x1ff: {  	v38 =	vadd.f32 v38, v45;
	v36 =	vadd.f32 v36, v39;
	v45 =	vmul.f32 v62, v61  }
0x200: {  	v15 =	vadd.f32 v19, v15;
	v41 =	vmul.f32 v56, v41;
	v37 =	vsub.f32 v37, v63  }
0x201: {  	v47 =	vtrunc.f32 v26;
	v26 =	vsub.f32 v38, v45;
	v36 =	vsub.f32 v36, v46  }
0x202: {  	v15 =	vtrunc.f32 v15;
	v34 =	vmul.f32 v41, v34  }
0x203: {  	v43 =	vmax.f32 v43, $0.0e+00;
	v36 =	vmul.f32 v36, v37;
	v49 =	vmul.f32 v26, v26  }
0x204: {  	v35 =	vadd.f32 $9.999999400e-01, v35;
	v48 =	vshrl.u32 v43, $0x1;
	v38 =	vmul.f32 $5.000000000e-01, v43  }
0x205: {  	v34 =	vmul.f32 v34, v41;
	v39 =	vsub.s32 $0x5F3759DF, v48;
	v36 =	vsub.f32 v36, v49  }
0x206: {  	v35 =	vmul.f32 v35, v27;
	v53 =	vmin.f32 v31, v32;
	v51 =	vmul.f32 v39, v38  }
0x207: {  	v40 =	vcvt.f32.s32 v47;
	v50 =	vsub.f32 $1.500000000e+00, v34;
	v36 =	vmax.f32 v36, $0.0e+00  }
0x208: {  	v54 =	vpop (erf);
	v34 =	vmul.f32 v39, v51;
	v55 =	vshrl.u32 v36, $0x1;
	v45 =	vmul.f32 $5.000000000e-01, v36  }
0x209: {  	v27 =	vmul.f32 v50, v41;
	v41 =	vmul.f32 v54, v53;
	v44 =	vsub.s32 $0x5F3759DF, v55  }
0x20a: {  	vm3 =	vgt.f32 v33, $0.0e+00;
	v34 =	vsub.f32 $1.500000000e+00, v34;
	v56 =	vmul.f32 v44, v45  }
0x20b: {  	v52 =	vadd.s32 $0x5DC0, v40;
	v27 =	vmul.f32 v27, v33;
	v46 =	vmul.f32 v41, v41  }
0x20c: {  	v42 =	vadd.s32 $0x7D00, v40;
	v34 =	vmul.f32 v39, v34;
	v47 =	vmul.f32 v44, v56  }
0x20d: {  	v59 =	vadd.s32 $0x9C40, v40;
	v33 =	vand.u32 $0x7FFFFFFF, v16;
	v57 =	vmul.f32 $4.831170200e-03, v46  }
0x20e: {  	v27 =	vnsel vm3, $0x0, v27;
	v60 =	vmul.f32 v34, v38;
	v47 =	vsub.f32 $1.500000000e+00, v47  }
0x20f: {  	v61 =	vsub.f32 $1.570796370e+00, v35;
	v58 =	vmax.f32 v27, v33;
	v39 =	vsub.f32 $2.475677990e-02, v57  }
0x210: {  	vm3 =	vgt.f32 v58, $0.0e+00;
	v50 =	vmul.f32 v60, v34;
	v51 =	vmul.f32 v44, v47  }
0x211: {  	v48 =	vnsel vm3, $0x3F800000, v58;
	vm3 =	vgt.f32 v20, v21;
	v63 =	vmul.f32 v39, v46  }
0x212: {  	v62 =	vld.idx.msk [tilespmem:v52+s3+$0x0], $0xffff;
	(erf) = vrcp.f32 v48;
	v52 =	vsub.f32 $1.500000000e+00, v50;
	v47 =	vmul.f32 v51, v45  }
0x213: {  	v35 =	vsel vm3, v61, v35;
	vm3 =	vlt.f32 v11, $0.0e+00;
	v21 =	vadd.f32 $-6.021913140e-02, v63  }
0x214: {  	v53 =	vsub.f32 $3.141592740e+00, v35;
	v11 =	vmul.f32 v52, v34;
	v56 =	vmul.f32 v47, v51  }
0x215: {  	v15 =	vcvt.f32.s32 v15;
	v42 =	vld.idx.msk [tilespmem:v42+s3+$0x0], $0xffff;
	v21 =	vmul.f32 v21, v46  }
0x216: {  	v55 =	vld.idx.msk [tilespmem:v40+s3+$0x0], $0xffff;
	v35 =	vsel vm3, v53, v35;
	v38 =	vmul.f32 v11, v38;
	v44 =	vsub.f32 $1.500000000e+00, v56  }
0x217: {  	v24 =	vmul.f32 $2.000000000e+01, v24;
	v20 =	vsub.f32 v35, v62;
	v21 =	vadd.f32 $9.967923900e-02, v21  }
0x218: {  	v54 =	vld.idx.msk [tilespmem:v59+s3+$0x0], $0xffff;
	v58 =	vmin.f32 v27, v33;
	v38 =	vmul.f32 v38, v11;
	v57 =	vmul.f32 v44, v51  }
0x219: {  	v61 =	vadd.s32 $0x1F40, v40;
	v20 =	vmul.f32 v20, v20;
	v21 =	vmul.f32 v21, v46  }
0x21a: {  	vm3 =	vgt.f32 v43, $0.0e+00;
	v38 =	vsub.f32 $1.500000000e+00, v38;
	v60 =	vmul.f32 v57, v45  }
0x21b: {  	v42 =	vsub.f32 v35, v42;
	v37 =	vmul.f32 v20, v55;
	v21 =	vadd.f32 $-1.404013930e-01, v21  }
0x21c: {  	v62 =	vadd.s32 $0x3E80, v40;
	v11 =	vmul.f32 v38, v11;
	v20 =	vmul.f32 v60, v57  }
0x21d: {  	v40 =	vadd.s32 $0xBB80, v40;
	v34 =	vsub.f32 v35, v54;
	v59 =	vpop (erf);
	v21 =	vmul.f32 v21, v46  }
0x21e: {  	v39 =	vmul.f32 v59, v58;
	v11 =	vmul.f32 v11, v43;
	v47 =	vsub.f32 $1.500000000e+00, v20  }
0x21f: {  	v55 =	vld.idx.msk [tilespmem:v61+s3+$0x0], $0xffff;
	v61 =	vadd.s32 $0x9C40, v18;
	v63 =	vadd.f32 $1.997368190e-01, v21;
	v21 =	vand.u32 $0x7FFFFFFF, v22  }
0x220: {  	v45 =	vmul.f32 v39, v39;
	v20 =	vnsel vm3, $0x0, v11;
	v11 =	vmul.f32 v47, v57  }
0x221: {  	v34 =	vmul.f32 v34, v34;
	v14 =	vmul.f32 v63, v46;
	v49 =	vmax.f32 v20, v21  }
0x222: {  	v48 =	vmul.f32 $4.831170200e-03, v45;
	vm3 =	vgt.f32 v49, $0.0e+00;
	v11 =	vmul.f32 v11, v36  }
0x223: {  	v51 =	vadd.f32 $-3.333230320e-01, v14;
	v52 =	vnsel vm3, $0x3F800000, v49;
	vm3 =	vgt.f32 v36, $0.0e+00  }
0x224: {  	v14 =	vand.u32 $0x7FFFFFFF, v26;
	v50 =	vsub.f32 $2.475677990e-02, v48;
	v13 =	vnsel vm3, $0x0, v11  }
0x225: {  	v58 =	vadd.s32 $0x5DC0, v18;
	v38 =	vld.idx.msk [tilespmem:v62+s3+$0x0], $0xffff;
	v53 =	vmul.f32 v51, v46;
	v54 =	vmax.f32 v13, v14  }
0x226: {  	v35 =	vmul.f32 v50, v45;
	(erf) = vrcp.f32 v52;
	vm3 =	vgt.f32 v54, $0.0e+00  }
0x227: {  	v34 =	vmul.f32 v34, v34;
	v36 =	vadd.f32 $9.999999400e-01, v53;
	v11 =	vld.idx.msk [tilespmem:v40+s3+$0x0], $0xffff;
	v40 =	vnsel vm3, $0x3F800000, v54  }
0x228: {  	v60 =	vadd.s32 $0x7D00, v18;
	v35 =	vadd.f32 $-6.021913140e-02, v35;
	(erf) = vrcp.f32 v40  }
0x229: {  	v56 =	vmul.f32 v42, v42;
	v36 =	vmul.f32 v36, v41  }
0x22a: {  	v34 =	vmul.f32 v34, v38;
	v35 =	vmul.f32 v35, v45  }
0x22b: {  	v63 =	vld.idx.msk [tilespmem:v58+s3+$0x0], $0xffff;
	v51 =	vadd.s32 $0x1F40, v18;
	v57 =	vmul.f32 v56, v42;
	v41 =	vsub.f32 $1.570796370e+00, v36  }
0x22c: {  	v48 =	vld.idx.msk [tilespmem:v61+s3+$0x0], $0xffff;
	v42 =	vmin.f32 v20, v21;
	v35 =	vadd.f32 $9.967923900e-02, v35;
	vm3 =	vgt.f32 v31, v32  }
0x22d: {  	v46 =	vld.idx.msk [tilespmem:v60+s3+$0x0], $0xffff;
	v59 =	vmul.f32 v57, v55;
	v52 =	vadd.s32 $0xBB80, v18;
	v32 =	vsel vm3, v41, v36  }
0x22e: {  	v56 =	vld.idx.msk [tilespmem:v18+s3+$0x0], $0xffff;
	v18 =	vadd.s32 $0x3E80, v18;
	v35 =	vmul.f32 v35, v45;
	v44 =	vsub.f32 $3.141592740e+00, v32  }
0x22f: {  	v49 =	vmin.f32 v13, v14;
	vm3 =	vlt.f32 v12, $0.0e+00;
	v11 =	vadd.f32 v37, v11;
	v62 =	vpop (erf)  }
0x230: {  	v35 =	vadd.f32 $-1.404013930e-01, v35;
	v32 =	vsel vm3, v44, v32;
	v31 =	vmul.f32 v62, v42  }
0x231: {  	v11 =	vadd.f32 v59, v11;
	vm3 =	vgt.f32 v27, v33;
	v36 =	vsub.f32 v32, v63;
	v50 =	vpop (erf)  }
0x232: {  	v12 =	vsub.f32 v32, v46;
	v37 =	vmul.f32 v31, v31;
	v38 =	vmul.f32 v50, v49  }
0x233: {  	v47 =	vmul.f32 v35, v45;
	v32 =	vsub.f32 v32, v48;
	v42 =	vadd.f32 v23, v24  }
0x234: {  	v46 =	vadd.s32 $0x1F40, v15;
	v53 =	vmul.f32 $4.831170200e-03, v37;
	v54 =	vmul.f32 v38, v38  }
0x235: {  	v58 =	vld.idx.msk [tilespmem:v51+s3+$0x0], $0xffff;
	v11 =	vadd.f32 v34, v11;
	v34 =	vadd.f32 $1.997368190e-01, v47;
	v59 =	vmul.f32 v12, v12  }
0x236: {  	v40 =	vld.idx.msk [tilespmem:v52+s3+$0x0], $0xffff;
	v36 =	vmul.f32 v36, v36;
	v55 =	vsub.f32 $2.475677990e-02, v53;
	v57 =	vmul.f32 $4.831170200e-03, v54  }
0x237: {  	v48 =	vadd.s32 $0x9C40, v15;
	v32 =	vmul.f32 v32, v32;
	v34 =	vmul.f32 v34, v45  }
0x238: {  	v18 =	vld.idx.msk [tilespmem:v18+s3+$0x0], $0xffff;
	v47 =	vadd.s32 $0x3E80, v15;
	v33 =	vmul.f32 v55, v37;
	v35 =	vsub.f32 $2.475677990e-02, v57  }
0x239: {  	v12 =	vmul.f32 v59, v12;
	v36 =	vmul.f32 v36, v56;
	v34 =	vadd.f32 $-3.333230320e-01, v34  }
0x23a: {  	v32 =	vmul.f32 v32, v32;
	v33 =	vadd.f32 $-6.021913140e-02, v33;
	v35 =	vmul.f32 v35, v54  }
0x23b: {  	v12 =	vmul.f32 v12, v58;
	v63 =	vadd.f32 v36, v40;
	v34 =	vmul.f32 v34, v45  }
0x23c: {  	v45 =	vmul.f32 $2.000000000e+01, v28;
	v60 =	vmul.f32 v33, v37;
	v62 =	vadd.f32 $-6.021913140e-02, v35  }
0x23d: {  	v18 =	vmul.f32 v32, v18;
	v40 =	vadd.s32 $0x7D00, v15;
	v34 =	vadd.f32 $9.999999400e-01, v34  }
0x23e: {  	v24 =	vadd.f32 v29, v45;
	v19 =	vadd.f32 $9.967923900e-02, v60;
	v33 =	vmul.f32 v62, v54  }
0x23f: {  	v12 =	vadd.f32 v12, v63;
	v61 =	vmul.f32 v34, v39;
	v39 =	vadd.s32 $0x5DC0, v15  }
0x240: {  	v24 =	vmul.f32 $2.000000000e+01, v24;
	v19 =	vmul.f32 v19, v37;
	v33 =	vadd.f32 $9.967923900e-02, v33  }
0x241: {  	v49 =	vadd.s32 $0xBB80, v15;
	v50 =	vld [tilespmem:s10+$0xFFFFFFE0];
	v12 =	vadd.f32 v18, v12;
	v36 =	vsub.f32 $1.570796370e+00, v61  }
0x242: {  	v24 =	vadd.f32 v30, v24;
	v19 =	vadd.f32 $-1.404013930e-01, v19;
	v33 =	vmul.f32 v33, v54  }
0x243: {  	v17 =	vsel vm3, v36, v61;
	vm3 =	vlt.f32 v16, $0.0e+00;
	v16 =	vmul.f32 $2.000000000e+01, v42  }
0x244: {  	v32 =	vld.idx.msk [tilespmem:v40+s3+$0x0], $0xffff;
	v24 =	vtrunc.f32 v24;
	v19 =	vmul.f32 v19, v37;
	v43 =	vadd.f32 $-1.404013930e-01, v33  }
0x245: {  	v41 =	vsub.f32 $3.141592740e+00, v17;
	v44 =	vld.idx.msk [tilespmem:v39+s3+$0x0], $0xffff;
	v24 =	vcvt.f32.s32 v24;
	v16 =	vadd.f32 v25, v16  }
0x246: {  	v25 =	vld.idx.msk [tilespmem:v49+s3+$0x0], $0xffff;
	v49 =	vmul.u32 $0x50, v50;
	v19 =	vadd.f32 $1.997368190e-01, v19;
	v23 =	vmul.f32 v43, v54  }
0x247: {  	v17 =	vsel vm3, v41, v17;
	v56 =	vadd.s32 $0x5DC0, v24;
	vm3 =	vgt.f32 v20, v21  }
0x248: {  	v29 =	vld.idx.msk [tilespmem:v48+s3+$0x0], $0xffff;
	v62 =	vadd.s32 $0x7D00, v24;
	v19 =	vmul.f32 v19, v37;
	v23 =	vadd.f32 $1.997368190e-01, v23  }
0x249: {  	v53 =	vld.idx.msk [tilespmem:v46+s3+$0x0], $0xffff;
	v39 =	vadd.s32 $0x9C40, v24;
	v41 =	vadd.s32 $0xBB80, v24;
	v16 =	vtrunc.f32 v16  }
0x24a: {  	v48 =	vld [tilespmem:s10+$0x0];
	v16 =	vcvt.f32.s32 v16;
	v19 =	vadd.f32 $-3.333230320e-01, v19;
	v23 =	vmul.f32 v23, v54  }
0x24b: {  	v15 =	vld.idx.msk [tilespmem:v15+s3+$0x0], $0xffff;
	v46 =	vadd.s32 $0x1F40, v24;
	v32 =	vsub.f32 v17, v32;
	v18 =	vsub.f32 v17, v44  }
0x24c: {  	v30 =	vld [tilespmem:s10+$0xFFFFFFF0];
	v52 =	vadd.s32 $0x5DC0, v16;
	v19 =	vmul.f32 v19, v37;
	v23 =	vadd.f32 $-3.333230320e-01, v23  }
0x24d: {  	v17 =	vsub.f32 v17, v29;
	v51 =	vadd.s32 $0x1F40, v16;
	v55 =	vadd.s32 $0x7D00, v16;
	v45 =	vld.idx.msk [tilespmem:v24+s3+$0x0], $0xffff  }
0x24e: {  	v58 =	vadd.s32 $0x9C40, v16;
	v33 =	vld.idx.msk [tilespmem:v47+s3+$0x0], $0xffff;
	v19 =	vadd.f32 $9.999999400e-01, v19;
	v23 =	vmul.f32 v23, v54  }
0x24f: {  	v60 =	vadd.s32 $0xBB80, v16;
	v18 =	vmul.f32 v18, v18;
	v17 =	vmul.f32 v17, v17;
	v44 =	vld.idx.msk [tilespmem:v62+s3+$0x0], $0xffff  }
0x250: {  	v24 =	vadd.s32 $0x3E80, v24;
	v57 =	vld.idx.msk [tilespmem:v16+s3+$0x0], $0xffff;
	v19 =	vmul.f32 v19, v31;
	v23 =	vadd.f32 $9.999999400e-01, v23  }
0x251: {  	v15 =	vmul.f32 v18, v15;
	v17 =	vmul.f32 v17, v17;
	v16 =	vadd.s32 $0x3E80, v16;
	v61 =	vld.idx.msk [tilespmem:v52+s3+$0x0], $0xffff  }
0x252: {  	v63 =	vld.idx.msk [tilespmem:v55+s3+$0x0], $0xffff;
	v54 =	vmul.f32 v32, v32;
	v59 =	vsub.f32 $1.570796370e+00, v19;
	v23 =	vmul.f32 v23, v38  }
0x253: {  	v15 =	vadd.f32 v15, v25;
	v21 =	vld.idx.msk [tilespmem:v58+s3+$0x0], $0xffff;
	v58 =	vmul.u32 $0x50, v48;
	v17 =	vmul.f32 v17, v33  }
0x254: {  	v52 =	vld [tilespmem:s10+$0x20];
	v18 =	vmul.f32 v54, v32;
	v19 =	vsel vm3, v59, v19;
	v36 =	vsub.f32 $1.570796370e+00, v23  }
0x255: {  	vm3 =	vgt.f32 v13, v14;
	v59 =	vadd.s32 v8, v58;
	v40 =	vsub.f32 $3.141592740e+00, v19;
	v38 =	vld.idx.msk [tilespmem:v56+s3+$0x0], $0xffff  }
0x256: {  	v28 =	vld.idx.msk [tilespmem:v41+s3+$0x0], $0xffff;
	v18 =	vmul.f32 v18, v53;
	v23 =	vsel vm3, v36, v23;
	vm3 =	vlt.f32 v22, $0.0e+00  }
0x257: {  	v14 =	vld.idx.msk [tilespmem:v39+s3+$0x0], $0xffff;
	v53 =	vor.u32 v1, v49;
	v43 =	vsub.f32 $3.141592740e+00, v23;
	v19 =	vsel vm3, v40, v19  }
0x258: {  	v35 =	vld.idx.msk [tilespmem:v51+s3+$0x0], $0xffff;
	v15 =	vadd.f32 v18, v15;
	vm3 =	vlt.f32 v26, $0.0e+00;
	v25 =	vsub.f32 v19, v61  }
0x259: {  	v51 =	vld [tilespmem:s10+$0x10];
	v27 =	vsub.f32 v19, v63;
	v19 =	vsub.f32 v19, v21;
	v22 =	vsel vm3, v43, v23  }
0x25a: {  	v42 =	vld.idx.msk [tilespmem:v60+s3+$0x0], $0xffff;
	v21 =	vmul.u32 $0x50, v52;
	v13 =	vsub.f32 v22, v38;
	v25 =	vmul.f32 v25, v25  }
0x25b: {  	v55 =	vld.idx.msk [tilespmem:v46+s3+$0x0], $0xffff;
	v47 =	vmul.f32 v27, v27;
	v26 =	vsub.f32 v22, v44;
	v19 =	vmul.f32 v19, v19  }
0x25c: {  	v24 =	vld.idx.msk [tilespmem:v24+s3+$0x0], $0xffff;
	v14 =	vsub.f32 v22, v14;
	v13 =	vmul.f32 v13, v13;
	v20 =	vmul.f32 v25, v57  }
0x25d: {  	v16 =	vld.idx.msk [tilespmem:v16+s3+$0x0], $0xffff;
	v50 =	vmul.f32 v47, v27;
	v56 =	vmul.f32 v26, v26;
	v57 =	vmul.u32 $0x50, v30  }
0x25e: {  	[tilespmem:v53+s12+$0x0] =	vst.idx.add.f32.msk $0xffff, v11;
	v14 =	vmul.f32 v14, v14;
	v27 =	vmul.u32 $0x50, v51;
	v11 =	vmul.f32 v19, v19  }
0x25f: {  	v13 =	vmul.f32 v13, v45;
	v26 =	vmul.f32 v56, v26;
	v22 =	vadd.s32 v7, v57  }
0x260: {  	v18 =	vadd.f32 v20, v42;
	v54 =	vmul.f32 v50, v35;
	v14 =	vmul.f32 v14, v14  }
0x261: {  	v61 =	vadd.s32 v9, v27;
	v13 =	vadd.f32 v13, v28;
	v60 =	vmul.f32 v26, v55  }
0x262: {  	p0 =	sne.s32 s26, $0x180;
	v62 =	vadd.s32 v10, v21;
	v11 =	vmul.f32 v11, v16;
	v18 =	vadd.f32 v54, v18  }
.Ltmp3:
0x263: {  	v15 =	vadd.f32 v15, v17;
	v14 =	vmul.f32 v14, v24;
	v13 =	vadd.f32 v60, v13;
	(pc) =	sbr.rel @p0 .LBB2_8-.Ltmp3, $4  }
0x264: {  	v11 =	vadd.f32 v18, v11;
	[tilespmem:v22+s12+$0x0] =	vst.idx.add.f32.msk $0xffff, v12  }
0x265: {  	[tilespmem:v59+s12+$0x0] =	vst.idx.add.f32.msk $0xffff, v15;
	v63 =	vadd.f32 v13, v14  }
0x266: {  	[tilespmem:v61+s12+$0x0] =	vst.idx.add.f32.msk $0xffff, v11  }
0x267: {  	s26 =	sadd.s32 $0x50, s26;
	s10 =	sadd.s32 $0x50, s10;
	[tilespmem:v62+s12+$0x0] =	vst.idx.add.f32.msk $0xffff, v63  }
0x268: {  	p0 =	seq.s32 s17, $0x7C  }
.Ltmp4:
0x269: {  	_ = 	snop;
	(pc) =	sbr.rel @p0 .LBB2_11-.Ltmp4, $1  }
0x26a: {  	_ =	sdelay $0x3  }
0x26b: {  	s10 =	rddreg [dreg:$0x7]  }
0x26c: {  	s10 =	sadd.s32 s16, s10  }
0x26d: {  	s10 =	sshrl.u32 s10, $0x3  }
0x26e: {  	s14 =	sadd.s32 s5, s10  }
0x26f: {  	[tilespmem:s18], [sflag:$0x1] =	stream.linear.gather [hbm4b:s14+s3], $0x190, $0x38;
	[tilespmem:$0x1A540] =	vst v63  }
.Ltmp5:
0x270: {  	_ = 	snop;
	(pc) =	sbr.rel .LBB2_4-.Ltmp5, $4  }
0x271: {  	s26 =	sadd.s32 s6, s10  }
0x272: {  	[tilespmem:s19], [sflag:$0x1] =	stream.linear.gather [hbm4b:s26+s3], $0x190, $0x38;
	[tilespmem:$0x1A540] =	vst v63  }
0x273: {  	s17 =	sadd.s32 $0x1, s17;
	s10 =	sadd.s32 s8, s10  }
0x274: {  	[tilespmem:s20], [sflag:$0x1] =	stream.linear.gather [hbm4b:s10+s3], $0x190, $0x38;
	[tilespmem:$0x1A540] =	vst v63  }
.LBB2_11:
0x275: {  	_ =	swait.ge [sflag:s15], $0x1900  }
0x276: {  	[sflag:s15] =	ssyncset.done $0x0  }
0x277: {  	[sflag:s15] =	ssyncadd.s32 $0xFFFFE700  }
0x278: {  	_ =	swait.ge [sflag:s15], $0x1900  }
0x279: {  	[sflag:s15] =	ssyncset.done $0x0  }
0x27a: {  	[sflag:s15] =	ssyncadd.s32 $0xFFFFE700  }
0x27b: {  	_ =	swait.ge [sflag:s15], $0x1900  }
0x27c: {  	[sflag:s15] =	ssyncset.done $0x0  }
0x27d: {  	[sflag:s15] =	ssyncadd.s32 $0xFFFFE700  }
0x27e: {  	_ =	swait.ge [sflag:s15], $0x190  }
0x27f: {  	[sflag:s15] =	ssyncset.done $0x0  }
0x280: {  	s16 =	simm.s32 $0x40;
	s10 =	simm.s32 $0x10DD0;
	[sflag:s15] =	ssyncadd.s32 $0xFFFFFE70  }
.LBB2_12:
0x281: {  	s14 =	sadd.s32 $0xFFFFFFC0, s16  }
0x282: {  	v11 =	vmov s14  }
0x283: {  	v11 =	vshll.u32 v11, $0x4  }
0x284: {  	v11 =	vor.u32 v2, v11  }
0x285: {  	v13 =	vor.u32 v4, v11  }
0x286: {  	v14 =	vor.u32 v5, v11  }
0x287: {  	v12 =	vor.u32 v3, v11;
	v11 =	vor.u32 v6, v11;
	_ =	sdelay $0x2  }
0x288: {  	v16 =	vld.idx.msk [tilespmem:v13+s0+$0x0], $0xffff  }
0x289: {  	v17 =	vld.idx.msk [tilespmem:v14+s0+$0x0], $0xffff  }
0x28a: {  	v18 =	vld.idx.msk [tilespmem:v11+s0+$0x0], $0xffff  }
0x28b: {  	v21 =	vld.idx.msk [tilespmem:v14+s1+$0x0], $0xffff  }
0x28c: {  	v24 =	vld.idx.msk [tilespmem:v11+s1+$0x0], $0xffff  }
0x28d: {  	v14 =	vld.idx.msk [tilespmem:v14+s9+$0x0], $0xffff  }
0x28e: {  	v11 =	vld.idx.msk [tilespmem:v11+s9+$0x0], $0xffff  }
0x28f: {  	v20 =	vld.idx.msk [tilespmem:v13+s1+$0x0], $0xffff  }
0x290: {  	v13 =	vld.idx.msk [tilespmem:v13+s9+$0x0], $0xffff  }
0x291: {  	v15 =	vld.idx.msk [tilespmem:v12+s0+$0x0], $0xffff  }
0x292: {  	v19 =	vld.idx.msk [tilespmem:v12+s1+$0x0], $0xffff;
	v22 =	vsel vm0, v18, v17;
	v25 =	vsel vm0, v24, v21;
	v17 =	vsub.f32 v17, v21  }
0x293: {  	v32 =	vsel vm0, v11, v14;
	v18 =	vsub.f32 v18, v24;
	v14 =	vsub.f32 v14, v21  }
0x294: {  	v12 =	vld.idx.msk [tilespmem:v12+s9+$0x0], $0xffff;
	v11 =	vsub.f32 v11, v24;
	v22 =	vsel vm1, v22, v16;
	v31 =	vsel vm1, v25, v20  }
0x295: {  	v16 =	vsub.f32 v16, v20;
	v25 =	vsel vm1, v32, v13;
	v13 =	vsub.f32 v13, v20  }
0x296: {  	v23 =	vsel vm2, v22, v15;
	v35 =	vmul.f32 v17, v17;
	v26 =	vmul.f32 v18, v18  }
0x297: {  	v22 =	vsel vm2, v31, v19;
	v17 =	vmul.f32 v14, v17;
	v18 =	vmul.f32 v11, v18  }
0x298: {  	v15 =	vsub.f32 v15, v19;
	v14 =	vmul.f32 v14, v14;
	v11 =	vmul.f32 v11, v11  }
0x299: {  	v19 =	vsub.f32 v12, v19;
	v34 =	vmul.f32 v16, v16;
	v16 =	vmul.f32 v13, v16  }
0x29a: {  	v13 =	vmul.f32 v13, v13;
	v39 =	vsub.f32 v23, v22;
	v33 =	vmul.f32 v15, v15  }
0x29b: {  	v15 =	vmul.f32 v19, v15;
	v36 =	vadd.f32 v26, v35;
	v37 =	vmul.f32 v19, v19  }
0x29c: {  	v17 =	vadd.f32 v18, v17;
	v26 =	vsel vm2, v25, v12;
	v11 =	vadd.f32 v11, v14  }
0x29d: {  	v40 =	vsub.f32 v26, v22;
	v20 =	vadd.f32 v34, v33  }
0x29e: {  	v15 =	vadd.f32 v16, v15;
	v38 =	vadd.f32 v13, v37  }
0x29f: {  	v42 =	vmul.f32 v39, v39;
	v43 =	vmul.f32 v40, v40;
	v41 =	vadd.f32 v36, v20  }
0x2a0: {  	v15 =	vadd.f32 v17, v15;
	v12 =	vadd.f32 v11, v38;
	v11 =	vmul.f32 v40, v39  }
0x2a1: {  	v44 =	vsub.f32 v41, v42  }
0x2a2: {  	v11 =	vsub.f32 v15, v11;
	v12 =	vsub.f32 v12, v43;
	_ =	sdelay $0x1  }
0x2a3: {  	v12 =	vmul.f32 v12, v44;
	v45 =	vmul.f32 v11, v11;
	_ =	sdelay $0x1  }
0x2a4: {  	v12 =	vsub.f32 v12, v45;
	_ =	sdelay $0x1  }
0x2a5: {  	v12 =	vmax.f32 v12, $0.0e+00  }
0x2a6: {  	s26 =	sadd.s32 $0xFFFFFFD0, s16;
	v46 =	vshrl.u32 v12, $0x1;
	v47 =	vmul.f32 $5.000000000e-01, v12  }
0x2a7: {  	v49 =	vmov s26;
	v13 =	vsub.s32 $0x5F3759DF, v46  }
0x2a8: {  	v16 =	vshll.u32 v49, $0x4;
	v48 =	vmul.f32 v13, v47  }
0x2a9: {  	v16 =	vor.u32 v2, v16  }
0x2aa: {  	v50 =	vor.u32 v3, v16;
	v15 =	vmul.f32 v13, v48  }
0x2ab: {  	v51 =	vor.u32 v4, v16  }
0x2ac: {  	v52 =	vor.u32 v5, v16;
	v15 =	vsub.f32 $1.500000000e+00, v15  }
0x2ad: {  	v53 =	vor.u32 v6, v16  }
0x2ae: {  	v13 =	vmul.f32 v13, v15  }
0x2af: {  	v54 =	vld.idx.msk [tilespmem:v50+s0+$0x0], $0xffff  }
0x2b0: {  	v55 =	vld.idx.msk [tilespmem:v51+s0+$0x0], $0xffff;
	v15 =	vmul.f32 v13, v47  }
0x2b1: {  	v56 =	vld.idx.msk [tilespmem:v52+s0+$0x0], $0xffff  }
0x2b2: {  	v27 =	vld.idx.msk [tilespmem:v53+s0+$0x0], $0xffff;
	v15 =	vmul.f32 v15, v13  }
0x2b3: {  	v30 =	vld.idx.msk [tilespmem:v52+s1+$0x0], $0xffff  }
0x2b4: {  	v31 =	vld.idx.msk [tilespmem:v53+s1+$0x0], $0xffff;
	v15 =	vsub.f32 $1.500000000e+00, v15  }
0x2b5: {  	v28 =	vld.idx.msk [tilespmem:v50+s1+$0x0], $0xffff  }
0x2b6: {  	s17 =	sadd.s32 $0xFFFFFFE0, s16;
	v23 =	vmul.f32 $2.000000000e+01, v23;
	v29 =	vld.idx.msk [tilespmem:v51+s1+$0x0], $0xffff;
	v13 =	vmul.f32 v15, v13  }
0x2b7: {  	v57 =	vmov s17  }
0x2b8: {  	v22 =	vadd.f32 v22, v23;
	v21 =	vand.u32 $0x7FFFFFFF, v11;
	v58 =	vld.idx.msk [tilespmem:v52+s9+$0x0], $0xffff;
	v14 =	vmul.f32 v13, v47  }
0x2b9: {  	v60 =	vsel vm0, v27, v56;
	v25 =	vsub.f32 v56, v30;
	v27 =	vsub.f32 v27, v31;
	v15 =	vld.idx.msk [tilespmem:v53+s9+$0x0], $0xffff  }
0x2ba: {  	v18 =	vld.idx.msk [tilespmem:v51+s9+$0x0], $0xffff;
	v33 =	vsel vm0, v31, v30;
	v16 =	vsub.f32 v54, v28;
	v14 =	vmul.f32 v14, v13  }
0x2bb: {  	v24 =	vsub.f32 v55, v29;
	v37 =	vmul.f32 v25, v25;
	v34 =	vmul.f32 v27, v27  }
0x2bc: {  	vm3 =	vgt.f32 v12, $0.0e+00;
	v61 =	vsel vm1, v33, v29;
	v14 =	vsub.f32 $1.500000000e+00, v14  }
0x2bd: {  	v63 =	vmul.f32 v16, v16;
	v36 =	vmul.f32 v24, v24;
	v38 =	vadd.f32 v34, v37  }
0x2be: {  	v62 =	vsel vm0, v15, v58;
	v13 =	vmul.f32 v14, v13;
	v14 =	vshll.u32 v57, $0x4  }
0x2bf: {  	v17 =	vld.idx.msk [tilespmem:v50+s9+$0x0], $0xffff;
	v15 =	vsub.f32 v15, v31;
	v33 =	vsel vm1, v62, v18;
	v59 =	vor.u32 v2, v14  }
0x2c0: {  	v18 =	vsub.f32 v18, v29;
	v13 =	vmul.f32 v13, v12;
	v48 =	vor.u32 v3, v59  }
0x2c1: {  	v29 =	vadd.f32 v36, v63;
	v27 =	vmul.f32 v15, v27;
	v50 =	vor.u32 v5, v59  }
0x2c2: {  	v15 =	vmul.f32 v15, v15;
	v19 =	vor.u32 v6, v59;
	v20 =	vnsel vm3, $0x0, v13  }
0x2c3: {  	v24 =	vmul.f32 v18, v24;
	v40 =	vmul.f32 v18, v18;
	v13 =	vmax.f32 v20, v21  }
0x2c4: {  	v18 =	vsel vm2, v33, v17;
	v12 =	vsub.f32 v58, v30;
	vm3 =	vgt.f32 v13, $0.0e+00  }
0x2c5: {  	v45 =	vadd.f32 v38, v29;
	v14 =	vsel vm1, v60, v55;
	v13 =	vnsel vm3, $0x3F800000, v13;
	v53 =	vld.idx.msk [tilespmem:v48+s0+$0x0], $0xffff  }
0x2c6: {  	v14 =	vsel vm2, v14, v54;
	v25 =	vmul.f32 v12, v25;
	v55 =	vld.idx.msk [tilespmem:v50+s0+$0x0], $0xffff;
	(erf) = vrcp.f32 v13  }
0x2c7: {  	v49 =	vor.u32 v4, v59;
	v12 =	vmul.f32 v12, v12;
	v32 =	vmin.f32 v20, v21;
	v56 =	vld.idx.msk [tilespmem:v19+s0+$0x0], $0xffff  }
0x2c8: {  	v25 =	vadd.f32 v27, v25;
	v35 =	vld.idx.msk [tilespmem:v48+s1+$0x0], $0xffff;
	v13 =	vsel vm2, v61, v28;
	v28 =	vsub.f32 v17, v28  }
0x2c9: {  	v38 =	vld.idx.msk [tilespmem:v50+s1+$0x0], $0xffff;
	v43 =	vsub.f32 v14, v13;
	v44 =	vsub.f32 v18, v13;
	v14 =	vmul.f32 $2.000000000e+01, v14  }
0x2ca: {  	v12 =	vadd.f32 v15, v12;
	v16 =	vmul.f32 v28, v16;
	v39 =	vmul.f32 v28, v28  }
0x2cb: {  	v46 =	vmul.f32 v43, v43;
	v47 =	vmul.f32 v44, v43;
	v13 =	vadd.f32 v13, v14  }
0x2cc: {  	s26 =	sadd.s32 $0xFFFFFFF0, s16;
	v15 =	vmul.f32 v44, v44;
	v16 =	vadd.f32 v24, v16;
	v42 =	vadd.f32 v40, v39  }
0x2cd: {  	v39 =	vmov s26;
	v57 =	vsel vm0, v56, v55;
	v30 =	vsub.f32 v53, v35  }
0x2ce: {  	v54 =	vld.idx.msk [tilespmem:v49+s0+$0x0], $0xffff;
	v31 =	vsub.f32 v55, v38;
	v39 =	vshll.u32 v39, $0x4;
	v16 =	vadd.f32 v25, v16  }
0x2cf: {  	v40 =	vld.idx.msk [tilespmem:v19+s1+$0x0], $0xffff;
	v13 =	vmul.f32 $2.000000000e+01, v13;
	v17 =	vadd.f32 v12, v42;
	v25 =	vsub.f32 v45, v46;
	v41 =	vpop (erf)  }
0x2d0: {  	v36 =	vld.idx.msk [tilespmem:v49+s1+$0x0], $0xffff;
	v39 =	vor.u32 v2, v39;
	v60 =	vmul.f32 v30, v30;
	v27 =	vmul.f32 v41, v32  }
0x2d1: {  	v62 =	vmul.f32 v31, v31;
	v12 =	vsub.f32 v16, v47;
	v15 =	vsub.f32 v17, v15  }
0x2d2: {  	v42 =	vor.u32 v4, v39;
	v43 =	vor.u32 v5, v39;
	v29 =	vmul.f32 v27, v27  }
0x2d3: {  	v19 =	vld.idx.msk [tilespmem:v19+s9+$0x0], $0xffff;
	v18 =	vadd.f32 v18, v13;
	v15 =	vmul.f32 v15, v25;
	v52 =	vmul.f32 v12, v12  }
0x2d4: {  	v16 =	vld.idx.msk [tilespmem:v50+s9+$0x0], $0xffff;
	v45 =	vsel vm0, v40, v38;
	v33 =	vsub.f32 v56, v40;
	v51 =	vmul.f32 $4.831170200e-03, v29  }
0x2d5: {  	v41 =	vor.u32 v3, v39;
	v25 =	vsub.f32 v54, v36;
	v15 =	vsub.f32 v15, v52  }
0x2d6: {  	v28 =	vld.idx.msk [tilespmem:v49+s9+$0x0], $0xffff;
	v39 =	vor.u32 v6, v39;
	v58 =	vsel vm1, v45, v36;
	v17 =	vsub.f32 $2.475677990e-02, v51  }
0x2d7: {  	v47 =	vmul.f32 v33, v33;
	v61 =	vmul.f32 v25, v25;
	v32 =	vmax.f32 v15, $0.0e+00  }
0x2d8: {  	v15 =	vshrl.u32 v32, $0x1;
	v34 =	vmul.f32 $5.000000000e-01, v32;
	v17 =	vmul.f32 v17, v29  }
0x2d9: {  	v59 =	vsel vm0, v19, v16;
	v16 =	vsub.f32 v16, v38;
	v15 =	vsub.s32 $0x5F3759DF, v15  }
0x2da: {  	v24 =	vld.idx.msk [tilespmem:v48+s9+$0x0], $0xffff;
	v19 =	vsub.f32 v19, v40;
	v37 =	vmul.f32 v15, v34;
	v17 =	vadd.f32 $-6.021913140e-02, v17  }
0x2db: {  	v63 =	vadd.f32 v47, v62;
	v45 =	vsel vm1, v59, v28;
	v31 =	vmul.f32 v16, v31  }
0x2dc: {  	v28 =	vsub.f32 v28, v36;
	v37 =	vmul.f32 v15, v37;
	v17 =	vmul.f32 v17, v29  }
0x2dd: {  	v36 =	vadd.f32 v61, v60;
	v33 =	vmul.f32 v19, v33;
	v16 =	vmul.f32 v16, v16  }
0x2de: {  	v47 =	vmul.f32 v19, v19;
	v37 =	vsub.f32 $1.500000000e+00, v37;
	v17 =	vadd.f32 $9.967923900e-02, v17  }
0x2df: {  	v19 =	vsel vm2, v45, v24;
	v25 =	vmul.f32 v28, v25;
	v28 =	vmul.f32 v28, v28  }
0x2e0: {  	vm3 =	vgt.f32 v32, $0.0e+00;
	v37 =	vmul.f32 v15, v37;
	v17 =	vmul.f32 v17, v29  }
0x2e1: {  	v31 =	vadd.f32 v33, v31;
	v15 =	vsel vm1, v57, v54;
	v57 =	vmov s16  }
0x2e2: {  	v33 =	vshll.u32 v57, $0x4;
	v46 =	vmul.f32 v37, v34;
	v44 =	vadd.f32 $-1.404013930e-01, v17  }
0x2e3: {  	v17 =	vsel vm2, v15, v53;
	v15 =	vsel vm2, v58, v35;
	v35 =	vsub.f32 v24, v35  }
0x2e4: {  	v52 =	vadd.f32 v63, v36;
	v16 =	vadd.f32 v47, v16;
	v59 =	vor.u32 v2, v33  }
0x2e5: {  	v45 =	vor.u32 v3, v59;
	v50 =	vmul.f32 v46, v37;
	v30 =	vmul.f32 v35, v30  }
0x2e6: {  	v46 =	vor.u32 v4, v59;
	v49 =	vsub.f32 v17, v15;
	v40 =	vmul.f32 v35, v35  }
0x2e7: {  	v38 =	vld.idx.msk [tilespmem:v39+s0+$0x0], $0xffff;
	v51 =	vsub.f32 v19, v15;
	v56 =	vmul.f32 v44, v29;
	v25 =	vadd.f32 v25, v30  }
0x2e8: {  	v36 =	vld.idx.msk [tilespmem:v41+s0+$0x0], $0xffff;
	v53 =	vmul.f32 v49, v49;
	v48 =	vadd.f32 v28, v40;
	v30 =	vsub.f32 $1.500000000e+00, v50  }
0x2e9: {  	v54 =	vmul.f32 v51, v49;
	v55 =	vmul.f32 v51, v51;
	v28 =	vadd.f32 $1.997368190e-01, v56;
	v40 =	vld.idx.msk [tilespmem:v41+s1+$0x0], $0xffff  }
0x2ea: {  	v25 =	vadd.f32 v31, v25;
	v24 =	vadd.f32 v16, v48;
	v30 =	vmul.f32 v30, v37;
	v37 =	vld.idx.msk [tilespmem:v43+s0+$0x0], $0xffff  }
0x2eb: {  	v17 =	vmul.f32 $2.000000000e+01, v17;
	v31 =	vsub.f32 v52, v53;
	v28 =	vmul.f32 v28, v29;
	v48 =	vld.idx.msk [tilespmem:v39+s1+$0x0], $0xffff  }
0x2ec: {  	v44 =	vmul.f32 $2.000000000e+01, v22;
	v53 =	vld.idx.msk [tilespmem:v43+s1+$0x0], $0xffff;
	v16 =	vsub.f32 v25, v54;
	v24 =	vsub.f32 v24, v55  }
0x2ed: {  	v49 =	vor.u32 v5, v59;
	v43 =	vld.idx.msk [tilespmem:v43+s9+$0x0], $0xffff;
	v52 =	vmul.f32 v30, v34;
	v61 =	vadd.f32 $-3.333230320e-01, v28  }
0x2ee: {  	v15 =	vadd.f32 v15, v17;
	v25 =	vld.idx.msk [tilespmem:v42+s0+$0x0], $0xffff;
	v24 =	vmul.f32 v24, v31;
	v58 =	vmul.f32 v16, v16  }
0x2ef: {  	v55 =	vld.idx.msk [tilespmem:v42+s9+$0x0], $0xffff;
	v60 =	vmul.f32 v52, v30;
	v35 =	vmul.f32 v61, v29;
	v61 =	vsub.f32 v36, v40  }
0x2f0: {  	v31 =	vld.idx.msk [tilespmem:v42+s1+$0x0], $0xffff;
	v57 =	vsel vm0, v38, v37;
	v38 =	vsub.f32 v38, v48;
	v24 =	vsub.f32 v24, v58  }
0x2f1: {  	v52 =	vld.idx.msk [tilespmem:v39+s9+$0x0], $0xffff;
	v39 =	vor.u32 v6, v59;
	v37 =	vsub.f32 v37, v53;
	v63 =	vsub.f32 $1.500000000e+00, v60  }
0x2f2: {  	v58 =	vsel vm0, v48, v53;
	v50 =	vmul.f32 v38, v38;
	v33 =	vmax.f32 v24, $0.0e+00  }
0x2f3: {  	v54 =	vmul.f32 v63, v30;
	v24 =	vsel vm1, v57, v25;
	v63 =	vsub.f32 v43, v53  }
0x2f4: {  	v53 =	vmul.f32 v61, v61;
	v62 =	vshrl.u32 v33, $0x1;
	v34 =	vmul.f32 $5.000000000e-01, v33  }
0x2f5: {  	v41 =	vld.idx.msk [tilespmem:v41+s9+$0x0], $0xffff;
	v24 =	vsel vm2, v24, v36;
	v60 =	vsel vm1, v58, v31;
	v25 =	vsub.f32 v25, v31  }
0x2f6: {  	v30 =	vsub.f32 v55, v31;
	v29 =	vsub.f32 v52, v48;
	v28 =	vsub.s32 $0x5F3759DF, v62  }
0x2f7: {  	v22 =	vmul.f32 v54, v32;
	v23 =	vsel vm2, v60, v40;
	v31 =	vmul.f32 v63, v63  }
0x2f8: {  	v62 =	vsel vm0, v52, v43;
	v51 =	vmul.f32 v28, v34;
	v54 =	vmul.f32 v25, v25  }
0x2f9: {  	v36 =	vsel vm1, v62, v55;
	v55 =	vmul.f32 v37, v37;
	v25 =	vmul.f32 v30, v25  }
0x2fa: {  	v40 =	vsub.f32 v41, v40;
	v37 =	vmul.f32 v63, v37;
	v38 =	vmul.f32 v29, v38  }
0x2fb: {  	v47 =	vld.idx.msk [tilespmem:v45+s0+$0x0], $0xffff;
	v26 =	vadd.f32 v26, v44;
	v30 =	vmul.f32 v30, v30;
	v29 =	vmul.f32 v29, v29  }
0x2fc: {  	v42 =	vld.idx.msk [tilespmem:v46+s1+$0x0], $0xffff;
	v32 =	vmul.f32 v40, v61;
	v40 =	vmul.f32 v40, v40;
	v43 =	vadd.f32 v54, v53  }
0x2fd: {  	v63 =	vld.idx.msk [tilespmem:v46+s9+$0x0], $0xffff;
	v56 =	vmul.f32 v28, v51;
	v48 =	vadd.f32 v50, v55;
	v37 =	vadd.f32 v38, v37  }
0x2fe: {  	v18 =	vtrunc.f32 v18;
	v51 =	vld.idx.msk [tilespmem:v49+s0+$0x0], $0xffff;
	v57 =	vadd.f32 v29, v31;
	v32 =	vadd.f32 v25, v32  }
0x2ff: {  	v38 =	vld.idx.msk [tilespmem:v39+s0+$0x0], $0xffff;
	v25 =	vsel vm2, v36, v41;
	v30 =	vadd.f32 v30, v40;
	v59 =	vsub.f32 $1.500000000e+00, v56  }
0x300: {  	v50 =	vld.idx.msk [tilespmem:v46+s0+$0x0], $0xffff;
	v31 =	vnsel vm3, $0x0, v22;
	v56 =	vsub.f32 v24, v23;
	v58 =	vsub.f32 v25, v23  }
0x301: {  	v40 =	vld.idx.msk [tilespmem:v45+s1+$0x0], $0xffff;
	v43 =	vadd.f32 v48, v43;
	v37 =	vadd.f32 v37, v32;
	v32 =	vand.u32 $0x7FFFFFFF, v12  }
0x302: {  	v36 =	vld.idx.msk [tilespmem:v39+s1+$0x0], $0xffff;
	v41 =	vmul.f32 v28, v59;
	v59 =	vmul.f32 v56, v56;
	v28 =	vadd.f32 v57, v30  }
0x303: {  	v48 =	vld.idx.msk [tilespmem:v49+s1+$0x0], $0xffff;
	v60 =	vmul.f32 v58, v56;
	v29 =	vmul.f32 v58, v58;
	v61 =	vmax.f32 v31, v32  }
0x304: {  	vm3 =	vgt.f32 v61, $0.0e+00;
	v54 =	vsel vm0, v38, v51;
	v43 =	vsub.f32 v43, v59  }
0x305: {  	v49 =	vld.idx.msk [tilespmem:v49+s9+$0x0], $0xffff;
	v22 =	vsub.f32 v37, v60;
	v28 =	vsub.f32 v28, v29;
	v62 =	vmul.f32 v41, v34  }
0x306: {  	v44 =	vld.idx.msk [tilespmem:v45+s9+$0x0], $0xffff;
	v30 =	vnsel vm3, $0x3F800000, v61;
	v57 =	vsub.f32 v47, v40;
	v59 =	vsub.f32 v50, v42  }
0x307: {  	v37 =	vld.idx.msk [tilespmem:v39+s9+$0x0], $0xffff;
	v55 =	vsel vm1, v54, v50;
	v38 =	vsub.f32 v38, v36;
	v39 =	vsub.f32 v63, v42  }
0x308: {  	(erf) = vrcp.f32 v30;
	v56 =	vsel vm0, v36, v48;
	v28 =	vmul.f32 v28, v43  }
0x309: {  	v60 =	vsub.f32 v51, v48;
	v52 =	vmul.f32 v22, v22;
	v53 =	vmul.f32 v62, v41  }
0x30a: {  	v29 =	vsel vm1, v56, v42;
	v42 =	vsub.f32 v49, v48;
	v61 =	vmul.f32 v57, v57  }
0x30b: {  	v62 =	vmul.f32 v59, v59;
	v29 =	vsel vm2, v29, v40;
	v40 =	vsub.f32 v44, v40  }
0x30c: {  	v54 =	vmul.f32 v60, v60;
	v43 =	vsub.f32 v28, v52;
	v28 =	vsel vm2, v55, v47  }
0x30d: {  	v55 =	vmul.f32 v38, v38;
	v56 =	vsub.f32 $1.500000000e+00, v53;
	v60 =	vmul.f32 v42, v60  }
0x30e: {  	v42 =	vmul.f32 v42, v42;
	v58 =	vsel vm0, v37, v49;
	v36 =	vsub.f32 v37, v36  }
0x30f: {  	v57 =	vmul.f32 v40, v57;
	v40 =	vmul.f32 v40, v40;
	v46 =	vsel vm1, v58, v63  }
0x310: {  	v63 =	vadd.f32 v62, v61;
	v58 =	vmul.f32 v39, v59;
	v59 =	vadd.f32 v55, v54  }
0x311: {  	v39 =	vmul.f32 v39, v39;
	v61 =	vsub.f32 v28, v29;
	v38 =	vmul.f32 v36, v38  }
0x312: {  	v36 =	vmul.f32 v36, v36;
	v30 =	vsel vm2, v46, v44;
	v45 =	vadd.f32 v58, v57  }
0x313: {  	v18 =	vcvt.f32.s32 v18;
	v39 =	vadd.f32 v39, v40;
	v62 =	vsub.f32 v30, v29  }
0x314: {  	v15 =	vmul.f32 $2.000000000e+01, v15;
	v38 =	vadd.f32 v38, v60;
	v36 =	vadd.f32 v36, v42  }
0x315: {  	v37 =	vadd.f32 v59, v63;
	v63 =	vmul.f32 v61, v61;
	v46 =	vmul.f32 v62, v62  }
0x316: {  	v38 =	vadd.f32 v38, v45;
	v36 =	vadd.f32 v36, v39;
	v45 =	vmul.f32 v62, v61  }
0x317: {  	v15 =	vadd.f32 v19, v15;
	v41 =	vmul.f32 v56, v41;
	v37 =	vsub.f32 v37, v63  }
0x318: {  	v47 =	vtrunc.f32 v26;
	v26 =	vsub.f32 v38, v45;
	v36 =	vsub.f32 v36, v46  }
0x319: {  	v15 =	vtrunc.f32 v15;
	v34 =	vmul.f32 v41, v34  }
0x31a: {  	v43 =	vmax.f32 v43, $0.0e+00;
	v36 =	vmul.f32 v36, v37;
	v49 =	vmul.f32 v26, v26  }
0x31b: {  	v35 =	vadd.f32 $9.999999400e-01, v35;
	v48 =	vshrl.u32 v43, $0x1;
	v38 =	vmul.f32 $5.000000000e-01, v43  }
0x31c: {  	v34 =	vmul.f32 v34, v41;
	v39 =	vsub.s32 $0x5F3759DF, v48;
	v36 =	vsub.f32 v36, v49  }
0x31d: {  	v35 =	vmul.f32 v35, v27;
	v53 =	vmin.f32 v31, v32;
	v51 =	vmul.f32 v39, v38  }
0x31e: {  	v40 =	vcvt.f32.s32 v47;
	v50 =	vsub.f32 $1.500000000e+00, v34;
	v36 =	vmax.f32 v36, $0.0e+00  }
0x31f: {  	v54 =	vpop (erf);
	v34 =	vmul.f32 v39, v51;
	v55 =	vshrl.u32 v36, $0x1;
	v45 =	vmul.f32 $5.000000000e-01, v36  }
0x320: {  	v27 =	vmul.f32 v50, v41;
	v41 =	vmul.f32 v54, v53;
	v44 =	vsub.s32 $0x5F3759DF, v55  }
0x321: {  	vm3 =	vgt.f32 v33, $0.0e+00;
	v34 =	vsub.f32 $1.500000000e+00, v34;
	v56 =	vmul.f32 v44, v45  }
0x322: {  	v52 =	vadd.s32 $0x5DC0, v40;
	v27 =	vmul.f32 v27, v33;
	v46 =	vmul.f32 v41, v41  }
0x323: {  	v42 =	vadd.s32 $0x7D00, v40;
	v34 =	vmul.f32 v39, v34;
	v47 =	vmul.f32 v44, v56  }
0x324: {  	v59 =	vadd.s32 $0x9C40, v40;
	v33 =	vand.u32 $0x7FFFFFFF, v16;
	v57 =	vmul.f32 $4.831170200e-03, v46  }
0x325: {  	v27 =	vnsel vm3, $0x0, v27;
	v60 =	vmul.f32 v34, v38;
	v47 =	vsub.f32 $1.500000000e+00, v47  }
0x326: {  	v61 =	vsub.f32 $1.570796370e+00, v35;
	v58 =	vmax.f32 v27, v33;
	v39 =	vsub.f32 $2.475677990e-02, v57  }
0x327: {  	vm3 =	vgt.f32 v58, $0.0e+00;
	v50 =	vmul.f32 v60, v34;
	v51 =	vmul.f32 v44, v47  }
0x328: {  	v48 =	vnsel vm3, $0x3F800000, v58;
	vm3 =	vgt.f32 v20, v21;
	v63 =	vmul.f32 v39, v46  }
0x329: {  	v62 =	vld.idx.msk [tilespmem:v52+s3+$0x0], $0xffff;
	(erf) = vrcp.f32 v48;
	v52 =	vsub.f32 $1.500000000e+00, v50;
	v47 =	vmul.f32 v51, v45  }
0x32a: {  	v35 =	vsel vm3, v61, v35;
	vm3 =	vlt.f32 v11, $0.0e+00;
	v21 =	vadd.f32 $-6.021913140e-02, v63  }
0x32b: {  	v53 =	vsub.f32 $3.141592740e+00, v35;
	v11 =	vmul.f32 v52, v34;
	v56 =	vmul.f32 v47, v51  }
0x32c: {  	v15 =	vcvt.f32.s32 v15;
	v42 =	vld.idx.msk [tilespmem:v42+s3+$0x0], $0xffff;
	v21 =	vmul.f32 v21, v46  }
0x32d: {  	v55 =	vld.idx.msk [tilespmem:v40+s3+$0x0], $0xffff;
	v35 =	vsel vm3, v53, v35;
	v38 =	vmul.f32 v11, v38;
	v44 =	vsub.f32 $1.500000000e+00, v56  }
0x32e: {  	v24 =	vmul.f32 $2.000000000e+01, v24;
	v20 =	vsub.f32 v35, v62;
	v21 =	vadd.f32 $9.967923900e-02, v21  }
0x32f: {  	v54 =	vld.idx.msk [tilespmem:v59+s3+$0x0], $0xffff;
	v58 =	vmin.f32 v27, v33;
	v38 =	vmul.f32 v38, v11;
	v57 =	vmul.f32 v44, v51  }
0x330: {  	v61 =	vadd.s32 $0x1F40, v40;
	v20 =	vmul.f32 v20, v20;
	v21 =	vmul.f32 v21, v46  }
0x331: {  	vm3 =	vgt.f32 v43, $0.0e+00;
	v38 =	vsub.f32 $1.500000000e+00, v38;
	v60 =	vmul.f32 v57, v45  }
0x332: {  	v42 =	vsub.f32 v35, v42;
	v37 =	vmul.f32 v20, v55;
	v21 =	vadd.f32 $-1.404013930e-01, v21  }
0x333: {  	v62 =	vadd.s32 $0x3E80, v40;
	v11 =	vmul.f32 v38, v11;
	v20 =	vmul.f32 v60, v57  }
0x334: {  	v40 =	vadd.s32 $0xBB80, v40;
	v34 =	vsub.f32 v35, v54;
	v59 =	vpop (erf);
	v21 =	vmul.f32 v21, v46  }
0x335: {  	v39 =	vmul.f32 v59, v58;
	v11 =	vmul.f32 v11, v43;
	v47 =	vsub.f32 $1.500000000e+00, v20  }
0x336: {  	v55 =	vld.idx.msk [tilespmem:v61+s3+$0x0], $0xffff;
	v61 =	vadd.s32 $0x9C40, v18;
	v63 =	vadd.f32 $1.997368190e-01, v21;
	v21 =	vand.u32 $0x7FFFFFFF, v22  }
0x337: {  	v45 =	vmul.f32 v39, v39;
	v20 =	vnsel vm3, $0x0, v11;
	v11 =	vmul.f32 v47, v57  }
0x338: {  	v34 =	vmul.f32 v34, v34;
	v14 =	vmul.f32 v63, v46;
	v49 =	vmax.f32 v20, v21  }
0x339: {  	v48 =	vmul.f32 $4.831170200e-03, v45;
	vm3 =	vgt.f32 v49, $0.0e+00;
	v11 =	vmul.f32 v11, v36  }
0x33a: {  	v51 =	vadd.f32 $-3.333230320e-01, v14;
	v52 =	vnsel vm3, $0x3F800000, v49;
	vm3 =	vgt.f32 v36, $0.0e+00  }
0x33b: {  	v14 =	vand.u32 $0x7FFFFFFF, v26;
	v50 =	vsub.f32 $2.475677990e-02, v48;
	v13 =	vnsel vm3, $0x0, v11  }
0x33c: {  	v58 =	vadd.s32 $0x5DC0, v18;
	v38 =	vld.idx.msk [tilespmem:v62+s3+$0x0], $0xffff;
	v53 =	vmul.f32 v51, v46;
	v54 =	vmax.f32 v13, v14  }
0x33d: {  	v35 =	vmul.f32 v50, v45;
	(erf) = vrcp.f32 v52;
	vm3 =	vgt.f32 v54, $0.0e+00  }
0x33e: {  	v34 =	vmul.f32 v34, v34;
	v36 =	vadd.f32 $9.999999400e-01, v53;
	v11 =	vld.idx.msk [tilespmem:v40+s3+$0x0], $0xffff;
	v40 =	vnsel vm3, $0x3F800000, v54  }
0x33f: {  	v60 =	vadd.s32 $0x7D00, v18;
	v35 =	vadd.f32 $-6.021913140e-02, v35;
	(erf) = vrcp.f32 v40  }
0x340: {  	v56 =	vmul.f32 v42, v42;
	v36 =	vmul.f32 v36, v41  }
0x341: {  	v34 =	vmul.f32 v34, v38;
	v35 =	vmul.f32 v35, v45  }
0x342: {  	v63 =	vld.idx.msk [tilespmem:v58+s3+$0x0], $0xffff;
	v51 =	vadd.s32 $0x1F40, v18;
	v57 =	vmul.f32 v56, v42;
	v41 =	vsub.f32 $1.570796370e+00, v36  }
0x343: {  	v48 =	vld.idx.msk [tilespmem:v61+s3+$0x0], $0xffff;
	v42 =	vmin.f32 v20, v21;
	v35 =	vadd.f32 $9.967923900e-02, v35;
	vm3 =	vgt.f32 v31, v32  }
0x344: {  	v46 =	vld.idx.msk [tilespmem:v60+s3+$0x0], $0xffff;
	v59 =	vmul.f32 v57, v55;
	v52 =	vadd.s32 $0xBB80, v18;
	v32 =	vsel vm3, v41, v36  }
0x345: {  	v56 =	vld.idx.msk [tilespmem:v18+s3+$0x0], $0xffff;
	v18 =	vadd.s32 $0x3E80, v18;
	v35 =	vmul.f32 v35, v45;
	v44 =	vsub.f32 $3.141592740e+00, v32  }
0x346: {  	v49 =	vmin.f32 v13, v14;
	vm3 =	vlt.f32 v12, $0.0e+00;
	v11 =	vadd.f32 v37, v11;
	v62 =	vpop (erf)  }
0x347: {  	v35 =	vadd.f32 $-1.404013930e-01, v35;
	v32 =	vsel vm3, v44, v32;
	v31 =	vmul.f32 v62, v42  }
0x348: {  	v11 =	vadd.f32 v59, v11;
	vm3 =	vgt.f32 v27, v33;
	v36 =	vsub.f32 v32, v63;
	v50 =	vpop (erf)  }
0x349: {  	v12 =	vsub.f32 v32, v46;
	v37 =	vmul.f32 v31, v31;
	v38 =	vmul.f32 v50, v49  }
0x34a: {  	v47 =	vmul.f32 v35, v45;
	v32 =	vsub.f32 v32, v48;
	v42 =	vadd.f32 v23, v24  }
0x34b: {  	v46 =	vadd.s32 $0x1F40, v15;
	v53 =	vmul.f32 $4.831170200e-03, v37;
	v54 =	vmul.f32 v38, v38  }
0x34c: {  	v58 =	vld.idx.msk [tilespmem:v51+s3+$0x0], $0xffff;
	v11 =	vadd.f32 v34, v11;
	v34 =	vadd.f32 $1.997368190e-01, v47;
	v59 =	vmul.f32 v12, v12  }
0x34d: {  	v40 =	vld.idx.msk [tilespmem:v52+s3+$0x0], $0xffff;
	v36 =	vmul.f32 v36, v36;
	v55 =	vsub.f32 $2.475677990e-02, v53;
	v57 =	vmul.f32 $4.831170200e-03, v54  }
0x34e: {  	v48 =	vadd.s32 $0x9C40, v15;
	v32 =	vmul.f32 v32, v32;
	v34 =	vmul.f32 v34, v45  }
0x34f: {  	v18 =	vld.idx.msk [tilespmem:v18+s3+$0x0], $0xffff;
	v47 =	vadd.s32 $0x3E80, v15;
	v33 =	vmul.f32 v55, v37;
	v35 =	vsub.f32 $2.475677990e-02, v57  }
0x350: {  	v12 =	vmul.f32 v59, v12;
	v36 =	vmul.f32 v36, v56;
	v34 =	vadd.f32 $-3.333230320e-01, v34  }
0x351: {  	v32 =	vmul.f32 v32, v32;
	v33 =	vadd.f32 $-6.021913140e-02, v33;
	v35 =	vmul.f32 v35, v54  }
0x352: {  	v12 =	vmul.f32 v12, v58;
	v63 =	vadd.f32 v36, v40;
	v34 =	vmul.f32 v34, v45  }
0x353: {  	v45 =	vmul.f32 $2.000000000e+01, v28;
	v60 =	vmul.f32 v33, v37;
	v62 =	vadd.f32 $-6.021913140e-02, v35  }
0x354: {  	v18 =	vmul.f32 v32, v18;
	v40 =	vadd.s32 $0x7D00, v15;
	v34 =	vadd.f32 $9.999999400e-01, v34  }
0x355: {  	v24 =	vadd.f32 v29, v45;
	v19 =	vadd.f32 $9.967923900e-02, v60;
	v33 =	vmul.f32 v62, v54  }
0x356: {  	v12 =	vadd.f32 v12, v63;
	v61 =	vmul.f32 v34, v39;
	v39 =	vadd.s32 $0x5DC0, v15  }
0x357: {  	v24 =	vmul.f32 $2.000000000e+01, v24;
	v19 =	vmul.f32 v19, v37;
	v33 =	vadd.f32 $9.967923900e-02, v33  }
0x358: {  	v49 =	vadd.s32 $0xBB80, v15;
	v50 =	vld [tilespmem:s10+$0xFFFFFFE0];
	v12 =	vadd.f32 v18, v12;
	v36 =	vsub.f32 $1.570796370e+00, v61  }
0x359: {  	v24 =	vadd.f32 v30, v24;
	v19 =	vadd.f32 $-1.404013930e-01, v19;
	v33 =	vmul.f32 v33, v54  }
0x35a: {  	v17 =	vsel vm3, v36, v61;
	vm3 =	vlt.f32 v16, $0.0e+00;
	v16 =	vmul.f32 $2.000000000e+01, v42  }
0x35b: {  	v32 =	vld.idx.msk [tilespmem:v40+s3+$0x0], $0xffff;
	v24 =	vtrunc.f32 v24;
	v19 =	vmul.f32 v19, v37;
	v43 =	vadd.f32 $-1.404013930e-01, v33  }
0x35c: {  	v41 =	vsub.f32 $3.141592740e+00, v17;
	v44 =	vld.idx.msk [tilespmem:v39+s3+$0x0], $0xffff;
	v24 =	vcvt.f32.s32 v24;
	v16 =	vadd.f32 v25, v16  }
0x35d: {  	v25 =	vld.idx.msk [tilespmem:v49+s3+$0x0], $0xffff;
	v49 =	vmul.u32 $0x50, v50;
	v19 =	vadd.f32 $1.997368190e-01, v19;
	v23 =	vmul.f32 v43, v54  }
0x35e: {  	v17 =	vsel vm3, v41, v17;
	v56 =	vadd.s32 $0x5DC0, v24;
	vm3 =	vgt.f32 v20, v21  }
0x35f: {  	v29 =	vld.idx.msk [tilespmem:v48+s3+$0x0], $0xffff;
	v62 =	vadd.s32 $0x7D00, v24;
	v19 =	vmul.f32 v19, v37;
	v23 =	vadd.f32 $1.997368190e-01, v23  }
0x360: {  	v53 =	vld.idx.msk [tilespmem:v46+s3+$0x0], $0xffff;
	v39 =	vadd.s32 $0x9C40, v24;
	v41 =	vadd.s32 $0xBB80, v24;
	v16 =	vtrunc.f32 v16  }
0x361: {  	v48 =	vld [tilespmem:s10+$0x0];
	v16 =	vcvt.f32.s32 v16;
	v19 =	vadd.f32 $-3.333230320e-01, v19;
	v23 =	vmul.f32 v23, v54  }
0x362: {  	v15 =	vld.idx.msk [tilespmem:v15+s3+$0x0], $0xffff;
	v46 =	vadd.s32 $0x1F40, v24;
	v32 =	vsub.f32 v17, v32;
	v18 =	vsub.f32 v17, v44  }
0x363: {  	v30 =	vld [tilespmem:s10+$0xFFFFFFF0];
	v52 =	vadd.s32 $0x5DC0, v16;
	v19 =	vmul.f32 v19, v37;
	v23 =	vadd.f32 $-3.333230320e-01, v23  }
0x364: {  	v17 =	vsub.f32 v17, v29;
	v51 =	vadd.s32 $0x1F40, v16;
	v55 =	vadd.s32 $0x7D00, v16;
	v45 =	vld.idx.msk [tilespmem:v24+s3+$0x0], $0xffff  }
0x365: {  	v58 =	vadd.s32 $0x9C40, v16;
	v33 =	vld.idx.msk [tilespmem:v47+s3+$0x0], $0xffff;
	v19 =	vadd.f32 $9.999999400e-01, v19;
	v23 =	vmul.f32 v23, v54  }
0x366: {  	v60 =	vadd.s32 $0xBB80, v16;
	v18 =	vmul.f32 v18, v18;
	v17 =	vmul.f32 v17, v17;
	v44 =	vld.idx.msk [tilespmem:v62+s3+$0x0], $0xffff  }
0x367: {  	v24 =	vadd.s32 $0x3E80, v24;
	v57 =	vld.idx.msk [tilespmem:v16+s3+$0x0], $0xffff;
	v19 =	vmul.f32 v19, v31;
	v23 =	vadd.f32 $9.999999400e-01, v23  }
0x368: {  	v15 =	vmul.f32 v18, v15;
	v17 =	vmul.f32 v17, v17;
	v16 =	vadd.s32 $0x3E80, v16;
	v61 =	vld.idx.msk [tilespmem:v52+s3+$0x0], $0xffff  }
0x369: {  	v63 =	vld.idx.msk [tilespmem:v55+s3+$0x0], $0xffff;
	v54 =	vmul.f32 v32, v32;
	v59 =	vsub.f32 $1.570796370e+00, v19;
	v23 =	vmul.f32 v23, v38  }
0x36a: {  	v15 =	vadd.f32 v15, v25;
	v21 =	vld.idx.msk [tilespmem:v58+s3+$0x0], $0xffff;
	v58 =	vmul.u32 $0x50, v48;
	v17 =	vmul.f32 v17, v33  }
0x36b: {  	v52 =	vld [tilespmem:s10+$0x20];
	v18 =	vmul.f32 v54, v32;
	v19 =	vsel vm3, v59, v19;
	v36 =	vsub.f32 $1.570796370e+00, v23  }
0x36c: {  	vm3 =	vgt.f32 v13, v14;
	v59 =	vadd.s32 v8, v58;
	v40 =	vsub.f32 $3.141592740e+00, v19;
	v38 =	vld.idx.msk [tilespmem:v56+s3+$0x0], $0xffff  }
0x36d: {  	v28 =	vld.idx.msk [tilespmem:v41+s3+$0x0], $0xffff;
	v18 =	vmul.f32 v18, v53;
	v23 =	vsel vm3, v36, v23;
	vm3 =	vlt.f32 v22, $0.0e+00  }
0x36e: {  	v14 =	vld.idx.msk [tilespmem:v39+s3+$0x0], $0xffff;
	v53 =	vor.u32 v1, v49;
	v43 =	vsub.f32 $3.141592740e+00, v23;
	v19 =	vsel vm3, v40, v19  }
0x36f: {  	v35 =	vld.idx.msk [tilespmem:v51+s3+$0x0], $0xffff;
	v15 =	vadd.f32 v18, v15;
	vm3 =	vlt.f32 v26, $0.0e+00;
	v25 =	vsub.f32 v19, v61  }
0x370: {  	v51 =	vld [tilespmem:s10+$0x10];
	v27 =	vsub.f32 v19, v63;
	v19 =	vsub.f32 v19, v21;
	v22 =	vsel vm3, v43, v23  }
0x371: {  	v42 =	vld.idx.msk [tilespmem:v60+s3+$0x0], $0xffff;
	v21 =	vmul.u32 $0x50, v52;
	v13 =	vsub.f32 v22, v38;
	v25 =	vmul.f32 v25, v25  }
0x372: {  	v55 =	vld.idx.msk [tilespmem:v46+s3+$0x0], $0xffff;
	v47 =	vmul.f32 v27, v27;
	v26 =	vsub.f32 v22, v44;
	v19 =	vmul.f32 v19, v19  }
0x373: {  	v24 =	vld.idx.msk [tilespmem:v24+s3+$0x0], $0xffff;
	v14 =	vsub.f32 v22, v14;
	v13 =	vmul.f32 v13, v13;
	v20 =	vmul.f32 v25, v57  }
0x374: {  	v16 =	vld.idx.msk [tilespmem:v16+s3+$0x0], $0xffff;
	v50 =	vmul.f32 v47, v27;
	v56 =	vmul.f32 v26, v26;
	v57 =	vmul.u32 $0x50, v30  }
0x375: {  	[tilespmem:v53+s12+$0x0] =	vst.idx.add.f32.msk $0xffff, v11;
	v14 =	vmul.f32 v14, v14;
	v27 =	vmul.u32 $0x50, v51;
	v11 =	vmul.f32 v19, v19  }
0x376: {  	v13 =	vmul.f32 v13, v45;
	v26 =	vmul.f32 v56, v26;
	v22 =	vadd.s32 v7, v57  }
0x377: {  	v18 =	vadd.f32 v20, v42;
	v54 =	vmul.f32 v50, v35;
	v14 =	vmul.f32 v14, v14  }
0x378: {  	v61 =	vadd.s32 v9, v27;
	v13 =	vadd.f32 v13, v28;
	v60 =	vmul.f32 v26, v55  }
0x379: {  	p0 =	sne.s32 s16, $0x180;
	v62 =	vadd.s32 v10, v21;
	v11 =	vmul.f32 v11, v16;
	v18 =	vadd.f32 v54, v18  }
.Ltmp6:
0x37a: {  	v15 =	vadd.f32 v15, v17;
	v14 =	vmul.f32 v14, v24;
	v13 =	vadd.f32 v60, v13;
	(pc) =	sbr.rel @p0 .LBB2_12-.Ltmp6, $4  }
0x37b: {  	v11 =	vadd.f32 v18, v11;
	[tilespmem:v22+s12+$0x0] =	vst.idx.add.f32.msk $0xffff, v12  }
0x37c: {  	[tilespmem:v59+s12+$0x0] =	vst.idx.add.f32.msk $0xffff, v15;
	v63 =	vadd.f32 v13, v14  }
0x37d: {  	[tilespmem:v61+s12+$0x0] =	vst.idx.add.f32.msk $0xffff, v11  }
0x37e: {  	s16 =	sadd.s32 $0x50, s16;
	s10 =	sadd.s32 $0x50, s10;
	[tilespmem:v62+s12+$0x0] =	vst.idx.add.f32.msk $0xffff, v63  }
0x37f: {  	s10 =	rddreg [dreg:$0x8];
	s14 =	simm.s32 $0x5  }
0x380: {  	[hbm4b:s10+s3] =	stream.linear.scatter [tilespmem:s12], [sflag:$0x5], $0x2800, $0x38;
	[tilespmem:$0x1A540] =	vst v63  }
0x381: {  	_ =	swait.ge [sflag:s14], $0x2800  }
0x382: {  	s16 =	rddreg [dreg:$0xa]  }
0x383: {  	s26 =	rddreg [dreg:$0x9];
	s16 =	sadd.s32 $0x1, s16  }
0x384: {  	p0 =	sne.s32 s16, s26  }
.Ltmp7:
0x385: {  	_ = 	snop;
	(pc) =	sbr.rel @p0 .LBB2_1-.Ltmp7, $3  }
0x386: {  	_ =	sdelay $0x1  }
0x387: {  	[sflag:s14] =	ssyncset.done $0x0  }
0x388: {  	[sflag:s14] =	ssyncadd.s32 $0xFFFFD800  }
0x389: {  	_ =	sfence.sel $0x180000  }
0x38a: {  	[bflag:$0x0] =	sbarrier.arrive $0xFFFF  }
0x38b: {  	_ =	strace $0x90000047  }
0x38c: {  	s0 =	stileid.u32;
	[bflag:$0x2] =	sbarrier.arrive $0xFFFF  }
0x38d: {  	p0 =	sne.s32 s0, $0x0;
	s0 =	rddreg [dreg:$0x2]  }
0x38e: {  	s0 =	sadd.s32 @!p0 $0x100000, s0  }
0x38f: {  	[sflag:s0] =	ssyncadd.tile.s32 @!p0 $0x1;
	_ =	shalt  }
.Lfunc_end2:
_tile_overlayer_lowered:
.L_overlay_start_2:
0x390: {  	(tag) =	ssettag $0x2  }
0x391: {  	s0 =	rddreg [dreg:$0x0];
	s2 =	stileid.u32  }
0x392: {  	s1 =	rddreg [dreg:$0x1];
	p0 =	sne.s32 s2, $0x0  }
0x393: {  	s3 =	rddreg [dreg:$0x2];
	[bflag:$0x3] =	sbarrier.arrive $0xFFFF;
	s2 =	simm.s32 @!p0 $0x1C05  }
0x394: {  	[timem:s3], [sflag:s2] =	dma.local @!p0 [hbm:s0], s1  }
0x395: {  	s0 =	simm.s32 @!p0 $0x5  }
0x396: {  	_ =	swait.ge @!p0 [sflag:s0], s1  }
0x397: {  	s1 =	ssub.s32 @!p0 $0x0, s1;
	[sflag:s0] =	ssyncset.done @!p0 $0x0  }
0x398: {  	[sflag:s0] =	ssyncadd.s32 @!p0 s1  }
0x399: {  	[bflag:$0x3] =	sbarrier.arrive $0xFFFF  }
0x39a: {  	_ =	shalt  }

</sc_bundles>
